<compile_context>
chip_gen: v7x
topology: tpu7x:2x2x1
jax: 0.10.2.dev20260603
libtpu: 0.0.44.dev20260713+nightly
codegen_flags: <defaults>
</compile_context>

<pallas_src>
import jax
import jax.numpy as jnp
from jax import lax
from jax.experimental import pallas as pl
from jax.experimental.pallas import tpu as pltpu
from jax.experimental.pallas import tpu_sc as plsc

N = 262144
F = 256
C = 2
K = int(0.1 * N)

NC = 2
NS = 16
L = 16

SC_VALS = N // NS
SC_VREGS = SC_VALS // L

_TOPBIT = -2147483648
_LOWMASK = 0x7FFFFFFF

_MM_BLK = 8192
_PBLK = 8192




def _mm_body(x_ref, w_ref, b_ref, p0_ref, p1_ref):
    yt = lax.dot_general(
        w_ref[...], x_ref[...], (((1,), (1,)), ((), ())),
        preferred_element_type=jnp.float32)
    p0_ref[...] = yt[0, :] + b_ref[0]
    p1_ref[...] = yt[1, :] + b_ref[1]


def _matmul_split(x, W, b):
    return pl.pallas_call(
        _mm_body,
        grid=(N // _MM_BLK,),
        in_specs=[
            pl.BlockSpec((_MM_BLK, F), lambda i: (i, 0)),
            pl.BlockSpec((C, F), lambda i: (0, 0)),
            pl.BlockSpec(memory_space=pltpu.SMEM),
        ],
        out_specs=[
            pl.BlockSpec((_MM_BLK,), lambda i: (i,)),
            pl.BlockSpec((_MM_BLK,), lambda i: (i,)),
        ],
        out_shape=[
            jax.ShapeDtypeStruct((N,), jnp.float32),
            jax.ShapeDtypeStruct((N,), jnp.float32),
        ],
    )(x, W, b)




def _sc_body(pcat_hbm, thr_hbm, data_v, keys_v, hist_v, tot_v, tmp_v,
             acc_v, shared_tot):
    cid = lax.axis_index("c")
    sid = lax.axis_index("s")

    lane = lax.iota(jnp.int32, L)
    ones_i = jnp.ones((L,), jnp.int32)
    zeros_i = jnp.zeros((L,), jnp.int32)

    base = cid * N + sid * SC_VALS
    pltpu.sync_copy(pcat_hbm.at[pl.ds(base, SC_VALS)], data_v)

    def _mk_keys(j, _):
        v = data_v[pl.ds(j * L, L)]
        bits = plsc.bitcast(v, jnp.int32)
        m = jnp.right_shift(bits, 31)
        key = bits ^ (m | _TOPBIT)
        keys_v[pl.ds(j * L, L)] = plsc.bitcast(key, jnp.uint32)
        return 0

    lax.fori_loop(0, SC_VREGS, _mk_keys, 0)

    prefix = jnp.uint32(0)
    rem = jnp.int32(K)

    for p in range(4):
        shift = 24 - 8 * p

        def _zero_hist(j, _):
            hist_v[pl.ds(j * L, L)] = zeros_i
            return 0

        lax.fori_loop(0, 256, _zero_hist, 0)

        pfx_vec = jnp.full((L,), prefix, jnp.uint32)

        def _hist_pass(j, _):
            key = keys_v[pl.ds(j * L, L)]
            binv = lax.convert_element_type(
                lax.shift_right_logical(key, jnp.uint32(shift)) & jnp.uint32(255),
                jnp.int32)
            idx = binv * L + lane
            if p == 0:
                plsc.addupdate_scatter(hist_v, [idx], ones_i)
            else:
                hi = lax.shift_right_logical(key, jnp.uint32(shift + 8))
                plsc.addupdate_scatter(hist_v, [idx], ones_i, mask=hi == pfx_vec)
            return 0

        lax.fori_loop(0, SC_VREGS, _hist_pass, 0)

        def _reduce(g, _):
            bstart = g * L
            row_base = (bstart + lane) * L
            acc = zeros_i
            for l in range(L):
                acc = acc + plsc.load_gather(hist_v, [row_base + l])
            tot_v[pl.ds(bstart, L)] = acc
            return 0

        lax.fori_loop(0, 16, _reduce, 0)

        pltpu.sync_copy(tot_v, shared_tot.at[pl.ds(sid * 256, 256)])
        plsc.subcore_barrier()
        pltpu.sync_copy(shared_tot, tmp_v)
        plsc.subcore_barrier()

        for i in range(16):
            acc_v[pl.ds(i * L, L)] = zeros_i

        def _combine(t, _):
            for i in range(16):
                acc_v[pl.ds(i * L, L)] = (
                    acc_v[pl.ds(i * L, L)] + tmp_v[pl.ds(t * 256 + i * L, L)]
                )
            return 0

        lax.fori_loop(0, NS, _combine, 0)

        chunks = [acc_v[pl.ds(i * L, L)] for i in range(16)]
        csum = [jnp.sum(ch) for ch in chunks]
        S = [jnp.int32(0)] * 17
        for i in range(15, -1, -1):
            S[i] = S[i + 1] + csum[i]
        nbins = jnp.int32(0)
        for i in range(16):
            rch = lax.rev(chunks[i], (0,))
            sfx_rev = plsc.cumsum(rch) + S[i + 1]
            nbins = nbins + jnp.sum(
                jnp.where(sfx_rev >= rem, ones_i, zeros_i))
        bstar = nbins - 1
        above = jnp.int32(0)
        for i in range(16):
            bin_ids = jnp.int32(i * L) + lane
            above = above + jnp.sum(
                jnp.where(bin_ids > bstar, chunks[i], zeros_i))
        rem = rem - above
        prefix = (prefix << jnp.uint32(8)) | lax.convert_element_type(
            bstar, jnp.uint32)

    sthr = plsc.bitcast(jnp.full((L,), prefix ^ jnp.uint32(0x80000000),
                                 jnp.uint32), jnp.int32)
    tot_v[pl.ds(0, L)] = sthr
    slot = (cid * NS + sid) * L
    pltpu.sync_copy(tot_v.at[pl.ds(0, L)], thr_hbm.at[pl.ds(slot, L)])


@jax.jit
def _sc_thresholds(pcat):
    mesh = plsc.VectorSubcoreMesh(
        core_axis_name="c", subcore_axis_name="s", num_cores=NC, num_subcores=NS)
    return pl.kernel(
        _sc_body,
        out_type=jax.ShapeDtypeStruct((NC * NS * L,), jnp.int32),
        mesh=mesh,
        compiler_params=pltpu.CompilerParams(needs_layout_passes=False),
        scratch_types=[
            pltpu.VMEM((SC_VALS,), jnp.float32),
            pltpu.VMEM((SC_VALS,), jnp.uint32),
            pltpu.VMEM((256 * L,), jnp.int32),
            pltpu.VMEM((256,), jnp.int32),
            pltpu.VMEM((NS * 256,), jnp.int32),
            pltpu.VMEM((256,), jnp.int32),
            pltpu.VMEM_SHARED((NS * 256,), jnp.int32),
        ],
    )(pcat)




def _rowsel_body(thr_ref, p0_ref, p1_ref, o_ref):
    t0 = thr_ref[0]
    t1 = thr_ref[NS * L]

    def skey(v):
        bits = v.view(jnp.int32)
        m = jnp.right_shift(bits, 31)
        return bits ^ (m & _LOWMASK)

    sel = (skey(p0_ref[...]) >= t0) | (skey(p1_ref[...]) >= t1)
    o_ref[...] = jnp.where(sel, jnp.float32(1.0), jnp.float32(0.0))


def _rowsel(p0, p1, thr):
    return pl.pallas_call(
        _rowsel_body,
        grid=(N // _PBLK,),
        in_specs=[
            pl.BlockSpec(memory_space=pltpu.SMEM),
            pl.BlockSpec((_PBLK,), lambda i: (i,)),
            pl.BlockSpec((_PBLK,), lambda i: (i,)),
        ],
        out_specs=pl.BlockSpec((_PBLK,), lambda i: (i,)),
        out_shape=jax.ShapeDtypeStruct((N,), jnp.float32),
    )(thr, p0, p1)


def kernel(x, W, b, single_label):
    p0, p1 = _matmul_split(x, W, b)
    thr = _sc_thresholds(jnp.concatenate([p0, p1]))
    row = _rowsel(p0, p1, thr)
    preds = jnp.stack([p0, p1], axis=1)
    comp = jnp.stack([row, row], axis=1)
    mask = jnp.stack([row, row], axis=1)
    return (preds, comp, mask)

# --- scband reference (transcript-rebuilt; emitter-appended) ---
"""Pipeline reference for scband-single-classifier-65481071411053 (READ-ONLY COPY).

The authoritative reference and input builder live on the scoring server;
editing this copy changes nothing except your own understanding.
"""

import jax, jax.numpy as jnp
import numpy as np

N = 262144
FEATURE_SIZE = 256
OUT_CLASS = 2
ALPHA = 0.1

def setup_inputs(seed: int = 0) -> dict:
    key = jax.random.key(seed)
    k1, k2 = jax.random.split(key, 2)
    x = jax.random.normal(k1, (N, FEATURE_SIZE), dtype=jnp.float32)
    W = jax.random.normal(k2, (OUT_CLASS, FEATURE_SIZE), dtype=jnp.float32) * 0.02
    b = jnp.zeros((OUT_CLASS,), dtype=jnp.float32)
    return {"x": x, "W": W, "b": b, "single_label": 0}

def reference(x, W, b, single_label):
    # nn.Linear
    single_predictions = x @ W.T + b  # [N, out_class]
    n_instances = single_predictions.shape[0]
    k = int(ALPHA * n_instances)
    computed_instances_labels = jnp.zeros(single_predictions.shape, dtype=jnp.float32)
    mask_instances_labels = jnp.zeros(single_predictions.shape, dtype=jnp.float32)
    # torch.topk(preds, k, dim=0) -> indices shape [k, out_class]
    _, topk_idx_t = jax.lax.top_k(single_predictions.T, k)  # [out_class, k]
    topk_idx = topk_idx_t.T  # [k, out_class]
    # scalar single_label can never equal the 2-element list [1.0, 0.0],
    # so the condition is statically False and the else path always runs
    sl_zero = jnp.asarray(single_label, dtype=jnp.float32) * 0.0
    computed_instances_labels = computed_instances_labels.at[topk_idx].set(1.0 + sl_zero)
    mask_instances_labels = mask_instances_labels.at[topk_idx].set(1.0 + sl_zero)
    computed_instances_labels = jax.lax.stop_gradient(computed_instances_labels)
    mask_instances_labels = jax.lax.stop_gradient(mask_instances_labels)
    return (single_predictions, computed_instances_labels, mask_instances_labels)

if __name__ == "__main__":
    import jax
    _d = setup_inputs()
    print(jax.jit(kernel)(*tuple(_d.values())))

</pallas_src>

<mosaic_0001>
#map = affine_map<(d0, d1) -> (0)>
module attributes {stable_mosaic.version = 14 : i64} {
  func.func @_sc_body(%arg0: i32, %arg1: i32, %arg2: memref<524288xf32, #tpu.memory_space<hbm>>, %arg3: memref<512xi32, #tpu.memory_space<hbm>>, %arg4: memref<16384xf32, #tpu.memory_space<vmem>>, %arg5: memref<16384xi32, #tpu.memory_space<vmem>>, %arg6: memref<4096xi32, #tpu.memory_space<vmem>>, %arg7: memref<256xi32, #tpu.memory_space<vmem>>, %arg8: memref<4096xi32, #tpu.memory_space<vmem>>, %arg9: memref<256xi32, #tpu.memory_space<vmem>>, %arg10: memref<4096xi32, #tpu.memory_space<vmem_shared>>) attributes {dimension_semantics = [#tpu.dimension_semantics<core_parallel>, #tpu.dimension_semantics<subcore_parallel>], iteration_bounds = array<i64: 2, 16>, scalar_prefetch = 0 : i64, scratch_operands = 7 : i64, tpu.core_type = #tpu.core_type<sc_vector_subcore>, window_params = [{transform_indices = #map}, {transform_indices = #map}]} {
    %iota3A = tpu.iota {dimensions = array<i32: 0>} : vector<16xi32>
    %broadcast_in_dim3A = arith.constant 1 : i32
    %broadcast_in_dim3A_0 = vector.broadcast %broadcast_in_dim3A : i32 to vector<16xi32>
    %broadcast_in_dim3A_1 = arith.constant 0 : i32
    %broadcast_in_dim3A_2 = vector.broadcast %broadcast_in_dim3A_1 : i32 to vector<16xi32>
    %mul3A = arith.constant 262144 : i32
    %mul3A_3 = arith.muli %arg0, %mul3A : i32
    %mul3A_4 = arith.constant 16384 : i32
    %mul3A_5 = arith.muli %arg1, %mul3A_4 : i32
    %add3A = arith.addi %mul3A_3, %mul3A_5 : i32
    "tpu.region"() ({
      %run_scoped3A = tpu.sem_alloc : memref<!tpu.dma_semaphore, #tpu.memory_space<semaphore_mem>>
      %dma_start3A = tpu.memref_slice %arg2[%add3A] : memref<524288xf32, #tpu.memory_space<hbm>> -> memref<16384xf32, #tpu.memory_space<hbm>>
      %dma_start3A_2632 = tpu.memref_slice %arg2[%add3A] : memref<524288xf32, #tpu.memory_space<hbm>> -> memref<16384xf32, #tpu.memory_space<hbm>>
      tpu.enqueue_dma source(%dma_start3A_2632 : memref<16384xf32, #tpu.memory_space<hbm>>) target(%arg4 : memref<16384xf32, #tpu.memory_space<vmem>>) target_semaphore(%run_scoped3A : memref<!tpu.dma_semaphore, #tpu.memory_space<semaphore_mem>>)
      %dma_wait3A = tpu.memref_slice %arg2[%add3A] : memref<524288xf32, #tpu.memory_space<hbm>> -> memref<16384xf32, #tpu.memory_space<hbm>>
      %dma_wait3A_2633 = tpu.memref_slice %arg2[%add3A] : memref<524288xf32, #tpu.memory_space<hbm>> -> memref<16384xf32, #tpu.memory_space<hbm>>
      tpu.wait_dma2 semaphore(%run_scoped3A : memref<!tpu.dma_semaphore, #tpu.memory_space<semaphore_mem>>) src(%dma_wait3A_2633 : memref<16384xf32, #tpu.memory_space<hbm>>) dst(%arg4 : memref<16384xf32, #tpu.memory_space<vmem>>)
      tpu.yield
    }) : () -> ()
    %scan3A = arith.constant 0 : i32
    %scan3A_6 = arith.constant 0 : i32
    %scan3A_7 = arith.constant 1024 : i32
    %scan3A_8 = arith.addi %scan3A_6, %scan3A_7 : i32
    %scan3A_9 = arith.constant 1 : i32
    %scan3A_10 = scf.for %scan3A_2632 = %scan3A_6 to %scan3A_8 step %scan3A_9 iter_args(%scan3A_2633 = %scan3A) -> (i32)  : i32 {
      %mul3A_2634 = arith.constant 16 : i32
      %mul3A_2635 = arith.muli %scan3A_2632, %mul3A_2634 : i32
      %get3A_2636 = arith.index_cast %mul3A_2635 : i32 to index
      %get3A_2637 = tpu.vector_load %arg4[%get3A_2636] {strides = array<i32>} : memref<16384xf32, #tpu.memory_space<vmem>>, vector<16xf32>,
      %bitcast3A_2638 = vector.bitcast %get3A_2637 : vector<16xf32> to vector<16xi32>
      %shift_right_arithmetic3A = arith.constant 31 : i32
      %shift_right_arithmetic3A_2639 = vector.broadcast %shift_right_arithmetic3A : i32 to vector<16xi32>
      %shift_right_arithmetic3A_2640 = arith.shrsi %bitcast3A_2638, %shift_right_arithmetic3A_2639 : vector<16xi32>
      %or3A_2641 = arith.constant -2147483648 : i32
      %or3A_2642 = vector.broadcast %or3A_2641 : i32 to vector<16xi32>
      %or3A_2643 = arith.ori %shift_right_arithmetic3A_2640, %or3A_2642 : vector<16xi32>
      %xor3A_2644 = arith.xori %bitcast3A_2638, %or3A_2643 : vector<16xi32>
      %bitcast3A_2645 = vector.bitcast %xor3A_2644 : vector<16xi32> to vector<16xi32>
      %mul3A_2646 = arith.constant 16 : i32
      %mul3A_2647 = arith.muli %scan3A_2632, %mul3A_2646 : i32
      %swap3A_2648 = arith.index_cast %mul3A_2647 : i32 to index
      %swap3A_2649 = tpu.vector_load %arg5[%swap3A_2648] {strides = array<i32>} : memref<16384xi32, #tpu.memory_space<vmem>>, vector<16xi32>,
      tpu.vector_store %arg5[%swap3A_2648], %bitcast3A_2645 {strides = array<i32>} : memref<16384xi32, #tpu.memory_space<vmem>>, vector<16xi32>,
      %scan3A_2650 = arith.constant 0 : i32
      scf.yield %scan3A_2650 : i32
    }
    %scan3A_11 = arith.constant 1024 : i32
    %scan3A_12 = arith.constant 0 : i32
    %scan3A_13 = arith.constant 0 : i32
    %scan3A_14 = arith.constant 256 : i32
    %scan3A_15 = arith.addi %scan3A_13, %scan3A_14 : i32
    %scan3A_16 = arith.constant 1 : i32
    %scan3A_17 = scf.for %scan3A_2632 = %scan3A_13 to %scan3A_15 step %scan3A_16 iter_args(%scan3A_2633 = %scan3A_12) -> (i32)  : i32 {
      %mul3A_2634 = arith.constant 16 : i32
      %mul3A_2635 = arith.muli %scan3A_2632, %mul3A_2634 : i32
      %swap3A_2636 = arith.index_cast %mul3A_2635 : i32 to index
      %swap3A_2637 = tpu.vector_load %arg6[%swap3A_2636] {strides = array<i32>} : memref<4096xi32, #tpu.memory_space<vmem>>, vector<16xi32>,
      tpu.vector_store %arg6[%swap3A_2636], %broadcast_in_dim3A_2 {strides = array<i32>} : memref<4096xi32, #tpu.memory_space<vmem>>, vector<16xi32>,
      %scan3A_2638 = arith.constant 0 : i32
      scf.yield %scan3A_2638 : i32
    }
    %scan3A_18 = arith.constant 256 : i32
    %broadcast_in_dim3A_19 = arith.constant 0 : i32
    %broadcast_in_dim3A_20 = vector.broadcast %broadcast_in_dim3A_19 : i32 to vector<16xi32>
    %scan3A_21 = arith.constant 0 : i32
    %scan3A_22 = arith.constant 0 : i32
    %scan3A_23 = arith.constant 1024 : i32
    %scan3A_24 = arith.addi %scan3A_22, %scan3A_23 : i32
    %scan3A_25 = arith.constant 1 : i32
    %scan3A_26 = scf.for %scan3A_2632 = %scan3A_22 to %scan3A_24 step %scan3A_25 iter_args(%scan3A_2633 = %scan3A_21) -> (i32)  : i32 {
      %mul3A_2634 = arith.constant 16 : i32
      %mul3A_2635 = arith.muli %scan3A_2632, %mul3A_2634 : i32
      %get3A_2636 = arith.index_cast %mul3A_2635 : i32 to index
      %get3A_2637 = tpu.vector_load %arg5[%get3A_2636] {strides = array<i32>} : memref<16384xi32, #tpu.memory_space<vmem>>, vector<16xi32>,
      %shift_right_logical3A = arith.constant 24 : i32
      %shift_right_logical3A_2638 = vector.broadcast %shift_right_logical3A : i32 to vector<16xi32>
      %shift_right_logical3A_2639 = arith.shrui %get3A_2637, %shift_right_logical3A_2638 : vector<16xi32>
      %and3A = arith.constant 255 : i32
      %and3A_2640 = vector.broadcast %and3A : i32 to vector<16xi32>
      %and3A_2641 = arith.andi %shift_right_logical3A_2639, %and3A_2640 : vector<16xi32>
      %mul3A_2642 = arith.constant 16 : i32
      %mul3A_2643 = vector.broadcast %mul3A_2642 : i32 to vector<16xi32>
      %mul3A_2644 = arith.muli %and3A_2641, %mul3A_2643 : vector<16xi32>
      %add3A_2645 = arith.addi %mul3A_2644, %iota3A : vector<16xi32>
      tpu.vector_store_idx %arg6[%add3A_2645], %broadcast_in_dim3A_0 {add = true} : memref<4096xi32, #tpu.memory_space<vmem>>[vector<16xi32>], vector<16xi32>,
      %scan3A_2646 = arith.constant 0 : i32
      scf.yield %scan3A_2646 : i32
    }
    %scan3A_27 = arith.constant 1024 : i32
    %scan3A_28 = arith.constant 0 : i32
    %scan3A_29 = arith.constant 0 : i32
    %scan3A_30 = arith.constant 16 : i32
    %scan3A_31 = arith.addi %scan3A_29, %scan3A_30 : i32
    %scan3A_32 = arith.constant 1 : i32
    %scan3A_33 = scf.for %scan3A_2632 = %scan3A_29 to %scan3A_31 step %scan3A_32 iter_args(%scan3A_2633 = %scan3A_28) -> (i32)  : i32 {
      %mul3A_2634 = arith.constant 16 : i32
      %mul3A_2635 = arith.muli %scan3A_2632, %mul3A_2634 : i32
      %add3A_2636 = vector.broadcast %mul3A_2635 : i32 to vector<16xi32>
      %add3A_2637 = arith.addi %add3A_2636, %iota3A : vector<16xi32>
      %mul3A_2638 = arith.constant 16 : i32
      %mul3A_2639 = vector.broadcast %mul3A_2638 : i32 to vector<16xi32>
      %mul3A_2640 = arith.muli %add3A_2637, %mul3A_2639 : vector<16xi32>
      %add3A_2641 = arith.constant 0 : i32
      %add3A_2642 = vector.broadcast %add3A_2641 : i32 to vector<16xi32>
      %add3A_2643 = arith.addi %mul3A_2640, %add3A_2642 : vector<16xi32>
      %gather3A = tpu.vector_load_idx %arg6[%add3A_2643] : memref<4096xi32, #tpu.memory_space<vmem>>[vector<16xi32>], vector<16xi32>,
      %add3A_2644 = arith.addi %broadcast_in_dim3A_2, %gather3A : vector<16xi32>
      %add3A_2645 = arith.constant 1 : i32
      %add3A_2646 = vector.broadcast %add3A_2645 : i32 to vector<16xi32>
      %add3A_2647 = arith.addi %mul3A_2640, %add3A_2646 : vector<16xi32>
      %gather3A_2648 = tpu.vector_load_idx %arg6[%add3A_2647] : memref<4096xi32, #tpu.memory_space<vmem>>[vector<16xi32>], vector<16xi32>,
      %add3A_2649 = arith.addi %add3A_2644, %gather3A_2648 : vector<16xi32>
      %add3A_2650 = arith.constant 2 : i32
      %add3A_2651 = vector.broadcast %add3A_2650 : i32 to vector<16xi32>
      %add3A_2652 = arith.addi %mul3A_2640, %add3A_2651 : vector<16xi32>
      %gather3A_2653 = tpu.vector_load_idx %arg6[%add3A_2652] : memref<4096xi32, #tpu.memory_space<vmem>>[vector<16xi32>], vector<16xi32>,
      %add3A_2654 = arith.addi %add3A_2649, %gather3A_2653 : vector<16xi32>
      %add3A_2655 = arith.constant 3 : i32
      %add3A_2656 = vector.broadcast %add3A_2655 : i32 to vector<16xi32>
      %add3A_2657 = arith.addi %mul3A_2640, %add3A_2656 : vector<16xi32>
      %gather3A_2658 = tpu.vector_load_idx %arg6[%add3A_2657] : memref<4096xi32, #tpu.memory_space<vmem>>[vector<16xi32>], vector<16xi32>,
      %add3A_2659 = arith.addi %add3A_2654, %gather3A_2658 : vector<16xi32>
      %add3A_2660 = arith.constant 4 : i32
      %add3A_2661 = vector.broadcast %add3A_2660 : i32 to vector<16xi32>
      %add3A_2662 = arith.addi %mul3A_2640, %add3A_2661 : vector<16xi32>
      %gather3A_2663 = tpu.vector_load_idx %arg6[%add3A_2662] : memref<4096xi32, #tpu.memory_space<vmem>>[vector<16xi32>], vector<16xi32>,
      %add3A_2664 = arith.addi %add3A_2659, %gather3A_2663 : vector<16xi32>
      %add3A_2665 = arith.constant 5 : i32
      %add3A_2666 = vector.broadcast %add3A_2665 : i32 to vector<16xi32>
      %add3A_2667 = arith.addi %mul3A_2640, %add3A_2666 : vector<16xi32>
      %gather3A_2668 = tpu.vector_load_idx %arg6[%add3A_2667] : memref<4096xi32, #tpu.memory_space<vmem>>[vector<16xi32>], vector<16xi32>,
      %add3A_2669 = arith.addi %add3A_2664, %gather3A_2668 : vector<16xi32>
      %add3A_2670 = arith.constant 6 : i32
      %add3A_2671 = vector.broadcast %add3A_2670 : i32 to vector<16xi32>
      %add3A_2672 = arith.addi %mul3A_2640, %add3A_2671 : vector<16xi32>
      %gather3A_2673 = tpu.vector_load_idx %arg6[%add3A_2672] : memref<4096xi32, #tpu.memory_space<vmem>>[vector<16xi32>], vector<16xi32>,
      %add3A_2674 = arith.addi %add3A_2669, %gather3A_2673 : vector<16xi32>
      %add3A_2675 = arith.constant 7 : i32
      %add3A_2676 = vector.broadcast %add3A_2675 : i32 to vector<16xi32>
      %add3A_2677 = arith.addi %mul3A_2640, %add3A_2676 : vector<16xi32>
      %gather3A_2678 = tpu.vector_load_idx %arg6[%add3A_2677] : memref<4096xi32, #tpu.memory_space<vmem>>[vector<16xi32>], vector<16xi32>,
      %add3A_2679 = arith.addi %add3A_2674, %gather3A_2678 : vector<16xi32>
      %add3A_2680 = arith.constant 8 : i32
      %add3A_2681 = vector.broadcast %add3A_2680 : i32 to vector<16xi32>
      %add3A_2682 = arith.addi %mul3A_2640, %add3A_2681 : vector<16xi32>
      %gather3A_2683 = tpu.vector_load_idx %arg6[%add3A_2682] : memref<4096xi32, #tpu.memory_space<vmem>>[vector<16xi32>], vector<16xi32>,
      %add3A_2684 = arith.addi %add3A_2679, %gather3A_2683 : vector<16xi32>
      %add3A_2685 = arith.constant 9 : i32
      %add3A_2686 = vector.broadcast %add3A_2685 : i32 to vector<16xi32>
      %add3A_2687 = arith.addi %mul3A_2640, %add3A_2686 : vector<16xi32>
      %gather3A_2688 = tpu.vector_load_idx %arg6[%add3A_2687] : memref<4096xi32, #tpu.memory_space<vmem>>[vector<16xi32>], vector<16xi32>,
      %add3A_2689 = arith.addi %add3A_2684, %gather3A_2688 : vector<16xi32>
      %add3A_2690 = arith.constant 10 : i32
      %add3A_2691 = vector.broadcast %add3A_2690 : i32 to vector<16xi32>
      %add3A_2692 = arith.addi %mul3A_2640, %add3A_2691 : vector<16xi32>
      %gather3A_2693 = tpu.vector_load_idx %arg6[%add3A_2692] : memref<4096xi32, #tpu.memory_space<vmem>>[vector<16xi32>], vector<16xi32>,
      %add3A_2694 = arith.addi %add3A_2689, %gather3A_2693 : vector<16xi32>
      %add3A_2695 = arith.constant 11 : i32
      %add3A_2696 = vector.broadcast %add3A_2695 : i32 to vector<16xi32>
      %add3A_2697 = arith.addi %mul3A_2640, %add3A_2696 : vector<16xi32>
      %gather3A_2698 = tpu.vector_load_idx %arg6[%add3A_2697] : memref<4096xi32, #tpu.memory_space<vmem>>[vector<16xi32>], vector<16xi32>,
      %add3A_2699 = arith.addi %add3A_2694, %gather3A_2698 : vector<16xi32>
      %add3A_2700 = arith.constant 12 : i32
      %add3A_2701 = vector.broadcast %add3A_2700 : i32 to vector<16xi32>
      %add3A_2702 = arith.addi %mul3A_2640, %add3A_2701 : vector<16xi32>
      %gather3A_2703 = tpu.vector_load_idx %arg6[%add3A_2702] : memref<4096xi32, #tpu.memory_space<vmem>>[vector<16xi32>], vector<16xi32>,
      %add3A_2704 = arith.addi %add3A_2699, %gather3A_2703 : vector<16xi32>
      %add3A_2705 = arith.constant 13 : i32
      %add3A_2706 = vector.broadcast %add3A_2705 : i32 to vector<16xi32>
      %add3A_2707 = arith.addi %mul3A_2640, %add3A_2706 : vector<16xi32>
      %gather3A_2708 = tpu.vector_load_idx %arg6[%add3A_2707] : memref<4096xi32, #tpu.memory_space<vmem>>[vector<16xi32>], vector<16xi32>,
      %add3A_2709 = arith.addi %add3A_2704, %gather3A_2708 : vector<16xi32>
      %add3A_2710 = arith.constant 14 : i32
      %add3A_2711 = vector.broadcast %add3A_2710 : i32 to vector<16xi32>
      %add3A_2712 = arith.addi %mul3A_2640, %add3A_2711 : vector<16xi32>
      %gather3A_2713 = tpu.vector_load_idx %arg6[%add3A_2712] : memref<4096xi32, #tpu.memory_space<vmem>>[vector<16xi32>], vector<16xi32>,
      %add3A_2714 = arith.addi %add3A_2709, %gather3A_2713 : vector<16xi32>
      %add3A_2715 = arith.constant 15 : i32
      %add3A_2716 = vector.broadcast %add3A_2715 : i32 to vector<16xi32>
      %add3A_2717 = arith.addi %mul3A_2640, %add3A_2716 : vector<16xi32>
      %gather3A_2718 = tpu.vector_load_idx %arg6[%add3A_2717] : memref<4096xi32, #tpu.memory_space<vmem>>[vector<16xi32>], vector<16xi32>,
      %add3A_2719 = arith.addi %add3A_2714, %gather3A_2718 : vector<16xi32>
      %swap3A_2720 = arith.index_cast %mul3A_2635 : i32 to index
      %swap3A_2721 = tpu.vector_load %arg7[%swap3A_2720] {strides = array<i32>} : memref<256xi32, #tpu.memory_space<vmem>>, vector<16xi32>,
      tpu.vector_store %arg7[%swap3A_2720], %add3A_2719 {strides = array<i32>} : memref<256xi32, #tpu.memory_space<vmem>>, vector<16xi32>,
      %scan3A_2722 = arith.constant 0 : i32
      scf.yield %scan3A_2722 : i32
    }
    %scan3A_34 = arith.constant 16 : i32
    %mul3A_35 = arith.constant 256 : i32
    %mul3A_36 = arith.muli %arg1, %mul3A_35 : i32
    "tpu.region"() ({
      %run_scoped3A = tpu.sem_alloc : memref<!tpu.dma_semaphore, #tpu.memory_space<semaphore_mem>>
      %dma_start3A = tpu.memref_slice %arg10[%mul3A_36] : memref<4096xi32, #tpu.memory_space<vmem_shared>> -> memref<256xi32, #tpu.memory_space<vmem_shared>>
      %dma_start3A_2632 = tpu.memref_slice %arg10[%mul3A_36] : memref<4096xi32, #tpu.memory_space<vmem_shared>> -> memref<256xi32, #tpu.memory_space<vmem_shared>>
      tpu.enqueue_dma source(%arg7 : memref<256xi32, #tpu.memory_space<vmem>>) target(%dma_start3A_2632 : memref<256xi32, #tpu.memory_space<vmem_shared>>) target_semaphore(%run_scoped3A : memref<!tpu.dma_semaphore, #tpu.memory_space<semaphore_mem>>)
      %dma_wait3A = tpu.memref_slice %arg10[%mul3A_36] : memref<4096xi32, #tpu.memory_space<vmem_shared>> -> memref<256xi32, #tpu.memory_space<vmem_shared>>
      %dma_wait3A_2633 = tpu.memref_slice %arg10[%mul3A_36] : memref<4096xi32, #tpu.memory_space<vmem_shared>> -> memref<256xi32, #tpu.memory_space<vmem_shared>>
      tpu.wait_dma2 semaphore(%run_scoped3A : memref<!tpu.dma_semaphore, #tpu.memory_space<semaphore_mem>>) src(%arg7 : memref<256xi32, #tpu.memory_space<vmem>>) dst(%dma_wait3A_2633 : memref<256xi32, #tpu.memory_space<vmem_shared>>)
      tpu.yield
    }) : () -> ()
    %barrier3A = arith.constant 0 : index
    tpu.barrier barrier_id(%barrier3A)
    "tpu.region"() ({
      %run_scoped3A = tpu.sem_alloc : memref<!tpu.dma_semaphore, #tpu.memory_space<semaphore_mem>>
      tpu.enqueue_dma source(%arg10 : memref<4096xi32, #tpu.memory_space<vmem_shared>>) target(%arg8 : memref<4096xi32, #tpu.memory_space<vmem>>) target_semaphore(%run_scoped3A : memref<!tpu.dma_semaphore, #tpu.memory_space<semaphore_mem>>)
      tpu.wait_dma2 semaphore(%run_scoped3A : memref<!tpu.dma_semaphore, #tpu.memory_space<semaphore_mem>>) src(%arg10 : memref<4096xi32, #tpu.memory_space<vmem_shared>>) dst(%arg8 : memref<4096xi32, #tpu.memory_space<vmem>>)
      tpu.yield
    }) : () -> ()
    %barrier3A_37 = arith.constant 0 : index
    tpu.barrier barrier_id(%barrier3A_37)
    %swap3A = arith.constant 0 : index
    %swap3A_38 = tpu.vector_load %arg9[%swap3A] {strides = array<i32>} : memref<256xi32, #tpu.memory_space<vmem>>, vector<16xi32>,
    tpu.vector_store %arg9[%swap3A], %broadcast_in_dim3A_2 {strides = array<i32>} : memref<256xi32, #tpu.memory_space<vmem>>, vector<16xi32>,
    %swap3A_39 = arith.constant 16 : index
    %swap3A_40 = tpu.vector_load %arg9[%swap3A_39] {strides = array<i32>} : memref<256xi32, #tpu.memory_space<vmem>>, vector<16xi32>,
    tpu.vector_store %arg9[%swap3A_39], %broadcast_in_dim3A_2 {strides = array<i32>} : memref<256xi32, #tpu.memory_space<vmem>>, vector<16xi32>,
    %swap3A_41 = arith.constant 32 : index
    %swap3A_42 = tpu.vector_load %arg9[%swap3A_41] {strides = array<i32>} : memref<256xi32, #tpu.memory_space<vmem>>, vector<16xi32>,
    tpu.vector_store %arg9[%swap3A_41], %broadcast_in_dim3A_2 {strides = array<i32>} : memref<256xi32, #tpu.memory_space<vmem>>, vector<16xi32>,
    %swap3A_43 = arith.constant 48 : index
    %swap3A_44 = tpu.vector_load %arg9[%swap3A_43] {strides = array<i32>} : memref<256xi32, #tpu.memory_space<vmem>>, vector<16xi32>,
    tpu.vector_store %arg9[%swap3A_43], %broadcast_in_dim3A_2 {strides = array<i32>} : memref<256xi32, #tpu.memory_space<vmem>>, vector<16xi32>,
    %swap3A_45 = arith.constant 64 : index
    %swap3A_46 = tpu.vector_load %arg9[%swap3A_45] {strides = array<i32>} : memref<256xi32, #tpu.memory_space<vmem>>, vector<16xi32>,
    tpu.vector_store %arg9[%swap3A_45], %broadcast_in_dim3A_2 {strides = array<i32>} : memref<256xi32, #tpu.memory_space<vmem>>, vector<16xi32>,
    %swap3A_47 = arith.constant 80 : index
    %swap3A_48 = tpu.vector_load %arg9[%swap3A_47] {strides = array<i32>} : memref<256xi32, #tpu.memory_space<vmem>>, vector<16xi32>,
    tpu.vector_store %arg9[%swap3A_47], %broadcast_in_dim3A_2 {strides = array<i32>} : memref<256xi32, #tpu.memory_space<vmem>>, vector<16xi32>,
    %swap3A_49 = arith.constant 96 : index
    %swap3A_50 = tpu.vector_load %arg9[%swap3A_49] {strides = array<i32>} : memref<256xi32, #tpu.memory_space<vmem>>, vector<16xi32>,
    tpu.vector_store %arg9[%swap3A_49], %broadcast_in_dim3A_2 {strides = array<i32>} : memref<256xi32, #tpu.memory_space<vmem>>, vector<16xi32>,
    %swap3A_51 = arith.constant 112 : index
    %swap3A_52 = tpu.vector_load %arg9[%swap3A_51] {strides = array<i32>} : memref<256xi32, #tpu.memory_space<vmem>>, vector<16xi32>,
    tpu.vector_store %arg9[%swap3A_51], %broadcast_in_dim3A_2 {strides = array<i32>} : memref<256xi32, #tpu.memory_space<vmem>>, vector<16xi32>,
    %swap3A_53 = arith.constant 128 : index
    %swap3A_54 = tpu.vector_load %arg9[%swap3A_53] {strides = array<i32>} : memref<256xi32, #tpu.memory_space<vmem>>, vector<16xi32>,
    tpu.vector_store %arg9[%swap3A_53], %broadcast_in_dim3A_2 {strides = array<i32>} : memref<256xi32, #tpu.memory_space<vmem>>, vector<16xi32>,
    %swap3A_55 = arith.constant 144 : index
    %swap3A_56 = tpu.vector_load %arg9[%swap3A_55] {strides = array<i32>} : memref<256xi32, #tpu.memory_space<vmem>>, vector<16xi32>,
    tpu.vector_store %arg9[%swap3A_55], %broadcast_in_dim3A_2 {strides = array<i32>} : memref<256xi32, #tpu.memory_space<vmem>>, vector<16xi32>,
    %swap3A_57 = arith.constant 160 : index
    %swap3A_58 = tpu.vector_load %arg9[%swap3A_57] {strides = array<i32>} : memref<256xi32, #tpu.memory_space<vmem>>, vector<16xi32>,
    tpu.vector_store %arg9[%swap3A_57], %broadcast_in_dim3A_2 {strides = array<i32>} : memref<256xi32, #tpu.memory_space<vmem>>, vector<16xi32>,
    %swap3A_59 = arith.constant 176 : index
    %swap3A_60 = tpu.vector_load %arg9[%swap3A_59] {strides = array<i32>} : memref<256xi32, #tpu.memory_space<vmem>>, vector<16xi32>,
    tpu.vector_store %arg9[%swap3A_59], %broadcast_in_dim3A_2 {strides = array<i32>} : memref<256xi32, #tpu.memory_space<vmem>>, vector<16xi32>,
    %swap3A_61 = arith.constant 192 : index
    %swap3A_62 = tpu.vector_load %arg9[%swap3A_61] {strides = array<i32>} : memref<256xi32, #tpu.memory_space<vmem>>, vector<16xi32>,
    tpu.vector_store %arg9[%swap3A_61], %broadcast_in_dim3A_2 {strides = array<i32>} : memref<256xi32, #tpu.memory_space<vmem>>, vector<16xi32>,
    %swap3A_63 = arith.constant 208 : index
    %swap3A_64 = tpu.vector_load %arg9[%swap3A_63] {strides = array<i32>} : memref<256xi32, #tpu.memory_space<vmem>>, vector<16xi32>,
    tpu.vector_store %arg9[%swap3A_63], %broadcast_in_dim3A_2 {strides = array<i32>} : memref<256xi32, #tpu.memory_space<vmem>>, vector<16xi32>,
    %swap3A_65 = arith.constant 224 : index
    %swap3A_66 = tpu.vector_load %arg9[%swap3A_65] {strides = array<i32>} : memref<256xi32, #tpu.memory_space<vmem>>, vector<16xi32>,
    tpu.vector_store %arg9[%swap3A_65], %broadcast_in_dim3A_2 {strides = array<i32>} : memref<256xi32, #tpu.memory_space<vmem>>, vector<16xi32>,
    %swap3A_67 = arith.constant 240 : index
    %swap3A_68 = tpu.vector_load %arg9[%swap3A_67] {strides = array<i32>} : memref<256xi32, #tpu.memory_space<vmem>>, vector<16xi32>,
    tpu.vector_store %arg9[%swap3A_67], %broadcast_in_dim3A_2 {strides = array<i32>} : memref<256xi32, #tpu.memory_space<vmem>>, vector<16xi32>,
    %scan3A_69 = arith.constant 0 : i32
    %scan3A_70 = arith.constant 0 : i32
    %scan3A_71 = arith.constant 16 : i32
    %scan3A_72 = arith.addi %scan3A_70, %scan3A_71 : i32
    %scan3A_73 = arith.constant 1 : i32
    %scan3A_74 = scf.for %scan3A_2632 = %scan3A_70 to %scan3A_72 step %scan3A_73 iter_args(%scan3A_2633 = %scan3A_69) -> (i32)  : i32 {
      %get3A_2634 = arith.constant 0 : index
      %get3A_2635 = tpu.vector_load %arg9[%get3A_2634] {strides = array<i32>} : memref<256xi32, #tpu.memory_space<vmem>>, vector<16xi32>,
      %mul3A_2636 = arith.constant 256 : i32
      %mul3A_2637 = arith.muli %scan3A_2632, %mul3A_2636 : i32
      %add3A_2638 = arith.constant 0 : i32
      %add3A_2639 = arith.addi %mul3A_2637, %add3A_2638 : i32
      %get3A_2640 = arith.index_cast %add3A_2639 : i32 to index
      %get3A_2641 = tpu.vector_load %arg8[%get3A_2640] {strides = array<i32>} : memref<4096xi32, #tpu.memory_space<vmem>>, vector<16xi32>,
      %add3A_2642 = arith.addi %get3A_2635, %get3A_2641 : vector<16xi32>
      %swap3A_2643 = arith.constant 0 : index
      %swap3A_2644 = tpu.vector_load %arg9[%swap3A_2643] {strides = array<i32>} : memref<256xi32, #tpu.memory_space<vmem>>, vector<16xi32>,
      tpu.vector_store %arg9[%swap3A_2643], %add3A_2642 {strides = array<i32>} : memref<256xi32, #tpu.memory_space<vmem>>, vector<16xi32>,
      %get3A_2645 = arith.constant 16 : index
      %get3A_2646 = tpu.vector_load %arg9[%get3A_2645] {strides = array<i32>} : memref<256xi32, #tpu.memory_space<vmem>>, vector<16xi32>,
      %mul3A_2647 = arith.constant 256 : i32
      %mul3A_2648 = arith.muli %scan3A_2632, %mul3A_2647 : i32
      %add3A_2649 = arith.constant 16 : i32
      %add3A_2650 = arith.addi %mul3A_2648, %add3A_2649 : i32
      %get3A_2651 = arith.index_cast %add3A_2650 : i32 to index
      %get3A_2652 = tpu.vector_load %arg8[%get3A_2651] {strides = array<i32>} : memref<4096xi32, #tpu.memory_space<vmem>>, vector<16xi32>,
      %add3A_2653 = arith.addi %get3A_2646, %get3A_2652 : vector<16xi32>
      %swap3A_2654 = arith.constant 16 : index
      %swap3A_2655 = tpu.vector_load %arg9[%swap3A_2654] {strides = array<i32>} : memref<256xi32, #tpu.memory_space<vmem>>, vector<16xi32>,
      tpu.vector_store %arg9[%swap3A_2654], %add3A_2653 {strides = array<i32>} : memref<256xi32, #tpu.memory_space<vmem>>, vector<16xi32>,
      %get3A_2656 = arith.constant 32 : index
      %get3A_2657 = tpu.vector_load %arg9[%get3A_2656] {strides = array<i32>} : memref<256xi32, #tpu.memory_space<vmem>>, vector<16xi32>,
      %mul3A_2658 = arith.constant 256 : i32
      %mul3A_2659 = arith.muli %scan3A_2632, %mul3A_2658 : i32
      %add3A_2660 = arith.constant 32 : i32
      %add3A_2661 = arith.addi %mul3A_2659, %add3A_2660 : i32
      %get3A_2662 = arith.index_cast %add3A_2661 : i32 to index
      %get3A_2663 = tpu.vector_load %arg8[%get3A_2662] {strides = array<i32>} : memref<4096xi32, #tpu.memory_space<vmem>>, vector<16xi32>,
      %add3A_2664 = arith.addi %get3A_2657, %get3A_2663 : vector<16xi32>
      %swap3A_2665 = arith.constant 32 : index
      %swap3A_2666 = tpu.vector_load %arg9[%swap3A_2665] {strides = array<i32>} : memref<256xi32, #tpu.memory_space<vmem>>, vector<16xi32>,
      tpu.vector_store %arg9[%swap3A_2665], %add3A_2664 {strides = array<i32>} : memref<256xi32, #tpu.memory_space<vmem>>, vector<16xi32>,
      %get3A_2667 = arith.constant 48 : index
      %get3A_2668 = tpu.vector_load %arg9[%get3A_2667] {strides = array<i32>} : memref<256xi32, #tpu.memory_space<vmem>>, vector<16xi32>,
      %mul3A_2669 = arith.constant 256 : i32
      %mul3A_2670 = arith.muli %scan3A_2632, %mul3A_2669 : i32
      %add3A_2671 = arith.constant 48 : i32
      %add3A_2672 = arith.addi %mul3A_2670, %add3A_2671 : i32
      %get3A_2673 = arith.index_cast %add3A_2672 : i32 to index
      %get3A_2674 = tpu.vector_load %arg8[%get3A_2673] {strides = array<i32>} : memref<4096xi32, #tpu.memory_space<vmem>>, vector<16xi32>,
      %add3A_2675 = arith.addi %get3A_2668, %get3A_2674 : vector<16xi32>
      %swap3A_2676 = arith.constant 48 : index
      %swap3A_2677 = tpu.vector_load %arg9[%swap3A_2676] {strides = array<i32>} : memref<256xi32, #tpu.memory_space<vmem>>, vector<16xi32>,
      tpu.vector_store %arg9[%swap3A_2676], %add3A_2675 {strides = array<i32>} : memref<256xi32, #tpu.memory_space<vmem>>, vector<16xi32>,
      %get3A_2678 = arith.constant 64 : index
      %get3A_2679 = tpu.vector_load %arg9[%get3A_2678] {strides = array<i32>} : memref<256xi32, #tpu.memory_space<vmem>>, vector<16xi32>,
      %mul3A_2680 = arith.constant 256 : i32
      %mul3A_2681 = arith.muli %scan3A_2632, %mul3A_2680 : i32
      %add3A_2682 = arith.constant 64 : i32
      %add3A_2683 = arith.addi %mul3A_2681, %add3A_2682 : i32
      %get3A_2684 = arith.index_cast %add3A_2683 : i32 to index
      %get3A_2685 = tpu.vector_load %arg8[%get3A_2684] {strides = array<i32>} : memref<4096xi32, #tpu.memory_space<vmem>>, vector<16xi32>,
      %add3A_2686 = arith.addi %get3A_2679, %get3A_2685 : vector<16xi32>
      %swap3A_2687 = arith.constant 64 : index
      %swap3A_2688 = tpu.vector_load %arg9[%swap3A_2687] {strides = array<i32>} : memref<256xi32, #tpu.memory_space<vmem>>, vector<16xi32>,
      tpu.vector_store %arg9[%swap3A_2687], %add3A_2686 {strides = array<i32>} : memref<256xi32, #tpu.memory_space<vmem>>, vector<16xi32>,
      %get3A_2689 = arith.constant 80 : index
      %get3A_2690 = tpu.vector_load %arg9[%get3A_2689] {strides = array<i32>} : memref<256xi32, #tpu.memory_space<vmem>>, vector<16xi32>,
      %mul3A_2691 = arith.constant 256 : i32
      %mul3A_2692 = arith.muli %scan3A_2632, %mul3A_2691 : i32
      %add3A_2693 = arith.constant 80 : i32
      %add3A_2694 = arith.addi %mul3A_2692, %add3A_2693 : i32
      %get3A_2695 = arith.index_cast %add3A_2694 : i32 to index
      %get3A_2696 = tpu.vector_load %arg8[%get3A_2695] {strides = array<i32>} : memref<4096xi32, #tpu.memory_space<vmem>>, vector<16xi32>,
      %add3A_2697 = arith.addi %get3A_2690, %get3A_2696 : vector<16xi32>
      %swap3A_2698 = arith.constant 80 : index
      %swap3A_2699 = tpu.vector_load %arg9[%swap3A_2698] {strides = array<i32>} : memref<256xi32, #tpu.memory_space<vmem>>, vector<16xi32>,
      tpu.vector_store %arg9[%swap3A_2698], %add3A_2697 {strides = array<i32>} : memref<256xi32, #tpu.memory_space<vmem>>, vector<16xi32>,
      %get3A_2700 = arith.constant 96 : index
      %get3A_2701 = tpu.vector_load %arg9[%get3A_2700] {strides = array<i32>} : memref<256xi32, #tpu.memory_space<vmem>>, vector<16xi32>,
      %mul3A_2702 = arith.constant 256 : i32
      %mul3A_2703 = arith.muli %scan3A_2632, %mul3A_2702 : i32
      %add3A_2704 = arith.constant 96 : i32
      %add3A_2705 = arith.addi %mul3A_2703, %add3A_2704 : i32
      %get3A_2706 = arith.index_cast %add3A_2705 : i32 to index
      %get3A_2707 = tpu.vector_load %arg8[%get3A_2706] {strides = array<i32>} : memref<4096xi32, #tpu.memory_space<vmem>>, vector<16xi32>,
      %add3A_2708 = arith.addi %get3A_2701, %get3A_2707 : vector<16xi32>
      %swap3A_2709 = arith.constant 96 : index
      %swap3A_2710 = tpu.vector_load %arg9[%swap3A_2709] {strides = array<i32>} : memref<256xi32, #tpu.memory_space<vmem>>, vector<16xi32>,
      tpu.vector_store %arg9[%swap3A_2709], %add3A_2708 {strides = array<i32>} : memref<256xi32, #tpu.memory_space<vmem>>, vector<16xi32>,
      %get3A_2711 = arith.constant 112 : index
      %get3A_2712 = tpu.vector_load %arg9[%get3A_2711] {strides = array<i32>} : memref<256xi32, #tpu.memory_space<vmem>>, vector<16xi32>,
      %mul3A_2713 = arith.constant 256 : i32
      %mul3A_2714 = arith.muli %scan3A_2632, %mul3A_2713 : i32
      %add3A_2715 = arith.constant 112 : i32
      %add3A_2716 = arith.addi %mul3A_2714, %add3A_2715 : i32
      %get3A_2717 = arith.index_cast %add3A_2716 : i32 to index
      %get3A_2718 = tpu.vector_load %arg8[%get3A_2717] {strides = array<i32>} : memref<4096xi32, #tpu.memory_space<vmem>>, vector<16xi32>,
      %add3A_2719 = arith.addi %get3A_2712, %get3A_2718 : vector<16xi32>
      %swap3A_2720 = arith.constant 112 : index
      %swap3A_2721 = tpu.vector_load %arg9[%swap3A_2720] {strides = array<i32>} : memref<256xi32, #tpu.memory_space<vmem>>, vector<16xi32>,
      tpu.vector_store %arg9[%swap3A_2720], %add3A_2719 {strides = array<i32>} : memref<256xi32, #tpu.memory_space<vmem>>, vector<16xi32>,
      %get3A_2722 = arith.constant 128 : index
      %get3A_2723 = tpu.vector_load %arg9[%get3A_2722] {strides = array<i32>} : memref<256xi32, #tpu.memory_space<vmem>>, vector<16xi32>,
      %mul3A_2724 = arith.constant 256 : i32
      %mul3A_2725 = arith.muli %scan3A_2632, %mul3A_2724 : i32
      %add3A_2726 = arith.constant 128 : i32
      %add3A_2727 = arith.addi %mul3A_2725, %add3A_2726 : i32
      %get3A_2728 = arith.index_cast %add3A_2727 : i32 to index
      %get3A_2729 = tpu.vector_load %arg8[%get3A_2728] {strides = array<i32>} : memref<4096xi32, #tpu.memory_space<vmem>>, vector<16xi32>,
      %add3A_2730 = arith.addi %get3A_2723, %get3A_2729 : vector<16xi32>
      %swap3A_2731 = arith.constant 128 : index
      %swap3A_2732 = tpu.vector_load %arg9[%swap3A_2731] {strides = array<i32>} : memref<256xi32, #tpu.memory_space<vmem>>, vector<16xi32>,
      tpu.vector_store %arg9[%swap3A_2731], %add3A_2730 {strides = array<i32>} : memref<256xi32, #tpu.memory_space<vmem>>, vector<16xi32>,
      %get3A_2733 = arith.constant 144 : index
      %get3A_2734 = tpu.vector_load %arg9[%get3A_2733] {strides = array<i32>} : memref<256xi32, #tpu.memory_space<vmem>>, vector<16xi32>,
      %mul3A_2735 = arith.constant 256 : i32
      %mul3A_2736 = arith.muli %scan3A_2632, %mul3A_2735 : i32
      %add3A_2737 = arith.constant 144 : i32
      %add3A_2738 = arith.addi %mul3A_2736, %add3A_2737 : i32
      %get3A_2739 = arith.index_cast %add3A_2738 : i32 to index
      %get3A_2740 = tpu.vector_load %arg8[%get3A_2739] {strides = array<i32>} : memref<4096xi32, #tpu.memory_space<vmem>>, vector<16xi32>,
      %add3A_2741 = arith.addi %get3A_2734, %get3A_2740 : vector<16xi32>
      %swap3A_2742 = arith.constant 144 : index
      %swap3A_2743 = tpu.vector_load %arg9[%swap3A_2742] {strides = array<i32>} : memref<256xi32, #tpu.memory_space<vmem>>, vector<16xi32>,
      tpu.vector_store %arg9[%swap3A_2742], %add3A_2741 {strides = array<i32>} : memref<256xi32, #tpu.memory_space<vmem>>, vector<16xi32>,
      %get3A_2744 = arith.constant 160 : index
      %get3A_2745 = tpu.vector_load %arg9[%get3A_2744] {strides = array<i32>} : memref<256xi32, #tpu.memory_space<vmem>>, vector<16xi32>,
      %mul3A_2746 = arith.constant 256 : i32
      %mul3A_2747 = arith.muli %scan3A_2632, %mul3A_2746 : i32
      %add3A_2748 = arith.constant 160 : i32
      %add3A_2749 = arith.addi %mul3A_2747, %add3A_2748 : i32
      %get3A_2750 = arith.index_cast %add3A_2749 : i32 to index
      %get3A_2751 = tpu.vector_load %arg8[%get3A_2750] {strides = array<i32>} : memref<4096xi32, #tpu.memory_space<vmem>>, vector<16xi32>,
      %add3A_2752 = arith.addi %get3A_2745, %get3A_2751 : vector<16xi32>
      %swap3A_2753 = arith.constant 160 : index
      %swap3A_2754 = tpu.vector_load %arg9[%swap3A_2753] {strides = array<i32>} : memref<256xi32, #tpu.memory_space<vmem>>, vector<16xi32>,
      tpu.vector_store %arg9[%swap3A_2753], %add3A_2752 {strides = array<i32>} : memref<256xi32, #tpu.memory_space<vmem>>, vector<16xi32>,
      %get3A_2755 = arith.constant 176 : index
      %get3A_2756 = tpu.vector_load %arg9[%get3A_2755] {strides = array<i32>} : memref<256xi32, #tpu.memory_space<vmem>>, vector<16xi32>,
      %mul3A_2757 = arith.constant 256 : i32
      %mul3A_2758 = arith.muli %scan3A_2632, %mul3A_2757 : i32
      %add3A_2759 = arith.constant 176 : i32
      %add3A_2760 = arith.addi %mul3A_2758, %add3A_2759 : i32
      %get3A_2761 = arith.index_cast %add3A_2760 : i32 to index
      %get3A_2762 = tpu.vector_load %arg8[%get3A_2761] {strides = array<i32>} : memref<4096xi32, #tpu.memory_space<vmem>>, vector<16xi32>,
      %add3A_2763 = arith.addi %get3A_2756, %get3A_2762 : vector<16xi32>
      %swap3A_2764 = arith.constant 176 : index
      %swap3A_2765 = tpu.vector_load %arg9[%swap3A_2764] {strides = array<i32>} : memref<256xi32, #tpu.memory_space<vmem>>, vector<16xi32>,
      tpu.vector_store %arg9[%swap3A_2764], %add3A_2763 {strides = array<i32>} : memref<256xi32, #tpu.memory_space<vmem>>, vector<16xi32>,
      %get3A_2766 = arith.constant 192 : index
      %get3A_2767 = tpu.vector_load %arg9[%get3A_2766] {strides = array<i32>} : memref<256xi32, #tpu.memory_space<vmem>>, vector<16xi32>,
      %mul3A_2768 = arith.constant 256 : i32
      %mul3A_2769 = arith.muli %scan3A_2632, %mul3A_2768 : i32
      %add3A_2770 = arith.constant 192 : i32
      %add3A_2771 = arith.addi %mul3A_2769, %add3A_2770 : i32
      %get3A_2772 = arith.index_cast %add3A_2771 : i32 to index
      %get3A_2773 = tpu.vector_load %arg8[%get3A_2772] {strides = array<i32>} : memref<4096xi32, #tpu.memory_space<vmem>>, vector<16xi32>,
      %add3A_2774 = arith.addi %get3A_2767, %get3A_2773 : vector<16xi32>
      %swap3A_2775 = arith.constant 192 : index
      %swap3A_2776 = tpu.vector_load %arg9[%swap3A_2775] {strides = array<i32>} : memref<256xi32, #tpu.memory_space<vmem>>, vector<16xi32>,
      tpu.vector_store %arg9[%swap3A_2775], %add3A_2774 {strides = array<i32>} : memref<256xi32, #tpu.memory_space<vmem>>, vector<16xi32>,
      %get3A_2777 = arith.constant 208 : index
      %get3A_2778 = tpu.vector_load %arg9[%get3A_2777] {strides = array<i32>} : memref<256xi32, #tpu.memory_space<vmem>>, vector<16xi32>,
      %mul3A_2779 = arith.constant 256 : i32
      %mul3A_2780 = arith.muli %scan3A_2632, %mul3A_2779 : i32
      %add3A_2781 = arith.constant 208 : i32
      %add3A_2782 = arith.addi %mul3A_2780, %add3A_2781 : i32
      %get3A_2783 = arith.index_cast %add3A_2782 : i32 to index
      %get3A_2784 = tpu.vector_load %arg8[%get3A_2783] {strides = array<i32>} : memref<4096xi32, #tpu.memory_space<vmem>>, vector<16xi32>,
      %add3A_2785 = arith.addi %get3A_2778, %get3A_2784 : vector<16xi32>
      %swap3A_2786 = arith.constant 208 : index
      %swap3A_2787 = tpu.vector_load %arg9[%swap3A_2786] {strides = array<i32>} : memref<256xi32, #tpu.memory_space<vmem>>, vector<16xi32>,
      tpu.vector_store %arg9[%swap3A_2786], %add3A_2785 {strides = array<i32>} : memref<256xi32, #tpu.memory_space<vmem>>, vector<16xi32>,
      %get3A_2788 = arith.constant 224 : index
      %get3A_2789 = tpu.vector_load %arg9[%get3A_2788] {strides = array<i32>} : memref<256xi32, #tpu.memory_space<vmem>>, vector<16xi32>,
      %mul3A_2790 = arith.constant 256 : i32
      %mul3A_2791 = arith.muli %scan3A_2632, %mul3A_2790 : i32
      %add3A_2792 = arith.constant 224 : i32
      %add3A_2793 = arith.addi %mul3A_2791, %add3A_2792 : i32
      %get3A_2794 = arith.index_cast %add3A_2793 : i32 to index
      %get3A_2795 = tpu.vector_load %arg8[%get3A_2794] {strides = array<i32>} : memref<4096xi32, #tpu.memory_space<vmem>>, vector<16xi32>,
      %add3A_2796 = arith.addi %get3A_2789, %get3A_2795 : vector<16xi32>
      %swap3A_2797 = arith.constant 224 : index
      %swap3A_2798 = tpu.vector_load %arg9[%swap3A_2797] {strides = array<i32>} : memref<256xi32, #tpu.memory_space<vmem>>, vector<16xi32>,
      tpu.vector_store %arg9[%swap3A_2797], %add3A_2796 {strides = array<i32>} : memref<256xi32, #tpu.memory_space<vmem>>, vector<16xi32>,
      %get3A_2799 = arith.constant 240 : index
      %get3A_2800 = tpu.vector_load %arg9[%get3A_2799] {strides = array<i32>} : memref<256xi32, #tpu.memory_space<vmem>>, vector<16xi32>,
      %mul3A_2801 = arith.constant 256 : i32
      %mul3A_2802 = arith.muli %scan3A_2632, %mul3A_2801 : i32
      %add3A_2803 = arith.constant 240 : i32
      %add3A_2804 = arith.addi %mul3A_2802, %add3A_2803 : i32
      %get3A_2805 = arith.index_cast %add3A_2804 : i32 to index
      %get3A_2806 = tpu.vector_load %arg8[%get3A_2805] {strides = array<i32>} : memref<4096xi32, #tpu.memory_space<vmem>>, vector<16xi32>,
      %add3A_2807 = arith.addi %get3A_2800, %get3A_2806 : vector<16xi32>
      %swap3A_2808 = arith.constant 240 : index
      %swap3A_2809 = tpu.vector_load %arg9[%swap3A_2808] {strides = array<i32>} : memref<256xi32, #tpu.memory_space<vmem>>, vector<16xi32>,
      tpu.vector_store %arg9[%swap3A_2808], %add3A_2807 {strides = array<i32>} : memref<256xi32, #tpu.memory_space<vmem>>, vector<16xi32>,
      %scan3A_2810 = arith.constant 0 : i32
      scf.yield %scan3A_2810 : i32
    }
    %scan3A_75 = arith.constant 16 : i32
    %get3A = arith.constant 0 : index
    %get3A_76 = tpu.vector_load %arg9[%get3A] {strides = array<i32>} : memref<256xi32, #tpu.memory_space<vmem>>, vector<16xi32>,
    %get3A_77 = arith.constant 16 : index
    %get3A_78 = tpu.vector_load %arg9[%get3A_77] {strides = array<i32>} : memref<256xi32, #tpu.memory_space<vmem>>, vector<16xi32>,
    %get3A_79 = arith.constant 32 : index
    %get3A_80 = tpu.vector_load %arg9[%get3A_79] {strides = array<i32>} : memref<256xi32, #tpu.memory_space<vmem>>, vector<16xi32>,
    %get3A_81 = arith.constant 48 : index
    %get3A_82 = tpu.vector_load %arg9[%get3A_81] {strides = array<i32>} : memref<256xi32, #tpu.memory_space<vmem>>, vector<16xi32>,
    %get3A_83 = arith.constant 64 : index
    %get3A_84 = tpu.vector_load %arg9[%get3A_83] {strides = array<i32>} : memref<256xi32, #tpu.memory_space<vmem>>, vector<16xi32>,
    %get3A_85 = arith.constant 80 : index
    %get3A_86 = tpu.vector_load %arg9[%get3A_85] {strides = array<i32>} : memref<256xi32, #tpu.memory_space<vmem>>, vector<16xi32>,
    %get3A_87 = arith.constant 96 : index
    %get3A_88 = tpu.vector_load %arg9[%get3A_87] {strides = array<i32>} : memref<256xi32, #tpu.memory_space<vmem>>, vector<16xi32>,
    %get3A_89 = arith.constant 112 : index
    %get3A_90 = tpu.vector_load %arg9[%get3A_89] {strides = array<i32>} : memref<256xi32, #tpu.memory_space<vmem>>, vector<16xi32>,
    %get3A_91 = arith.constant 128 : index
    %get3A_92 = tpu.vector_load %arg9[%get3A_91] {strides = array<i32>} : memref<256xi32, #tpu.memory_space<vmem>>, vector<16xi32>,
    %get3A_93 = arith.constant 144 : index
    %get3A_94 = tpu.vector_load %arg9[%get3A_93] {strides = array<i32>} : memref<256xi32, #tpu.memory_space<vmem>>, vector<16xi32>,
    %get3A_95 = arith.constant 160 : index
    %get3A_96 = tpu.vector_load %arg9[%get3A_95] {strides = array<i32>} : memref<256xi32, #tpu.memory_space<vmem>>, vector<16xi32>,
    %get3A_97 = arith.constant 176 : index
    %get3A_98 = tpu.vector_load %arg9[%get3A_97] {strides = array<i32>} : memref<256xi32, #tpu.memory_space<vmem>>, vector<16xi32>,
    %get3A_99 = arith.constant 192 : index
    %get3A_100 = tpu.vector_load %arg9[%get3A_99] {strides = array<i32>} : memref<256xi32, #tpu.memory_space<vmem>>, vector<16xi32>,
    %get3A_101 = arith.constant 208 : index
    %get3A_102 = tpu.vector_load %arg9[%get3A_101] {strides = array<i32>} : memref<256xi32, #tpu.memory_space<vmem>>, vector<16xi32>,
    %get3A_103 = arith.constant 224 : index
    %get3A_104 = tpu.vector_load %arg9[%get3A_103] {strides = array<i32>} : memref<256xi32, #tpu.memory_space<vmem>>, vector<16xi32>,
    %get3A_105 = arith.constant 240 : index
    %get3A_106 = tpu.vector_load %arg9[%get3A_105] {strides = array<i32>} : memref<256xi32, #tpu.memory_space<vmem>>, vector<16xi32>,
    %reduce_sum3A = arith.constant true
    %reduce_sum3A_107 = vector.broadcast %reduce_sum3A : i1 to vector<16xi1>
    %reduce_sum3A_108 = tpu.scan <sum>, %get3A_76 masked %reduce_sum3A_107 : vector<16xi32>, vector<16xi1> -> vector<16xi32>
    %reduce_sum3A_109 = vector.extract %reduce_sum3A_108[15] : i32 from vector<16xi32>
    %reduce_sum3A_110 = arith.constant true
    %reduce_sum3A_111 = vector.broadcast %reduce_sum3A_110 : i1 to vector<16xi1>
    %reduce_sum3A_112 = tpu.scan <sum>, %get3A_78 masked %reduce_sum3A_111 : vector<16xi32>, vector<16xi1> -> vector<16xi32>
    %reduce_sum3A_113 = vector.extract %reduce_sum3A_112[15] : i32 from vector<16xi32>
    %reduce_sum3A_114 = arith.constant true
    %reduce_sum3A_115 = vector.broadcast %reduce_sum3A_114 : i1 to vector<16xi1>
    %reduce_sum3A_116 = tpu.scan <sum>, %get3A_80 masked %reduce_sum3A_115 : vector<16xi32>, vector<16xi1> -> vector<16xi32>
    %reduce_sum3A_117 = vector.extract %reduce_sum3A_116[15] : i32 from vector<16xi32>
    %reduce_sum3A_118 = arith.constant true
    %reduce_sum3A_119 = vector.broadcast %reduce_sum3A_118 : i1 to vector<16xi1>
    %reduce_sum3A_120 = tpu.scan <sum>, %get3A_82 masked %reduce_sum3A_119 : vector<16xi32>, vector<16xi1> -> vector<16xi32>
    %reduce_sum3A_121 = vector.extract %reduce_sum3A_120[15] : i32 from vector<16xi32>
    %reduce_sum3A_122 = arith.constant true
    %reduce_sum3A_123 = vector.broadcast %reduce_sum3A_122 : i1 to vector<16xi1>
    %reduce_sum3A_124 = tpu.scan <sum>, %get3A_84 masked %reduce_sum3A_123 : vector<16xi32>, vector<16xi1> -> vector<16xi32>
    %reduce_sum3A_125 = vector.extract %reduce_sum3A_124[15] : i32 from vector<16xi32>
    %reduce_sum3A_126 = arith.constant true
    %reduce_sum3A_127 = vector.broadcast %reduce_sum3A_126 : i1 to vector<16xi1>
    %reduce_sum3A_128 = tpu.scan <sum>, %get3A_86 masked %reduce_sum3A_127 : vector<16xi32>, vector<16xi1> -> vector<16xi32>
    %reduce_sum3A_129 = vector.extract %reduce_sum3A_128[15] : i32 from vector<16xi32>
    %reduce_sum3A_130 = arith.constant true
    %reduce_sum3A_131 = vector.broadcast %reduce_sum3A_130 : i1 to vector<16xi1>
    %reduce_sum3A_132 = tpu.scan <sum>, %get3A_88 masked %reduce_sum3A_131 : vector<16xi32>, vector<16xi1> -> vector<16xi32>
    %reduce_sum3A_133 = vector.extract %reduce_sum3A_132[15] : i32 from vector<16xi32>
    %reduce_sum3A_134 = arith.constant true
    %reduce_sum3A_135 = vector.broadcast %reduce_sum3A_134 : i1 to vector<16xi1>
    %reduce_sum3A_136 = tpu.scan <sum>, %get3A_90 masked %reduce_sum3A_135 : vector<16xi32>, vector<16xi1> -> vector<16xi32>
    %reduce_sum3A_137 = vector.extract %reduce_sum3A_136[15] : i32 from vector<16xi32>
    %reduce_sum3A_138 = arith.constant true
    %reduce_sum3A_139 = vector.broadcast %reduce_sum3A_138 : i1 to vector<16xi1>
    %reduce_sum3A_140 = tpu.scan <sum>, %get3A_92 masked %reduce_sum3A_139 : vector<16xi32>, vector<16xi1> -> vector<16xi32>
    %reduce_sum3A_141 = vector.extract %reduce_sum3A_140[15] : i32 from vector<16xi32>
    %reduce_sum3A_142 = arith.constant true
    %reduce_sum3A_143 = vector.broadcast %reduce_sum3A_142 : i1 to vector<16xi1>
    %reduce_sum3A_144 = tpu.scan <sum>, %get3A_94 masked %reduce_sum3A_143 : vector<16xi32>, vector<16xi1> -> vector<16xi32>
    %reduce_sum3A_145 = vector.extract %reduce_sum3A_144[15] : i32 from vector<16xi32>
    %reduce_sum3A_146 = arith.constant true
    %reduce_sum3A_147 = vector.broadcast %reduce_sum3A_146 : i1 to vector<16xi1>
    %reduce_sum3A_148 = tpu.scan <sum>, %get3A_96 masked %reduce_sum3A_147 : vector<16xi32>, vector<16xi1> -> vector<16xi32>
    %reduce_sum3A_149 = vector.extract %reduce_sum3A_148[15] : i32 from vector<16xi32>
    %reduce_sum3A_150 = arith.constant true
    %reduce_sum3A_151 = vector.broadcast %reduce_sum3A_150 : i1 to vector<16xi1>
    %reduce_sum3A_152 = tpu.scan <sum>, %get3A_98 masked %reduce_sum3A_151 : vector<16xi32>, vector<16xi1> -> vector<16xi32>
    %reduce_sum3A_153 = vector.extract %reduce_sum3A_152[15] : i32 from vector<16xi32>
    %reduce_sum3A_154 = arith.constant true
    %reduce_sum3A_155 = vector.broadcast %reduce_sum3A_154 : i1 to vector<16xi1>
    %reduce_sum3A_156 = tpu.scan <sum>, %get3A_100 masked %reduce_sum3A_155 : vector<16xi32>, vector<16xi1> -> vector<16xi32>
    %reduce_sum3A_157 = vector.extract %reduce_sum3A_156[15] : i32 from vector<16xi32>
    %reduce_sum3A_158 = arith.constant true
    %reduce_sum3A_159 = vector.broadcast %reduce_sum3A_158 : i1 to vector<16xi1>
    %reduce_sum3A_160 = tpu.scan <sum>, %get3A_102 masked %reduce_sum3A_159 : vector<16xi32>, vector<16xi1> -> vector<16xi32>
    %reduce_sum3A_161 = vector.extract %reduce_sum3A_160[15] : i32 from vector<16xi32>
    %reduce_sum3A_162 = arith.constant true
    %reduce_sum3A_163 = vector.broadcast %reduce_sum3A_162 : i1 to vector<16xi1>
    %reduce_sum3A_164 = tpu.scan <sum>, %get3A_104 masked %reduce_sum3A_163 : vector<16xi32>, vector<16xi1> -> vector<16xi32>
    %reduce_sum3A_165 = vector.extract %reduce_sum3A_164[15] : i32 from vector<16xi32>
    %reduce_sum3A_166 = arith.constant true
    %reduce_sum3A_167 = vector.broadcast %reduce_sum3A_166 : i1 to vector<16xi1>
    %reduce_sum3A_168 = tpu.scan <sum>, %get3A_106 masked %reduce_sum3A_167 : vector<16xi32>, vector<16xi1> -> vector<16xi32>
    %reduce_sum3A_169 = vector.extract %reduce_sum3A_168[15] : i32 from vector<16xi32>
    %add3A_170 = arith.constant 0 : i32
    %add3A_171 = arith.addi %add3A_170, %reduce_sum3A_169 : i32
    %add3A_172 = arith.addi %add3A_171, %reduce_sum3A_165 : i32
    %add3A_173 = arith.addi %add3A_172, %reduce_sum3A_161 : i32
    %add3A_174 = arith.addi %add3A_173, %reduce_sum3A_157 : i32
    %add3A_175 = arith.addi %add3A_174, %reduce_sum3A_153 : i32
    %add3A_176 = arith.addi %add3A_175, %reduce_sum3A_149 : i32
    %add3A_177 = arith.addi %add3A_176, %reduce_sum3A_145 : i32
    %add3A_178 = arith.addi %add3A_177, %reduce_sum3A_141 : i32
    %add3A_179 = arith.addi %add3A_178, %reduce_sum3A_137 : i32
    %add3A_180 = arith.addi %add3A_179, %reduce_sum3A_133 : i32
    %add3A_181 = arith.addi %add3A_180, %reduce_sum3A_129 : i32
    %add3A_182 = arith.addi %add3A_181, %reduce_sum3A_125 : i32
    %add3A_183 = arith.addi %add3A_182, %reduce_sum3A_121 : i32
    %add3A_184 = arith.addi %add3A_183, %reduce_sum3A_117 : i32
    %add3A_185 = arith.addi %add3A_184, %reduce_sum3A_113 : i32
    %add3A_186 = arith.addi %add3A_185, %reduce_sum3A_109 : i32
    %rev3A = arith.constant 15 : i32
    %rev3A_187 = vector.broadcast %rev3A : i32 to vector<16xi32>
    %rev3A_188 = tpu.iota {dimensions = array<i32: 0>} : vector<16xi32>
    %rev3A_189 = arith.subi %rev3A_187, %rev3A_188 : vector<16xi32>
    %rev3A_190 = tpu.dynamic_gather %get3A_76[%rev3A_189] in [0] : vector<16xi32>, vector<16xi32> -> vector<16xi32>
    %broadcast_in_dim3A_191 = arith.constant true
    %broadcast_in_dim3A_192 = vector.broadcast %broadcast_in_dim3A_191 : i1 to vector<16xi1>
    %masked_cumsum3A = tpu.scan <sum>, %rev3A_190 masked %broadcast_in_dim3A_192 : vector<16xi32>, vector<16xi1> -> vector<16xi32>
    %add3A_193 = vector.broadcast %add3A_185 : i32 to vector<16xi32>
    %add3A_194 = arith.addi %masked_cumsum3A, %add3A_193 : vector<16xi32>
    %ge3A = arith.constant 26214 : i32
    %ge3A_195 = vector.broadcast %ge3A : i32 to vector<16xi32>
    %ge3A_196 = arith.cmpi sge, %add3A_194, %ge3A_195 : vector<16xi32>
    %select_n3A = arith.select %ge3A_196, %broadcast_in_dim3A_0, %broadcast_in_dim3A_2 : vector<16xi1>, vector<16xi32>
    %reduce_sum3A_197 = arith.constant true
    %reduce_sum3A_198 = vector.broadcast %reduce_sum3A_197 : i1 to vector<16xi1>
    %reduce_sum3A_199 = tpu.scan <sum>, %select_n3A masked %reduce_sum3A_198 : vector<16xi32>, vector<16xi1> -> vector<16xi32>
    %reduce_sum3A_200 = vector.extract %reduce_sum3A_199[15] : i32 from vector<16xi32>
    %add3A_201 = arith.constant 0 : i32
    %add3A_202 = arith.addi %add3A_201, %reduce_sum3A_200 : i32
    %rev3A_203 = arith.constant 15 : i32
    %rev3A_204 = vector.broadcast %rev3A_203 : i32 to vector<16xi32>
    %rev3A_205 = tpu.iota {dimensions = array<i32: 0>} : vector<16xi32>
    %rev3A_206 = arith.subi %rev3A_204, %rev3A_205 : vector<16xi32>
    %rev3A_207 = tpu.dynamic_gather %get3A_78[%rev3A_206] in [0] : vector<16xi32>, vector<16xi32> -> vector<16xi32>
    %broadcast_in_dim3A_208 = arith.constant true
    %broadcast_in_dim3A_209 = vector.broadcast %broadcast_in_dim3A_208 : i1 to vector<16xi1>
    %masked_cumsum3A_210 = tpu.scan <sum>, %rev3A_207 masked %broadcast_in_dim3A_209 : vector<16xi32>, vector<16xi1> -> vector<16xi32>
    %add3A_211 = vector.broadcast %add3A_184 : i32 to vector<16xi32>
    %add3A_212 = arith.addi %masked_cumsum3A_210, %add3A_211 : vector<16xi32>
    %ge3A_213 = arith.constant 26214 : i32
    %ge3A_214 = vector.broadcast %ge3A_213 : i32 to vector<16xi32>
    %ge3A_215 = arith.cmpi sge, %add3A_212, %ge3A_214 : vector<16xi32>
    %select_n3A_216 = arith.select %ge3A_215, %broadcast_in_dim3A_0, %broadcast_in_dim3A_2 : vector<16xi1>, vector<16xi32>
    %reduce_sum3A_217 = arith.constant true
    %reduce_sum3A_218 = vector.broadcast %reduce_sum3A_217 : i1 to vector<16xi1>
    %reduce_sum3A_219 = tpu.scan <sum>, %select_n3A_216 masked %reduce_sum3A_218 : vector<16xi32>, vector<16xi1> -> vector<16xi32>
    %reduce_sum3A_220 = vector.extract %reduce_sum3A_219[15] : i32 from vector<16xi32>
    %add3A_221 = arith.addi %add3A_202, %reduce_sum3A_220 : i32
    %rev3A_222 = arith.constant 15 : i32
    %rev3A_223 = vector.broadcast %rev3A_222 : i32 to vector<16xi32>
    %rev3A_224 = tpu.iota {dimensions = array<i32: 0>} : vector<16xi32>
    %rev3A_225 = arith.subi %rev3A_223, %rev3A_224 : vector<16xi32>
    %rev3A_226 = tpu.dynamic_gather %get3A_80[%rev3A_225] in [0] : vector<16xi32>, vector<16xi32> -> vector<16xi32>
    %broadcast_in_dim3A_227 = arith.constant true
    %broadcast_in_dim3A_228 = vector.broadcast %broadcast_in_dim3A_227 : i1 to vector<16xi1>
    %masked_cumsum3A_229 = tpu.scan <sum>, %rev3A_226 masked %broadcast_in_dim3A_228 : vector<16xi32>, vector<16xi1> -> vector<16xi32>
    %add3A_230 = vector.broadcast %add3A_183 : i32 to vector<16xi32>
    %add3A_231 = arith.addi %masked_cumsum3A_229, %add3A_230 : vector<16xi32>
    %ge3A_232 = arith.constant 26214 : i32
    %ge3A_233 = vector.broadcast %ge3A_232 : i32 to vector<16xi32>
    %ge3A_234 = arith.cmpi sge, %add3A_231, %ge3A_233 : vector<16xi32>
    %select_n3A_235 = arith.select %ge3A_234, %broadcast_in_dim3A_0, %broadcast_in_dim3A_2 : vector<16xi1>, vector<16xi32>
    %reduce_sum3A_236 = arith.constant true
    %reduce_sum3A_237 = vector.broadcast %reduce_sum3A_236 : i1 to vector<16xi1>
    %reduce_sum3A_238 = tpu.scan <sum>, %select_n3A_235 masked %reduce_sum3A_237 : vector<16xi32>, vector<16xi1> -> vector<16xi32>
    %reduce_sum3A_239 = vector.extract %reduce_sum3A_238[15] : i32 from vector<16xi32>
    %add3A_240 = arith.addi %add3A_221, %reduce_sum3A_239 : i32
    %rev3A_241 = arith.constant 15 : i32
    %rev3A_242 = vector.broadcast %rev3A_241 : i32 to vector<16xi32>
    %rev3A_243 = tpu.iota {dimensions = array<i32: 0>} : vector<16xi32>
    %rev3A_244 = arith.subi %rev3A_242, %rev3A_243 : vector<16xi32>
    %rev3A_245 = tpu.dynamic_gather %get3A_82[%rev3A_244] in [0] : vector<16xi32>, vector<16xi32> -> vector<16xi32>
    %broadcast_in_dim3A_246 = arith.constant true
    %broadcast_in_dim3A_247 = vector.broadcast %broadcast_in_dim3A_246 : i1 to vector<16xi1>
    %masked_cumsum3A_248 = tpu.scan <sum>, %rev3A_245 masked %broadcast_in_dim3A_247 : vector<16xi32>, vector<16xi1> -> vector<16xi32>
    %add3A_249 = vector.broadcast %add3A_182 : i32 to vector<16xi32>
    %add3A_250 = arith.addi %masked_cumsum3A_248, %add3A_249 : vector<16xi32>
    %ge3A_251 = arith.constant 26214 : i32
    %ge3A_252 = vector.broadcast %ge3A_251 : i32 to vector<16xi32>
    %ge3A_253 = arith.cmpi sge, %add3A_250, %ge3A_252 : vector<16xi32>
    %select_n3A_254 = arith.select %ge3A_253, %broadcast_in_dim3A_0, %broadcast_in_dim3A_2 : vector<16xi1>, vector<16xi32>
    %reduce_sum3A_255 = arith.constant true
    %reduce_sum3A_256 = vector.broadcast %reduce_sum3A_255 : i1 to vector<16xi1>
    %reduce_sum3A_257 = tpu.scan <sum>, %select_n3A_254 masked %reduce_sum3A_256 : vector<16xi32>, vector<16xi1> -> vector<16xi32>
    %reduce_sum3A_258 = vector.extract %reduce_sum3A_257[15] : i32 from vector<16xi32>
    %add3A_259 = arith.addi %add3A_240, %reduce_sum3A_258 : i32
    %rev3A_260 = arith.constant 15 : i32
    %rev3A_261 = vector.broadcast %rev3A_260 : i32 to vector<16xi32>
    %rev3A_262 = tpu.iota {dimensions = array<i32: 0>} : vector<16xi32>
    %rev3A_263 = arith.subi %rev3A_261, %rev3A_262 : vector<16xi32>
    %rev3A_264 = tpu.dynamic_gather %get3A_84[%rev3A_263] in [0] : vector<16xi32>, vector<16xi32> -> vector<16xi32>
    %broadcast_in_dim3A_265 = arith.constant true
    %broadcast_in_dim3A_266 = vector.broadcast %broadcast_in_dim3A_265 : i1 to vector<16xi1>
    %masked_cumsum3A_267 = tpu.scan <sum>, %rev3A_264 masked %broadcast_in_dim3A_266 : vector<16xi32>, vector<16xi1> -> vector<16xi32>
    %add3A_268 = vector.broadcast %add3A_181 : i32 to vector<16xi32>
    %add3A_269 = arith.addi %masked_cumsum3A_267, %add3A_268 : vector<16xi32>
    %ge3A_270 = arith.constant 26214 : i32
    %ge3A_271 = vector.broadcast %ge3A_270 : i32 to vector<16xi32>
    %ge3A_272 = arith.cmpi sge, %add3A_269, %ge3A_271 : vector<16xi32>
    %select_n3A_273 = arith.select %ge3A_272, %broadcast_in_dim3A_0, %broadcast_in_dim3A_2 : vector<16xi1>, vector<16xi32>
    %reduce_sum3A_274 = arith.constant true
    %reduce_sum3A_275 = vector.broadcast %reduce_sum3A_274 : i1 to vector<16xi1>
    %reduce_sum3A_276 = tpu.scan <sum>, %select_n3A_273 masked %reduce_sum3A_275 : vector<16xi32>, vector<16xi1> -> vector<16xi32>
    %reduce_sum3A_277 = vector.extract %reduce_sum3A_276[15] : i32 from vector<16xi32>
    %add3A_278 = arith.addi %add3A_259, %reduce_sum3A_277 : i32
    %rev3A_279 = arith.constant 15 : i32
    %rev3A_280 = vector.broadcast %rev3A_279 : i32 to vector<16xi32>
    %rev3A_281 = tpu.iota {dimensions = array<i32: 0>} : vector<16xi32>
    %rev3A_282 = arith.subi %rev3A_280, %rev3A_281 : vector<16xi32>
    %rev3A_283 = tpu.dynamic_gather %get3A_86[%rev3A_282] in [0] : vector<16xi32>, vector<16xi32> -> vector<16xi32>
    %broadcast_in_dim3A_284 = arith.constant true
    %broadcast_in_dim3A_285 = vector.broadcast %broadcast_in_dim3A_284 : i1 to vector<16xi1>
    %masked_cumsum3A_286 = tpu.scan <sum>, %rev3A_283 masked %broadcast_in_dim3A_285 : vector<16xi32>, vector<16xi1> -> vector<16xi32>
    %add3A_287 = vector.broadcast %add3A_180 : i32 to vector<16xi32>
    %add3A_288 = arith.addi %masked_cumsum3A_286, %add3A_287 : vector<16xi32>
    %ge3A_289 = arith.constant 26214 : i32
    %ge3A_290 = vector.broadcast %ge3A_289 : i32 to vector<16xi32>
    %ge3A_291 = arith.cmpi sge, %add3A_288, %ge3A_290 : vector<16xi32>
    %select_n3A_292 = arith.select %ge3A_291, %broadcast_in_dim3A_0, %broadcast_in_dim3A_2 : vector<16xi1>, vector<16xi32>
    %reduce_sum3A_293 = arith.constant true
    %reduce_sum3A_294 = vector.broadcast %reduce_sum3A_293 : i1 to vector<16xi1>
    %reduce_sum3A_295 = tpu.scan <sum>, %select_n3A_292 masked %reduce_sum3A_294 : vector<16xi32>, vector<16xi1> -> vector<16xi32>
    %reduce_sum3A_296 = vector.extract %reduce_sum3A_295[15] : i32 from vector<16xi32>
    %add3A_297 = arith.addi %add3A_278, %reduce_sum3A_296 : i32
    %rev3A_298 = arith.constant 15 : i32
    %rev3A_299 = vector.broadcast %rev3A_298 : i32 to vector<16xi32>
    %rev3A_300 = tpu.iota {dimensions = array<i32: 0>} : vector<16xi32>
    %rev3A_301 = arith.subi %rev3A_299, %rev3A_300 : vector<16xi32>
    %rev3A_302 = tpu.dynamic_gather %get3A_88[%rev3A_301] in [0] : vector<16xi32>, vector<16xi32> -> vector<16xi32>
    %broadcast_in_dim3A_303 = arith.constant true
    %broadcast_in_dim3A_304 = vector.broadcast %broadcast_in_dim3A_303 : i1 to vector<16xi1>
    %masked_cumsum3A_305 = tpu.scan <sum>, %rev3A_302 masked %broadcast_in_dim3A_304 : vector<16xi32>, vector<16xi1> -> vector<16xi32>
    %add3A_306 = vector.broadcast %add3A_179 : i32 to vector<16xi32>
    %add3A_307 = arith.addi %masked_cumsum3A_305, %add3A_306 : vector<16xi32>
    %ge3A_308 = arith.constant 26214 : i32
    %ge3A_309 = vector.broadcast %ge3A_308 : i32 to vector<16xi32>
    %ge3A_310 = arith.cmpi sge, %add3A_307, %ge3A_309 : vector<16xi32>
    %select_n3A_311 = arith.select %ge3A_310, %broadcast_in_dim3A_0, %broadcast_in_dim3A_2 : vector<16xi1>, vector<16xi32>
    %reduce_sum3A_312 = arith.constant true
    %reduce_sum3A_313 = vector.broadcast %reduce_sum3A_312 : i1 to vector<16xi1>
    %reduce_sum3A_314 = tpu.scan <sum>, %select_n3A_311 masked %reduce_sum3A_313 : vector<16xi32>, vector<16xi1> -> vector<16xi32>
    %reduce_sum3A_315 = vector.extract %reduce_sum3A_314[15] : i32 from vector<16xi32>
    %add3A_316 = arith.addi %add3A_297, %reduce_sum3A_315 : i32
    %rev3A_317 = arith.constant 15 : i32
    %rev3A_318 = vector.broadcast %rev3A_317 : i32 to vector<16xi32>
    %rev3A_319 = tpu.iota {dimensions = array<i32: 0>} : vector<16xi32>
    %rev3A_320 = arith.subi %rev3A_318, %rev3A_319 : vector<16xi32>
    %rev3A_321 = tpu.dynamic_gather %get3A_90[%rev3A_320] in [0] : vector<16xi32>, vector<16xi32> -> vector<16xi32>
    %broadcast_in_dim3A_322 = arith.constant true
    %broadcast_in_dim3A_323 = vector.broadcast %broadcast_in_dim3A_322 : i1 to vector<16xi1>
    %masked_cumsum3A_324 = tpu.scan <sum>, %rev3A_321 masked %broadcast_in_dim3A_323 : vector<16xi32>, vector<16xi1> -> vector<16xi32>
    %add3A_325 = vector.broadcast %add3A_178 : i32 to vector<16xi32>
    %add3A_326 = arith.addi %masked_cumsum3A_324, %add3A_325 : vector<16xi32>
    %ge3A_327 = arith.constant 26214 : i32
    %ge3A_328 = vector.broadcast %ge3A_327 : i32 to vector<16xi32>
    %ge3A_329 = arith.cmpi sge, %add3A_326, %ge3A_328 : vector<16xi32>
    %select_n3A_330 = arith.select %ge3A_329, %broadcast_in_dim3A_0, %broadcast_in_dim3A_2 : vector<16xi1>, vector<16xi32>
    %reduce_sum3A_331 = arith.constant true
    %reduce_sum3A_332 = vector.broadcast %reduce_sum3A_331 : i1 to vector<16xi1>
    %reduce_sum3A_333 = tpu.scan <sum>, %select_n3A_330 masked %reduce_sum3A_332 : vector<16xi32>, vector<16xi1> -> vector<16xi32>
    %reduce_sum3A_334 = vector.extract %reduce_sum3A_333[15] : i32 from vector<16xi32>
    %add3A_335 = arith.addi %add3A_316, %reduce_sum3A_334 : i32
    %rev3A_336 = arith.constant 15 : i32
    %rev3A_337 = vector.broadcast %rev3A_336 : i32 to vector<16xi32>
    %rev3A_338 = tpu.iota {dimensions = array<i32: 0>} : vector<16xi32>
    %rev3A_339 = arith.subi %rev3A_337, %rev3A_338 : vector<16xi32>
    %rev3A_340 = tpu.dynamic_gather %get3A_92[%rev3A_339] in [0] : vector<16xi32>, vector<16xi32> -> vector<16xi32>
    %broadcast_in_dim3A_341 = arith.constant true
    %broadcast_in_dim3A_342 = vector.broadcast %broadcast_in_dim3A_341 : i1 to vector<16xi1>
    %masked_cumsum3A_343 = tpu.scan <sum>, %rev3A_340 masked %broadcast_in_dim3A_342 : vector<16xi32>, vector<16xi1> -> vector<16xi32>
    %add3A_344 = vector.broadcast %add3A_177 : i32 to vector<16xi32>
    %add3A_345 = arith.addi %masked_cumsum3A_343, %add3A_344 : vector<16xi32>
    %ge3A_346 = arith.constant 26214 : i32
    %ge3A_347 = vector.broadcast %ge3A_346 : i32 to vector<16xi32>
    %ge3A_348 = arith.cmpi sge, %add3A_345, %ge3A_347 : vector<16xi32>
    %select_n3A_349 = arith.select %ge3A_348, %broadcast_in_dim3A_0, %broadcast_in_dim3A_2 : vector<16xi1>, vector<16xi32>
    %reduce_sum3A_350 = arith.constant true
    %reduce_sum3A_351 = vector.broadcast %reduce_sum3A_350 : i1 to vector<16xi1>
    %reduce_sum3A_352 = tpu.scan <sum>, %select_n3A_349 masked %reduce_sum3A_351 : vector<16xi32>, vector<16xi1> -> vector<16xi32>
    %reduce_sum3A_353 = vector.extract %reduce_sum3A_352[15] : i32 from vector<16xi32>
    %add3A_354 = arith.addi %add3A_335, %reduce_sum3A_353 : i32
    %rev3A_355 = arith.constant 15 : i32
    %rev3A_356 = vector.broadcast %rev3A_355 : i32 to vector<16xi32>
    %rev3A_357 = tpu.iota {dimensions = array<i32: 0>} : vector<16xi32>
    %rev3A_358 = arith.subi %rev3A_356, %rev3A_357 : vector<16xi32>
    %rev3A_359 = tpu.dynamic_gather %get3A_94[%rev3A_358] in [0] : vector<16xi32>, vector<16xi32> -> vector<16xi32>
    %broadcast_in_dim3A_360 = arith.constant true
    %broadcast_in_dim3A_361 = vector.broadcast %broadcast_in_dim3A_360 : i1 to vector<16xi1>
    %masked_cumsum3A_362 = tpu.scan <sum>, %rev3A_359 masked %broadcast_in_dim3A_361 : vector<16xi32>, vector<16xi1> -> vector<16xi32>
    %add3A_363 = vector.broadcast %add3A_176 : i32 to vector<16xi32>
    %add3A_364 = arith.addi %masked_cumsum3A_362, %add3A_363 : vector<16xi32>
    %ge3A_365 = arith.constant 26214 : i32
    %ge3A_366 = vector.broadcast %ge3A_365 : i32 to vector<16xi32>
    %ge3A_367 = arith.cmpi sge, %add3A_364, %ge3A_366 : vector<16xi32>
    %select_n3A_368 = arith.select %ge3A_367, %broadcast_in_dim3A_0, %broadcast_in_dim3A_2 : vector<16xi1>, vector<16xi32>
    %reduce_sum3A_369 = arith.constant true
    %reduce_sum3A_370 = vector.broadcast %reduce_sum3A_369 : i1 to vector<16xi1>
    %reduce_sum3A_371 = tpu.scan <sum>, %select_n3A_368 masked %reduce_sum3A_370 : vector<16xi32>, vector<16xi1> -> vector<16xi32>
    %reduce_sum3A_372 = vector.extract %reduce_sum3A_371[15] : i32 from vector<16xi32>
    %add3A_373 = arith.addi %add3A_354, %reduce_sum3A_372 : i32
    %rev3A_374 = arith.constant 15 : i32
    %rev3A_375 = vector.broadcast %rev3A_374 : i32 to vector<16xi32>
    %rev3A_376 = tpu.iota {dimensions = array<i32: 0>} : vector<16xi32>
    %rev3A_377 = arith.subi %rev3A_375, %rev3A_376 : vector<16xi32>
    %rev3A_378 = tpu.dynamic_gather %get3A_96[%rev3A_377] in [0] : vector<16xi32>, vector<16xi32> -> vector<16xi32>
    %broadcast_in_dim3A_379 = arith.constant true
    %broadcast_in_dim3A_380 = vector.broadcast %broadcast_in_dim3A_379 : i1 to vector<16xi1>
    %masked_cumsum3A_381 = tpu.scan <sum>, %rev3A_378 masked %broadcast_in_dim3A_380 : vector<16xi32>, vector<16xi1> -> vector<16xi32>
    %add3A_382 = vector.broadcast %add3A_175 : i32 to vector<16xi32>
    %add3A_383 = arith.addi %masked_cumsum3A_381, %add3A_382 : vector<16xi32>
    %ge3A_384 = arith.constant 26214 : i32
    %ge3A_385 = vector.broadcast %ge3A_384 : i32 to vector<16xi32>
    %ge3A_386 = arith.cmpi sge, %add3A_383, %ge3A_385 : vector<16xi32>
    %select_n3A_387 = arith.select %ge3A_386, %broadcast_in_dim3A_0, %broadcast_in_dim3A_2 : vector<16xi1>, vector<16xi32>
    %reduce_sum3A_388 = arith.constant true
    %reduce_sum3A_389 = vector.broadcast %reduce_sum3A_388 : i1 to vector<16xi1>
    %reduce_sum3A_390 = tpu.scan <sum>, %select_n3A_387 masked %reduce_sum3A_389 : vector<16xi32>, vector<16xi1> -> vector<16xi32>
    %reduce_sum3A_391 = vector.extract %reduce_sum3A_390[15] : i32 from vector<16xi32>
    %add3A_392 = arith.addi %add3A_373, %reduce_sum3A_391 : i32
    %rev3A_393 = arith.constant 15 : i32
    %rev3A_394 = vector.broadcast %rev3A_393 : i32 to vector<16xi32>
    %rev3A_395 = tpu.iota {dimensions = array<i32: 0>} : vector<16xi32>
    %rev3A_396 = arith.subi %rev3A_394, %rev3A_395 : vector<16xi32>
    %rev3A_397 = tpu.dynamic_gather %get3A_98[%rev3A_396] in [0] : vector<16xi32>, vector<16xi32> -> vector<16xi32>
    %broadcast_in_dim3A_398 = arith.constant true
    %broadcast_in_dim3A_399 = vector.broadcast %broadcast_in_dim3A_398 : i1 to vector<16xi1>
    %masked_cumsum3A_400 = tpu.scan <sum>, %rev3A_397 masked %broadcast_in_dim3A_399 : vector<16xi32>, vector<16xi1> -> vector<16xi32>
    %add3A_401 = vector.broadcast %add3A_174 : i32 to vector<16xi32>
    %add3A_402 = arith.addi %masked_cumsum3A_400, %add3A_401 : vector<16xi32>
    %ge3A_403 = arith.constant 26214 : i32
    %ge3A_404 = vector.broadcast %ge3A_403 : i32 to vector<16xi32>
    %ge3A_405 = arith.cmpi sge, %add3A_402, %ge3A_404 : vector<16xi32>
    %select_n3A_406 = arith.select %ge3A_405, %broadcast_in_dim3A_0, %broadcast_in_dim3A_2 : vector<16xi1>, vector<16xi32>
    %reduce_sum3A_407 = arith.constant true
    %reduce_sum3A_408 = vector.broadcast %reduce_sum3A_407 : i1 to vector<16xi1>
    %reduce_sum3A_409 = tpu.scan <sum>, %select_n3A_406 masked %reduce_sum3A_408 : vector<16xi32>, vector<16xi1> -> vector<16xi32>
    %reduce_sum3A_410 = vector.extract %reduce_sum3A_409[15] : i32 from vector<16xi32>
    %add3A_411 = arith.addi %add3A_392, %reduce_sum3A_410 : i32
    %rev3A_412 = arith.constant 15 : i32
    %rev3A_413 = vector.broadcast %rev3A_412 : i32 to vector<16xi32>
    %rev3A_414 = tpu.iota {dimensions = array<i32: 0>} : vector<16xi32>
    %rev3A_415 = arith.subi %rev3A_413, %rev3A_414 : vector<16xi32>
    %rev3A_416 = tpu.dynamic_gather %get3A_100[%rev3A_415] in [0] : vector<16xi32>, vector<16xi32> -> vector<16xi32>
    %broadcast_in_dim3A_417 = arith.constant true
    %broadcast_in_dim3A_418 = vector.broadcast %broadcast_in_dim3A_417 : i1 to vector<16xi1>
    %masked_cumsum3A_419 = tpu.scan <sum>, %rev3A_416 masked %broadcast_in_dim3A_418 : vector<16xi32>, vector<16xi1> -> vector<16xi32>
    %add3A_420 = vector.broadcast %add3A_173 : i32 to vector<16xi32>
    %add3A_421 = arith.addi %masked_cumsum3A_419, %add3A_420 : vector<16xi32>
    %ge3A_422 = arith.constant 26214 : i32
    %ge3A_423 = vector.broadcast %ge3A_422 : i32 to vector<16xi32>
    %ge3A_424 = arith.cmpi sge, %add3A_421, %ge3A_423 : vector<16xi32>
    %select_n3A_425 = arith.select %ge3A_424, %broadcast_in_dim3A_0, %broadcast_in_dim3A_2 : vector<16xi1>, vector<16xi32>
    %reduce_sum3A_426 = arith.constant true
    %reduce_sum3A_427 = vector.broadcast %reduce_sum3A_426 : i1 to vector<16xi1>
    %reduce_sum3A_428 = tpu.scan <sum>, %select_n3A_425 masked %reduce_sum3A_427 : vector<16xi32>, vector<16xi1> -> vector<16xi32>
    %reduce_sum3A_429 = vector.extract %reduce_sum3A_428[15] : i32 from vector<16xi32>
    %add3A_430 = arith.addi %add3A_411, %reduce_sum3A_429 : i32
    %rev3A_431 = arith.constant 15 : i32
    %rev3A_432 = vector.broadcast %rev3A_431 : i32 to vector<16xi32>
    %rev3A_433 = tpu.iota {dimensions = array<i32: 0>} : vector<16xi32>
    %rev3A_434 = arith.subi %rev3A_432, %rev3A_433 : vector<16xi32>
    %rev3A_435 = tpu.dynamic_gather %get3A_102[%rev3A_434] in [0] : vector<16xi32>, vector<16xi32> -> vector<16xi32>
    %broadcast_in_dim3A_436 = arith.constant true
    %broadcast_in_dim3A_437 = vector.broadcast %broadcast_in_dim3A_436 : i1 to vector<16xi1>
    %masked_cumsum3A_438 = tpu.scan <sum>, %rev3A_435 masked %broadcast_in_dim3A_437 : vector<16xi32>, vector<16xi1> -> vector<16xi32>
    %add3A_439 = vector.broadcast %add3A_172 : i32 to vector<16xi32>
    %add3A_440 = arith.addi %masked_cumsum3A_438, %add3A_439 : vector<16xi32>
    %ge3A_441 = arith.constant 26214 : i32
    %ge3A_442 = vector.broadcast %ge3A_441 : i32 to vector<16xi32>
    %ge3A_443 = arith.cmpi sge, %add3A_440, %ge3A_442 : vector<16xi32>
    %select_n3A_444 = arith.select %ge3A_443, %broadcast_in_dim3A_0, %broadcast_in_dim3A_2 : vector<16xi1>, vector<16xi32>
    %reduce_sum3A_445 = arith.constant true
    %reduce_sum3A_446 = vector.broadcast %reduce_sum3A_445 : i1 to vector<16xi1>
    %reduce_sum3A_447 = tpu.scan <sum>, %select_n3A_444 masked %reduce_sum3A_446 : vector<16xi32>, vector<16xi1> -> vector<16xi32>
    %reduce_sum3A_448 = vector.extract %reduce_sum3A_447[15] : i32 from vector<16xi32>
    %add3A_449 = arith.addi %add3A_430, %reduce_sum3A_448 : i32
    %rev3A_450 = arith.constant 15 : i32
    %rev3A_451 = vector.broadcast %rev3A_450 : i32 to vector<16xi32>
    %rev3A_452 = tpu.iota {dimensions = array<i32: 0>} : vector<16xi32>
    %rev3A_453 = arith.subi %rev3A_451, %rev3A_452 : vector<16xi32>
    %rev3A_454 = tpu.dynamic_gather %get3A_104[%rev3A_453] in [0] : vector<16xi32>, vector<16xi32> -> vector<16xi32>
    %broadcast_in_dim3A_455 = arith.constant true
    %broadcast_in_dim3A_456 = vector.broadcast %broadcast_in_dim3A_455 : i1 to vector<16xi1>
    %masked_cumsum3A_457 = tpu.scan <sum>, %rev3A_454 masked %broadcast_in_dim3A_456 : vector<16xi32>, vector<16xi1> -> vector<16xi32>
    %add3A_458 = vector.broadcast %add3A_171 : i32 to vector<16xi32>
    %add3A_459 = arith.addi %masked_cumsum3A_457, %add3A_458 : vector<16xi32>
    %ge3A_460 = arith.constant 26214 : i32
    %ge3A_461 = vector.broadcast %ge3A_460 : i32 to vector<16xi32>
    %ge3A_462 = arith.cmpi sge, %add3A_459, %ge3A_461 : vector<16xi32>
    %select_n3A_463 = arith.select %ge3A_462, %broadcast_in_dim3A_0, %broadcast_in_dim3A_2 : vector<16xi1>, vector<16xi32>
    %reduce_sum3A_464 = arith.constant true
    %reduce_sum3A_465 = vector.broadcast %reduce_sum3A_464 : i1 to vector<16xi1>
    %reduce_sum3A_466 = tpu.scan <sum>, %select_n3A_463 masked %reduce_sum3A_465 : vector<16xi32>, vector<16xi1> -> vector<16xi32>
    %reduce_sum3A_467 = vector.extract %reduce_sum3A_466[15] : i32 from vector<16xi32>
    %add3A_468 = arith.addi %add3A_449, %reduce_sum3A_467 : i32
    %rev3A_469 = arith.constant 15 : i32
    %rev3A_470 = vector.broadcast %rev3A_469 : i32 to vector<16xi32>
    %rev3A_471 = tpu.iota {dimensions = array<i32: 0>} : vector<16xi32>
    %rev3A_472 = arith.subi %rev3A_470, %rev3A_471 : vector<16xi32>
    %rev3A_473 = tpu.dynamic_gather %get3A_106[%rev3A_472] in [0] : vector<16xi32>, vector<16xi32> -> vector<16xi32>
    %broadcast_in_dim3A_474 = arith.constant true
    %broadcast_in_dim3A_475 = vector.broadcast %broadcast_in_dim3A_474 : i1 to vector<16xi1>
    %masked_cumsum3A_476 = tpu.scan <sum>, %rev3A_473 masked %broadcast_in_dim3A_475 : vector<16xi32>, vector<16xi1> -> vector<16xi32>
    %add3A_477 = arith.constant 0 : i32
    %add3A_478 = vector.broadcast %add3A_477 : i32 to vector<16xi32>
    %add3A_479 = arith.addi %masked_cumsum3A_476, %add3A_478 : vector<16xi32>
    %ge3A_480 = arith.constant 26214 : i32
    %ge3A_481 = vector.broadcast %ge3A_480 : i32 to vector<16xi32>
    %ge3A_482 = arith.cmpi sge, %add3A_479, %ge3A_481 : vector<16xi32>
    %select_n3A_483 = arith.select %ge3A_482, %broadcast_in_dim3A_0, %broadcast_in_dim3A_2 : vector<16xi1>, vector<16xi32>
    %reduce_sum3A_484 = arith.constant true
    %reduce_sum3A_485 = vector.broadcast %reduce_sum3A_484 : i1 to vector<16xi1>
    %reduce_sum3A_486 = tpu.scan <sum>, %select_n3A_483 masked %reduce_sum3A_485 : vector<16xi32>, vector<16xi1> -> vector<16xi32>
    %reduce_sum3A_487 = vector.extract %reduce_sum3A_486[15] : i32 from vector<16xi32>
    %add3A_488 = arith.addi %add3A_468, %reduce_sum3A_487 : i32
    %sub3A = arith.constant 1 : i32
    %sub3A_489 = arith.subi %add3A_488, %sub3A : i32
    %add3A_490 = arith.constant 0 : i32
    %add3A_491 = vector.broadcast %add3A_490 : i32 to vector<16xi32>
    %add3A_492 = arith.addi %add3A_491, %iota3A : vector<16xi32>
    %gt3A = vector.broadcast %sub3A_489 : i32 to vector<16xi32>
    %gt3A_493 = arith.cmpi sgt, %add3A_492, %gt3A : vector<16xi32>
    %select_n3A_494 = arith.select %gt3A_493, %get3A_76, %broadcast_in_dim3A_2 : vector<16xi1>, vector<16xi32>
    %reduce_sum3A_495 = arith.constant true
    %reduce_sum3A_496 = vector.broadcast %reduce_sum3A_495 : i1 to vector<16xi1>
    %reduce_sum3A_497 = tpu.scan <sum>, %select_n3A_494 masked %reduce_sum3A_496 : vector<16xi32>, vector<16xi1> -> vector<16xi32>
    %reduce_sum3A_498 = vector.extract %reduce_sum3A_497[15] : i32 from vector<16xi32>
    %add3A_499 = arith.constant 0 : i32
    %add3A_500 = arith.addi %add3A_499, %reduce_sum3A_498 : i32
    %add3A_501 = arith.constant 16 : i32
    %add3A_502 = vector.broadcast %add3A_501 : i32 to vector<16xi32>
    %add3A_503 = arith.addi %add3A_502, %iota3A : vector<16xi32>
    %gt3A_504 = vector.broadcast %sub3A_489 : i32 to vector<16xi32>
    %gt3A_505 = arith.cmpi sgt, %add3A_503, %gt3A_504 : vector<16xi32>
    %select_n3A_506 = arith.select %gt3A_505, %get3A_78, %broadcast_in_dim3A_2 : vector<16xi1>, vector<16xi32>
    %reduce_sum3A_507 = arith.constant true
    %reduce_sum3A_508 = vector.broadcast %reduce_sum3A_507 : i1 to vector<16xi1>
    %reduce_sum3A_509 = tpu.scan <sum>, %select_n3A_506 masked %reduce_sum3A_508 : vector<16xi32>, vector<16xi1> -> vector<16xi32>
    %reduce_sum3A_510 = vector.extract %reduce_sum3A_509[15] : i32 from vector<16xi32>
    %add3A_511 = arith.addi %add3A_500, %reduce_sum3A_510 : i32
    %add3A_512 = arith.constant 32 : i32
    %add3A_513 = vector.broadcast %add3A_512 : i32 to vector<16xi32>
    %add3A_514 = arith.addi %add3A_513, %iota3A : vector<16xi32>
    %gt3A_515 = vector.broadcast %sub3A_489 : i32 to vector<16xi32>
    %gt3A_516 = arith.cmpi sgt, %add3A_514, %gt3A_515 : vector<16xi32>
    %select_n3A_517 = arith.select %gt3A_516, %get3A_80, %broadcast_in_dim3A_2 : vector<16xi1>, vector<16xi32>
    %reduce_sum3A_518 = arith.constant true
    %reduce_sum3A_519 = vector.broadcast %reduce_sum3A_518 : i1 to vector<16xi1>
    %reduce_sum3A_520 = tpu.scan <sum>, %select_n3A_517 masked %reduce_sum3A_519 : vector<16xi32>, vector<16xi1> -> vector<16xi32>
    %reduce_sum3A_521 = vector.extract %reduce_sum3A_520[15] : i32 from vector<16xi32>
    %add3A_522 = arith.addi %add3A_511, %reduce_sum3A_521 : i32
    %add3A_523 = arith.constant 48 : i32
    %add3A_524 = vector.broadcast %add3A_523 : i32 to vector<16xi32>
    %add3A_525 = arith.addi %add3A_524, %iota3A : vector<16xi32>
    %gt3A_526 = vector.broadcast %sub3A_489 : i32 to vector<16xi32>
    %gt3A_527 = arith.cmpi sgt, %add3A_525, %gt3A_526 : vector<16xi32>
    %select_n3A_528 = arith.select %gt3A_527, %get3A_82, %broadcast_in_dim3A_2 : vector<16xi1>, vector<16xi32>
    %reduce_sum3A_529 = arith.constant true
    %reduce_sum3A_530 = vector.broadcast %reduce_sum3A_529 : i1 to vector<16xi1>
    %reduce_sum3A_531 = tpu.scan <sum>, %select_n3A_528 masked %reduce_sum3A_530 : vector<16xi32>, vector<16xi1> -> vector<16xi32>
    %reduce_sum3A_532 = vector.extract %reduce_sum3A_531[15] : i32 from vector<16xi32>
    %add3A_533 = arith.addi %add3A_522, %reduce_sum3A_532 : i32
    %add3A_534 = arith.constant 64 : i32
    %add3A_535 = vector.broadcast %add3A_534 : i32 to vector<16xi32>
    %add3A_536 = arith.addi %add3A_535, %iota3A : vector<16xi32>
    %gt3A_537 = vector.broadcast %sub3A_489 : i32 to vector<16xi32>
    %gt3A_538 = arith.cmpi sgt, %add3A_536, %gt3A_537 : vector<16xi32>
    %select_n3A_539 = arith.select %gt3A_538, %get3A_84, %broadcast_in_dim3A_2 : vector<16xi1>, vector<16xi32>
    %reduce_sum3A_540 = arith.constant true
    %reduce_sum3A_541 = vector.broadcast %reduce_sum3A_540 : i1 to vector<16xi1>
    %reduce_sum3A_542 = tpu.scan <sum>, %select_n3A_539 masked %reduce_sum3A_541 : vector<16xi32>, vector<16xi1> -> vector<16xi32>
    %reduce_sum3A_543 = vector.extract %reduce_sum3A_542[15] : i32 from vector<16xi32>
    %add3A_544 = arith.addi %add3A_533, %reduce_sum3A_543 : i32
    %add3A_545 = arith.constant 80 : i32
    %add3A_546 = vector.broadcast %add3A_545 : i32 to vector<16xi32>
    %add3A_547 = arith.addi %add3A_546, %iota3A : vector<16xi32>
    %gt3A_548 = vector.broadcast %sub3A_489 : i32 to vector<16xi32>
    %gt3A_549 = arith.cmpi sgt, %add3A_547, %gt3A_548 : vector<16xi32>
    %select_n3A_550 = arith.select %gt3A_549, %get3A_86, %broadcast_in_dim3A_2 : vector<16xi1>, vector<16xi32>
    %reduce_sum3A_551 = arith.constant true
    %reduce_sum3A_552 = vector.broadcast %reduce_sum3A_551 : i1 to vector<16xi1>
    %reduce_sum3A_553 = tpu.scan <sum>, %select_n3A_550 masked %reduce_sum3A_552 : vector<16xi32>, vector<16xi1> -> vector<16xi32>
    %reduce_sum3A_554 = vector.extract %reduce_sum3A_553[15] : i32 from vector<16xi32>
    %add3A_555 = arith.addi %add3A_544, %reduce_sum3A_554 : i32
    %add3A_556 = arith.constant 96 : i32
    %add3A_557 = vector.broadcast %add3A_556 : i32 to vector<16xi32>
    %add3A_558 = arith.addi %add3A_557, %iota3A : vector<16xi32>
    %gt3A_559 = vector.broadcast %sub3A_489 : i32 to vector<16xi32>
    %gt3A_560 = arith.cmpi sgt, %add3A_558, %gt3A_559 : vector<16xi32>
    %select_n3A_561 = arith.select %gt3A_560, %get3A_88, %broadcast_in_dim3A_2 : vector<16xi1>, vector<16xi32>
    %reduce_sum3A_562 = arith.constant true
    %reduce_sum3A_563 = vector.broadcast %reduce_sum3A_562 : i1 to vector<16xi1>
    %reduce_sum3A_564 = tpu.scan <sum>, %select_n3A_561 masked %reduce_sum3A_563 : vector<16xi32>, vector<16xi1> -> vector<16xi32>
    %reduce_sum3A_565 = vector.extract %reduce_sum3A_564[15] : i32 from vector<16xi32>
    %add3A_566 = arith.addi %add3A_555, %reduce_sum3A_565 : i32
    %add3A_567 = arith.constant 112 : i32
    %add3A_568 = vector.broadcast %add3A_567 : i32 to vector<16xi32>
    %add3A_569 = arith.addi %add3A_568, %iota3A : vector<16xi32>
    %gt3A_570 = vector.broadcast %sub3A_489 : i32 to vector<16xi32>
    %gt3A_571 = arith.cmpi sgt, %add3A_569, %gt3A_570 : vector<16xi32>
    %select_n3A_572 = arith.select %gt3A_571, %get3A_90, %broadcast_in_dim3A_2 : vector<16xi1>, vector<16xi32>
    %reduce_sum3A_573 = arith.constant true
    %reduce_sum3A_574 = vector.broadcast %reduce_sum3A_573 : i1 to vector<16xi1>
    %reduce_sum3A_575 = tpu.scan <sum>, %select_n3A_572 masked %reduce_sum3A_574 : vector<16xi32>, vector<16xi1> -> vector<16xi32>
    %reduce_sum3A_576 = vector.extract %reduce_sum3A_575[15] : i32 from vector<16xi32>
    %add3A_577 = arith.addi %add3A_566, %reduce_sum3A_576 : i32
    %add3A_578 = arith.constant 128 : i32
    %add3A_579 = vector.broadcast %add3A_578 : i32 to vector<16xi32>
    %add3A_580 = arith.addi %add3A_579, %iota3A : vector<16xi32>
    %gt3A_581 = vector.broadcast %sub3A_489 : i32 to vector<16xi32>
    %gt3A_582 = arith.cmpi sgt, %add3A_580, %gt3A_581 : vector<16xi32>
    %select_n3A_583 = arith.select %gt3A_582, %get3A_92, %broadcast_in_dim3A_2 : vector<16xi1>, vector<16xi32>
    %reduce_sum3A_584 = arith.constant true
    %reduce_sum3A_585 = vector.broadcast %reduce_sum3A_584 : i1 to vector<16xi1>
    %reduce_sum3A_586 = tpu.scan <sum>, %select_n3A_583 masked %reduce_sum3A_585 : vector<16xi32>, vector<16xi1> -> vector<16xi32>
    %reduce_sum3A_587 = vector.extract %reduce_sum3A_586[15] : i32 from vector<16xi32>
    %add3A_588 = arith.addi %add3A_577, %reduce_sum3A_587 : i32
    %add3A_589 = arith.constant 144 : i32
    %add3A_590 = vector.broadcast %add3A_589 : i32 to vector<16xi32>
    %add3A_591 = arith.addi %add3A_590, %iota3A : vector<16xi32>
    %gt3A_592 = vector.broadcast %sub3A_489 : i32 to vector<16xi32>
    %gt3A_593 = arith.cmpi sgt, %add3A_591, %gt3A_592 : vector<16xi32>
    %select_n3A_594 = arith.select %gt3A_593, %get3A_94, %broadcast_in_dim3A_2 : vector<16xi1>, vector<16xi32>
    %reduce_sum3A_595 = arith.constant true
    %reduce_sum3A_596 = vector.broadcast %reduce_sum3A_595 : i1 to vector<16xi1>
    %reduce_sum3A_597 = tpu.scan <sum>, %select_n3A_594 masked %reduce_sum3A_596 : vector<16xi32>, vector<16xi1> -> vector<16xi32>
    %reduce_sum3A_598 = vector.extract %reduce_sum3A_597[15] : i32 from vector<16xi32>
    %add3A_599 = arith.addi %add3A_588, %reduce_sum3A_598 : i32
    %add3A_600 = arith.constant 160 : i32
    %add3A_601 = vector.broadcast %add3A_600 : i32 to vector<16xi32>
    %add3A_602 = arith.addi %add3A_601, %iota3A : vector<16xi32>
    %gt3A_603 = vector.broadcast %sub3A_489 : i32 to vector<16xi32>
    %gt3A_604 = arith.cmpi sgt, %add3A_602, %gt3A_603 : vector<16xi32>
    %select_n3A_605 = arith.select %gt3A_604, %get3A_96, %broadcast_in_dim3A_2 : vector<16xi1>, vector<16xi32>
    %reduce_sum3A_606 = arith.constant true
    %reduce_sum3A_607 = vector.broadcast %reduce_sum3A_606 : i1 to vector<16xi1>
    %reduce_sum3A_608 = tpu.scan <sum>, %select_n3A_605 masked %reduce_sum3A_607 : vector<16xi32>, vector<16xi1> -> vector<16xi32>
    %reduce_sum3A_609 = vector.extract %reduce_sum3A_608[15] : i32 from vector<16xi32>
    %add3A_610 = arith.addi %add3A_599, %reduce_sum3A_609 : i32
    %add3A_611 = arith.constant 176 : i32
    %add3A_612 = vector.broadcast %add3A_611 : i32 to vector<16xi32>
    %add3A_613 = arith.addi %add3A_612, %iota3A : vector<16xi32>
    %gt3A_614 = vector.broadcast %sub3A_489 : i32 to vector<16xi32>
    %gt3A_615 = arith.cmpi sgt, %add3A_613, %gt3A_614 : vector<16xi32>
    %select_n3A_616 = arith.select %gt3A_615, %get3A_98, %broadcast_in_dim3A_2 : vector<16xi1>, vector<16xi32>
    %reduce_sum3A_617 = arith.constant true
    %reduce_sum3A_618 = vector.broadcast %reduce_sum3A_617 : i1 to vector<16xi1>
    %reduce_sum3A_619 = tpu.scan <sum>, %select_n3A_616 masked %reduce_sum3A_618 : vector<16xi32>, vector<16xi1> -> vector<16xi32>
    %reduce_sum3A_620 = vector.extract %reduce_sum3A_619[15] : i32 from vector<16xi32>
    %add3A_621 = arith.addi %add3A_610, %reduce_sum3A_620 : i32
    %add3A_622 = arith.constant 192 : i32
    %add3A_623 = vector.broadcast %add3A_622 : i32 to vector<16xi32>
    %add3A_624 = arith.addi %add3A_623, %iota3A : vector<16xi32>
    %gt3A_625 = vector.broadcast %sub3A_489 : i32 to vector<16xi32>
    %gt3A_626 = arith.cmpi sgt, %add3A_624, %gt3A_625 : vector<16xi32>
    %select_n3A_627 = arith.select %gt3A_626, %get3A_100, %broadcast_in_dim3A_2 : vector<16xi1>, vector<16xi32>
    %reduce_sum3A_628 = arith.constant true
    %reduce_sum3A_629 = vector.broadcast %reduce_sum3A_628 : i1 to vector<16xi1>
    %reduce_sum3A_630 = tpu.scan <sum>, %select_n3A_627 masked %reduce_sum3A_629 : vector<16xi32>, vector<16xi1> -> vector<16xi32>
    %reduce_sum3A_631 = vector.extract %reduce_sum3A_630[15] : i32 from vector<16xi32>
    %add3A_632 = arith.addi %add3A_621, %reduce_sum3A_631 : i32
    %add3A_633 = arith.constant 208 : i32
    %add3A_634 = vector.broadcast %add3A_633 : i32 to vector<16xi32>
    %add3A_635 = arith.addi %add3A_634, %iota3A : vector<16xi32>
    %gt3A_636 = vector.broadcast %sub3A_489 : i32 to vector<16xi32>
    %gt3A_637 = arith.cmpi sgt, %add3A_635, %gt3A_636 : vector<16xi32>
    %select_n3A_638 = arith.select %gt3A_637, %get3A_102, %broadcast_in_dim3A_2 : vector<16xi1>, vector<16xi32>
    %reduce_sum3A_639 = arith.constant true
    %reduce_sum3A_640 = vector.broadcast %reduce_sum3A_639 : i1 to vector<16xi1>
    %reduce_sum3A_641 = tpu.scan <sum>, %select_n3A_638 masked %reduce_sum3A_640 : vector<16xi32>, vector<16xi1> -> vector<16xi32>
    %reduce_sum3A_642 = vector.extract %reduce_sum3A_641[15] : i32 from vector<16xi32>
    %add3A_643 = arith.addi %add3A_632, %reduce_sum3A_642 : i32
    %add3A_644 = arith.constant 224 : i32
    %add3A_645 = vector.broadcast %add3A_644 : i32 to vector<16xi32>
    %add3A_646 = arith.addi %add3A_645, %iota3A : vector<16xi32>
    %gt3A_647 = vector.broadcast %sub3A_489 : i32 to vector<16xi32>
    %gt3A_648 = arith.cmpi sgt, %add3A_646, %gt3A_647 : vector<16xi32>
    %select_n3A_649 = arith.select %gt3A_648, %get3A_104, %broadcast_in_dim3A_2 : vector<16xi1>, vector<16xi32>
    %reduce_sum3A_650 = arith.constant true
    %reduce_sum3A_651 = vector.broadcast %reduce_sum3A_650 : i1 to vector<16xi1>
    %reduce_sum3A_652 = tpu.scan <sum>, %select_n3A_649 masked %reduce_sum3A_651 : vector<16xi32>, vector<16xi1> -> vector<16xi32>
    %reduce_sum3A_653 = vector.extract %reduce_sum3A_652[15] : i32 from vector<16xi32>
    %add3A_654 = arith.addi %add3A_643, %reduce_sum3A_653 : i32
    %add3A_655 = arith.constant 240 : i32
    %add3A_656 = vector.broadcast %add3A_655 : i32 to vector<16xi32>
    %add3A_657 = arith.addi %add3A_656, %iota3A : vector<16xi32>
    %gt3A_658 = vector.broadcast %sub3A_489 : i32 to vector<16xi32>
    %gt3A_659 = arith.cmpi sgt, %add3A_657, %gt3A_658 : vector<16xi32>
    %select_n3A_660 = arith.select %gt3A_659, %get3A_106, %broadcast_in_dim3A_2 : vector<16xi1>, vector<16xi32>
    %reduce_sum3A_661 = arith.constant true
    %reduce_sum3A_662 = vector.broadcast %reduce_sum3A_661 : i1 to vector<16xi1>
    %reduce_sum3A_663 = tpu.scan <sum>, %select_n3A_660 masked %reduce_sum3A_662 : vector<16xi32>, vector<16xi1> -> vector<16xi32>
    %reduce_sum3A_664 = vector.extract %reduce_sum3A_663[15] : i32 from vector<16xi32>
    %add3A_665 = arith.addi %add3A_654, %reduce_sum3A_664 : i32
    %sub3A_666 = arith.constant 26214 : i32
    %sub3A_667 = arith.subi %sub3A_666, %add3A_665 : i32
    %shift_left3A = arith.constant 0 : i32
    %shift_left3A_668 = arith.constant 8 : i32
    %shift_left3A_669 = arith.shli %shift_left3A, %shift_left3A_668 : i32
    %or3A = arith.ori %shift_left3A_669, %sub3A_489 : i32
    %scan3A_670 = arith.constant 0 : i32
    %scan3A_671 = arith.constant 0 : i32
    %scan3A_672 = arith.constant 256 : i32
    %scan3A_673 = arith.addi %scan3A_671, %scan3A_672 : i32
    %scan3A_674 = arith.constant 1 : i32
    %scan3A_675 = scf.for %scan3A_2632 = %scan3A_671 to %scan3A_673 step %scan3A_674 iter_args(%scan3A_2633 = %scan3A_670) -> (i32)  : i32 {
      %mul3A_2634 = arith.constant 16 : i32
      %mul3A_2635 = arith.muli %scan3A_2632, %mul3A_2634 : i32
      %swap3A_2636 = arith.index_cast %mul3A_2635 : i32 to index
      %swap3A_2637 = tpu.vector_load %arg6[%swap3A_2636] {strides = array<i32>} : memref<4096xi32, #tpu.memory_space<vmem>>, vector<16xi32>,
      tpu.vector_store %arg6[%swap3A_2636], %broadcast_in_dim3A_2 {strides = array<i32>} : memref<4096xi32, #tpu.memory_space<vmem>>, vector<16xi32>,
      %scan3A_2638 = arith.constant 0 : i32
      scf.yield %scan3A_2638 : i32
    }
    %scan3A_676 = arith.constant 256 : i32
    %broadcast_in_dim3A_677 = vector.broadcast %or3A : i32 to vector<16xi32>
    %scan3A_678 = arith.constant 0 : i32
    %scan3A_679 = arith.constant 0 : i32
    %scan3A_680 = arith.constant 1024 : i32
    %scan3A_681 = arith.addi %scan3A_679, %scan3A_680 : i32
    %scan3A_682 = arith.constant 1 : i32
    %scan3A_683 = scf.for %scan3A_2632 = %scan3A_679 to %scan3A_681 step %scan3A_682 iter_args(%scan3A_2633 = %scan3A_678) -> (i32)  : i32 {
      %mul3A_2634 = arith.constant 16 : i32
      %mul3A_2635 = arith.muli %scan3A_2632, %mul3A_2634 : i32
      %get3A_2636 = arith.index_cast %mul3A_2635 : i32 to index
      %get3A_2637 = tpu.vector_load %arg5[%get3A_2636] {strides = array<i32>} : memref<16384xi32, #tpu.memory_space<vmem>>, vector<16xi32>,
      %shift_right_logical3A = arith.constant 16 : i32
      %shift_right_logical3A_2638 = vector.broadcast %shift_right_logical3A : i32 to vector<16xi32>
      %shift_right_logical3A_2639 = arith.shrui %get3A_2637, %shift_right_logical3A_2638 : vector<16xi32>
      %and3A = arith.constant 255 : i32
      %and3A_2640 = vector.broadcast %and3A : i32 to vector<16xi32>
      %and3A_2641 = arith.andi %shift_right_logical3A_2639, %and3A_2640 : vector<16xi32>
      %mul3A_2642 = arith.constant 16 : i32
      %mul3A_2643 = vector.broadcast %mul3A_2642 : i32 to vector<16xi32>
      %mul3A_2644 = arith.muli %and3A_2641, %mul3A_2643 : vector<16xi32>
      %add3A_2645 = arith.addi %mul3A_2644, %iota3A : vector<16xi32>
      %shift_right_logical3A_2646 = arith.constant 24 : i32
      %shift_right_logical3A_2647 = vector.broadcast %shift_right_logical3A_2646 : i32 to vector<16xi32>
      %shift_right_logical3A_2648 = arith.shrui %get3A_2637, %shift_right_logical3A_2647 : vector<16xi32>
      %eq3A = arith.cmpi eq, %shift_right_logical3A_2648, %broadcast_in_dim3A_677 : vector<16xi32>
      tpu.vector_store_idx %arg6[%add3A_2645], %broadcast_in_dim3A_0 masked %eq3A {add = true} : memref<4096xi32, #tpu.memory_space<vmem>>[vector<16xi32>], vector<16xi32>, vector<16xi1>
      %scan3A_2649 = arith.constant 0 : i32
      scf.yield %scan3A_2649 : i32
    }
    %scan3A_684 = arith.constant 1024 : i32
    %scan3A_685 = arith.constant 0 : i32
    %scan3A_686 = arith.constant 0 : i32
    %scan3A_687 = arith.constant 16 : i32
    %scan3A_688 = arith.addi %scan3A_686, %scan3A_687 : i32
    %scan3A_689 = arith.constant 1 : i32
    %scan3A_690 = scf.for %scan3A_2632 = %scan3A_686 to %scan3A_688 step %scan3A_689 iter_args(%scan3A_2633 = %scan3A_685) -> (i32)  : i32 {
      %mul3A_2634 = arith.constant 16 : i32
      %mul3A_2635 = arith.muli %scan3A_2632, %mul3A_2634 : i32
      %add3A_2636 = vector.broadcast %mul3A_2635 : i32 to vector<16xi32>
      %add3A_2637 = arith.addi %add3A_2636, %iota3A : vector<16xi32>
      %mul3A_2638 = arith.constant 16 : i32
      %mul3A_2639 = vector.broadcast %mul3A_2638 : i32 to vector<16xi32>
      %mul3A_2640 = arith.muli %add3A_2637, %mul3A_2639 : vector<16xi32>
      %add3A_2641 = arith.constant 0 : i32
      %add3A_2642 = vector.broadcast %add3A_2641 : i32 to vector<16xi32>
      %add3A_2643 = arith.addi %mul3A_2640, %add3A_2642 : vector<16xi32>
      %gather3A = tpu.vector_load_idx %arg6[%add3A_2643] : memref<4096xi32, #tpu.memory_space<vmem>>[vector<16xi32>], vector<16xi32>,
      %add3A_2644 = arith.addi %broadcast_in_dim3A_2, %gather3A : vector<16xi32>
      %add3A_2645 = arith.constant 1 : i32
      %add3A_2646 = vector.broadcast %add3A_2645 : i32 to vector<16xi32>
      %add3A_2647 = arith.addi %mul3A_2640, %add3A_2646 : vector<16xi32>
      %gather3A_2648 = tpu.vector_load_idx %arg6[%add3A_2647] : memref<4096xi32, #tpu.memory_space<vmem>>[vector<16xi32>], vector<16xi32>,
      %add3A_2649 = arith.addi %add3A_2644, %gather3A_2648 : vector<16xi32>
      %add3A_2650 = arith.constant 2 : i32
      %add3A_2651 = vector.broadcast %add3A_2650 : i32 to vector<16xi32>
      %add3A_2652 = arith.addi %mul3A_2640, %add3A_2651 : vector<16xi32>
      %gather3A_2653 = tpu.vector_load_idx %arg6[%add3A_2652] : memref<4096xi32, #tpu.memory_space<vmem>>[vector<16xi32>], vector<16xi32>,
      %add3A_2654 = arith.addi %add3A_2649, %gather3A_2653 : vector<16xi32>
      %add3A_2655 = arith.constant 3 : i32
      %add3A_2656 = vector.broadcast %add3A_2655 : i32 to vector<16xi32>
      %add3A_2657 = arith.addi %mul3A_2640, %add3A_2656 : vector<16xi32>
      %gather3A_2658 = tpu.vector_load_idx %arg6[%add3A_2657] : memref<4096xi32, #tpu.memory_space<vmem>>[vector<16xi32>], vector<16xi32>,
      %add3A_2659 = arith.addi %add3A_2654, %gather3A_2658 : vector<16xi32>
      %add3A_2660 = arith.constant 4 : i32
      %add3A_2661 = vector.broadcast %add3A_2660 : i32 to vector<16xi32>
      %add3A_2662 = arith.addi %mul3A_2640, %add3A_2661 : vector<16xi32>
      %gather3A_2663 = tpu.vector_load_idx %arg6[%add3A_2662] : memref<4096xi32, #tpu.memory_space<vmem>>[vector<16xi32>], vector<16xi32>,
      %add3A_2664 = arith.addi %add3A_2659, %gather3A_2663 : vector<16xi32>
      %add3A_2665 = arith.constant 5 : i32
      %add3A_2666 = vector.broadcast %add3A_2665 : i32 to vector<16xi32>
      %add3A_2667 = arith.addi %mul3A_2640, %add3A_2666 : vector<16xi32>
      %gather3A_2668 = tpu.vector_load_idx %arg6[%add3A_2667] : memref<4096xi32, #tpu.memory_space<vmem>>[vector<16xi32>], vector<16xi32>,
      %add3A_2669 = arith.addi %add3A_2664, %gather3A_2668 : vector<16xi32>
      %add3A_2670 = arith.constant 6 : i32
      %add3A_2671 = vector.broadcast %add3A_2670 : i32 to vector<16xi32>
      %add3A_2672 = arith.addi %mul3A_2640, %add3A_2671 : vector<16xi32>
      %gather3A_2673 = tpu.vector_load_idx %arg6[%add3A_2672] : memref<4096xi32, #tpu.memory_space<vmem>>[vector<16xi32>], vector<16xi32>,
      %add3A_2674 = arith.addi %add3A_2669, %gather3A_2673 : vector<16xi32>
      %add3A_2675 = arith.constant 7 : i32
      %add3A_2676 = vector.broadcast %add3A_2675 : i32 to vector<16xi32>
      %add3A_2677 = arith.addi %mul3A_2640, %add3A_2676 : vector<16xi32>
      %gather3A_2678 = tpu.vector_load_idx %arg6[%add3A_2677] : memref<4096xi32, #tpu.memory_space<vmem>>[vector<16xi32>], vector<16xi32>,
      %add3A_2679 = arith.addi %add3A_2674, %gather3A_2678 : vector<16xi32>
      %add3A_2680 = arith.constant 8 : i32
      %add3A_2681 = vector.broadcast %add3A_2680 : i32 to vector<16xi32>
      %add3A_2682 = arith.addi %mul3A_2640, %add3A_2681 : vector<16xi32>
      %gather3A_2683 = tpu.vector_load_idx %arg6[%add3A_2682] : memref<4096xi32, #tpu.memory_space<vmem>>[vector<16xi32>], vector<16xi32>,
      %add3A_2684 = arith.addi %add3A_2679, %gather3A_2683 : vector<16xi32>
      %add3A_2685 = arith.constant 9 : i32
      %add3A_2686 = vector.broadcast %add3A_2685 : i32 to vector<16xi32>
      %add3A_2687 = arith.addi %mul3A_2640, %add3A_2686 : vector<16xi32>
      %gather3A_2688 = tpu.vector_load_idx %arg6[%add3A_2687] : memref<4096xi32, #tpu.memory_space<vmem>>[vector<16xi32>], vector<16xi32>,
      %add3A_2689 = arith.addi %add3A_2684, %gather3A_2688 : vector<16xi32>
      %add3A_2690 = arith.constant 10 : i32
      %add3A_2691 = vector.broadcast %add3A_2690 : i32 to vector<16xi32>
      %add3A_2692 = arith.addi %mul3A_2640, %add3A_2691 : vector<16xi32>
      %gather3A_2693 = tpu.vector_load_idx %arg6[%add3A_2692] : memref<4096xi32, #tpu.memory_space<vmem>>[vector<16xi32>], vector<16xi32>,
      %add3A_2694 = arith.addi %add3A_2689, %gather3A_2693 : vector<16xi32>
      %add3A_2695 = arith.constant 11 : i32
      %add3A_2696 = vector.broadcast %add3A_2695 : i32 to vector<16xi32>
      %add3A_2697 = arith.addi %mul3A_2640, %add3A_2696 : vector<16xi32>
      %gather3A_2698 = tpu.vector_load_idx %arg6[%add3A_2697] : memref<4096xi32, #tpu.memory_space<vmem>>[vector<16xi32>], vector<16xi32>,
      %add3A_2699 = arith.addi %add3A_2694, %gather3A_2698 : vector<16xi32>
      %add3A_2700 = arith.constant 12 : i32
      %add3A_2701 = vector.broadcast %add3A_2700 : i32 to vector<16xi32>
      %add3A_2702 = arith.addi %mul3A_2640, %add3A_2701 : vector<16xi32>
      %gather3A_2703 = tpu.vector_load_idx %arg6[%add3A_2702] : memref<4096xi32, #tpu.memory_space<vmem>>[vector<16xi32>], vector<16xi32>,
      %add3A_2704 = arith.addi %add3A_2699, %gather3A_2703 : vector<16xi32>
      %add3A_2705 = arith.constant 13 : i32
      %add3A_2706 = vector.broadcast %add3A_2705 : i32 to vector<16xi32>
      %add3A_2707 = arith.addi %mul3A_2640, %add3A_2706 : vector<16xi32>
      %gather3A_2708 = tpu.vector_load_idx %arg6[%add3A_2707] : memref<4096xi32, #tpu.memory_space<vmem>>[vector<16xi32>], vector<16xi32>,
      %add3A_2709 = arith.addi %add3A_2704, %gather3A_2708 : vector<16xi32>
      %add3A_2710 = arith.constant 14 : i32
      %add3A_2711 = vector.broadcast %add3A_2710 : i32 to vector<16xi32>
      %add3A_2712 = arith.addi %mul3A_2640, %add3A_2711 : vector<16xi32>
      %gather3A_2713 = tpu.vector_load_idx %arg6[%add3A_2712] : memref<4096xi32, #tpu.memory_space<vmem>>[vector<16xi32>], vector<16xi32>,
      %add3A_2714 = arith.addi %add3A_2709, %gather3A_2713 : vector<16xi32>
      %add3A_2715 = arith.constant 15 : i32
      %add3A_2716 = vector.broadcast %add3A_2715 : i32 to vector<16xi32>
      %add3A_2717 = arith.addi %mul3A_2640, %add3A_2716 : vector<16xi32>
      %gather3A_2718 = tpu.vector_load_idx %arg6[%add3A_2717] : memref<4096xi32, #tpu.memory_space<vmem>>[vector<16xi32>], vector<16xi32>,
      %add3A_2719 = arith.addi %add3A_2714, %gather3A_2718 : vector<16xi32>
      %swap3A_2720 = arith.index_cast %mul3A_2635 : i32 to index
      %swap3A_2721 = tpu.vector_load %arg7[%swap3A_2720] {strides = array<i32>} : memref<256xi32, #tpu.memory_space<vmem>>, vector<16xi32>,
      tpu.vector_store %arg7[%swap3A_2720], %add3A_2719 {strides = array<i32>} : memref<256xi32, #tpu.memory_space<vmem>>, vector<16xi32>,
      %scan3A_2722 = arith.constant 0 : i32
      scf.yield %scan3A_2722 : i32
    }
    %scan3A_691 = arith.constant 16 : i32
    %mul3A_692 = arith.constant 256 : i32
    %mul3A_693 = arith.muli %arg1, %mul3A_692 : i32
    "tpu.region"() ({
      %run_scoped3A = tpu.sem_alloc : memref<!tpu.dma_semaphore, #tpu.memory_space<semaphore_mem>>
      %dma_start3A = tpu.memref_slice %arg10[%mul3A_693] : memref<4096xi32, #tpu.memory_space<vmem_shared>> -> memref<256xi32, #tpu.memory_space<vmem_shared>>
      %dma_start3A_2632 = tpu.memref_slice %arg10[%mul3A_693] : memref<4096xi32, #tpu.memory_space<vmem_shared>> -> memref<256xi32, #tpu.memory_space<vmem_shared>>
      tpu.enqueue_dma source(%arg7 : memref<256xi32, #tpu.memory_space<vmem>>) target(%dma_start3A_2632 : memref<256xi32, #tpu.memory_space<vmem_shared>>) target_semaphore(%run_scoped3A : memref<!tpu.dma_semaphore, #tpu.memory_space<semaphore_mem>>)
      %dma_wait3A = tpu.memref_slice %arg10[%mul3A_693] : memref<4096xi32, #tpu.memory_space<vmem_shared>> -> memref<256xi32, #tpu.memory_space<vmem_shared>>
      %dma_wait3A_2633 = tpu.memref_slice %arg10[%mul3A_693] : memref<4096xi32, #tpu.memory_space<vmem_shared>> -> memref<256xi32, #tpu.memory_space<vmem_shared>>
      tpu.wait_dma2 semaphore(%run_scoped3A : memref<!tpu.dma_semaphore, #tpu.memory_space<semaphore_mem>>) src(%arg7 : memref<256xi32, #tpu.memory_space<vmem>>) dst(%dma_wait3A_2633 : memref<256xi32, #tpu.memory_space<vmem_shared>>)
      tpu.yield
    }) : () -> ()
    %barrier3A_694 = arith.constant 0 : index
    tpu.barrier barrier_id(%barrier3A_694)
    "tpu.region"() ({
      %run_scoped3A = tpu.sem_alloc : memref<!tpu.dma_semaphore, #tpu.memory_space<semaphore_mem>>
      tpu.enqueue_dma source(%arg10 : memref<4096xi32, #tpu.memory_space<vmem_shared>>) target(%arg8 : memref<4096xi32, #tpu.memory_space<vmem>>) target_semaphore(%run_scoped3A : memref<!tpu.dma_semaphore, #tpu.memory_space<semaphore_mem>>)
      tpu.wait_dma2 semaphore(%run_scoped3A : memref<!tpu.dma_semaphore, #tpu.memory_space<semaphore_mem>>) src(%arg10 : memref<4096xi32, #tpu.memory_space<vmem_shared>>) dst(%arg8 : memref<4096xi32, #tpu.memory_space<vmem>>)
      tpu.yield
    }) : () -> ()
    %barrier3A_695 = arith.constant 0 : index
    tpu.barrier barrier_id(%barrier3A_695)
    %swap3A_696 = arith.constant 0 : index
    %swap3A_697 = tpu.vector_load %arg9[%swap3A_696] {strides = array<i32>} : memref<256xi32, #tpu.memory_space<vmem>>, vector<16xi32>,
    tpu.vector_store %arg9[%swap3A_696], %broadcast_in_dim3A_2 {strides = array<i32>} : memref<256xi32, #tpu.memory_space<vmem>>, vector<16xi32>,
    %swap3A_698 = arith.constant 16 : index
    %swap3A_699 = tpu.vector_load %arg9[%swap3A_698] {strides = array<i32>} : memref<256xi32, #tpu.memory_space<vmem>>, vector<16xi32>,
    tpu.vector_store %arg9[%swap3A_698], %broadcast_in_dim3A_2 {strides = array<i32>} : memref<256xi32, #tpu.memory_space<vmem>>, vector<16xi32>,
    %swap3A_700 = arith.constant 32 : index
    %swap3A_701 = tpu.vector_load %arg9[%swap3A_700] {strides = array<i32>} : memref<256xi32, #tpu.memory_space<vmem>>, vector<16xi32>,
    tpu.vector_store %arg9[%swap3A_700], %broadcast_in_dim3A_2 {strides = array<i32>} : memref<256xi32, #tpu.memory_space<vmem>>, vector<16xi32>,
    %swap3A_702 = arith.constant 48 : index
    %swap3A_703 = tpu.vector_load %arg9[%swap3A_702] {strides = array<i32>} : memref<256xi32, #tpu.memory_space<vmem>>, vector<16xi32>,
    tpu.vector_store %arg9[%swap3A_702], %broadcast_in_dim3A_2 {strides = array<i32>} : memref<256xi32, #tpu.memory_space<vmem>>, vector<16xi32>,
    %swap3A_704 = arith.constant 64 : index
    %swap3A_705 = tpu.vector_load %arg9[%swap3A_704] {strides = array<i32>} : memref<256xi32, #tpu.memory_space<vmem>>, vector<16xi32>,
    tpu.vector_store %arg9[%swap3A_704], %broadcast_in_dim3A_2 {strides = array<i32>} : memref<256xi32, #tpu.memory_space<vmem>>, vector<16xi32>,
    %swap3A_706 = arith.constant 80 : index
    %swap3A_707 = tpu.vector_load %arg9[%swap3A_706] {strides = array<i32>} : memref<256xi32, #tpu.memory_space<vmem>>, vector<16xi32>,
    tpu.vector_store %arg9[%swap3A_706], %broadcast_in_dim3A_2 {strides = array<i32>} : memref<256xi32, #tpu.memory_space<vmem>>, vector<16xi32>,
    %swap3A_708 = arith.constant 96 : index
    %swap3A_709 = tpu.vector_load %arg9[%swap3A_708] {strides = array<i32>} : memref<256xi32, #tpu.memory_space<vmem>>, vector<16xi32>,
    tpu.vector_store %arg9[%swap3A_708], %broadcast_in_dim3A_2 {strides = array<i32>} : memref<256xi32, #tpu.memory_space<vmem>>, vector<16xi32>,
    %swap3A_710 = arith.constant 112 : index
    %swap3A_711 = tpu.vector_load %arg9[%swap3A_710] {strides = array<i32>} : memref<256xi32, #tpu.memory_space<vmem>>, vector<16xi32>,
    tpu.vector_store %arg9[%swap3A_710], %broadcast_in_dim3A_2 {strides = array<i32>} : memref<256xi32, #tpu.memory_space<vmem>>, vector<16xi32>,
    %swap3A_712 = arith.constant 128 : index
    %swap3A_713 = tpu.vector_load %arg9[%swap3A_712] {strides = array<i32>} : memref<256xi32, #tpu.memory_space<vmem>>, vector<16xi32>,
    tpu.vector_store %arg9[%swap3A_712], %broadcast_in_dim3A_2 {strides = array<i32>} : memref<256xi32, #tpu.memory_space<vmem>>, vector<16xi32>,
    %swap3A_714 = arith.constant 144 : index
    %swap3A_715 = tpu.vector_load %arg9[%swap3A_714] {strides = array<i32>} : memref<256xi32, #tpu.memory_space<vmem>>, vector<16xi32>,
    tpu.vector_store %arg9[%swap3A_714], %broadcast_in_dim3A_2 {strides = array<i32>} : memref<256xi32, #tpu.memory_space<vmem>>, vector<16xi32>,
    %swap3A_716 = arith.constant 160 : index
    %swap3A_717 = tpu.vector_load %arg9[%swap3A_716] {strides = array<i32>} : memref<256xi32, #tpu.memory_space<vmem>>, vector<16xi32>,
    tpu.vector_store %arg9[%swap3A_716], %broadcast_in_dim3A_2 {strides = array<i32>} : memref<256xi32, #tpu.memory_space<vmem>>, vector<16xi32>,
    %swap3A_718 = arith.constant 176 : index
    %swap3A_719 = tpu.vector_load %arg9[%swap3A_718] {strides = array<i32>} : memref<256xi32, #tpu.memory_space<vmem>>, vector<16xi32>,
    tpu.vector_store %arg9[%swap3A_718], %broadcast_in_dim3A_2 {strides = array<i32>} : memref<256xi32, #tpu.memory_space<vmem>>, vector<16xi32>,
    %swap3A_720 = arith.constant 192 : index
    %swap3A_721 = tpu.vector_load %arg9[%swap3A_720] {strides = array<i32>} : memref<256xi32, #tpu.memory_space<vmem>>, vector<16xi32>,
    tpu.vector_store %arg9[%swap3A_720], %broadcast_in_dim3A_2 {strides = array<i32>} : memref<256xi32, #tpu.memory_space<vmem>>, vector<16xi32>,
    %swap3A_722 = arith.constant 208 : index
    %swap3A_723 = tpu.vector_load %arg9[%swap3A_722] {strides = array<i32>} : memref<256xi32, #tpu.memory_space<vmem>>, vector<16xi32>,
    tpu.vector_store %arg9[%swap3A_722], %broadcast_in_dim3A_2 {strides = array<i32>} : memref<256xi32, #tpu.memory_space<vmem>>, vector<16xi32>,
    %swap3A_724 = arith.constant 224 : index
    %swap3A_725 = tpu.vector_load %arg9[%swap3A_724] {strides = array<i32>} : memref<256xi32, #tpu.memory_space<vmem>>, vector<16xi32>,
    tpu.vector_store %arg9[%swap3A_724], %broadcast_in_dim3A_2 {strides = array<i32>} : memref<256xi32, #tpu.memory_space<vmem>>, vector<16xi32>,
    %swap3A_726 = arith.constant 240 : index
    %swap3A_727 = tpu.vector_load %arg9[%swap3A_726] {strides = array<i32>} : memref<256xi32, #tpu.memory_space<vmem>>, vector<16xi32>,
    tpu.vector_store %arg9[%swap3A_726], %broadcast_in_dim3A_2 {strides = array<i32>} : memref<256xi32, #tpu.memory_space<vmem>>, vector<16xi32>,
    %scan3A_728 = arith.constant 0 : i32
    %scan3A_729 = arith.constant 0 : i32
    %scan3A_730 = arith.constant 16 : i32
    %scan3A_731 = arith.addi %scan3A_729, %scan3A_730 : i32
    %scan3A_732 = arith.constant 1 : i32
    %scan3A_733 = scf.for %scan3A_2632 = %scan3A_729 to %scan3A_731 step %scan3A_732 iter_args(%scan3A_2633 = %scan3A_728) -> (i32)  : i32 {
      %get3A_2634 = arith.constant 0 : index
      %get3A_2635 = tpu.vector_load %arg9[%get3A_2634] {strides = array<i32>} : memref<256xi32, #tpu.memory_space<vmem>>, vector<16xi32>,
      %mul3A_2636 = arith.constant 256 : i32
      %mul3A_2637 = arith.muli %scan3A_2632, %mul3A_2636 : i32
      %add3A_2638 = arith.constant 0 : i32
      %add3A_2639 = arith.addi %mul3A_2637, %add3A_2638 : i32
      %get3A_2640 = arith.index_cast %add3A_2639 : i32 to index
      %get3A_2641 = tpu.vector_load %arg8[%get3A_2640] {strides = array<i32>} : memref<4096xi32, #tpu.memory_space<vmem>>, vector<16xi32>,
      %add3A_2642 = arith.addi %get3A_2635, %get3A_2641 : vector<16xi32>
      %swap3A_2643 = arith.constant 0 : index
      %swap3A_2644 = tpu.vector_load %arg9[%swap3A_2643] {strides = array<i32>} : memref<256xi32, #tpu.memory_space<vmem>>, vector<16xi32>,
      tpu.vector_store %arg9[%swap3A_2643], %add3A_2642 {strides = array<i32>} : memref<256xi32, #tpu.memory_space<vmem>>, vector<16xi32>,
      %get3A_2645 = arith.constant 16 : index
      %get3A_2646 = tpu.vector_load %arg9[%get3A_2645] {strides = array<i32>} : memref<256xi32, #tpu.memory_space<vmem>>, vector<16xi32>,
      %mul3A_2647 = arith.constant 256 : i32
      %mul3A_2648 = arith.muli %scan3A_2632, %mul3A_2647 : i32
      %add3A_2649 = arith.constant 16 : i32
      %add3A_2650 = arith.addi %mul3A_2648, %add3A_2649 : i32
      %get3A_2651 = arith.index_cast %add3A_2650 : i32 to index
      %get3A_2652 = tpu.vector_load %arg8[%get3A_2651] {strides = array<i32>} : memref<4096xi32, #tpu.memory_space<vmem>>, vector<16xi32>,
      %add3A_2653 = arith.addi %get3A_2646, %get3A_2652 : vector<16xi32>
      %swap3A_2654 = arith.constant 16 : index
      %swap3A_2655 = tpu.vector_load %arg9[%swap3A_2654] {strides = array<i32>} : memref<256xi32, #tpu.memory_space<vmem>>, vector<16xi32>,
      tpu.vector_store %arg9[%swap3A_2654], %add3A_2653 {strides = array<i32>} : memref<256xi32, #tpu.memory_space<vmem>>, vector<16xi32>,
      %get3A_2656 = arith.constant 32 : index
      %get3A_2657 = tpu.vector_load %arg9[%get3A_2656] {strides = array<i32>} : memref<256xi32, #tpu.memory_space<vmem>>, vector<16xi32>,
      %mul3A_2658 = arith.constant 256 : i32
      %mul3A_2659 = arith.muli %scan3A_2632, %mul3A_2658 : i32
      %add3A_2660 = arith.constant 32 : i32
      %add3A_2661 = arith.addi %mul3A_2659, %add3A_2660 : i32
      %get3A_2662 = arith.index_cast %add3A_2661 : i32 to index
      %get3A_2663 = tpu.vector_load %arg8[%get3A_2662] {strides = array<i32>} : memref<4096xi32, #tpu.memory_space<vmem>>, vector<16xi32>,
      %add3A_2664 = arith.addi %get3A_2657, %get3A_2663 : vector<16xi32>
      %swap3A_2665 = arith.constant 32 : index
      %swap3A_2666 = tpu.vector_load %arg9[%swap3A_2665] {strides = array<i32>} : memref<256xi32, #tpu.memory_space<vmem>>, vector<16xi32>,
      tpu.vector_store %arg9[%swap3A_2665], %add3A_2664 {strides = array<i32>} : memref<256xi32, #tpu.memory_space<vmem>>, vector<16xi32>,
      %get3A_2667 = arith.constant 48 : index
      %get3A_2668 = tpu.vector_load %arg9[%get3A_2667] {strides = array<i32>} : memref<256xi32, #tpu.memory_space<vmem>>, vector<16xi32>,
      %mul3A_2669 = arith.constant 256 : i32
      %mul3A_2670 = arith.muli %scan3A_2632, %mul3A_2669 : i32
      %add3A_2671 = arith.constant 48 : i32
      %add3A_2672 = arith.addi %mul3A_2670, %add3A_2671 : i32
      %get3A_2673 = arith.index_cast %add3A_2672 : i32 to index
      %get3A_2674 = tpu.vector_load %arg8[%get3A_2673] {strides = array<i32>} : memref<4096xi32, #tpu.memory_space<vmem>>, vector<16xi32>,
      %add3A_2675 = arith.addi %get3A_2668, %get3A_2674 : vector<16xi32>
      %swap3A_2676 = arith.constant 48 : index
      %swap3A_2677 = tpu.vector_load %arg9[%swap3A_2676] {strides = array<i32>} : memref<256xi32, #tpu.memory_space<vmem>>, vector<16xi32>,
      tpu.vector_store %arg9[%swap3A_2676], %add3A_2675 {strides = array<i32>} : memref<256xi32, #tpu.memory_space<vmem>>, vector<16xi32>,
      %get3A_2678 = arith.constant 64 : index
      %get3A_2679 = tpu.vector_load %arg9[%get3A_2678] {strides = array<i32>} : memref<256xi32, #tpu.memory_space<vmem>>, vector<16xi32>,
      %mul3A_2680 = arith.constant 256 : i32
      %mul3A_2681 = arith.muli %scan3A_2632, %mul3A_2680 : i32
      %add3A_2682 = arith.constant 64 : i32
      %add3A_2683 = arith.addi %mul3A_2681, %add3A_2682 : i32
      %get3A_2684 = arith.index_cast %add3A_2683 : i32 to index
      %get3A_2685 = tpu.vector_load %arg8[%get3A_2684] {strides = array<i32>} : memref<4096xi32, #tpu.memory_space<vmem>>, vector<16xi32>,
      %add3A_2686 = arith.addi %get3A_2679, %get3A_2685 : vector<16xi32>
      %swap3A_2687 = arith.constant 64 : index
      %swap3A_2688 = tpu.vector_load %arg9[%swap3A_2687] {strides = array<i32>} : memref<256xi32, #tpu.memory_space<vmem>>, vector<16xi32>,
      tpu.vector_store %arg9[%swap3A_2687], %add3A_2686 {strides = array<i32>} : memref<256xi32, #tpu.memory_space<vmem>>, vector<16xi32>,
      %get3A_2689 = arith.constant 80 : index
      %get3A_2690 = tpu.vector_load %arg9[%get3A_2689] {strides = array<i32>} : memref<256xi32, #tpu.memory_space<vmem>>, vector<16xi32>,
      %mul3A_2691 = arith.constant 256 : i32
      %mul3A_2692 = arith.muli %scan3A_2632, %mul3A_2691 : i32
      %add3A_2693 = arith.constant 80 : i32
      %add3A_2694 = arith.addi %mul3A_2692, %add3A_2693 : i32
      %get3A_2695 = arith.index_cast %add3A_2694 : i32 to index
      %get3A_2696 = tpu.vector_load %arg8[%get3A_2695] {strides = array<i32>} : memref<4096xi32, #tpu.memory_space<vmem>>, vector<16xi32>,
      %add3A_2697 = arith.addi %get3A_2690, %get3A_2696 : vector<16xi32>
      %swap3A_2698 = arith.constant 80 : index
      %swap3A_2699 = tpu.vector_load %arg9[%swap3A_2698] {strides = array<i32>} : memref<256xi32, #tpu.memory_space<vmem>>, vector<16xi32>,
      tpu.vector_store %arg9[%swap3A_2698], %add3A_2697 {strides = array<i32>} : memref<256xi32, #tpu.memory_space<vmem>>, vector<16xi32>,
      %get3A_2700 = arith.constant 96 : index
      %get3A_2701 = tpu.vector_load %arg9[%get3A_2700] {strides = array<i32>} : memref<256xi32, #tpu.memory_space<vmem>>, vector<16xi32>,
      %mul3A_2702 = arith.constant 256 : i32
      %mul3A_2703 = arith.muli %scan3A_2632, %mul3A_2702 : i32
      %add3A_2704 = arith.constant 96 : i32
      %add3A_2705 = arith.addi %mul3A_2703, %add3A_2704 : i32
      %get3A_2706 = arith.index_cast %add3A_2705 : i32 to index
      %get3A_2707 = tpu.vector_load %arg8[%get3A_2706] {strides = array<i32>} : memref<4096xi32, #tpu.memory_space<vmem>>, vector<16xi32>,
      %add3A_2708 = arith.addi %get3A_2701, %get3A_2707 : vector<16xi32>
      %swap3A_2709 = arith.constant 96 : index
      %swap3A_2710 = tpu.vector_load %arg9[%swap3A_2709] {strides = array<i32>} : memref<256xi32, #tpu.memory_space<vmem>>, vector<16xi32>,
      tpu.vector_store %arg9[%swap3A_2709], %add3A_2708 {strides = array<i32>} : memref<256xi32, #tpu.memory_space<vmem>>, vector<16xi32>,
      %get3A_2711 = arith.constant 112 : index
      %get3A_2712 = tpu.vector_load %arg9[%get3A_2711] {strides = array<i32>} : memref<256xi32, #tpu.memory_space<vmem>>, vector<16xi32>,
      %mul3A_2713 = arith.constant 256 : i32
      %mul3A_2714 = arith.muli %scan3A_2632, %mul3A_2713 : i32
      %add3A_2715 = arith.constant 112 : i32
      %add3A_2716 = arith.addi %mul3A_2714, %add3A_2715 : i32
      %get3A_2717 = arith.index_cast %add3A_2716 : i32 to index
      %get3A_2718 = tpu.vector_load %arg8[%get3A_2717] {strides = array<i32>} : memref<4096xi32, #tpu.memory_space<vmem>>, vector<16xi32>,
      %add3A_2719 = arith.addi %get3A_2712, %get3A_2718 : vector<16xi32>
      %swap3A_2720 = arith.constant 112 : index
      %swap3A_2721 = tpu.vector_load %arg9[%swap3A_2720] {strides = array<i32>} : memref<256xi32, #tpu.memory_space<vmem>>, vector<16xi32>,
      tpu.vector_store %arg9[%swap3A_2720], %add3A_2719 {strides = array<i32>} : memref<256xi32, #tpu.memory_space<vmem>>, vector<16xi32>,
      %get3A_2722 = arith.constant 128 : index
      %get3A_2723 = tpu.vector_load %arg9[%get3A_2722] {strides = array<i32>} : memref<256xi32, #tpu.memory_space<vmem>>, vector<16xi32>,
      %mul3A_2724 = arith.constant 256 : i32
      %mul3A_2725 = arith.muli %scan3A_2632, %mul3A_2724 : i32
      %add3A_2726 = arith.constant 128 : i32
      %add3A_2727 = arith.addi %mul3A_2725, %add3A_2726 : i32
      %get3A_2728 = arith.index_cast %add3A_2727 : i32 to index
      %get3A_2729 = tpu.vector_load %arg8[%get3A_2728] {strides = array<i32>} : memref<4096xi32, #tpu.memory_space<vmem>>, vector<16xi32>,
      %add3A_2730 = arith.addi %get3A_2723, %get3A_2729 : vector<16xi32>
      %swap3A_2731 = arith.constant 128 : index
      %swap3A_2732 = tpu.vector_load %arg9[%swap3A_2731] {strides = array<i32>} : memref<256xi32, #tpu.memory_space<vmem>>, vector<16xi32>,
      tpu.vector_store %arg9[%swap3A_2731], %add3A_2730 {strides = array<i32>} : memref<256xi32, #tpu.memory_space<vmem>>, vector<16xi32>,
      %get3A_2733 = arith.constant 144 : index
      %get3A_2734 = tpu.vector_load %arg9[%get3A_2733] {strides = array<i32>} : memref<256xi32, #tpu.memory_space<vmem>>, vector<16xi32>,
      %mul3A_2735 = arith.constant 256 : i32
      %mul3A_2736 = arith.muli %scan3A_2632, %mul3A_2735 : i32
      %add3A_2737 = arith.constant 144 : i32
      %add3A_2738 = arith.addi %mul3A_2736, %add3A_2737 : i32
      %get3A_2739 = arith.index_cast %add3A_2738 : i32 to index
      %get3A_2740 = tpu.vector_load %arg8[%get3A_2739] {strides = array<i32>} : memref<4096xi32, #tpu.memory_space<vmem>>, vector<16xi32>,
      %add3A_2741 = arith.addi %get3A_2734, %get3A_2740 : vector<16xi32>
      %swap3A_2742 = arith.constant 144 : index
      %swap3A_2743 = tpu.vector_load %arg9[%swap3A_2742] {strides = array<i32>} : memref<256xi32, #tpu.memory_space<vmem>>, vector<16xi32>,
      tpu.vector_store %arg9[%swap3A_2742], %add3A_2741 {strides = array<i32>} : memref<256xi32, #tpu.memory_space<vmem>>, vector<16xi32>,
      %get3A_2744 = arith.constant 160 : index
      %get3A_2745 = tpu.vector_load %arg9[%get3A_2744] {strides = array<i32>} : memref<256xi32, #tpu.memory_space<vmem>>, vector<16xi32>,
      %mul3A_2746 = arith.constant 256 : i32
      %mul3A_2747 = arith.muli %scan3A_2632, %mul3A_2746 : i32
      %add3A_2748 = arith.constant 160 : i32
      %add3A_2749 = arith.addi %mul3A_2747, %add3A_2748 : i32
      %get3A_2750 = arith.index_cast %add3A_2749 : i32 to index
      %get3A_2751 = tpu.vector_load %arg8[%get3A_2750] {strides = array<i32>} : memref<4096xi32, #tpu.memory_space<vmem>>, vector<16xi32>,
      %add3A_2752 = arith.addi %get3A_2745, %get3A_2751 : vector<16xi32>
      %swap3A_2753 = arith.constant 160 : index
      %swap3A_2754 = tpu.vector_load %arg9[%swap3A_2753] {strides = array<i32>} : memref<256xi32, #tpu.memory_space<vmem>>, vector<16xi32>,
      tpu.vector_store %arg9[%swap3A_2753], %add3A_2752 {strides = array<i32>} : memref<256xi32, #tpu.memory_space<vmem>>, vector<16xi32>,
      %get3A_2755 = arith.constant 176 : index
      %get3A_2756 = tpu.vector_load %arg9[%get3A_2755] {strides = array<i32>} : memref<256xi32, #tpu.memory_space<vmem>>, vector<16xi32>,
      %mul3A_2757 = arith.constant 256 : i32
      %mul3A_2758 = arith.muli %scan3A_2632, %mul3A_2757 : i32
      %add3A_2759 = arith.constant 176 : i32
      %add3A_2760 = arith.addi %mul3A_2758, %add3A_2759 : i32
      %get3A_2761 = arith.index_cast %add3A_2760 : i32 to index
      %get3A_2762 = tpu.vector_load %arg8[%get3A_2761] {strides = array<i32>} : memref<4096xi32, #tpu.memory_space<vmem>>, vector<16xi32>,
      %add3A_2763 = arith.addi %get3A_2756, %get3A_2762 : vector<16xi32>
      %swap3A_2764 = arith.constant 176 : index
      %swap3A_2765 = tpu.vector_load %arg9[%swap3A_2764] {strides = array<i32>} : memref<256xi32, #tpu.memory_space<vmem>>, vector<16xi32>,
      tpu.vector_store %arg9[%swap3A_2764], %add3A_2763 {strides = array<i32>} : memref<256xi32, #tpu.memory_space<vmem>>, vector<16xi32>,
      %get3A_2766 = arith.constant 192 : index
      %get3A_2767 = tpu.vector_load %arg9[%get3A_2766] {strides = array<i32>} : memref<256xi32, #tpu.memory_space<vmem>>, vector<16xi32>,
      %mul3A_2768 = arith.constant 256 : i32
      %mul3A_2769 = arith.muli %scan3A_2632, %mul3A_2768 : i32
      %add3A_2770 = arith.constant 192 : i32
      %add3A_2771 = arith.addi %mul3A_2769, %add3A_2770 : i32
      %get3A_2772 = arith.index_cast %add3A_2771 : i32 to index
      %get3A_2773 = tpu.vector_load %arg8[%get3A_2772] {strides = array<i32>} : memref<4096xi32, #tpu.memory_space<vmem>>, vector<16xi32>,
      %add3A_2774 = arith.addi %get3A_2767, %get3A_2773 : vector<16xi32>
      %swap3A_2775 = arith.constant 192 : index
      %swap3A_2776 = tpu.vector_load %arg9[%swap3A_2775] {strides = array<i32>} : memref<256xi32, #tpu.memory_space<vmem>>, vector<16xi32>,
      tpu.vector_store %arg9[%swap3A_2775], %add3A_2774 {strides = array<i32>} : memref<256xi32, #tpu.memory_space<vmem>>, vector<16xi32>,
      %get3A_2777 = arith.constant 208 : index
      %get3A_2778 = tpu.vector_load %arg9[%get3A_2777] {strides = array<i32>} : memref<256xi32, #tpu.memory_space<vmem>>, vector<16xi32>,
      %mul3A_2779 = arith.constant 256 : i32
      %mul3A_2780 = arith.muli %scan3A_2632, %mul3A_2779 : i32
      %add3A_2781 = arith.constant 208 : i32
      %add3A_2782 = arith.addi %mul3A_2780, %add3A_2781 : i32
      %get3A_2783 = arith.index_cast %add3A_2782 : i32 to index
      %get3A_2784 = tpu.vector_load %arg8[%get3A_2783] {strides = array<i32>} : memref<4096xi32, #tpu.memory_space<vmem>>, vector<16xi32>,
      %add3A_2785 = arith.addi %get3A_2778, %get3A_2784 : vector<16xi32>
      %swap3A_2786 = arith.constant 208 : index
      %swap3A_2787 = tpu.vector_load %arg9[%swap3A_2786] {strides = array<i32>} : memref<256xi32, #tpu.memory_space<vmem>>, vector<16xi32>,
      tpu.vector_store %arg9[%swap3A_2786], %add3A_2785 {strides = array<i32>} : memref<256xi32, #tpu.memory_space<vmem>>, vector<16xi32>,
      %get3A_2788 = arith.constant 224 : index
      %get3A_2789 = tpu.vector_load %arg9[%get3A_2788] {strides = array<i32>} : memref<256xi32, #tpu.memory_space<vmem>>, vector<16xi32>,
      %mul3A_2790 = arith.constant 256 : i32
      %mul3A_2791 = arith.muli %scan3A_2632, %mul3A_2790 : i32
      %add3A_2792 = arith.constant 224 : i32
      %add3A_2793 = arith.addi %mul3A_2791, %add3A_2792 : i32
      %get3A_2794 = arith.index_cast %add3A_2793 : i32 to index
      %get3A_2795 = tpu.vector_load %arg8[%get3A_2794] {strides = array<i32>} : memref<4096xi32, #tpu.memory_space<vmem>>, vector<16xi32>,
      %add3A_2796 = arith.addi %get3A_2789, %get3A_2795 : vector<16xi32>
      %swap3A_2797 = arith.constant 224 : index
      %swap3A_2798 = tpu.vector_load %arg9[%swap3A_2797] {strides = array<i32>} : memref<256xi32, #tpu.memory_space<vmem>>, vector<16xi32>,
      tpu.vector_store %arg9[%swap3A_2797], %add3A_2796 {strides = array<i32>} : memref<256xi32, #tpu.memory_space<vmem>>, vector<16xi32>,
      %get3A_2799 = arith.constant 240 : index
      %get3A_2800 = tpu.vector_load %arg9[%get3A_2799] {strides = array<i32>} : memref<256xi32, #tpu.memory_space<vmem>>, vector<16xi32>,
      %mul3A_2801 = arith.constant 256 : i32
      %mul3A_2802 = arith.muli %scan3A_2632, %mul3A_2801 : i32
      %add3A_2803 = arith.constant 240 : i32
      %add3A_2804 = arith.addi %mul3A_2802, %add3A_2803 : i32
      %get3A_2805 = arith.index_cast %add3A_2804 : i32 to index
      %get3A_2806 = tpu.vector_load %arg8[%get3A_2805] {strides = array<i32>} : memref<4096xi32, #tpu.memory_space<vmem>>, vector<16xi32>,
      %add3A_2807 = arith.addi %get3A_2800, %get3A_2806 : vector<16xi32>
      %swap3A_2808 = arith.constant 240 : index
      %swap3A_2809 = tpu.vector_load %arg9[%swap3A_2808] {strides = array<i32>} : memref<256xi32, #tpu.memory_space<vmem>>, vector<16xi32>,
      tpu.vector_store %arg9[%swap3A_2808], %add3A_2807 {strides = array<i32>} : memref<256xi32, #tpu.memory_space<vmem>>, vector<16xi32>,
      %scan3A_2810 = arith.constant 0 : i32
      scf.yield %scan3A_2810 : i32
    }
    %scan3A_734 = arith.constant 16 : i32
    %get3A_735 = arith.constant 0 : index
    %get3A_736 = tpu.vector_load %arg9[%get3A_735] {strides = array<i32>} : memref<256xi32, #tpu.memory_space<vmem>>, vector<16xi32>,
    %get3A_737 = arith.constant 16 : index
    %get3A_738 = tpu.vector_load %arg9[%get3A_737] {strides = array<i32>} : memref<256xi32, #tpu.memory_space<vmem>>, vector<16xi32>,
    %get3A_739 = arith.constant 32 : index
    %get3A_740 = tpu.vector_load %arg9[%get3A_739] {strides = array<i32>} : memref<256xi32, #tpu.memory_space<vmem>>, vector<16xi32>,
    %get3A_741 = arith.constant 48 : index
    %get3A_742 = tpu.vector_load %arg9[%get3A_741] {strides = array<i32>} : memref<256xi32, #tpu.memory_space<vmem>>, vector<16xi32>,
    %get3A_743 = arith.constant 64 : index
    %get3A_744 = tpu.vector_load %arg9[%get3A_743] {strides = array<i32>} : memref<256xi32, #tpu.memory_space<vmem>>, vector<16xi32>,
    %get3A_745 = arith.constant 80 : index
    %get3A_746 = tpu.vector_load %arg9[%get3A_745] {strides = array<i32>} : memref<256xi32, #tpu.memory_space<vmem>>, vector<16xi32>,
    %get3A_747 = arith.constant 96 : index
    %get3A_748 = tpu.vector_load %arg9[%get3A_747] {strides = array<i32>} : memref<256xi32, #tpu.memory_space<vmem>>, vector<16xi32>,
    %get3A_749 = arith.constant 112 : index
    %get3A_750 = tpu.vector_load %arg9[%get3A_749] {strides = array<i32>} : memref<256xi32, #tpu.memory_space<vmem>>, vector<16xi32>,
    %get3A_751 = arith.constant 128 : index
    %get3A_752 = tpu.vector_load %arg9[%get3A_751] {strides = array<i32>} : memref<256xi32, #tpu.memory_space<vmem>>, vector<16xi32>,
    %get3A_753 = arith.constant 144 : index
    %get3A_754 = tpu.vector_load %arg9[%get3A_753] {strides = array<i32>} : memref<256xi32, #tpu.memory_space<vmem>>, vector<16xi32>,
    %get3A_755 = arith.constant 160 : index
    %get3A_756 = tpu.vector_load %arg9[%get3A_755] {strides = array<i32>} : memref<256xi32, #tpu.memory_space<vmem>>, vector<16xi32>,
    %get3A_757 = arith.constant 176 : index
    %get3A_758 = tpu.vector_load %arg9[%get3A_757] {strides = array<i32>} : memref<256xi32, #tpu.memory_space<vmem>>, vector<16xi32>,
    %get3A_759 = arith.constant 192 : index
    %get3A_760 = tpu.vector_load %arg9[%get3A_759] {strides = array<i32>} : memref<256xi32, #tpu.memory_space<vmem>>, vector<16xi32>,
    %get3A_761 = arith.constant 208 : index
    %get3A_762 = tpu.vector_load %arg9[%get3A_761] {strides = array<i32>} : memref<256xi32, #tpu.memory_space<vmem>>, vector<16xi32>,
    %get3A_763 = arith.constant 224 : index
    %get3A_764 = tpu.vector_load %arg9[%get3A_763] {strides = array<i32>} : memref<256xi32, #tpu.memory_space<vmem>>, vector<16xi32>,
    %get3A_765 = arith.constant 240 : index
    %get3A_766 = tpu.vector_load %arg9[%get3A_765] {strides = array<i32>} : memref<256xi32, #tpu.memory_space<vmem>>, vector<16xi32>,
    %reduce_sum3A_767 = arith.constant true
    %reduce_sum3A_768 = vector.broadcast %reduce_sum3A_767 : i1 to vector<16xi1>
    %reduce_sum3A_769 = tpu.scan <sum>, %get3A_736 masked %reduce_sum3A_768 : vector<16xi32>, vector<16xi1> -> vector<16xi32>
    %reduce_sum3A_770 = vector.extract %reduce_sum3A_769[15] : i32 from vector<16xi32>
    %reduce_sum3A_771 = arith.constant true
    %reduce_sum3A_772 = vector.broadcast %reduce_sum3A_771 : i1 to vector<16xi1>
    %reduce_sum3A_773 = tpu.scan <sum>, %get3A_738 masked %reduce_sum3A_772 : vector<16xi32>, vector<16xi1> -> vector<16xi32>
    %reduce_sum3A_774 = vector.extract %reduce_sum3A_773[15] : i32 from vector<16xi32>
    %reduce_sum3A_775 = arith.constant true
    %reduce_sum3A_776 = vector.broadcast %reduce_sum3A_775 : i1 to vector<16xi1>
    %reduce_sum3A_777 = tpu.scan <sum>, %get3A_740 masked %reduce_sum3A_776 : vector<16xi32>, vector<16xi1> -> vector<16xi32>
    %reduce_sum3A_778 = vector.extract %reduce_sum3A_777[15] : i32 from vector<16xi32>
    %reduce_sum3A_779 = arith.constant true
    %reduce_sum3A_780 = vector.broadcast %reduce_sum3A_779 : i1 to vector<16xi1>
    %reduce_sum3A_781 = tpu.scan <sum>, %get3A_742 masked %reduce_sum3A_780 : vector<16xi32>, vector<16xi1> -> vector<16xi32>
    %reduce_sum3A_782 = vector.extract %reduce_sum3A_781[15] : i32 from vector<16xi32>
    %reduce_sum3A_783 = arith.constant true
    %reduce_sum3A_784 = vector.broadcast %reduce_sum3A_783 : i1 to vector<16xi1>
    %reduce_sum3A_785 = tpu.scan <sum>, %get3A_744 masked %reduce_sum3A_784 : vector<16xi32>, vector<16xi1> -> vector<16xi32>
    %reduce_sum3A_786 = vector.extract %reduce_sum3A_785[15] : i32 from vector<16xi32>
    %reduce_sum3A_787 = arith.constant true
    %reduce_sum3A_788 = vector.broadcast %reduce_sum3A_787 : i1 to vector<16xi1>
    %reduce_sum3A_789 = tpu.scan <sum>, %get3A_746 masked %reduce_sum3A_788 : vector<16xi32>, vector<16xi1> -> vector<16xi32>
    %reduce_sum3A_790 = vector.extract %reduce_sum3A_789[15] : i32 from vector<16xi32>
    %reduce_sum3A_791 = arith.constant true
    %reduce_sum3A_792 = vector.broadcast %reduce_sum3A_791 : i1 to vector<16xi1>
    %reduce_sum3A_793 = tpu.scan <sum>, %get3A_748 masked %reduce_sum3A_792 : vector<16xi32>, vector<16xi1> -> vector<16xi32>
    %reduce_sum3A_794 = vector.extract %reduce_sum3A_793[15] : i32 from vector<16xi32>
    %reduce_sum3A_795 = arith.constant true
    %reduce_sum3A_796 = vector.broadcast %reduce_sum3A_795 : i1 to vector<16xi1>
    %reduce_sum3A_797 = tpu.scan <sum>, %get3A_750 masked %reduce_sum3A_796 : vector<16xi32>, vector<16xi1> -> vector<16xi32>
    %reduce_sum3A_798 = vector.extract %reduce_sum3A_797[15] : i32 from vector<16xi32>
    %reduce_sum3A_799 = arith.constant true
    %reduce_sum3A_800 = vector.broadcast %reduce_sum3A_799 : i1 to vector<16xi1>
    %reduce_sum3A_801 = tpu.scan <sum>, %get3A_752 masked %reduce_sum3A_800 : vector<16xi32>, vector<16xi1> -> vector<16xi32>
    %reduce_sum3A_802 = vector.extract %reduce_sum3A_801[15] : i32 from vector<16xi32>
    %reduce_sum3A_803 = arith.constant true
    %reduce_sum3A_804 = vector.broadcast %reduce_sum3A_803 : i1 to vector<16xi1>
    %reduce_sum3A_805 = tpu.scan <sum>, %get3A_754 masked %reduce_sum3A_804 : vector<16xi32>, vector<16xi1> -> vector<16xi32>
    %reduce_sum3A_806 = vector.extract %reduce_sum3A_805[15] : i32 from vector<16xi32>
    %reduce_sum3A_807 = arith.constant true
    %reduce_sum3A_808 = vector.broadcast %reduce_sum3A_807 : i1 to vector<16xi1>
    %reduce_sum3A_809 = tpu.scan <sum>, %get3A_756 masked %reduce_sum3A_808 : vector<16xi32>, vector<16xi1> -> vector<16xi32>
    %reduce_sum3A_810 = vector.extract %reduce_sum3A_809[15] : i32 from vector<16xi32>
    %reduce_sum3A_811 = arith.constant true
    %reduce_sum3A_812 = vector.broadcast %reduce_sum3A_811 : i1 to vector<16xi1>
    %reduce_sum3A_813 = tpu.scan <sum>, %get3A_758 masked %reduce_sum3A_812 : vector<16xi32>, vector<16xi1> -> vector<16xi32>
    %reduce_sum3A_814 = vector.extract %reduce_sum3A_813[15] : i32 from vector<16xi32>
    %reduce_sum3A_815 = arith.constant true
    %reduce_sum3A_816 = vector.broadcast %reduce_sum3A_815 : i1 to vector<16xi1>
    %reduce_sum3A_817 = tpu.scan <sum>, %get3A_760 masked %reduce_sum3A_816 : vector<16xi32>, vector<16xi1> -> vector<16xi32>
    %reduce_sum3A_818 = vector.extract %reduce_sum3A_817[15] : i32 from vector<16xi32>
    %reduce_sum3A_819 = arith.constant true
    %reduce_sum3A_820 = vector.broadcast %reduce_sum3A_819 : i1 to vector<16xi1>
    %reduce_sum3A_821 = tpu.scan <sum>, %get3A_762 masked %reduce_sum3A_820 : vector<16xi32>, vector<16xi1> -> vector<16xi32>
    %reduce_sum3A_822 = vector.extract %reduce_sum3A_821[15] : i32 from vector<16xi32>
    %reduce_sum3A_823 = arith.constant true
    %reduce_sum3A_824 = vector.broadcast %reduce_sum3A_823 : i1 to vector<16xi1>
    %reduce_sum3A_825 = tpu.scan <sum>, %get3A_764 masked %reduce_sum3A_824 : vector<16xi32>, vector<16xi1> -> vector<16xi32>
    %reduce_sum3A_826 = vector.extract %reduce_sum3A_825[15] : i32 from vector<16xi32>
    %reduce_sum3A_827 = arith.constant true
    %reduce_sum3A_828 = vector.broadcast %reduce_sum3A_827 : i1 to vector<16xi1>
    %reduce_sum3A_829 = tpu.scan <sum>, %get3A_766 masked %reduce_sum3A_828 : vector<16xi32>, vector<16xi1> -> vector<16xi32>
    %reduce_sum3A_830 = vector.extract %reduce_sum3A_829[15] : i32 from vector<16xi32>
    %add3A_831 = arith.constant 0 : i32
    %add3A_832 = arith.addi %add3A_831, %reduce_sum3A_830 : i32
    %add3A_833 = arith.addi %add3A_832, %reduce_sum3A_826 : i32
    %add3A_834 = arith.addi %add3A_833, %reduce_sum3A_822 : i32
    %add3A_835 = arith.addi %add3A_834, %reduce_sum3A_818 : i32
    %add3A_836 = arith.addi %add3A_835, %reduce_sum3A_814 : i32
    %add3A_837 = arith.addi %add3A_836, %reduce_sum3A_810 : i32
    %add3A_838 = arith.addi %add3A_837, %reduce_sum3A_806 : i32
    %add3A_839 = arith.addi %add3A_838, %reduce_sum3A_802 : i32
    %add3A_840 = arith.addi %add3A_839, %reduce_sum3A_798 : i32
    %add3A_841 = arith.addi %add3A_840, %reduce_sum3A_794 : i32
    %add3A_842 = arith.addi %add3A_841, %reduce_sum3A_790 : i32
    %add3A_843 = arith.addi %add3A_842, %reduce_sum3A_786 : i32
    %add3A_844 = arith.addi %add3A_843, %reduce_sum3A_782 : i32
    %add3A_845 = arith.addi %add3A_844, %reduce_sum3A_778 : i32
    %add3A_846 = arith.addi %add3A_845, %reduce_sum3A_774 : i32
    %add3A_847 = arith.addi %add3A_846, %reduce_sum3A_770 : i32
    %rev3A_848 = arith.constant 15 : i32
    %rev3A_849 = vector.broadcast %rev3A_848 : i32 to vector<16xi32>
    %rev3A_850 = tpu.iota {dimensions = array<i32: 0>} : vector<16xi32>
    %rev3A_851 = arith.subi %rev3A_849, %rev3A_850 : vector<16xi32>
    %rev3A_852 = tpu.dynamic_gather %get3A_736[%rev3A_851] in [0] : vector<16xi32>, vector<16xi32> -> vector<16xi32>
    %broadcast_in_dim3A_853 = arith.constant true
    %broadcast_in_dim3A_854 = vector.broadcast %broadcast_in_dim3A_853 : i1 to vector<16xi1>
    %masked_cumsum3A_855 = tpu.scan <sum>, %rev3A_852 masked %broadcast_in_dim3A_854 : vector<16xi32>, vector<16xi1> -> vector<16xi32>
    %add3A_856 = vector.broadcast %add3A_846 : i32 to vector<16xi32>
    %add3A_857 = arith.addi %masked_cumsum3A_855, %add3A_856 : vector<16xi32>
    %ge3A_858 = vector.broadcast %sub3A_667 : i32 to vector<16xi32>
    %ge3A_859 = arith.cmpi sge, %add3A_857, %ge3A_858 : vector<16xi32>
    %select_n3A_860 = arith.select %ge3A_859, %broadcast_in_dim3A_0, %broadcast_in_dim3A_2 : vector<16xi1>, vector<16xi32>
    %reduce_sum3A_861 = arith.constant true
    %reduce_sum3A_862 = vector.broadcast %reduce_sum3A_861 : i1 to vector<16xi1>
    %reduce_sum3A_863 = tpu.scan <sum>, %select_n3A_860 masked %reduce_sum3A_862 : vector<16xi32>, vector<16xi1> -> vector<16xi32>
    %reduce_sum3A_864 = vector.extract %reduce_sum3A_863[15] : i32 from vector<16xi32>
    %add3A_865 = arith.constant 0 : i32
    %add3A_866 = arith.addi %add3A_865, %reduce_sum3A_864 : i32
    %rev3A_867 = arith.constant 15 : i32
    %rev3A_868 = vector.broadcast %rev3A_867 : i32 to vector<16xi32>
    %rev3A_869 = tpu.iota {dimensions = array<i32: 0>} : vector<16xi32>
    %rev3A_870 = arith.subi %rev3A_868, %rev3A_869 : vector<16xi32>
    %rev3A_871 = tpu.dynamic_gather %get3A_738[%rev3A_870] in [0] : vector<16xi32>, vector<16xi32> -> vector<16xi32>
    %broadcast_in_dim3A_872 = arith.constant true
    %broadcast_in_dim3A_873 = vector.broadcast %broadcast_in_dim3A_872 : i1 to vector<16xi1>
    %masked_cumsum3A_874 = tpu.scan <sum>, %rev3A_871 masked %broadcast_in_dim3A_873 : vector<16xi32>, vector<16xi1> -> vector<16xi32>
    %add3A_875 = vector.broadcast %add3A_845 : i32 to vector<16xi32>
    %add3A_876 = arith.addi %masked_cumsum3A_874, %add3A_875 : vector<16xi32>
    %ge3A_877 = vector.broadcast %sub3A_667 : i32 to vector<16xi32>
    %ge3A_878 = arith.cmpi sge, %add3A_876, %ge3A_877 : vector<16xi32>
    %select_n3A_879 = arith.select %ge3A_878, %broadcast_in_dim3A_0, %broadcast_in_dim3A_2 : vector<16xi1>, vector<16xi32>
    %reduce_sum3A_880 = arith.constant true
    %reduce_sum3A_881 = vector.broadcast %reduce_sum3A_880 : i1 to vector<16xi1>
    %reduce_sum3A_882 = tpu.scan <sum>, %select_n3A_879 masked %reduce_sum3A_881 : vector<16xi32>, vector<16xi1> -> vector<16xi32>
    %reduce_sum3A_883 = vector.extract %reduce_sum3A_882[15] : i32 from vector<16xi32>
    %add3A_884 = arith.addi %add3A_866, %reduce_sum3A_883 : i32
    %rev3A_885 = arith.constant 15 : i32
    %rev3A_886 = vector.broadcast %rev3A_885 : i32 to vector<16xi32>
    %rev3A_887 = tpu.iota {dimensions = array<i32: 0>} : vector<16xi32>
    %rev3A_888 = arith.subi %rev3A_886, %rev3A_887 : vector<16xi32>
    %rev3A_889 = tpu.dynamic_gather %get3A_740[%rev3A_888] in [0] : vector<16xi32>, vector<16xi32> -> vector<16xi32>
    %broadcast_in_dim3A_890 = arith.constant true
    %broadcast_in_dim3A_891 = vector.broadcast %broadcast_in_dim3A_890 : i1 to vector<16xi1>
    %masked_cumsum3A_892 = tpu.scan <sum>, %rev3A_889 masked %broadcast_in_dim3A_891 : vector<16xi32>, vector<16xi1> -> vector<16xi32>
    %add3A_893 = vector.broadcast %add3A_844 : i32 to vector<16xi32>
    %add3A_894 = arith.addi %masked_cumsum3A_892, %add3A_893 : vector<16xi32>
    %ge3A_895 = vector.broadcast %sub3A_667 : i32 to vector<16xi32>
    %ge3A_896 = arith.cmpi sge, %add3A_894, %ge3A_895 : vector<16xi32>
    %select_n3A_897 = arith.select %ge3A_896, %broadcast_in_dim3A_0, %broadcast_in_dim3A_2 : vector<16xi1>, vector<16xi32>
    %reduce_sum3A_898 = arith.constant true
    %reduce_sum3A_899 = vector.broadcast %reduce_sum3A_898 : i1 to vector<16xi1>
    %reduce_sum3A_900 = tpu.scan <sum>, %select_n3A_897 masked %reduce_sum3A_899 : vector<16xi32>, vector<16xi1> -> vector<16xi32>
    %reduce_sum3A_901 = vector.extract %reduce_sum3A_900[15] : i32 from vector<16xi32>
    %add3A_902 = arith.addi %add3A_884, %reduce_sum3A_901 : i32
    %rev3A_903 = arith.constant 15 : i32
    %rev3A_904 = vector.broadcast %rev3A_903 : i32 to vector<16xi32>
    %rev3A_905 = tpu.iota {dimensions = array<i32: 0>} : vector<16xi32>
    %rev3A_906 = arith.subi %rev3A_904, %rev3A_905 : vector<16xi32>
    %rev3A_907 = tpu.dynamic_gather %get3A_742[%rev3A_906] in [0] : vector<16xi32>, vector<16xi32> -> vector<16xi32>
    %broadcast_in_dim3A_908 = arith.constant true
    %broadcast_in_dim3A_909 = vector.broadcast %broadcast_in_dim3A_908 : i1 to vector<16xi1>
    %masked_cumsum3A_910 = tpu.scan <sum>, %rev3A_907 masked %broadcast_in_dim3A_909 : vector<16xi32>, vector<16xi1> -> vector<16xi32>
    %add3A_911 = vector.broadcast %add3A_843 : i32 to vector<16xi32>
    %add3A_912 = arith.addi %masked_cumsum3A_910, %add3A_911 : vector<16xi32>
    %ge3A_913 = vector.broadcast %sub3A_667 : i32 to vector<16xi32>
    %ge3A_914 = arith.cmpi sge, %add3A_912, %ge3A_913 : vector<16xi32>
    %select_n3A_915 = arith.select %ge3A_914, %broadcast_in_dim3A_0, %broadcast_in_dim3A_2 : vector<16xi1>, vector<16xi32>
    %reduce_sum3A_916 = arith.constant true
    %reduce_sum3A_917 = vector.broadcast %reduce_sum3A_916 : i1 to vector<16xi1>
    %reduce_sum3A_918 = tpu.scan <sum>, %select_n3A_915 masked %reduce_sum3A_917 : vector<16xi32>, vector<16xi1> -> vector<16xi32>
    %reduce_sum3A_919 = vector.extract %reduce_sum3A_918[15] : i32 from vector<16xi32>
    %add3A_920 = arith.addi %add3A_902, %reduce_sum3A_919 : i32
    %rev3A_921 = arith.constant 15 : i32
    %rev3A_922 = vector.broadcast %rev3A_921 : i32 to vector<16xi32>
    %rev3A_923 = tpu.iota {dimensions = array<i32: 0>} : vector<16xi32>
    %rev3A_924 = arith.subi %rev3A_922, %rev3A_923 : vector<16xi32>
    %rev3A_925 = tpu.dynamic_gather %get3A_744[%rev3A_924] in [0] : vector<16xi32>, vector<16xi32> -> vector<16xi32>
    %broadcast_in_dim3A_926 = arith.constant true
    %broadcast_in_dim3A_927 = vector.broadcast %broadcast_in_dim3A_926 : i1 to vector<16xi1>
    %masked_cumsum3A_928 = tpu.scan <sum>, %rev3A_925 masked %broadcast_in_dim3A_927 : vector<16xi32>, vector<16xi1> -> vector<16xi32>
    %add3A_929 = vector.broadcast %add3A_842 : i32 to vector<16xi32>
    %add3A_930 = arith.addi %masked_cumsum3A_928, %add3A_929 : vector<16xi32>
    %ge3A_931 = vector.broadcast %sub3A_667 : i32 to vector<16xi32>
    %ge3A_932 = arith.cmpi sge, %add3A_930, %ge3A_931 : vector<16xi32>
    %select_n3A_933 = arith.select %ge3A_932, %broadcast_in_dim3A_0, %broadcast_in_dim3A_2 : vector<16xi1>, vector<16xi32>
    %reduce_sum3A_934 = arith.constant true
    %reduce_sum3A_935 = vector.broadcast %reduce_sum3A_934 : i1 to vector<16xi1>
    %reduce_sum3A_936 = tpu.scan <sum>, %select_n3A_933 masked %reduce_sum3A_935 : vector<16xi32>, vector<16xi1> -> vector<16xi32>
    %reduce_sum3A_937 = vector.extract %reduce_sum3A_936[15] : i32 from vector<16xi32>
    %add3A_938 = arith.addi %add3A_920, %reduce_sum3A_937 : i32
    %rev3A_939 = arith.constant 15 : i32
    %rev3A_940 = vector.broadcast %rev3A_939 : i32 to vector<16xi32>
    %rev3A_941 = tpu.iota {dimensions = array<i32: 0>} : vector<16xi32>
    %rev3A_942 = arith.subi %rev3A_940, %rev3A_941 : vector<16xi32>
    %rev3A_943 = tpu.dynamic_gather %get3A_746[%rev3A_942] in [0] : vector<16xi32>, vector<16xi32> -> vector<16xi32>
    %broadcast_in_dim3A_944 = arith.constant true
    %broadcast_in_dim3A_945 = vector.broadcast %broadcast_in_dim3A_944 : i1 to vector<16xi1>
    %masked_cumsum3A_946 = tpu.scan <sum>, %rev3A_943 masked %broadcast_in_dim3A_945 : vector<16xi32>, vector<16xi1> -> vector<16xi32>
    %add3A_947 = vector.broadcast %add3A_841 : i32 to vector<16xi32>
    %add3A_948 = arith.addi %masked_cumsum3A_946, %add3A_947 : vector<16xi32>
    %ge3A_949 = vector.broadcast %sub3A_667 : i32 to vector<16xi32>
    %ge3A_950 = arith.cmpi sge, %add3A_948, %ge3A_949 : vector<16xi32>
    %select_n3A_951 = arith.select %ge3A_950, %broadcast_in_dim3A_0, %broadcast_in_dim3A_2 : vector<16xi1>, vector<16xi32>
    %reduce_sum3A_952 = arith.constant true
    %reduce_sum3A_953 = vector.broadcast %reduce_sum3A_952 : i1 to vector<16xi1>
    %reduce_sum3A_954 = tpu.scan <sum>, %select_n3A_951 masked %reduce_sum3A_953 : vector<16xi32>, vector<16xi1> -> vector<16xi32>
    %reduce_sum3A_955 = vector.extract %reduce_sum3A_954[15] : i32 from vector<16xi32>
    %add3A_956 = arith.addi %add3A_938, %reduce_sum3A_955 : i32
    %rev3A_957 = arith.constant 15 : i32
    %rev3A_958 = vector.broadcast %rev3A_957 : i32 to vector<16xi32>
    %rev3A_959 = tpu.iota {dimensions = array<i32: 0>} : vector<16xi32>
    %rev3A_960 = arith.subi %rev3A_958, %rev3A_959 : vector<16xi32>
    %rev3A_961 = tpu.dynamic_gather %get3A_748[%rev3A_960] in [0] : vector<16xi32>, vector<16xi32> -> vector<16xi32>
    %broadcast_in_dim3A_962 = arith.constant true
    %broadcast_in_dim3A_963 = vector.broadcast %broadcast_in_dim3A_962 : i1 to vector<16xi1>
    %masked_cumsum3A_964 = tpu.scan <sum>, %rev3A_961 masked %broadcast_in_dim3A_963 : vector<16xi32>, vector<16xi1> -> vector<16xi32>
    %add3A_965 = vector.broadcast %add3A_840 : i32 to vector<16xi32>
    %add3A_966 = arith.addi %masked_cumsum3A_964, %add3A_965 : vector<16xi32>
    %ge3A_967 = vector.broadcast %sub3A_667 : i32 to vector<16xi32>
    %ge3A_968 = arith.cmpi sge, %add3A_966, %ge3A_967 : vector<16xi32>
    %select_n3A_969 = arith.select %ge3A_968, %broadcast_in_dim3A_0, %broadcast_in_dim3A_2 : vector<16xi1>, vector<16xi32>
    %reduce_sum3A_970 = arith.constant true
    %reduce_sum3A_971 = vector.broadcast %reduce_sum3A_970 : i1 to vector<16xi1>
    %reduce_sum3A_972 = tpu.scan <sum>, %select_n3A_969 masked %reduce_sum3A_971 : vector<16xi32>, vector<16xi1> -> vector<16xi32>
    %reduce_sum3A_973 = vector.extract %reduce_sum3A_972[15] : i32 from vector<16xi32>
    %add3A_974 = arith.addi %add3A_956, %reduce_sum3A_973 : i32
    %rev3A_975 = arith.constant 15 : i32
    %rev3A_976 = vector.broadcast %rev3A_975 : i32 to vector<16xi32>
    %rev3A_977 = tpu.iota {dimensions = array<i32: 0>} : vector<16xi32>
    %rev3A_978 = arith.subi %rev3A_976, %rev3A_977 : vector<16xi32>
    %rev3A_979 = tpu.dynamic_gather %get3A_750[%rev3A_978] in [0] : vector<16xi32>, vector<16xi32> -> vector<16xi32>
    %broadcast_in_dim3A_980 = arith.constant true
    %broadcast_in_dim3A_981 = vector.broadcast %broadcast_in_dim3A_980 : i1 to vector<16xi1>
    %masked_cumsum3A_982 = tpu.scan <sum>, %rev3A_979 masked %broadcast_in_dim3A_981 : vector<16xi32>, vector<16xi1> -> vector<16xi32>
    %add3A_983 = vector.broadcast %add3A_839 : i32 to vector<16xi32>
    %add3A_984 = arith.addi %masked_cumsum3A_982, %add3A_983 : vector<16xi32>
    %ge3A_985 = vector.broadcast %sub3A_667 : i32 to vector<16xi32>
    %ge3A_986 = arith.cmpi sge, %add3A_984, %ge3A_985 : vector<16xi32>
    %select_n3A_987 = arith.select %ge3A_986, %broadcast_in_dim3A_0, %broadcast_in_dim3A_2 : vector<16xi1>, vector<16xi32>
    %reduce_sum3A_988 = arith.constant true
    %reduce_sum3A_989 = vector.broadcast %reduce_sum3A_988 : i1 to vector<16xi1>
    %reduce_sum3A_990 = tpu.scan <sum>, %select_n3A_987 masked %reduce_sum3A_989 : vector<16xi32>, vector<16xi1> -> vector<16xi32>
    %reduce_sum3A_991 = vector.extract %reduce_sum3A_990[15] : i32 from vector<16xi32>
    %add3A_992 = arith.addi %add3A_974, %reduce_sum3A_991 : i32
    %rev3A_993 = arith.constant 15 : i32
    %rev3A_994 = vector.broadcast %rev3A_993 : i32 to vector<16xi32>
    %rev3A_995 = tpu.iota {dimensions = array<i32: 0>} : vector<16xi32>
    %rev3A_996 = arith.subi %rev3A_994, %rev3A_995 : vector<16xi32>
    %rev3A_997 = tpu.dynamic_gather %get3A_752[%rev3A_996] in [0] : vector<16xi32>, vector<16xi32> -> vector<16xi32>
    %broadcast_in_dim3A_998 = arith.constant true
    %broadcast_in_dim3A_999 = vector.broadcast %broadcast_in_dim3A_998 : i1 to vector<16xi1>
    %masked_cumsum3A_1000 = tpu.scan <sum>, %rev3A_997 masked %broadcast_in_dim3A_999 : vector<16xi32>, vector<16xi1> -> vector<16xi32>
    %add3A_1001 = vector.broadcast %add3A_838 : i32 to vector<16xi32>
    %add3A_1002 = arith.addi %masked_cumsum3A_1000, %add3A_1001 : vector<16xi32>
    %ge3A_1003 = vector.broadcast %sub3A_667 : i32 to vector<16xi32>
    %ge3A_1004 = arith.cmpi sge, %add3A_1002, %ge3A_1003 : vector<16xi32>
    %select_n3A_1005 = arith.select %ge3A_1004, %broadcast_in_dim3A_0, %broadcast_in_dim3A_2 : vector<16xi1>, vector<16xi32>
    %reduce_sum3A_1006 = arith.constant true
    %reduce_sum3A_1007 = vector.broadcast %reduce_sum3A_1006 : i1 to vector<16xi1>
    %reduce_sum3A_1008 = tpu.scan <sum>, %select_n3A_1005 masked %reduce_sum3A_1007 : vector<16xi32>, vector<16xi1> -> vector<16xi32>
    %reduce_sum3A_1009 = vector.extract %reduce_sum3A_1008[15] : i32 from vector<16xi32>
    %add3A_1010 = arith.addi %add3A_992, %reduce_sum3A_1009 : i32
    %rev3A_1011 = arith.constant 15 : i32
    %rev3A_1012 = vector.broadcast %rev3A_1011 : i32 to vector<16xi32>
    %rev3A_1013 = tpu.iota {dimensions = array<i32: 0>} : vector<16xi32>
    %rev3A_1014 = arith.subi %rev3A_1012, %rev3A_1013 : vector<16xi32>
    %rev3A_1015 = tpu.dynamic_gather %get3A_754[%rev3A_1014] in [0] : vector<16xi32>, vector<16xi32> -> vector<16xi32>
    %broadcast_in_dim3A_1016 = arith.constant true
    %broadcast_in_dim3A_1017 = vector.broadcast %broadcast_in_dim3A_1016 : i1 to vector<16xi1>
    %masked_cumsum3A_1018 = tpu.scan <sum>, %rev3A_1015 masked %broadcast_in_dim3A_1017 : vector<16xi32>, vector<16xi1> -> vector<16xi32>
    %add3A_1019 = vector.broadcast %add3A_837 : i32 to vector<16xi32>
    %add3A_1020 = arith.addi %masked_cumsum3A_1018, %add3A_1019 : vector<16xi32>
    %ge3A_1021 = vector.broadcast %sub3A_667 : i32 to vector<16xi32>
    %ge3A_1022 = arith.cmpi sge, %add3A_1020, %ge3A_1021 : vector<16xi32>
    %select_n3A_1023 = arith.select %ge3A_1022, %broadcast_in_dim3A_0, %broadcast_in_dim3A_2 : vector<16xi1>, vector<16xi32>
    %reduce_sum3A_1024 = arith.constant true
    %reduce_sum3A_1025 = vector.broadcast %reduce_sum3A_1024 : i1 to vector<16xi1>
    %reduce_sum3A_1026 = tpu.scan <sum>, %select_n3A_1023 masked %reduce_sum3A_1025 : vector<16xi32>, vector<16xi1> -> vector<16xi32>
    %reduce_sum3A_1027 = vector.extract %reduce_sum3A_1026[15] : i32 from vector<16xi32>
    %add3A_1028 = arith.addi %add3A_1010, %reduce_sum3A_1027 : i32
    %rev3A_1029 = arith.constant 15 : i32
    %rev3A_1030 = vector.broadcast %rev3A_1029 : i32 to vector<16xi32>
    %rev3A_1031 = tpu.iota {dimensions = array<i32: 0>} : vector<16xi32>
    %rev3A_1032 = arith.subi %rev3A_1030, %rev3A_1031 : vector<16xi32>
    %rev3A_1033 = tpu.dynamic_gather %get3A_756[%rev3A_1032] in [0] : vector<16xi32>, vector<16xi32> -> vector<16xi32>
    %broadcast_in_dim3A_1034 = arith.constant true
    %broadcast_in_dim3A_1035 = vector.broadcast %broadcast_in_dim3A_1034 : i1 to vector<16xi1>
    %masked_cumsum3A_1036 = tpu.scan <sum>, %rev3A_1033 masked %broadcast_in_dim3A_1035 : vector<16xi32>, vector<16xi1> -> vector<16xi32>
    %add3A_1037 = vector.broadcast %add3A_836 : i32 to vector<16xi32>
    %add3A_1038 = arith.addi %masked_cumsum3A_1036, %add3A_1037 : vector<16xi32>
    %ge3A_1039 = vector.broadcast %sub3A_667 : i32 to vector<16xi32>
    %ge3A_1040 = arith.cmpi sge, %add3A_1038, %ge3A_1039 : vector<16xi32>
    %select_n3A_1041 = arith.select %ge3A_1040, %broadcast_in_dim3A_0, %broadcast_in_dim3A_2 : vector<16xi1>, vector<16xi32>
    %reduce_sum3A_1042 = arith.constant true
    %reduce_sum3A_1043 = vector.broadcast %reduce_sum3A_1042 : i1 to vector<16xi1>
    %reduce_sum3A_1044 = tpu.scan <sum>, %select_n3A_1041 masked %reduce_sum3A_1043 : vector<16xi32>, vector<16xi1> -> vector<16xi32>
    %reduce_sum3A_1045 = vector.extract %reduce_sum3A_1044[15] : i32 from vector<16xi32>
    %add3A_1046 = arith.addi %add3A_1028, %reduce_sum3A_1045 : i32
    %rev3A_1047 = arith.constant 15 : i32
    %rev3A_1048 = vector.broadcast %rev3A_1047 : i32 to vector<16xi32>
    %rev3A_1049 = tpu.iota {dimensions = array<i32: 0>} : vector<16xi32>
    %rev3A_1050 = arith.subi %rev3A_1048, %rev3A_1049 : vector<16xi32>
    %rev3A_1051 = tpu.dynamic_gather %get3A_758[%rev3A_1050] in [0] : vector<16xi32>, vector<16xi32> -> vector<16xi32>
    %broadcast_in_dim3A_1052 = arith.constant true
    %broadcast_in_dim3A_1053 = vector.broadcast %broadcast_in_dim3A_1052 : i1 to vector<16xi1>
    %masked_cumsum3A_1054 = tpu.scan <sum>, %rev3A_1051 masked %broadcast_in_dim3A_1053 : vector<16xi32>, vector<16xi1> -> vector<16xi32>
    %add3A_1055 = vector.broadcast %add3A_835 : i32 to vector<16xi32>
    %add3A_1056 = arith.addi %masked_cumsum3A_1054, %add3A_1055 : vector<16xi32>
    %ge3A_1057 = vector.broadcast %sub3A_667 : i32 to vector<16xi32>
    %ge3A_1058 = arith.cmpi sge, %add3A_1056, %ge3A_1057 : vector<16xi32>
    %select_n3A_1059 = arith.select %ge3A_1058, %broadcast_in_dim3A_0, %broadcast_in_dim3A_2 : vector<16xi1>, vector<16xi32>
    %reduce_sum3A_1060 = arith.constant true
    %reduce_sum3A_1061 = vector.broadcast %reduce_sum3A_1060 : i1 to vector<16xi1>
    %reduce_sum3A_1062 = tpu.scan <sum>, %select_n3A_1059 masked %reduce_sum3A_1061 : vector<16xi32>, vector<16xi1> -> vector<16xi32>
    %reduce_sum3A_1063 = vector.extract %reduce_sum3A_1062[15] : i32 from vector<16xi32>
    %add3A_1064 = arith.addi %add3A_1046, %reduce_sum3A_1063 : i32
    %rev3A_1065 = arith.constant 15 : i32
    %rev3A_1066 = vector.broadcast %rev3A_1065 : i32 to vector<16xi32>
    %rev3A_1067 = tpu.iota {dimensions = array<i32: 0>} : vector<16xi32>
    %rev3A_1068 = arith.subi %rev3A_1066, %rev3A_1067 : vector<16xi32>
    %rev3A_1069 = tpu.dynamic_gather %get3A_760[%rev3A_1068] in [0] : vector<16xi32>, vector<16xi32> -> vector<16xi32>
    %broadcast_in_dim3A_1070 = arith.constant true
    %broadcast_in_dim3A_1071 = vector.broadcast %broadcast_in_dim3A_1070 : i1 to vector<16xi1>
    %masked_cumsum3A_1072 = tpu.scan <sum>, %rev3A_1069 masked %broadcast_in_dim3A_1071 : vector<16xi32>, vector<16xi1> -> vector<16xi32>
    %add3A_1073 = vector.broadcast %add3A_834 : i32 to vector<16xi32>
    %add3A_1074 = arith.addi %masked_cumsum3A_1072, %add3A_1073 : vector<16xi32>
    %ge3A_1075 = vector.broadcast %sub3A_667 : i32 to vector<16xi32>
    %ge3A_1076 = arith.cmpi sge, %add3A_1074, %ge3A_1075 : vector<16xi32>
    %select_n3A_1077 = arith.select %ge3A_1076, %broadcast_in_dim3A_0, %broadcast_in_dim3A_2 : vector<16xi1>, vector<16xi32>
    %reduce_sum3A_1078 = arith.constant true
    %reduce_sum3A_1079 = vector.broadcast %reduce_sum3A_1078 : i1 to vector<16xi1>
    %reduce_sum3A_1080 = tpu.scan <sum>, %select_n3A_1077 masked %reduce_sum3A_1079 : vector<16xi32>, vector<16xi1> -> vector<16xi32>
    %reduce_sum3A_1081 = vector.extract %reduce_sum3A_1080[15] : i32 from vector<16xi32>
    %add3A_1082 = arith.addi %add3A_1064, %reduce_sum3A_1081 : i32
    %rev3A_1083 = arith.constant 15 : i32
    %rev3A_1084 = vector.broadcast %rev3A_1083 : i32 to vector<16xi32>
    %rev3A_1085 = tpu.iota {dimensions = array<i32: 0>} : vector<16xi32>
    %rev3A_1086 = arith.subi %rev3A_1084, %rev3A_1085 : vector<16xi32>
    %rev3A_1087 = tpu.dynamic_gather %get3A_762[%rev3A_1086] in [0] : vector<16xi32>, vector<16xi32> -> vector<16xi32>
    %broadcast_in_dim3A_1088 = arith.constant true
    %broadcast_in_dim3A_1089 = vector.broadcast %broadcast_in_dim3A_1088 : i1 to vector<16xi1>
    %masked_cumsum3A_1090 = tpu.scan <sum>, %rev3A_1087 masked %broadcast_in_dim3A_1089 : vector<16xi32>, vector<16xi1> -> vector<16xi32>
    %add3A_1091 = vector.broadcast %add3A_833 : i32 to vector<16xi32>
    %add3A_1092 = arith.addi %masked_cumsum3A_1090, %add3A_1091 : vector<16xi32>
    %ge3A_1093 = vector.broadcast %sub3A_667 : i32 to vector<16xi32>
    %ge3A_1094 = arith.cmpi sge, %add3A_1092, %ge3A_1093 : vector<16xi32>
    %select_n3A_1095 = arith.select %ge3A_1094, %broadcast_in_dim3A_0, %broadcast_in_dim3A_2 : vector<16xi1>, vector<16xi32>
    %reduce_sum3A_1096 = arith.constant true
    %reduce_sum3A_1097 = vector.broadcast %reduce_sum3A_1096 : i1 to vector<16xi1>
    %reduce_sum3A_1098 = tpu.scan <sum>, %select_n3A_1095 masked %reduce_sum3A_1097 : vector<16xi32>, vector<16xi1> -> vector<16xi32>
    %reduce_sum3A_1099 = vector.extract %reduce_sum3A_1098[15] : i32 from vector<16xi32>
    %add3A_1100 = arith.addi %add3A_1082, %reduce_sum3A_1099 : i32
    %rev3A_1101 = arith.constant 15 : i32
    %rev3A_1102 = vector.broadcast %rev3A_1101 : i32 to vector<16xi32>
    %rev3A_1103 = tpu.iota {dimensions = array<i32: 0>} : vector<16xi32>
    %rev3A_1104 = arith.subi %rev3A_1102, %rev3A_1103 : vector<16xi32>
    %rev3A_1105 = tpu.dynamic_gather %get3A_764[%rev3A_1104] in [0] : vector<16xi32>, vector<16xi32> -> vector<16xi32>
    %broadcast_in_dim3A_1106 = arith.constant true
    %broadcast_in_dim3A_1107 = vector.broadcast %broadcast_in_dim3A_1106 : i1 to vector<16xi1>
    %masked_cumsum3A_1108 = tpu.scan <sum>, %rev3A_1105 masked %broadcast_in_dim3A_1107 : vector<16xi32>, vector<16xi1> -> vector<16xi32>
    %add3A_1109 = vector.broadcast %add3A_832 : i32 to vector<16xi32>
    %add3A_1110 = arith.addi %masked_cumsum3A_1108, %add3A_1109 : vector<16xi32>
    %ge3A_1111 = vector.broadcast %sub3A_667 : i32 to vector<16xi32>
    %ge3A_1112 = arith.cmpi sge, %add3A_1110, %ge3A_1111 : vector<16xi32>
    %select_n3A_1113 = arith.select %ge3A_1112, %broadcast_in_dim3A_0, %broadcast_in_dim3A_2 : vector<16xi1>, vector<16xi32>
    %reduce_sum3A_1114 = arith.constant true
    %reduce_sum3A_1115 = vector.broadcast %reduce_sum3A_1114 : i1 to vector<16xi1>
    %reduce_sum3A_1116 = tpu.scan <sum>, %select_n3A_1113 masked %reduce_sum3A_1115 : vector<16xi32>, vector<16xi1> -> vector<16xi32>
    %reduce_sum3A_1117 = vector.extract %reduce_sum3A_1116[15] : i32 from vector<16xi32>
    %add3A_1118 = arith.addi %add3A_1100, %reduce_sum3A_1117 : i32
    %rev3A_1119 = arith.constant 15 : i32
    %rev3A_1120 = vector.broadcast %rev3A_1119 : i32 to vector<16xi32>
    %rev3A_1121 = tpu.iota {dimensions = array<i32: 0>} : vector<16xi32>
    %rev3A_1122 = arith.subi %rev3A_1120, %rev3A_1121 : vector<16xi32>
    %rev3A_1123 = tpu.dynamic_gather %get3A_766[%rev3A_1122] in [0] : vector<16xi32>, vector<16xi32> -> vector<16xi32>
    %broadcast_in_dim3A_1124 = arith.constant true
    %broadcast_in_dim3A_1125 = vector.broadcast %broadcast_in_dim3A_1124 : i1 to vector<16xi1>
    %masked_cumsum3A_1126 = tpu.scan <sum>, %rev3A_1123 masked %broadcast_in_dim3A_1125 : vector<16xi32>, vector<16xi1> -> vector<16xi32>
    %add3A_1127 = arith.constant 0 : i32
    %add3A_1128 = vector.broadcast %add3A_1127 : i32 to vector<16xi32>
    %add3A_1129 = arith.addi %masked_cumsum3A_1126, %add3A_1128 : vector<16xi32>
    %ge3A_1130 = vector.broadcast %sub3A_667 : i32 to vector<16xi32>
    %ge3A_1131 = arith.cmpi sge, %add3A_1129, %ge3A_1130 : vector<16xi32>
    %select_n3A_1132 = arith.select %ge3A_1131, %broadcast_in_dim3A_0, %broadcast_in_dim3A_2 : vector<16xi1>, vector<16xi32>
    %reduce_sum3A_1133 = arith.constant true
    %reduce_sum3A_1134 = vector.broadcast %reduce_sum3A_1133 : i1 to vector<16xi1>
    %reduce_sum3A_1135 = tpu.scan <sum>, %select_n3A_1132 masked %reduce_sum3A_1134 : vector<16xi32>, vector<16xi1> -> vector<16xi32>
    %reduce_sum3A_1136 = vector.extract %reduce_sum3A_1135[15] : i32 from vector<16xi32>
    %add3A_1137 = arith.addi %add3A_1118, %reduce_sum3A_1136 : i32
    %sub3A_1138 = arith.constant 1 : i32
    %sub3A_1139 = arith.subi %add3A_1137, %sub3A_1138 : i32
    %add3A_1140 = arith.constant 0 : i32
    %add3A_1141 = vector.broadcast %add3A_1140 : i32 to vector<16xi32>
    %add3A_1142 = arith.addi %add3A_1141, %iota3A : vector<16xi32>
    %gt3A_1143 = vector.broadcast %sub3A_1139 : i32 to vector<16xi32>
    %gt3A_1144 = arith.cmpi sgt, %add3A_1142, %gt3A_1143 : vector<16xi32>
    %select_n3A_1145 = arith.select %gt3A_1144, %get3A_736, %broadcast_in_dim3A_2 : vector<16xi1>, vector<16xi32>
    %reduce_sum3A_1146 = arith.constant true
    %reduce_sum3A_1147 = vector.broadcast %reduce_sum3A_1146 : i1 to vector<16xi1>
    %reduce_sum3A_1148 = tpu.scan <sum>, %select_n3A_1145 masked %reduce_sum3A_1147 : vector<16xi32>, vector<16xi1> -> vector<16xi32>
    %reduce_sum3A_1149 = vector.extract %reduce_sum3A_1148[15] : i32 from vector<16xi32>
    %add3A_1150 = arith.constant 0 : i32
    %add3A_1151 = arith.addi %add3A_1150, %reduce_sum3A_1149 : i32
    %add3A_1152 = arith.constant 16 : i32
    %add3A_1153 = vector.broadcast %add3A_1152 : i32 to vector<16xi32>
    %add3A_1154 = arith.addi %add3A_1153, %iota3A : vector<16xi32>
    %gt3A_1155 = vector.broadcast %sub3A_1139 : i32 to vector<16xi32>
    %gt3A_1156 = arith.cmpi sgt, %add3A_1154, %gt3A_1155 : vector<16xi32>
    %select_n3A_1157 = arith.select %gt3A_1156, %get3A_738, %broadcast_in_dim3A_2 : vector<16xi1>, vector<16xi32>
    %reduce_sum3A_1158 = arith.constant true
    %reduce_sum3A_1159 = vector.broadcast %reduce_sum3A_1158 : i1 to vector<16xi1>
    %reduce_sum3A_1160 = tpu.scan <sum>, %select_n3A_1157 masked %reduce_sum3A_1159 : vector<16xi32>, vector<16xi1> -> vector<16xi32>
    %reduce_sum3A_1161 = vector.extract %reduce_sum3A_1160[15] : i32 from vector<16xi32>
    %add3A_1162 = arith.addi %add3A_1151, %reduce_sum3A_1161 : i32
    %add3A_1163 = arith.constant 32 : i32
    %add3A_1164 = vector.broadcast %add3A_1163 : i32 to vector<16xi32>
    %add3A_1165 = arith.addi %add3A_1164, %iota3A : vector<16xi32>
    %gt3A_1166 = vector.broadcast %sub3A_1139 : i32 to vector<16xi32>
    %gt3A_1167 = arith.cmpi sgt, %add3A_1165, %gt3A_1166 : vector<16xi32>
    %select_n3A_1168 = arith.select %gt3A_1167, %get3A_740, %broadcast_in_dim3A_2 : vector<16xi1>, vector<16xi32>
    %reduce_sum3A_1169 = arith.constant true
    %reduce_sum3A_1170 = vector.broadcast %reduce_sum3A_1169 : i1 to vector<16xi1>
    %reduce_sum3A_1171 = tpu.scan <sum>, %select_n3A_1168 masked %reduce_sum3A_1170 : vector<16xi32>, vector<16xi1> -> vector<16xi32>
    %reduce_sum3A_1172 = vector.extract %reduce_sum3A_1171[15] : i32 from vector<16xi32>
    %add3A_1173 = arith.addi %add3A_1162, %reduce_sum3A_1172 : i32
    %add3A_1174 = arith.constant 48 : i32
    %add3A_1175 = vector.broadcast %add3A_1174 : i32 to vector<16xi32>
    %add3A_1176 = arith.addi %add3A_1175, %iota3A : vector<16xi32>
    %gt3A_1177 = vector.broadcast %sub3A_1139 : i32 to vector<16xi32>
    %gt3A_1178 = arith.cmpi sgt, %add3A_1176, %gt3A_1177 : vector<16xi32>
    %select_n3A_1179 = arith.select %gt3A_1178, %get3A_742, %broadcast_in_dim3A_2 : vector<16xi1>, vector<16xi32>
    %reduce_sum3A_1180 = arith.constant true
    %reduce_sum3A_1181 = vector.broadcast %reduce_sum3A_1180 : i1 to vector<16xi1>
    %reduce_sum3A_1182 = tpu.scan <sum>, %select_n3A_1179 masked %reduce_sum3A_1181 : vector<16xi32>, vector<16xi1> -> vector<16xi32>
    %reduce_sum3A_1183 = vector.extract %reduce_sum3A_1182[15] : i32 from vector<16xi32>
    %add3A_1184 = arith.addi %add3A_1173, %reduce_sum3A_1183 : i32
    %add3A_1185 = arith.constant 64 : i32
    %add3A_1186 = vector.broadcast %add3A_1185 : i32 to vector<16xi32>
    %add3A_1187 = arith.addi %add3A_1186, %iota3A : vector<16xi32>
    %gt3A_1188 = vector.broadcast %sub3A_1139 : i32 to vector<16xi32>
    %gt3A_1189 = arith.cmpi sgt, %add3A_1187, %gt3A_1188 : vector<16xi32>
    %select_n3A_1190 = arith.select %gt3A_1189, %get3A_744, %broadcast_in_dim3A_2 : vector<16xi1>, vector<16xi32>
    %reduce_sum3A_1191 = arith.constant true
    %reduce_sum3A_1192 = vector.broadcast %reduce_sum3A_1191 : i1 to vector<16xi1>
    %reduce_sum3A_1193 = tpu.scan <sum>, %select_n3A_1190 masked %reduce_sum3A_1192 : vector<16xi32>, vector<16xi1> -> vector<16xi32>
    %reduce_sum3A_1194 = vector.extract %reduce_sum3A_1193[15] : i32 from vector<16xi32>
    %add3A_1195 = arith.addi %add3A_1184, %reduce_sum3A_1194 : i32
    %add3A_1196 = arith.constant 80 : i32
    %add3A_1197 = vector.broadcast %add3A_1196 : i32 to vector<16xi32>
    %add3A_1198 = arith.addi %add3A_1197, %iota3A : vector<16xi32>
    %gt3A_1199 = vector.broadcast %sub3A_1139 : i32 to vector<16xi32>
    %gt3A_1200 = arith.cmpi sgt, %add3A_1198, %gt3A_1199 : vector<16xi32>
    %select_n3A_1201 = arith.select %gt3A_1200, %get3A_746, %broadcast_in_dim3A_2 : vector<16xi1>, vector<16xi32>
    %reduce_sum3A_1202 = arith.constant true
    %reduce_sum3A_1203 = vector.broadcast %reduce_sum3A_1202 : i1 to vector<16xi1>
    %reduce_sum3A_1204 = tpu.scan <sum>, %select_n3A_1201 masked %reduce_sum3A_1203 : vector<16xi32>, vector<16xi1> -> vector<16xi32>
    %reduce_sum3A_1205 = vector.extract %reduce_sum3A_1204[15] : i32 from vector<16xi32>
    %add3A_1206 = arith.addi %add3A_1195, %reduce_sum3A_1205 : i32
    %add3A_1207 = arith.constant 96 : i32
    %add3A_1208 = vector.broadcast %add3A_1207 : i32 to vector<16xi32>
    %add3A_1209 = arith.addi %add3A_1208, %iota3A : vector<16xi32>
    %gt3A_1210 = vector.broadcast %sub3A_1139 : i32 to vector<16xi32>
    %gt3A_1211 = arith.cmpi sgt, %add3A_1209, %gt3A_1210 : vector<16xi32>
    %select_n3A_1212 = arith.select %gt3A_1211, %get3A_748, %broadcast_in_dim3A_2 : vector<16xi1>, vector<16xi32>
    %reduce_sum3A_1213 = arith.constant true
    %reduce_sum3A_1214 = vector.broadcast %reduce_sum3A_1213 : i1 to vector<16xi1>
    %reduce_sum3A_1215 = tpu.scan <sum>, %select_n3A_1212 masked %reduce_sum3A_1214 : vector<16xi32>, vector<16xi1> -> vector<16xi32>
    %reduce_sum3A_1216 = vector.extract %reduce_sum3A_1215[15] : i32 from vector<16xi32>
    %add3A_1217 = arith.addi %add3A_1206, %reduce_sum3A_1216 : i32
    %add3A_1218 = arith.constant 112 : i32
    %add3A_1219 = vector.broadcast %add3A_1218 : i32 to vector<16xi32>
    %add3A_1220 = arith.addi %add3A_1219, %iota3A : vector<16xi32>
    %gt3A_1221 = vector.broadcast %sub3A_1139 : i32 to vector<16xi32>
    %gt3A_1222 = arith.cmpi sgt, %add3A_1220, %gt3A_1221 : vector<16xi32>
    %select_n3A_1223 = arith.select %gt3A_1222, %get3A_750, %broadcast_in_dim3A_2 : vector<16xi1>, vector<16xi32>
    %reduce_sum3A_1224 = arith.constant true
    %reduce_sum3A_1225 = vector.broadcast %reduce_sum3A_1224 : i1 to vector<16xi1>
    %reduce_sum3A_1226 = tpu.scan <sum>, %select_n3A_1223 masked %reduce_sum3A_1225 : vector<16xi32>, vector<16xi1> -> vector<16xi32>
    %reduce_sum3A_1227 = vector.extract %reduce_sum3A_1226[15] : i32 from vector<16xi32>
    %add3A_1228 = arith.addi %add3A_1217, %reduce_sum3A_1227 : i32
    %add3A_1229 = arith.constant 128 : i32
    %add3A_1230 = vector.broadcast %add3A_1229 : i32 to vector<16xi32>
    %add3A_1231 = arith.addi %add3A_1230, %iota3A : vector<16xi32>
    %gt3A_1232 = vector.broadcast %sub3A_1139 : i32 to vector<16xi32>
    %gt3A_1233 = arith.cmpi sgt, %add3A_1231, %gt3A_1232 : vector<16xi32>
    %select_n3A_1234 = arith.select %gt3A_1233, %get3A_752, %broadcast_in_dim3A_2 : vector<16xi1>, vector<16xi32>
    %reduce_sum3A_1235 = arith.constant true
    %reduce_sum3A_1236 = vector.broadcast %reduce_sum3A_1235 : i1 to vector<16xi1>
    %reduce_sum3A_1237 = tpu.scan <sum>, %select_n3A_1234 masked %reduce_sum3A_1236 : vector<16xi32>, vector<16xi1> -> vector<16xi32>
    %reduce_sum3A_1238 = vector.extract %reduce_sum3A_1237[15] : i32 from vector<16xi32>
    %add3A_1239 = arith.addi %add3A_1228, %reduce_sum3A_1238 : i32
    %add3A_1240 = arith.constant 144 : i32
    %add3A_1241 = vector.broadcast %add3A_1240 : i32 to vector<16xi32>
    %add3A_1242 = arith.addi %add3A_1241, %iota3A : vector<16xi32>
    %gt3A_1243 = vector.broadcast %sub3A_1139 : i32 to vector<16xi32>
    %gt3A_1244 = arith.cmpi sgt, %add3A_1242, %gt3A_1243 : vector<16xi32>
    %select_n3A_1245 = arith.select %gt3A_1244, %get3A_754, %broadcast_in_dim3A_2 : vector<16xi1>, vector<16xi32>
    %reduce_sum3A_1246 = arith.constant true
    %reduce_sum3A_1247 = vector.broadcast %reduce_sum3A_1246 : i1 to vector<16xi1>
    %reduce_sum3A_1248 = tpu.scan <sum>, %select_n3A_1245 masked %reduce_sum3A_1247 : vector<16xi32>, vector<16xi1> -> vector<16xi32>
    %reduce_sum3A_1249 = vector.extract %reduce_sum3A_1248[15] : i32 from vector<16xi32>
    %add3A_1250 = arith.addi %add3A_1239, %reduce_sum3A_1249 : i32
    %add3A_1251 = arith.constant 160 : i32
    %add3A_1252 = vector.broadcast %add3A_1251 : i32 to vector<16xi32>
    %add3A_1253 = arith.addi %add3A_1252, %iota3A : vector<16xi32>
    %gt3A_1254 = vector.broadcast %sub3A_1139 : i32 to vector<16xi32>
    %gt3A_1255 = arith.cmpi sgt, %add3A_1253, %gt3A_1254 : vector<16xi32>
    %select_n3A_1256 = arith.select %gt3A_1255, %get3A_756, %broadcast_in_dim3A_2 : vector<16xi1>, vector<16xi32>
    %reduce_sum3A_1257 = arith.constant true
    %reduce_sum3A_1258 = vector.broadcast %reduce_sum3A_1257 : i1 to vector<16xi1>
    %reduce_sum3A_1259 = tpu.scan <sum>, %select_n3A_1256 masked %reduce_sum3A_1258 : vector<16xi32>, vector<16xi1> -> vector<16xi32>
    %reduce_sum3A_1260 = vector.extract %reduce_sum3A_1259[15] : i32 from vector<16xi32>
    %add3A_1261 = arith.addi %add3A_1250, %reduce_sum3A_1260 : i32
    %add3A_1262 = arith.constant 176 : i32
    %add3A_1263 = vector.broadcast %add3A_1262 : i32 to vector<16xi32>
    %add3A_1264 = arith.addi %add3A_1263, %iota3A : vector<16xi32>
    %gt3A_1265 = vector.broadcast %sub3A_1139 : i32 to vector<16xi32>
    %gt3A_1266 = arith.cmpi sgt, %add3A_1264, %gt3A_1265 : vector<16xi32>
    %select_n3A_1267 = arith.select %gt3A_1266, %get3A_758, %broadcast_in_dim3A_2 : vector<16xi1>, vector<16xi32>
    %reduce_sum3A_1268 = arith.constant true
    %reduce_sum3A_1269 = vector.broadcast %reduce_sum3A_1268 : i1 to vector<16xi1>
    %reduce_sum3A_1270 = tpu.scan <sum>, %select_n3A_1267 masked %reduce_sum3A_1269 : vector<16xi32>, vector<16xi1> -> vector<16xi32>
    %reduce_sum3A_1271 = vector.extract %reduce_sum3A_1270[15] : i32 from vector<16xi32>
    %add3A_1272 = arith.addi %add3A_1261, %reduce_sum3A_1271 : i32
    %add3A_1273 = arith.constant 192 : i32
    %add3A_1274 = vector.broadcast %add3A_1273 : i32 to vector<16xi32>
    %add3A_1275 = arith.addi %add3A_1274, %iota3A : vector<16xi32>
    %gt3A_1276 = vector.broadcast %sub3A_1139 : i32 to vector<16xi32>
    %gt3A_1277 = arith.cmpi sgt, %add3A_1275, %gt3A_1276 : vector<16xi32>
    %select_n3A_1278 = arith.select %gt3A_1277, %get3A_760, %broadcast_in_dim3A_2 : vector<16xi1>, vector<16xi32>
    %reduce_sum3A_1279 = arith.constant true
    %reduce_sum3A_1280 = vector.broadcast %reduce_sum3A_1279 : i1 to vector<16xi1>
    %reduce_sum3A_1281 = tpu.scan <sum>, %select_n3A_1278 masked %reduce_sum3A_1280 : vector<16xi32>, vector<16xi1> -> vector<16xi32>
    %reduce_sum3A_1282 = vector.extract %reduce_sum3A_1281[15] : i32 from vector<16xi32>
    %add3A_1283 = arith.addi %add3A_1272, %reduce_sum3A_1282 : i32
    %add3A_1284 = arith.constant 208 : i32
    %add3A_1285 = vector.broadcast %add3A_1284 : i32 to vector<16xi32>
    %add3A_1286 = arith.addi %add3A_1285, %iota3A : vector<16xi32>
    %gt3A_1287 = vector.broadcast %sub3A_1139 : i32 to vector<16xi32>
    %gt3A_1288 = arith.cmpi sgt, %add3A_1286, %gt3A_1287 : vector<16xi32>
    %select_n3A_1289 = arith.select %gt3A_1288, %get3A_762, %broadcast_in_dim3A_2 : vector<16xi1>, vector<16xi32>
    %reduce_sum3A_1290 = arith.constant true
    %reduce_sum3A_1291 = vector.broadcast %reduce_sum3A_1290 : i1 to vector<16xi1>
    %reduce_sum3A_1292 = tpu.scan <sum>, %select_n3A_1289 masked %reduce_sum3A_1291 : vector<16xi32>, vector<16xi1> -> vector<16xi32>
    %reduce_sum3A_1293 = vector.extract %reduce_sum3A_1292[15] : i32 from vector<16xi32>
    %add3A_1294 = arith.addi %add3A_1283, %reduce_sum3A_1293 : i32
    %add3A_1295 = arith.constant 224 : i32
    %add3A_1296 = vector.broadcast %add3A_1295 : i32 to vector<16xi32>
    %add3A_1297 = arith.addi %add3A_1296, %iota3A : vector<16xi32>
    %gt3A_1298 = vector.broadcast %sub3A_1139 : i32 to vector<16xi32>
    %gt3A_1299 = arith.cmpi sgt, %add3A_1297, %gt3A_1298 : vector<16xi32>
    %select_n3A_1300 = arith.select %gt3A_1299, %get3A_764, %broadcast_in_dim3A_2 : vector<16xi1>, vector<16xi32>
    %reduce_sum3A_1301 = arith.constant true
    %reduce_sum3A_1302 = vector.broadcast %reduce_sum3A_1301 : i1 to vector<16xi1>
    %reduce_sum3A_1303 = tpu.scan <sum>, %select_n3A_1300 masked %reduce_sum3A_1302 : vector<16xi32>, vector<16xi1> -> vector<16xi32>
    %reduce_sum3A_1304 = vector.extract %reduce_sum3A_1303[15] : i32 from vector<16xi32>
    %add3A_1305 = arith.addi %add3A_1294, %reduce_sum3A_1304 : i32
    %add3A_1306 = arith.constant 240 : i32
    %add3A_1307 = vector.broadcast %add3A_1306 : i32 to vector<16xi32>
    %add3A_1308 = arith.addi %add3A_1307, %iota3A : vector<16xi32>
    %gt3A_1309 = vector.broadcast %sub3A_1139 : i32 to vector<16xi32>
    %gt3A_1310 = arith.cmpi sgt, %add3A_1308, %gt3A_1309 : vector<16xi32>
    %select_n3A_1311 = arith.select %gt3A_1310, %get3A_766, %broadcast_in_dim3A_2 : vector<16xi1>, vector<16xi32>
    %reduce_sum3A_1312 = arith.constant true
    %reduce_sum3A_1313 = vector.broadcast %reduce_sum3A_1312 : i1 to vector<16xi1>
    %reduce_sum3A_1314 = tpu.scan <sum>, %select_n3A_1311 masked %reduce_sum3A_1313 : vector<16xi32>, vector<16xi1> -> vector<16xi32>
    %reduce_sum3A_1315 = vector.extract %reduce_sum3A_1314[15] : i32 from vector<16xi32>
    %add3A_1316 = arith.addi %add3A_1305, %reduce_sum3A_1315 : i32
    %sub3A_1317 = arith.subi %sub3A_667, %add3A_1316 : i32
    %shift_left3A_1318 = arith.constant 8 : i32
    %shift_left3A_1319 = arith.shli %or3A, %shift_left3A_1318 : i32
    %or3A_1320 = arith.ori %shift_left3A_1319, %sub3A_1139 : i32
    %scan3A_1321 = arith.constant 0 : i32
    %scan3A_1322 = arith.constant 0 : i32
    %scan3A_1323 = arith.constant 256 : i32
    %scan3A_1324 = arith.addi %scan3A_1322, %scan3A_1323 : i32
    %scan3A_1325 = arith.constant 1 : i32
    %scan3A_1326 = scf.for %scan3A_2632 = %scan3A_1322 to %scan3A_1324 step %scan3A_1325 iter_args(%scan3A_2633 = %scan3A_1321) -> (i32)  : i32 {
      %mul3A_2634 = arith.constant 16 : i32
      %mul3A_2635 = arith.muli %scan3A_2632, %mul3A_2634 : i32
      %swap3A_2636 = arith.index_cast %mul3A_2635 : i32 to index
      %swap3A_2637 = tpu.vector_load %arg6[%swap3A_2636] {strides = array<i32>} : memref<4096xi32, #tpu.memory_space<vmem>>, vector<16xi32>,
      tpu.vector_store %arg6[%swap3A_2636], %broadcast_in_dim3A_2 {strides = array<i32>} : memref<4096xi32, #tpu.memory_space<vmem>>, vector<16xi32>,
      %scan3A_2638 = arith.constant 0 : i32
      scf.yield %scan3A_2638 : i32
    }
    %scan3A_1327 = arith.constant 256 : i32
    %broadcast_in_dim3A_1328 = vector.broadcast %or3A_1320 : i32 to vector<16xi32>
    %scan3A_1329 = arith.constant 0 : i32
    %scan3A_1330 = arith.constant 0 : i32
    %scan3A_1331 = arith.constant 1024 : i32
    %scan3A_1332 = arith.addi %scan3A_1330, %scan3A_1331 : i32
    %scan3A_1333 = arith.constant 1 : i32
    %scan3A_1334 = scf.for %scan3A_2632 = %scan3A_1330 to %scan3A_1332 step %scan3A_1333 iter_args(%scan3A_2633 = %scan3A_1329) -> (i32)  : i32 {
      %mul3A_2634 = arith.constant 16 : i32
      %mul3A_2635 = arith.muli %scan3A_2632, %mul3A_2634 : i32
      %get3A_2636 = arith.index_cast %mul3A_2635 : i32 to index
      %get3A_2637 = tpu.vector_load %arg5[%get3A_2636] {strides = array<i32>} : memref<16384xi32, #tpu.memory_space<vmem>>, vector<16xi32>,
      %shift_right_logical3A = arith.constant 8 : i32
      %shift_right_logical3A_2638 = vector.broadcast %shift_right_logical3A : i32 to vector<16xi32>
      %shift_right_logical3A_2639 = arith.shrui %get3A_2637, %shift_right_logical3A_2638 : vector<16xi32>
      %and3A = arith.constant 255 : i32
      %and3A_2640 = vector.broadcast %and3A : i32 to vector<16xi32>
      %and3A_2641 = arith.andi %shift_right_logical3A_2639, %and3A_2640 : vector<16xi32>
      %mul3A_2642 = arith.constant 16 : i32
      %mul3A_2643 = vector.broadcast %mul3A_2642 : i32 to vector<16xi32>
      %mul3A_2644 = arith.muli %and3A_2641, %mul3A_2643 : vector<16xi32>
      %add3A_2645 = arith.addi %mul3A_2644, %iota3A : vector<16xi32>
      %shift_right_logical3A_2646 = arith.constant 16 : i32
      %shift_right_logical3A_2647 = vector.broadcast %shift_right_logical3A_2646 : i32 to vector<16xi32>
      %shift_right_logical3A_2648 = arith.shrui %get3A_2637, %shift_right_logical3A_2647 : vector<16xi32>
      %eq3A = arith.cmpi eq, %shift_right_logical3A_2648, %broadcast_in_dim3A_1328 : vector<16xi32>
      tpu.vector_store_idx %arg6[%add3A_2645], %broadcast_in_dim3A_0 masked %eq3A {add = true} : memref<4096xi32, #tpu.memory_space<vmem>>[vector<16xi32>], vector<16xi32>, vector<16xi1>
      %scan3A_2649 = arith.constant 0 : i32
      scf.yield %scan3A_2649 : i32
    }
    %scan3A_1335 = arith.constant 1024 : i32
    %scan3A_1336 = arith.constant 0 : i32
    %scan3A_1337 = arith.constant 0 : i32
    %scan3A_1338 = arith.constant 16 : i32
    %scan3A_1339 = arith.addi %scan3A_1337, %scan3A_1338 : i32
    %scan3A_1340 = arith.constant 1 : i32
    %scan3A_1341 = scf.for %scan3A_2632 = %scan3A_1337 to %scan3A_1339 step %scan3A_1340 iter_args(%scan3A_2633 = %scan3A_1336) -> (i32)  : i32 {
      %mul3A_2634 = arith.constant 16 : i32
      %mul3A_2635 = arith.muli %scan3A_2632, %mul3A_2634 : i32
      %add3A_2636 = vector.broadcast %mul3A_2635 : i32 to vector<16xi32>
      %add3A_2637 = arith.addi %add3A_2636, %iota3A : vector<16xi32>
      %mul3A_2638 = arith.constant 16 : i32
      %mul3A_2639 = vector.broadcast %mul3A_2638 : i32 to vector<16xi32>
      %mul3A_2640 = arith.muli %add3A_2637, %mul3A_2639 : vector<16xi32>
      %add3A_2641 = arith.constant 0 : i32
      %add3A_2642 = vector.broadcast %add3A_2641 : i32 to vector<16xi32>
      %add3A_2643 = arith.addi %mul3A_2640, %add3A_2642 : vector<16xi32>
      %gather3A = tpu.vector_load_idx %arg6[%add3A_2643] : memref<4096xi32, #tpu.memory_space<vmem>>[vector<16xi32>], vector<16xi32>,
      %add3A_2644 = arith.addi %broadcast_in_dim3A_2, %gather3A : vector<16xi32>
      %add3A_2645 = arith.constant 1 : i32
      %add3A_2646 = vector.broadcast %add3A_2645 : i32 to vector<16xi32>
      %add3A_2647 = arith.addi %mul3A_2640, %add3A_2646 : vector<16xi32>
      %gather3A_2648 = tpu.vector_load_idx %arg6[%add3A_2647] : memref<4096xi32, #tpu.memory_space<vmem>>[vector<16xi32>], vector<16xi32>,
      %add3A_2649 = arith.addi %add3A_2644, %gather3A_2648 : vector<16xi32>
      %add3A_2650 = arith.constant 2 : i32
      %add3A_2651 = vector.broadcast %add3A_2650 : i32 to vector<16xi32>
      %add3A_2652 = arith.addi %mul3A_2640, %add3A_2651 : vector<16xi32>
      %gather3A_2653 = tpu.vector_load_idx %arg6[%add3A_2652] : memref<4096xi32, #tpu.memory_space<vmem>>[vector<16xi32>], vector<16xi32>,
      %add3A_2654 = arith.addi %add3A_2649, %gather3A_2653 : vector<16xi32>
      %add3A_2655 = arith.constant 3 : i32
      %add3A_2656 = vector.broadcast %add3A_2655 : i32 to vector<16xi32>
      %add3A_2657 = arith.addi %mul3A_2640, %add3A_2656 : vector<16xi32>
      %gather3A_2658 = tpu.vector_load_idx %arg6[%add3A_2657] : memref<4096xi32, #tpu.memory_space<vmem>>[vector<16xi32>], vector<16xi32>,
      %add3A_2659 = arith.addi %add3A_2654, %gather3A_2658 : vector<16xi32>
      %add3A_2660 = arith.constant 4 : i32
      %add3A_2661 = vector.broadcast %add3A_2660 : i32 to vector<16xi32>
      %add3A_2662 = arith.addi %mul3A_2640, %add3A_2661 : vector<16xi32>
      %gather3A_2663 = tpu.vector_load_idx %arg6[%add3A_2662] : memref<4096xi32, #tpu.memory_space<vmem>>[vector<16xi32>], vector<16xi32>,
      %add3A_2664 = arith.addi %add3A_2659, %gather3A_2663 : vector<16xi32>
      %add3A_2665 = arith.constant 5 : i32
      %add3A_2666 = vector.broadcast %add3A_2665 : i32 to vector<16xi32>
      %add3A_2667 = arith.addi %mul3A_2640, %add3A_2666 : vector<16xi32>
      %gather3A_2668 = tpu.vector_load_idx %arg6[%add3A_2667] : memref<4096xi32, #tpu.memory_space<vmem>>[vector<16xi32>], vector<16xi32>,
      %add3A_2669 = arith.addi %add3A_2664, %gather3A_2668 : vector<16xi32>
      %add3A_2670 = arith.constant 6 : i32
      %add3A_2671 = vector.broadcast %add3A_2670 : i32 to vector<16xi32>
      %add3A_2672 = arith.addi %mul3A_2640, %add3A_2671 : vector<16xi32>
      %gather3A_2673 = tpu.vector_load_idx %arg6[%add3A_2672] : memref<4096xi32, #tpu.memory_space<vmem>>[vector<16xi32>], vector<16xi32>,
      %add3A_2674 = arith.addi %add3A_2669, %gather3A_2673 : vector<16xi32>
      %add3A_2675 = arith.constant 7 : i32
      %add3A_2676 = vector.broadcast %add3A_2675 : i32 to vector<16xi32>
      %add3A_2677 = arith.addi %mul3A_2640, %add3A_2676 : vector<16xi32>
      %gather3A_2678 = tpu.vector_load_idx %arg6[%add3A_2677] : memref<4096xi32, #tpu.memory_space<vmem>>[vector<16xi32>], vector<16xi32>,
      %add3A_2679 = arith.addi %add3A_2674, %gather3A_2678 : vector<16xi32>
      %add3A_2680 = arith.constant 8 : i32
      %add3A_2681 = vector.broadcast %add3A_2680 : i32 to vector<16xi32>
      %add3A_2682 = arith.addi %mul3A_2640, %add3A_2681 : vector<16xi32>
      %gather3A_2683 = tpu.vector_load_idx %arg6[%add3A_2682] : memref<4096xi32, #tpu.memory_space<vmem>>[vector<16xi32>], vector<16xi32>,
      %add3A_2684 = arith.addi %add3A_2679, %gather3A_2683 : vector<16xi32>
      %add3A_2685 = arith.constant 9 : i32
      %add3A_2686 = vector.broadcast %add3A_2685 : i32 to vector<16xi32>
      %add3A_2687 = arith.addi %mul3A_2640, %add3A_2686 : vector<16xi32>
      %gather3A_2688 = tpu.vector_load_idx %arg6[%add3A_2687] : memref<4096xi32, #tpu.memory_space<vmem>>[vector<16xi32>], vector<16xi32>,
      %add3A_2689 = arith.addi %add3A_2684, %gather3A_2688 : vector<16xi32>
      %add3A_2690 = arith.constant 10 : i32
      %add3A_2691 = vector.broadcast %add3A_2690 : i32 to vector<16xi32>
      %add3A_2692 = arith.addi %mul3A_2640, %add3A_2691 : vector<16xi32>
      %gather3A_2693 = tpu.vector_load_idx %arg6[%add3A_2692] : memref<4096xi32, #tpu.memory_space<vmem>>[vector<16xi32>], vector<16xi32>,
      %add3A_2694 = arith.addi %add3A_2689, %gather3A_2693 : vector<16xi32>
      %add3A_2695 = arith.constant 11 : i32
      %add3A_2696 = vector.broadcast %add3A_2695 : i32 to vector<16xi32>
      %add3A_2697 = arith.addi %mul3A_2640, %add3A_2696 : vector<16xi32>
      %gather3A_2698 = tpu.vector_load_idx %arg6[%add3A_2697] : memref<4096xi32, #tpu.memory_space<vmem>>[vector<16xi32>], vector<16xi32>,
      %add3A_2699 = arith.addi %add3A_2694, %gather3A_2698 : vector<16xi32>
      %add3A_2700 = arith.constant 12 : i32
      %add3A_2701 = vector.broadcast %add3A_2700 : i32 to vector<16xi32>
      %add3A_2702 = arith.addi %mul3A_2640, %add3A_2701 : vector<16xi32>
      %gather3A_2703 = tpu.vector_load_idx %arg6[%add3A_2702] : memref<4096xi32, #tpu.memory_space<vmem>>[vector<16xi32>], vector<16xi32>,
      %add3A_2704 = arith.addi %add3A_2699, %gather3A_2703 : vector<16xi32>
      %add3A_2705 = arith.constant 13 : i32
      %add3A_2706 = vector.broadcast %add3A_2705 : i32 to vector<16xi32>
      %add3A_2707 = arith.addi %mul3A_2640, %add3A_2706 : vector<16xi32>
      %gather3A_2708 = tpu.vector_load_idx %arg6[%add3A_2707] : memref<4096xi32, #tpu.memory_space<vmem>>[vector<16xi32>], vector<16xi32>,
      %add3A_2709 = arith.addi %add3A_2704, %gather3A_2708 : vector<16xi32>
      %add3A_2710 = arith.constant 14 : i32
      %add3A_2711 = vector.broadcast %add3A_2710 : i32 to vector<16xi32>
      %add3A_2712 = arith.addi %mul3A_2640, %add3A_2711 : vector<16xi32>
      %gather3A_2713 = tpu.vector_load_idx %arg6[%add3A_2712] : memref<4096xi32, #tpu.memory_space<vmem>>[vector<16xi32>], vector<16xi32>,
      %add3A_2714 = arith.addi %add3A_2709, %gather3A_2713 : vector<16xi32>
      %add3A_2715 = arith.constant 15 : i32
      %add3A_2716 = vector.broadcast %add3A_2715 : i32 to vector<16xi32>
      %add3A_2717 = arith.addi %mul3A_2640, %add3A_2716 : vector<16xi32>
      %gather3A_2718 = tpu.vector_load_idx %arg6[%add3A_2717] : memref<4096xi32, #tpu.memory_space<vmem>>[vector<16xi32>], vector<16xi32>,
      %add3A_2719 = arith.addi %add3A_2714, %gather3A_2718 : vector<16xi32>
      %swap3A_2720 = arith.index_cast %mul3A_2635 : i32 to index
      %swap3A_2721 = tpu.vector_load %arg7[%swap3A_2720] {strides = array<i32>} : memref<256xi32, #tpu.memory_space<vmem>>, vector<16xi32>,
      tpu.vector_store %arg7[%swap3A_2720], %add3A_2719 {strides = array<i32>} : memref<256xi32, #tpu.memory_space<vmem>>, vector<16xi32>,
      %scan3A_2722 = arith.constant 0 : i32
      scf.yield %scan3A_2722 : i32
    }
    %scan3A_1342 = arith.constant 16 : i32
    %mul3A_1343 = arith.constant 256 : i32
    %mul3A_1344 = arith.muli %arg1, %mul3A_1343 : i32
    "tpu.region"() ({
      %run_scoped3A = tpu.sem_alloc : memref<!tpu.dma_semaphore, #tpu.memory_space<semaphore_mem>>
      %dma_start3A = tpu.memref_slice %arg10[%mul3A_1344] : memref<4096xi32, #tpu.memory_space<vmem_shared>> -> memref<256xi32, #tpu.memory_space<vmem_shared>>
      %dma_start3A_2632 = tpu.memref_slice %arg10[%mul3A_1344] : memref<4096xi32, #tpu.memory_space<vmem_shared>> -> memref<256xi32, #tpu.memory_space<vmem_shared>>
      tpu.enqueue_dma source(%arg7 : memref<256xi32, #tpu.memory_space<vmem>>) target(%dma_start3A_2632 : memref<256xi32, #tpu.memory_space<vmem_shared>>) target_semaphore(%run_scoped3A : memref<!tpu.dma_semaphore, #tpu.memory_space<semaphore_mem>>)
      %dma_wait3A = tpu.memref_slice %arg10[%mul3A_1344] : memref<4096xi32, #tpu.memory_space<vmem_shared>> -> memref<256xi32, #tpu.memory_space<vmem_shared>>
      %dma_wait3A_2633 = tpu.memref_slice %arg10[%mul3A_1344] : memref<4096xi32, #tpu.memory_space<vmem_shared>> -> memref<256xi32, #tpu.memory_space<vmem_shared>>
      tpu.wait_dma2 semaphore(%run_scoped3A : memref<!tpu.dma_semaphore, #tpu.memory_space<semaphore_mem>>) src(%arg7 : memref<256xi32, #tpu.memory_space<vmem>>) dst(%dma_wait3A_2633 : memref<256xi32, #tpu.memory_space<vmem_shared>>)
      tpu.yield
    }) : () -> ()
    %barrier3A_1345 = arith.constant 0 : index
    tpu.barrier barrier_id(%barrier3A_1345)
    "tpu.region"() ({
      %run_scoped3A = tpu.sem_alloc : memref<!tpu.dma_semaphore, #tpu.memory_space<semaphore_mem>>
      tpu.enqueue_dma source(%arg10 : memref<4096xi32, #tpu.memory_space<vmem_shared>>) target(%arg8 : memref<4096xi32, #tpu.memory_space<vmem>>) target_semaphore(%run_scoped3A : memref<!tpu.dma_semaphore, #tpu.memory_space<semaphore_mem>>)
      tpu.wait_dma2 semaphore(%run_scoped3A : memref<!tpu.dma_semaphore, #tpu.memory_space<semaphore_mem>>) src(%arg10 : memref<4096xi32, #tpu.memory_space<vmem_shared>>) dst(%arg8 : memref<4096xi32, #tpu.memory_space<vmem>>)
      tpu.yield
    }) : () -> ()
    %barrier3A_1346 = arith.constant 0 : index
    tpu.barrier barrier_id(%barrier3A_1346)
    %swap3A_1347 = arith.constant 0 : index
    %swap3A_1348 = tpu.vector_load %arg9[%swap3A_1347] {strides = array<i32>} : memref<256xi32, #tpu.memory_space<vmem>>, vector<16xi32>,
    tpu.vector_store %arg9[%swap3A_1347], %broadcast_in_dim3A_2 {strides = array<i32>} : memref<256xi32, #tpu.memory_space<vmem>>, vector<16xi32>,
    %swap3A_1349 = arith.constant 16 : index
    %swap3A_1350 = tpu.vector_load %arg9[%swap3A_1349] {strides = array<i32>} : memref<256xi32, #tpu.memory_space<vmem>>, vector<16xi32>,
    tpu.vector_store %arg9[%swap3A_1349], %broadcast_in_dim3A_2 {strides = array<i32>} : memref<256xi32, #tpu.memory_space<vmem>>, vector<16xi32>,
    %swap3A_1351 = arith.constant 32 : index
    %swap3A_1352 = tpu.vector_load %arg9[%swap3A_1351] {strides = array<i32>} : memref<256xi32, #tpu.memory_space<vmem>>, vector<16xi32>,
    tpu.vector_store %arg9[%swap3A_1351], %broadcast_in_dim3A_2 {strides = array<i32>} : memref<256xi32, #tpu.memory_space<vmem>>, vector<16xi32>,
    %swap3A_1353 = arith.constant 48 : index
    %swap3A_1354 = tpu.vector_load %arg9[%swap3A_1353] {strides = array<i32>} : memref<256xi32, #tpu.memory_space<vmem>>, vector<16xi32>,
    tpu.vector_store %arg9[%swap3A_1353], %broadcast_in_dim3A_2 {strides = array<i32>} : memref<256xi32, #tpu.memory_space<vmem>>, vector<16xi32>,
    %swap3A_1355 = arith.constant 64 : index
    %swap3A_1356 = tpu.vector_load %arg9[%swap3A_1355] {strides = array<i32>} : memref<256xi32, #tpu.memory_space<vmem>>, vector<16xi32>,
    tpu.vector_store %arg9[%swap3A_1355], %broadcast_in_dim3A_2 {strides = array<i32>} : memref<256xi32, #tpu.memory_space<vmem>>, vector<16xi32>,
    %swap3A_1357 = arith.constant 80 : index
    %swap3A_1358 = tpu.vector_load %arg9[%swap3A_1357] {strides = array<i32>} : memref<256xi32, #tpu.memory_space<vmem>>, vector<16xi32>,
    tpu.vector_store %arg9[%swap3A_1357], %broadcast_in_dim3A_2 {strides = array<i32>} : memref<256xi32, #tpu.memory_space<vmem>>, vector<16xi32>,
    %swap3A_1359 = arith.constant 96 : index
    %swap3A_1360 = tpu.vector_load %arg9[%swap3A_1359] {strides = array<i32>} : memref<256xi32, #tpu.memory_space<vmem>>, vector<16xi32>,
    tpu.vector_store %arg9[%swap3A_1359], %broadcast_in_dim3A_2 {strides = array<i32>} : memref<256xi32, #tpu.memory_space<vmem>>, vector<16xi32>,
    %swap3A_1361 = arith.constant 112 : index
    %swap3A_1362 = tpu.vector_load %arg9[%swap3A_1361] {strides = array<i32>} : memref<256xi32, #tpu.memory_space<vmem>>, vector<16xi32>,
    tpu.vector_store %arg9[%swap3A_1361], %broadcast_in_dim3A_2 {strides = array<i32>} : memref<256xi32, #tpu.memory_space<vmem>>, vector<16xi32>,
    %swap3A_1363 = arith.constant 128 : index
    %swap3A_1364 = tpu.vector_load %arg9[%swap3A_1363] {strides = array<i32>} : memref<256xi32, #tpu.memory_space<vmem>>, vector<16xi32>,
    tpu.vector_store %arg9[%swap3A_1363], %broadcast_in_dim3A_2 {strides = array<i32>} : memref<256xi32, #tpu.memory_space<vmem>>, vector<16xi32>,
    %swap3A_1365 = arith.constant 144 : index
    %swap3A_1366 = tpu.vector_load %arg9[%swap3A_1365] {strides = array<i32>} : memref<256xi32, #tpu.memory_space<vmem>>, vector<16xi32>,
    tpu.vector_store %arg9[%swap3A_1365], %broadcast_in_dim3A_2 {strides = array<i32>} : memref<256xi32, #tpu.memory_space<vmem>>, vector<16xi32>,
    %swap3A_1367 = arith.constant 160 : index
    %swap3A_1368 = tpu.vector_load %arg9[%swap3A_1367] {strides = array<i32>} : memref<256xi32, #tpu.memory_space<vmem>>, vector<16xi32>,
    tpu.vector_store %arg9[%swap3A_1367], %broadcast_in_dim3A_2 {strides = array<i32>} : memref<256xi32, #tpu.memory_space<vmem>>, vector<16xi32>,
    %swap3A_1369 = arith.constant 176 : index
    %swap3A_1370 = tpu.vector_load %arg9[%swap3A_1369] {strides = array<i32>} : memref<256xi32, #tpu.memory_space<vmem>>, vector<16xi32>,
    tpu.vector_store %arg9[%swap3A_1369], %broadcast_in_dim3A_2 {strides = array<i32>} : memref<256xi32, #tpu.memory_space<vmem>>, vector<16xi32>,
    %swap3A_1371 = arith.constant 192 : index
    %swap3A_1372 = tpu.vector_load %arg9[%swap3A_1371] {strides = array<i32>} : memref<256xi32, #tpu.memory_space<vmem>>, vector<16xi32>,
    tpu.vector_store %arg9[%swap3A_1371], %broadcast_in_dim3A_2 {strides = array<i32>} : memref<256xi32, #tpu.memory_space<vmem>>, vector<16xi32>,
    %swap3A_1373 = arith.constant 208 : index
    %swap3A_1374 = tpu.vector_load %arg9[%swap3A_1373] {strides = array<i32>} : memref<256xi32, #tpu.memory_space<vmem>>, vector<16xi32>,
    tpu.vector_store %arg9[%swap3A_1373], %broadcast_in_dim3A_2 {strides = array<i32>} : memref<256xi32, #tpu.memory_space<vmem>>, vector<16xi32>,
    %swap3A_1375 = arith.constant 224 : index
    %swap3A_1376 = tpu.vector_load %arg9[%swap3A_1375] {strides = array<i32>} : memref<256xi32, #tpu.memory_space<vmem>>, vector<16xi32>,
    tpu.vector_store %arg9[%swap3A_1375], %broadcast_in_dim3A_2 {strides = array<i32>} : memref<256xi32, #tpu.memory_space<vmem>>, vector<16xi32>,
    %swap3A_1377 = arith.constant 240 : index
    %swap3A_1378 = tpu.vector_load %arg9[%swap3A_1377] {strides = array<i32>} : memref<256xi32, #tpu.memory_space<vmem>>, vector<16xi32>,
    tpu.vector_store %arg9[%swap3A_1377], %broadcast_in_dim3A_2 {strides = array<i32>} : memref<256xi32, #tpu.memory_space<vmem>>, vector<16xi32>,
    %scan3A_1379 = arith.constant 0 : i32
    %scan3A_1380 = arith.constant 0 : i32
    %scan3A_1381 = arith.constant 16 : i32
    %scan3A_1382 = arith.addi %scan3A_1380, %scan3A_1381 : i32
    %scan3A_1383 = arith.constant 1 : i32
    %scan3A_1384 = scf.for %scan3A_2632 = %scan3A_1380 to %scan3A_1382 step %scan3A_1383 iter_args(%scan3A_2633 = %scan3A_1379) -> (i32)  : i32 {
      %get3A_2634 = arith.constant 0 : index
      %get3A_2635 = tpu.vector_load %arg9[%get3A_2634] {strides = array<i32>} : memref<256xi32, #tpu.memory_space<vmem>>, vector<16xi32>,
      %mul3A_2636 = arith.constant 256 : i32
      %mul3A_2637 = arith.muli %scan3A_2632, %mul3A_2636 : i32
      %add3A_2638 = arith.constant 0 : i32
      %add3A_2639 = arith.addi %mul3A_2637, %add3A_2638 : i32
      %get3A_2640 = arith.index_cast %add3A_2639 : i32 to index
      %get3A_2641 = tpu.vector_load %arg8[%get3A_2640] {strides = array<i32>} : memref<4096xi32, #tpu.memory_space<vmem>>, vector<16xi32>,
      %add3A_2642 = arith.addi %get3A_2635, %get3A_2641 : vector<16xi32>
      %swap3A_2643 = arith.constant 0 : index
      %swap3A_2644 = tpu.vector_load %arg9[%swap3A_2643] {strides = array<i32>} : memref<256xi32, #tpu.memory_space<vmem>>, vector<16xi32>,
      tpu.vector_store %arg9[%swap3A_2643], %add3A_2642 {strides = array<i32>} : memref<256xi32, #tpu.memory_space<vmem>>, vector<16xi32>,
      %get3A_2645 = arith.constant 16 : index
      %get3A_2646 = tpu.vector_load %arg9[%get3A_2645] {strides = array<i32>} : memref<256xi32, #tpu.memory_space<vmem>>, vector<16xi32>,
      %mul3A_2647 = arith.constant 256 : i32
      %mul3A_2648 = arith.muli %scan3A_2632, %mul3A_2647 : i32
      %add3A_2649 = arith.constant 16 : i32
      %add3A_2650 = arith.addi %mul3A_2648, %add3A_2649 : i32
      %get3A_2651 = arith.index_cast %add3A_2650 : i32 to index
      %get3A_2652 = tpu.vector_load %arg8[%get3A_2651] {strides = array<i32>} : memref<4096xi32, #tpu.memory_space<vmem>>, vector<16xi32>,
      %add3A_2653 = arith.addi %get3A_2646, %get3A_2652 : vector<16xi32>
      %swap3A_2654 = arith.constant 16 : index
      %swap3A_2655 = tpu.vector_load %arg9[%swap3A_2654] {strides = array<i32>} : memref<256xi32, #tpu.memory_space<vmem>>, vector<16xi32>,
      tpu.vector_store %arg9[%swap3A_2654], %add3A_2653 {strides = array<i32>} : memref<256xi32, #tpu.memory_space<vmem>>, vector<16xi32>,
      %get3A_2656 = arith.constant 32 : index
      %get3A_2657 = tpu.vector_load %arg9[%get3A_2656] {strides = array<i32>} : memref<256xi32, #tpu.memory_space<vmem>>, vector<16xi32>,
      %mul3A_2658 = arith.constant 256 : i32
      %mul3A_2659 = arith.muli %scan3A_2632, %mul3A_2658 : i32
      %add3A_2660 = arith.constant 32 : i32
      %add3A_2661 = arith.addi %mul3A_2659, %add3A_2660 : i32
      %get3A_2662 = arith.index_cast %add3A_2661 : i32 to index
      %get3A_2663 = tpu.vector_load %arg8[%get3A_2662] {strides = array<i32>} : memref<4096xi32, #tpu.memory_space<vmem>>, vector<16xi32>,
      %add3A_2664 = arith.addi %get3A_2657, %get3A_2663 : vector<16xi32>
      %swap3A_2665 = arith.constant 32 : index
      %swap3A_2666 = tpu.vector_load %arg9[%swap3A_2665] {strides = array<i32>} : memref<256xi32, #tpu.memory_space<vmem>>, vector<16xi32>,
      tpu.vector_store %arg9[%swap3A_2665], %add3A_2664 {strides = array<i32>} : memref<256xi32, #tpu.memory_space<vmem>>, vector<16xi32>,
      %get3A_2667 = arith.constant 48 : index
      %get3A_2668 = tpu.vector_load %arg9[%get3A_2667] {strides = array<i32>} : memref<256xi32, #tpu.memory_space<vmem>>, vector<16xi32>,
      %mul3A_2669 = arith.constant 256 : i32
      %mul3A_2670 = arith.muli %scan3A_2632, %mul3A_2669 : i32
      %add3A_2671 = arith.constant 48 : i32
      %add3A_2672 = arith.addi %mul3A_2670, %add3A_2671 : i32
      %get3A_2673 = arith.index_cast %add3A_2672 : i32 to index
      %get3A_2674 = tpu.vector_load %arg8[%get3A_2673] {strides = array<i32>} : memref<4096xi32, #tpu.memory_space<vmem>>, vector<16xi32>,
      %add3A_2675 = arith.addi %get3A_2668, %get3A_2674 : vector<16xi32>
      %swap3A_2676 = arith.constant 48 : index
      %swap3A_2677 = tpu.vector_load %arg9[%swap3A_2676] {strides = array<i32>} : memref<256xi32, #tpu.memory_space<vmem>>, vector<16xi32>,
      tpu.vector_store %arg9[%swap3A_2676], %add3A_2675 {strides = array<i32>} : memref<256xi32, #tpu.memory_space<vmem>>, vector<16xi32>,
      %get3A_2678 = arith.constant 64 : index
      %get3A_2679 = tpu.vector_load %arg9[%get3A_2678] {strides = array<i32>} : memref<256xi32, #tpu.memory_space<vmem>>, vector<16xi32>,
      %mul3A_2680 = arith.constant 256 : i32
      %mul3A_2681 = arith.muli %scan3A_2632, %mul3A_2680 : i32
      %add3A_2682 = arith.constant 64 : i32
      %add3A_2683 = arith.addi %mul3A_2681, %add3A_2682 : i32
      %get3A_2684 = arith.index_cast %add3A_2683 : i32 to index
      %get3A_2685 = tpu.vector_load %arg8[%get3A_2684] {strides = array<i32>} : memref<4096xi32, #tpu.memory_space<vmem>>, vector<16xi32>,
      %add3A_2686 = arith.addi %get3A_2679, %get3A_2685 : vector<16xi32>
      %swap3A_2687 = arith.constant 64 : index
      %swap3A_2688 = tpu.vector_load %arg9[%swap3A_2687] {strides = array<i32>} : memref<256xi32, #tpu.memory_space<vmem>>, vector<16xi32>,
      tpu.vector_store %arg9[%swap3A_2687], %add3A_2686 {strides = array<i32>} : memref<256xi32, #tpu.memory_space<vmem>>, vector<16xi32>,
      %get3A_2689 = arith.constant 80 : index
      %get3A_2690 = tpu.vector_load %arg9[%get3A_2689] {strides = array<i32>} : memref<256xi32, #tpu.memory_space<vmem>>, vector<16xi32>,
      %mul3A_2691 = arith.constant 256 : i32
      %mul3A_2692 = arith.muli %scan3A_2632, %mul3A_2691 : i32
      %add3A_2693 = arith.constant 80 : i32
      %add3A_2694 = arith.addi %mul3A_2692, %add3A_2693 : i32
      %get3A_2695 = arith.index_cast %add3A_2694 : i32 to index
      %get3A_2696 = tpu.vector_load %arg8[%get3A_2695] {strides = array<i32>} : memref<4096xi32, #tpu.memory_space<vmem>>, vector<16xi32>,
      %add3A_2697 = arith.addi %get3A_2690, %get3A_2696 : vector<16xi32>
      %swap3A_2698 = arith.constant 80 : index
      %swap3A_2699 = tpu.vector_load %arg9[%swap3A_2698] {strides = array<i32>} : memref<256xi32, #tpu.memory_space<vmem>>, vector<16xi32>,
      tpu.vector_store %arg9[%swap3A_2698], %add3A_2697 {strides = array<i32>} : memref<256xi32, #tpu.memory_space<vmem>>, vector<16xi32>,
      %get3A_2700 = arith.constant 96 : index
      %get3A_2701 = tpu.vector_load %arg9[%get3A_2700] {strides = array<i32>} : memref<256xi32, #tpu.memory_space<vmem>>, vector<16xi32>,
      %mul3A_2702 = arith.constant 256 : i32
      %mul3A_2703 = arith.muli %scan3A_2632, %mul3A_2702 : i32
      %add3A_2704 = arith.constant 96 : i32
      %add3A_2705 = arith.addi %mul3A_2703, %add3A_2704 : i32
      %get3A_2706 = arith.index_cast %add3A_2705 : i32 to index
      %get3A_2707 = tpu.vector_load %arg8[%get3A_2706] {strides = array<i32>} : memref<4096xi32, #tpu.memory_space<vmem>>, vector<16xi32>,
      %add3A_2708 = arith.addi %get3A_2701, %get3A_2707 : vector<16xi32>
      %swap3A_2709 = arith.constant 96 : index
      %swap3A_2710 = tpu.vector_load %arg9[%swap3A_2709] {strides = array<i32>} : memref<256xi32, #tpu.memory_space<vmem>>, vector<16xi32>,
      tpu.vector_store %arg9[%swap3A_2709], %add3A_2708 {strides = array<i32>} : memref<256xi32, #tpu.memory_space<vmem>>, vector<16xi32>,
      %get3A_2711 = arith.constant 112 : index
      %get3A_2712 = tpu.vector_load %arg9[%get3A_2711] {strides = array<i32>} : memref<256xi32, #tpu.memory_space<vmem>>, vector<16xi32>,
      %mul3A_2713 = arith.constant 256 : i32
      %mul3A_2714 = arith.muli %scan3A_2632, %mul3A_2713 : i32
      %add3A_2715 = arith.constant 112 : i32
      %add3A_2716 = arith.addi %mul3A_2714, %add3A_2715 : i32
      %get3A_2717 = arith.index_cast %add3A_2716 : i32 to index
      %get3A_2718 = tpu.vector_load %arg8[%get3A_2717] {strides = array<i32>} : memref<4096xi32, #tpu.memory_space<vmem>>, vector<16xi32>,
      %add3A_2719 = arith.addi %get3A_2712, %get3A_2718 : vector<16xi32>
      %swap3A_2720 = arith.constant 112 : index
      %swap3A_2721 = tpu.vector_load %arg9[%swap3A_2720] {strides = array<i32>} : memref<256xi32, #tpu.memory_space<vmem>>, vector<16xi32>,
      tpu.vector_store %arg9[%swap3A_2720], %add3A_2719 {strides = array<i32>} : memref<256xi32, #tpu.memory_space<vmem>>, vector<16xi32>,
      %get3A_2722 = arith.constant 128 : index
      %get3A_2723 = tpu.vector_load %arg9[%get3A_2722] {strides = array<i32>} : memref<256xi32, #tpu.memory_space<vmem>>, vector<16xi32>,
      %mul3A_2724 = arith.constant 256 : i32
      %mul3A_2725 = arith.muli %scan3A_2632, %mul3A_2724 : i32
      %add3A_2726 = arith.constant 128 : i32
      %add3A_2727 = arith.addi %mul3A_2725, %add3A_2726 : i32
      %get3A_2728 = arith.index_cast %add3A_2727 : i32 to index
      %get3A_2729 = tpu.vector_load %arg8[%get3A_2728] {strides = array<i32>} : memref<4096xi32, #tpu.memory_space<vmem>>, vector<16xi32>,
      %add3A_2730 = arith.addi %get3A_2723, %get3A_2729 : vector<16xi32>
      %swap3A_2731 = arith.constant 128 : index
      %swap3A_2732 = tpu.vector_load %arg9[%swap3A_2731] {strides = array<i32>} : memref<256xi32, #tpu.memory_space<vmem>>, vector<16xi32>,
      tpu.vector_store %arg9[%swap3A_2731], %add3A_2730 {strides = array<i32>} : memref<256xi32, #tpu.memory_space<vmem>>, vector<16xi32>,
      %get3A_2733 = arith.constant 144 : index
      %get3A_2734 = tpu.vector_load %arg9[%get3A_2733] {strides = array<i32>} : memref<256xi32, #tpu.memory_space<vmem>>, vector<16xi32>,
      %mul3A_2735 = arith.constant 256 : i32
      %mul3A_2736 = arith.muli %scan3A_2632, %mul3A_2735 : i32
      %add3A_2737 = arith.constant 144 : i32
      %add3A_2738 = arith.addi %mul3A_2736, %add3A_2737 : i32
      %get3A_2739 = arith.index_cast %add3A_2738 : i32 to index
      %get3A_2740 = tpu.vector_load %arg8[%get3A_2739] {strides = array<i32>} : memref<4096xi32, #tpu.memory_space<vmem>>, vector<16xi32>,
      %add3A_2741 = arith.addi %get3A_2734, %get3A_2740 : vector<16xi32>
      %swap3A_2742 = arith.constant 144 : index
      %swap3A_2743 = tpu.vector_load %arg9[%swap3A_2742] {strides = array<i32>} : memref<256xi32, #tpu.memory_space<vmem>>, vector<16xi32>,
      tpu.vector_store %arg9[%swap3A_2742], %add3A_2741 {strides = array<i32>} : memref<256xi32, #tpu.memory_space<vmem>>, vector<16xi32>,
      %get3A_2744 = arith.constant 160 : index
      %get3A_2745 = tpu.vector_load %arg9[%get3A_2744] {strides = array<i32>} : memref<256xi32, #tpu.memory_space<vmem>>, vector<16xi32>,
      %mul3A_2746 = arith.constant 256 : i32
      %mul3A_2747 = arith.muli %scan3A_2632, %mul3A_2746 : i32
      %add3A_2748 = arith.constant 160 : i32
      %add3A_2749 = arith.addi %mul3A_2747, %add3A_2748 : i32
      %get3A_2750 = arith.index_cast %add3A_2749 : i32 to index
      %get3A_2751 = tpu.vector_load %arg8[%get3A_2750] {strides = array<i32>} : memref<4096xi32, #tpu.memory_space<vmem>>, vector<16xi32>,
      %add3A_2752 = arith.addi %get3A_2745, %get3A_2751 : vector<16xi32>
      %swap3A_2753 = arith.constant 160 : index
      %swap3A_2754 = tpu.vector_load %arg9[%swap3A_2753] {strides = array<i32>} : memref<256xi32, #tpu.memory_space<vmem>>, vector<16xi32>,
      tpu.vector_store %arg9[%swap3A_2753], %add3A_2752 {strides = array<i32>} : memref<256xi32, #tpu.memory_space<vmem>>, vector<16xi32>,
      %get3A_2755 = arith.constant 176 : index
      %get3A_2756 = tpu.vector_load %arg9[%get3A_2755] {strides = array<i32>} : memref<256xi32, #tpu.memory_space<vmem>>, vector<16xi32>,
      %mul3A_2757 = arith.constant 256 : i32
      %mul3A_2758 = arith.muli %scan3A_2632, %mul3A_2757 : i32
      %add3A_2759 = arith.constant 176 : i32
      %add3A_2760 = arith.addi %mul3A_2758, %add3A_2759 : i32
      %get3A_2761 = arith.index_cast %add3A_2760 : i32 to index
      %get3A_2762 = tpu.vector_load %arg8[%get3A_2761] {strides = array<i32>} : memref<4096xi32, #tpu.memory_space<vmem>>, vector<16xi32>,
      %add3A_2763 = arith.addi %get3A_2756, %get3A_2762 : vector<16xi32>
      %swap3A_2764 = arith.constant 176 : index
      %swap3A_2765 = tpu.vector_load %arg9[%swap3A_2764] {strides = array<i32>} : memref<256xi32, #tpu.memory_space<vmem>>, vector<16xi32>,
      tpu.vector_store %arg9[%swap3A_2764], %add3A_2763 {strides = array<i32>} : memref<256xi32, #tpu.memory_space<vmem>>, vector<16xi32>,
      %get3A_2766 = arith.constant 192 : index
      %get3A_2767 = tpu.vector_load %arg9[%get3A_2766] {strides = array<i32>} : memref<256xi32, #tpu.memory_space<vmem>>, vector<16xi32>,
      %mul3A_2768 = arith.constant 256 : i32
      %mul3A_2769 = arith.muli %scan3A_2632, %mul3A_2768 : i32
      %add3A_2770 = arith.constant 192 : i32
      %add3A_2771 = arith.addi %mul3A_2769, %add3A_2770 : i32
      %get3A_2772 = arith.index_cast %add3A_2771 : i32 to index
      %get3A_2773 = tpu.vector_load %arg8[%get3A_2772] {strides = array<i32>} : memref<4096xi32, #tpu.memory_space<vmem>>, vector<16xi32>,
      %add3A_2774 = arith.addi %get3A_2767, %get3A_2773 : vector<16xi32>
      %swap3A_2775 = arith.constant 192 : index
      %swap3A_2776 = tpu.vector_load %arg9[%swap3A_2775] {strides = array<i32>} : memref<256xi32, #tpu.memory_space<vmem>>, vector<16xi32>,
      tpu.vector_store %arg9[%swap3A_2775], %add3A_2774 {strides = array<i32>} : memref<256xi32, #tpu.memory_space<vmem>>, vector<16xi32>,
      %get3A_2777 = arith.constant 208 : index
      %get3A_2778 = tpu.vector_load %arg9[%get3A_2777] {strides = array<i32>} : memref<256xi32, #tpu.memory_space<vmem>>, vector<16xi32>,
      %mul3A_2779 = arith.constant 256 : i32
      %mul3A_2780 = arith.muli %scan3A_2632, %mul3A_2779 : i32
      %add3A_2781 = arith.constant 208 : i32
      %add3A_2782 = arith.addi %mul3A_2780, %add3A_2781 : i32
      %get3A_2783 = arith.index_cast %add3A_2782 : i32 to index
      %get3A_2784 = tpu.vector_load %arg8[%get3A_2783] {strides = array<i32>} : memref<4096xi32, #tpu.memory_space<vmem>>, vector<16xi32>,
      %add3A_2785 = arith.addi %get3A_2778, %get3A_2784 : vector<16xi32>
      %swap3A_2786 = arith.constant 208 : index
      %swap3A_2787 = tpu.vector_load %arg9[%swap3A_2786] {strides = array<i32>} : memref<256xi32, #tpu.memory_space<vmem>>, vector<16xi32>,
      tpu.vector_store %arg9[%swap3A_2786], %add3A_2785 {strides = array<i32>} : memref<256xi32, #tpu.memory_space<vmem>>, vector<16xi32>,
      %get3A_2788 = arith.constant 224 : index
      %get3A_2789 = tpu.vector_load %arg9[%get3A_2788] {strides = array<i32>} : memref<256xi32, #tpu.memory_space<vmem>>, vector<16xi32>,
      %mul3A_2790 = arith.constant 256 : i32
      %mul3A_2791 = arith.muli %scan3A_2632, %mul3A_2790 : i32
      %add3A_2792 = arith.constant 224 : i32
      %add3A_2793 = arith.addi %mul3A_2791, %add3A_2792 : i32
      %get3A_2794 = arith.index_cast %add3A_2793 : i32 to index
      %get3A_2795 = tpu.vector_load %arg8[%get3A_2794] {strides = array<i32>} : memref<4096xi32, #tpu.memory_space<vmem>>, vector<16xi32>,
      %add3A_2796 = arith.addi %get3A_2789, %get3A_2795 : vector<16xi32>
      %swap3A_2797 = arith.constant 224 : index
      %swap3A_2798 = tpu.vector_load %arg9[%swap3A_2797] {strides = array<i32>} : memref<256xi32, #tpu.memory_space<vmem>>, vector<16xi32>,
      tpu.vector_store %arg9[%swap3A_2797], %add3A_2796 {strides = array<i32>} : memref<256xi32, #tpu.memory_space<vmem>>, vector<16xi32>,
      %get3A_2799 = arith.constant 240 : index
      %get3A_2800 = tpu.vector_load %arg9[%get3A_2799] {strides = array<i32>} : memref<256xi32, #tpu.memory_space<vmem>>, vector<16xi32>,
      %mul3A_2801 = arith.constant 256 : i32
      %mul3A_2802 = arith.muli %scan3A_2632, %mul3A_2801 : i32
      %add3A_2803 = arith.constant 240 : i32
      %add3A_2804 = arith.addi %mul3A_2802, %add3A_2803 : i32
      %get3A_2805 = arith.index_cast %add3A_2804 : i32 to index
      %get3A_2806 = tpu.vector_load %arg8[%get3A_2805] {strides = array<i32>} : memref<4096xi32, #tpu.memory_space<vmem>>, vector<16xi32>,
      %add3A_2807 = arith.addi %get3A_2800, %get3A_2806 : vector<16xi32>
      %swap3A_2808 = arith.constant 240 : index
      %swap3A_2809 = tpu.vector_load %arg9[%swap3A_2808] {strides = array<i32>} : memref<256xi32, #tpu.memory_space<vmem>>, vector<16xi32>,
      tpu.vector_store %arg9[%swap3A_2808], %add3A_2807 {strides = array<i32>} : memref<256xi32, #tpu.memory_space<vmem>>, vector<16xi32>,
      %scan3A_2810 = arith.constant 0 : i32
      scf.yield %scan3A_2810 : i32
    }
    %scan3A_1385 = arith.constant 16 : i32
    %get3A_1386 = arith.constant 0 : index
    %get3A_1387 = tpu.vector_load %arg9[%get3A_1386] {strides = array<i32>} : memref<256xi32, #tpu.memory_space<vmem>>, vector<16xi32>,
    %get3A_1388 = arith.constant 16 : index
    %get3A_1389 = tpu.vector_load %arg9[%get3A_1388] {strides = array<i32>} : memref<256xi32, #tpu.memory_space<vmem>>, vector<16xi32>,
    %get3A_1390 = arith.constant 32 : index
    %get3A_1391 = tpu.vector_load %arg9[%get3A_1390] {strides = array<i32>} : memref<256xi32, #tpu.memory_space<vmem>>, vector<16xi32>,
    %get3A_1392 = arith.constant 48 : index
    %get3A_1393 = tpu.vector_load %arg9[%get3A_1392] {strides = array<i32>} : memref<256xi32, #tpu.memory_space<vmem>>, vector<16xi32>,
    %get3A_1394 = arith.constant 64 : index
    %get3A_1395 = tpu.vector_load %arg9[%get3A_1394] {strides = array<i32>} : memref<256xi32, #tpu.memory_space<vmem>>, vector<16xi32>,
    %get3A_1396 = arith.constant 80 : index
    %get3A_1397 = tpu.vector_load %arg9[%get3A_1396] {strides = array<i32>} : memref<256xi32, #tpu.memory_space<vmem>>, vector<16xi32>,
    %get3A_1398 = arith.constant 96 : index
    %get3A_1399 = tpu.vector_load %arg9[%get3A_1398] {strides = array<i32>} : memref<256xi32, #tpu.memory_space<vmem>>, vector<16xi32>,
    %get3A_1400 = arith.constant 112 : index
    %get3A_1401 = tpu.vector_load %arg9[%get3A_1400] {strides = array<i32>} : memref<256xi32, #tpu.memory_space<vmem>>, vector<16xi32>,
    %get3A_1402 = arith.constant 128 : index
    %get3A_1403 = tpu.vector_load %arg9[%get3A_1402] {strides = array<i32>} : memref<256xi32, #tpu.memory_space<vmem>>, vector<16xi32>,
    %get3A_1404 = arith.constant 144 : index
    %get3A_1405 = tpu.vector_load %arg9[%get3A_1404] {strides = array<i32>} : memref<256xi32, #tpu.memory_space<vmem>>, vector<16xi32>,
    %get3A_1406 = arith.constant 160 : index
    %get3A_1407 = tpu.vector_load %arg9[%get3A_1406] {strides = array<i32>} : memref<256xi32, #tpu.memory_space<vmem>>, vector<16xi32>,
    %get3A_1408 = arith.constant 176 : index
    %get3A_1409 = tpu.vector_load %arg9[%get3A_1408] {strides = array<i32>} : memref<256xi32, #tpu.memory_space<vmem>>, vector<16xi32>,
    %get3A_1410 = arith.constant 192 : index
    %get3A_1411 = tpu.vector_load %arg9[%get3A_1410] {strides = array<i32>} : memref<256xi32, #tpu.memory_space<vmem>>, vector<16xi32>,
    %get3A_1412 = arith.constant 208 : index
    %get3A_1413 = tpu.vector_load %arg9[%get3A_1412] {strides = array<i32>} : memref<256xi32, #tpu.memory_space<vmem>>, vector<16xi32>,
    %get3A_1414 = arith.constant 224 : index
    %get3A_1415 = tpu.vector_load %arg9[%get3A_1414] {strides = array<i32>} : memref<256xi32, #tpu.memory_space<vmem>>, vector<16xi32>,
    %get3A_1416 = arith.constant 240 : index
    %get3A_1417 = tpu.vector_load %arg9[%get3A_1416] {strides = array<i32>} : memref<256xi32, #tpu.memory_space<vmem>>, vector<16xi32>,
    %reduce_sum3A_1418 = arith.constant true
    %reduce_sum3A_1419 = vector.broadcast %reduce_sum3A_1418 : i1 to vector<16xi1>
    %reduce_sum3A_1420 = tpu.scan <sum>, %get3A_1387 masked %reduce_sum3A_1419 : vector<16xi32>, vector<16xi1> -> vector<16xi32>
    %reduce_sum3A_1421 = vector.extract %reduce_sum3A_1420[15] : i32 from vector<16xi32>
    %reduce_sum3A_1422 = arith.constant true
    %reduce_sum3A_1423 = vector.broadcast %reduce_sum3A_1422 : i1 to vector<16xi1>
    %reduce_sum3A_1424 = tpu.scan <sum>, %get3A_1389 masked %reduce_sum3A_1423 : vector<16xi32>, vector<16xi1> -> vector<16xi32>
    %reduce_sum3A_1425 = vector.extract %reduce_sum3A_1424[15] : i32 from vector<16xi32>
    %reduce_sum3A_1426 = arith.constant true
    %reduce_sum3A_1427 = vector.broadcast %reduce_sum3A_1426 : i1 to vector<16xi1>
    %reduce_sum3A_1428 = tpu.scan <sum>, %get3A_1391 masked %reduce_sum3A_1427 : vector<16xi32>, vector<16xi1> -> vector<16xi32>
    %reduce_sum3A_1429 = vector.extract %reduce_sum3A_1428[15] : i32 from vector<16xi32>
    %reduce_sum3A_1430 = arith.constant true
    %reduce_sum3A_1431 = vector.broadcast %reduce_sum3A_1430 : i1 to vector<16xi1>
    %reduce_sum3A_1432 = tpu.scan <sum>, %get3A_1393 masked %reduce_sum3A_1431 : vector<16xi32>, vector<16xi1> -> vector<16xi32>
    %reduce_sum3A_1433 = vector.extract %reduce_sum3A_1432[15] : i32 from vector<16xi32>
    %reduce_sum3A_1434 = arith.constant true
    %reduce_sum3A_1435 = vector.broadcast %reduce_sum3A_1434 : i1 to vector<16xi1>
    %reduce_sum3A_1436 = tpu.scan <sum>, %get3A_1395 masked %reduce_sum3A_1435 : vector<16xi32>, vector<16xi1> -> vector<16xi32>
    %reduce_sum3A_1437 = vector.extract %reduce_sum3A_1436[15] : i32 from vector<16xi32>
    %reduce_sum3A_1438 = arith.constant true
    %reduce_sum3A_1439 = vector.broadcast %reduce_sum3A_1438 : i1 to vector<16xi1>
    %reduce_sum3A_1440 = tpu.scan <sum>, %get3A_1397 masked %reduce_sum3A_1439 : vector<16xi32>, vector<16xi1> -> vector<16xi32>
    %reduce_sum3A_1441 = vector.extract %reduce_sum3A_1440[15] : i32 from vector<16xi32>
    %reduce_sum3A_1442 = arith.constant true
    %reduce_sum3A_1443 = vector.broadcast %reduce_sum3A_1442 : i1 to vector<16xi1>
    %reduce_sum3A_1444 = tpu.scan <sum>, %get3A_1399 masked %reduce_sum3A_1443 : vector<16xi32>, vector<16xi1> -> vector<16xi32>
    %reduce_sum3A_1445 = vector.extract %reduce_sum3A_1444[15] : i32 from vector<16xi32>
    %reduce_sum3A_1446 = arith.constant true
    %reduce_sum3A_1447 = vector.broadcast %reduce_sum3A_1446 : i1 to vector<16xi1>
    %reduce_sum3A_1448 = tpu.scan <sum>, %get3A_1401 masked %reduce_sum3A_1447 : vector<16xi32>, vector<16xi1> -> vector<16xi32>
    %reduce_sum3A_1449 = vector.extract %reduce_sum3A_1448[15] : i32 from vector<16xi32>
    %reduce_sum3A_1450 = arith.constant true
    %reduce_sum3A_1451 = vector.broadcast %reduce_sum3A_1450 : i1 to vector<16xi1>
    %reduce_sum3A_1452 = tpu.scan <sum>, %get3A_1403 masked %reduce_sum3A_1451 : vector<16xi32>, vector<16xi1> -> vector<16xi32>
    %reduce_sum3A_1453 = vector.extract %reduce_sum3A_1452[15] : i32 from vector<16xi32>
    %reduce_sum3A_1454 = arith.constant true
    %reduce_sum3A_1455 = vector.broadcast %reduce_sum3A_1454 : i1 to vector<16xi1>
    %reduce_sum3A_1456 = tpu.scan <sum>, %get3A_1405 masked %reduce_sum3A_1455 : vector<16xi32>, vector<16xi1> -> vector<16xi32>
    %reduce_sum3A_1457 = vector.extract %reduce_sum3A_1456[15] : i32 from vector<16xi32>
    %reduce_sum3A_1458 = arith.constant true
    %reduce_sum3A_1459 = vector.broadcast %reduce_sum3A_1458 : i1 to vector<16xi1>
    %reduce_sum3A_1460 = tpu.scan <sum>, %get3A_1407 masked %reduce_sum3A_1459 : vector<16xi32>, vector<16xi1> -> vector<16xi32>
    %reduce_sum3A_1461 = vector.extract %reduce_sum3A_1460[15] : i32 from vector<16xi32>
    %reduce_sum3A_1462 = arith.constant true
    %reduce_sum3A_1463 = vector.broadcast %reduce_sum3A_1462 : i1 to vector<16xi1>
    %reduce_sum3A_1464 = tpu.scan <sum>, %get3A_1409 masked %reduce_sum3A_1463 : vector<16xi32>, vector<16xi1> -> vector<16xi32>
    %reduce_sum3A_1465 = vector.extract %reduce_sum3A_1464[15] : i32 from vector<16xi32>
    %reduce_sum3A_1466 = arith.constant true
    %reduce_sum3A_1467 = vector.broadcast %reduce_sum3A_1466 : i1 to vector<16xi1>
    %reduce_sum3A_1468 = tpu.scan <sum>, %get3A_1411 masked %reduce_sum3A_1467 : vector<16xi32>, vector<16xi1> -> vector<16xi32>
    %reduce_sum3A_1469 = vector.extract %reduce_sum3A_1468[15] : i32 from vector<16xi32>
    %reduce_sum3A_1470 = arith.constant true
    %reduce_sum3A_1471 = vector.broadcast %reduce_sum3A_1470 : i1 to vector<16xi1>
    %reduce_sum3A_1472 = tpu.scan <sum>, %get3A_1413 masked %reduce_sum3A_1471 : vector<16xi32>, vector<16xi1> -> vector<16xi32>
    %reduce_sum3A_1473 = vector.extract %reduce_sum3A_1472[15] : i32 from vector<16xi32>
    %reduce_sum3A_1474 = arith.constant true
    %reduce_sum3A_1475 = vector.broadcast %reduce_sum3A_1474 : i1 to vector<16xi1>
    %reduce_sum3A_1476 = tpu.scan <sum>, %get3A_1415 masked %reduce_sum3A_1475 : vector<16xi32>, vector<16xi1> -> vector<16xi32>
    %reduce_sum3A_1477 = vector.extract %reduce_sum3A_1476[15] : i32 from vector<16xi32>
    %reduce_sum3A_1478 = arith.constant true
    %reduce_sum3A_1479 = vector.broadcast %reduce_sum3A_1478 : i1 to vector<16xi1>
    %reduce_sum3A_1480 = tpu.scan <sum>, %get3A_1417 masked %reduce_sum3A_1479 : vector<16xi32>, vector<16xi1> -> vector<16xi32>
    %reduce_sum3A_1481 = vector.extract %reduce_sum3A_1480[15] : i32 from vector<16xi32>
    %add3A_1482 = arith.constant 0 : i32
    %add3A_1483 = arith.addi %add3A_1482, %reduce_sum3A_1481 : i32
    %add3A_1484 = arith.addi %add3A_1483, %reduce_sum3A_1477 : i32
    %add3A_1485 = arith.addi %add3A_1484, %reduce_sum3A_1473 : i32
    %add3A_1486 = arith.addi %add3A_1485, %reduce_sum3A_1469 : i32
    %add3A_1487 = arith.addi %add3A_1486, %reduce_sum3A_1465 : i32
    %add3A_1488 = arith.addi %add3A_1487, %reduce_sum3A_1461 : i32
    %add3A_1489 = arith.addi %add3A_1488, %reduce_sum3A_1457 : i32
    %add3A_1490 = arith.addi %add3A_1489, %reduce_sum3A_1453 : i32
    %add3A_1491 = arith.addi %add3A_1490, %reduce_sum3A_1449 : i32
    %add3A_1492 = arith.addi %add3A_1491, %reduce_sum3A_1445 : i32
    %add3A_1493 = arith.addi %add3A_1492, %reduce_sum3A_1441 : i32
    %add3A_1494 = arith.addi %add3A_1493, %reduce_sum3A_1437 : i32
    %add3A_1495 = arith.addi %add3A_1494, %reduce_sum3A_1433 : i32
    %add3A_1496 = arith.addi %add3A_1495, %reduce_sum3A_1429 : i32
    %add3A_1497 = arith.addi %add3A_1496, %reduce_sum3A_1425 : i32
    %add3A_1498 = arith.addi %add3A_1497, %reduce_sum3A_1421 : i32
    %rev3A_1499 = arith.constant 15 : i32
    %rev3A_1500 = vector.broadcast %rev3A_1499 : i32 to vector<16xi32>
    %rev3A_1501 = tpu.iota {dimensions = array<i32: 0>} : vector<16xi32>
    %rev3A_1502 = arith.subi %rev3A_1500, %rev3A_1501 : vector<16xi32>
    %rev3A_1503 = tpu.dynamic_gather %get3A_1387[%rev3A_1502] in [0] : vector<16xi32>, vector<16xi32> -> vector<16xi32>
    %broadcast_in_dim3A_1504 = arith.constant true
    %broadcast_in_dim3A_1505 = vector.broadcast %broadcast_in_dim3A_1504 : i1 to vector<16xi1>
    %masked_cumsum3A_1506 = tpu.scan <sum>, %rev3A_1503 masked %broadcast_in_dim3A_1505 : vector<16xi32>, vector<16xi1> -> vector<16xi32>
    %add3A_1507 = vector.broadcast %add3A_1497 : i32 to vector<16xi32>
    %add3A_1508 = arith.addi %masked_cumsum3A_1506, %add3A_1507 : vector<16xi32>
    %ge3A_1509 = vector.broadcast %sub3A_1317 : i32 to vector<16xi32>
    %ge3A_1510 = arith.cmpi sge, %add3A_1508, %ge3A_1509 : vector<16xi32>
    %select_n3A_1511 = arith.select %ge3A_1510, %broadcast_in_dim3A_0, %broadcast_in_dim3A_2 : vector<16xi1>, vector<16xi32>
    %reduce_sum3A_1512 = arith.constant true
    %reduce_sum3A_1513 = vector.broadcast %reduce_sum3A_1512 : i1 to vector<16xi1>
    %reduce_sum3A_1514 = tpu.scan <sum>, %select_n3A_1511 masked %reduce_sum3A_1513 : vector<16xi32>, vector<16xi1> -> vector<16xi32>
    %reduce_sum3A_1515 = vector.extract %reduce_sum3A_1514[15] : i32 from vector<16xi32>
    %add3A_1516 = arith.constant 0 : i32
    %add3A_1517 = arith.addi %add3A_1516, %reduce_sum3A_1515 : i32
    %rev3A_1518 = arith.constant 15 : i32
    %rev3A_1519 = vector.broadcast %rev3A_1518 : i32 to vector<16xi32>
    %rev3A_1520 = tpu.iota {dimensions = array<i32: 0>} : vector<16xi32>
    %rev3A_1521 = arith.subi %rev3A_1519, %rev3A_1520 : vector<16xi32>
    %rev3A_1522 = tpu.dynamic_gather %get3A_1389[%rev3A_1521] in [0] : vector<16xi32>, vector<16xi32> -> vector<16xi32>
    %broadcast_in_dim3A_1523 = arith.constant true
    %broadcast_in_dim3A_1524 = vector.broadcast %broadcast_in_dim3A_1523 : i1 to vector<16xi1>
    %masked_cumsum3A_1525 = tpu.scan <sum>, %rev3A_1522 masked %broadcast_in_dim3A_1524 : vector<16xi32>, vector<16xi1> -> vector<16xi32>
    %add3A_1526 = vector.broadcast %add3A_1496 : i32 to vector<16xi32>
    %add3A_1527 = arith.addi %masked_cumsum3A_1525, %add3A_1526 : vector<16xi32>
    %ge3A_1528 = vector.broadcast %sub3A_1317 : i32 to vector<16xi32>
    %ge3A_1529 = arith.cmpi sge, %add3A_1527, %ge3A_1528 : vector<16xi32>
    %select_n3A_1530 = arith.select %ge3A_1529, %broadcast_in_dim3A_0, %broadcast_in_dim3A_2 : vector<16xi1>, vector<16xi32>
    %reduce_sum3A_1531 = arith.constant true
    %reduce_sum3A_1532 = vector.broadcast %reduce_sum3A_1531 : i1 to vector<16xi1>
    %reduce_sum3A_1533 = tpu.scan <sum>, %select_n3A_1530 masked %reduce_sum3A_1532 : vector<16xi32>, vector<16xi1> -> vector<16xi32>
    %reduce_sum3A_1534 = vector.extract %reduce_sum3A_1533[15] : i32 from vector<16xi32>
    %add3A_1535 = arith.addi %add3A_1517, %reduce_sum3A_1534 : i32
    %rev3A_1536 = arith.constant 15 : i32
    %rev3A_1537 = vector.broadcast %rev3A_1536 : i32 to vector<16xi32>
    %rev3A_1538 = tpu.iota {dimensions = array<i32: 0>} : vector<16xi32>
    %rev3A_1539 = arith.subi %rev3A_1537, %rev3A_1538 : vector<16xi32>
    %rev3A_1540 = tpu.dynamic_gather %get3A_1391[%rev3A_1539] in [0] : vector<16xi32>, vector<16xi32> -> vector<16xi32>
    %broadcast_in_dim3A_1541 = arith.constant true
    %broadcast_in_dim3A_1542 = vector.broadcast %broadcast_in_dim3A_1541 : i1 to vector<16xi1>
    %masked_cumsum3A_1543 = tpu.scan <sum>, %rev3A_1540 masked %broadcast_in_dim3A_1542 : vector<16xi32>, vector<16xi1> -> vector<16xi32>
    %add3A_1544 = vector.broadcast %add3A_1495 : i32 to vector<16xi32>
    %add3A_1545 = arith.addi %masked_cumsum3A_1543, %add3A_1544 : vector<16xi32>
    %ge3A_1546 = vector.broadcast %sub3A_1317 : i32 to vector<16xi32>
    %ge3A_1547 = arith.cmpi sge, %add3A_1545, %ge3A_1546 : vector<16xi32>
    %select_n3A_1548 = arith.select %ge3A_1547, %broadcast_in_dim3A_0, %broadcast_in_dim3A_2 : vector<16xi1>, vector<16xi32>
    %reduce_sum3A_1549 = arith.constant true
    %reduce_sum3A_1550 = vector.broadcast %reduce_sum3A_1549 : i1 to vector<16xi1>
    %reduce_sum3A_1551 = tpu.scan <sum>, %select_n3A_1548 masked %reduce_sum3A_1550 : vector<16xi32>, vector<16xi1> -> vector<16xi32>
    %reduce_sum3A_1552 = vector.extract %reduce_sum3A_1551[15] : i32 from vector<16xi32>
    %add3A_1553 = arith.addi %add3A_1535, %reduce_sum3A_1552 : i32
    %rev3A_1554 = arith.constant 15 : i32
    %rev3A_1555 = vector.broadcast %rev3A_1554 : i32 to vector<16xi32>
    %rev3A_1556 = tpu.iota {dimensions = array<i32: 0>} : vector<16xi32>
    %rev3A_1557 = arith.subi %rev3A_1555, %rev3A_1556 : vector<16xi32>
    %rev3A_1558 = tpu.dynamic_gather %get3A_1393[%rev3A_1557] in [0] : vector<16xi32>, vector<16xi32> -> vector<16xi32>
    %broadcast_in_dim3A_1559 = arith.constant true
    %broadcast_in_dim3A_1560 = vector.broadcast %broadcast_in_dim3A_1559 : i1 to vector<16xi1>
    %masked_cumsum3A_1561 = tpu.scan <sum>, %rev3A_1558 masked %broadcast_in_dim3A_1560 : vector<16xi32>, vector<16xi1> -> vector<16xi32>
    %add3A_1562 = vector.broadcast %add3A_1494 : i32 to vector<16xi32>
    %add3A_1563 = arith.addi %masked_cumsum3A_1561, %add3A_1562 : vector<16xi32>
    %ge3A_1564 = vector.broadcast %sub3A_1317 : i32 to vector<16xi32>
    %ge3A_1565 = arith.cmpi sge, %add3A_1563, %ge3A_1564 : vector<16xi32>
    %select_n3A_1566 = arith.select %ge3A_1565, %broadcast_in_dim3A_0, %broadcast_in_dim3A_2 : vector<16xi1>, vector<16xi32>
    %reduce_sum3A_1567 = arith.constant true
    %reduce_sum3A_1568 = vector.broadcast %reduce_sum3A_1567 : i1 to vector<16xi1>
    %reduce_sum3A_1569 = tpu.scan <sum>, %select_n3A_1566 masked %reduce_sum3A_1568 : vector<16xi32>, vector<16xi1> -> vector<16xi32>
    %reduce_sum3A_1570 = vector.extract %reduce_sum3A_1569[15] : i32 from vector<16xi32>
    %add3A_1571 = arith.addi %add3A_1553, %reduce_sum3A_1570 : i32
    %rev3A_1572 = arith.constant 15 : i32
    %rev3A_1573 = vector.broadcast %rev3A_1572 : i32 to vector<16xi32>
    %rev3A_1574 = tpu.iota {dimensions = array<i32: 0>} : vector<16xi32>
    %rev3A_1575 = arith.subi %rev3A_1573, %rev3A_1574 : vector<16xi32>
    %rev3A_1576 = tpu.dynamic_gather %get3A_1395[%rev3A_1575] in [0] : vector<16xi32>, vector<16xi32> -> vector<16xi32>
    %broadcast_in_dim3A_1577 = arith.constant true
    %broadcast_in_dim3A_1578 = vector.broadcast %broadcast_in_dim3A_1577 : i1 to vector<16xi1>
    %masked_cumsum3A_1579 = tpu.scan <sum>, %rev3A_1576 masked %broadcast_in_dim3A_1578 : vector<16xi32>, vector<16xi1> -> vector<16xi32>
    %add3A_1580 = vector.broadcast %add3A_1493 : i32 to vector<16xi32>
    %add3A_1581 = arith.addi %masked_cumsum3A_1579, %add3A_1580 : vector<16xi32>
    %ge3A_1582 = vector.broadcast %sub3A_1317 : i32 to vector<16xi32>
    %ge3A_1583 = arith.cmpi sge, %add3A_1581, %ge3A_1582 : vector<16xi32>
    %select_n3A_1584 = arith.select %ge3A_1583, %broadcast_in_dim3A_0, %broadcast_in_dim3A_2 : vector<16xi1>, vector<16xi32>
    %reduce_sum3A_1585 = arith.constant true
    %reduce_sum3A_1586 = vector.broadcast %reduce_sum3A_1585 : i1 to vector<16xi1>
    %reduce_sum3A_1587 = tpu.scan <sum>, %select_n3A_1584 masked %reduce_sum3A_1586 : vector<16xi32>, vector<16xi1> -> vector<16xi32>
    %reduce_sum3A_1588 = vector.extract %reduce_sum3A_1587[15] : i32 from vector<16xi32>
    %add3A_1589 = arith.addi %add3A_1571, %reduce_sum3A_1588 : i32
    %rev3A_1590 = arith.constant 15 : i32
    %rev3A_1591 = vector.broadcast %rev3A_1590 : i32 to vector<16xi32>
    %rev3A_1592 = tpu.iota {dimensions = array<i32: 0>} : vector<16xi32>
    %rev3A_1593 = arith.subi %rev3A_1591, %rev3A_1592 : vector<16xi32>
    %rev3A_1594 = tpu.dynamic_gather %get3A_1397[%rev3A_1593] in [0] : vector<16xi32>, vector<16xi32> -> vector<16xi32>
    %broadcast_in_dim3A_1595 = arith.constant true
    %broadcast_in_dim3A_1596 = vector.broadcast %broadcast_in_dim3A_1595 : i1 to vector<16xi1>
    %masked_cumsum3A_1597 = tpu.scan <sum>, %rev3A_1594 masked %broadcast_in_dim3A_1596 : vector<16xi32>, vector<16xi1> -> vector<16xi32>
    %add3A_1598 = vector.broadcast %add3A_1492 : i32 to vector<16xi32>
    %add3A_1599 = arith.addi %masked_cumsum3A_1597, %add3A_1598 : vector<16xi32>
    %ge3A_1600 = vector.broadcast %sub3A_1317 : i32 to vector<16xi32>
    %ge3A_1601 = arith.cmpi sge, %add3A_1599, %ge3A_1600 : vector<16xi32>
    %select_n3A_1602 = arith.select %ge3A_1601, %broadcast_in_dim3A_0, %broadcast_in_dim3A_2 : vector<16xi1>, vector<16xi32>
    %reduce_sum3A_1603 = arith.constant true
    %reduce_sum3A_1604 = vector.broadcast %reduce_sum3A_1603 : i1 to vector<16xi1>
    %reduce_sum3A_1605 = tpu.scan <sum>, %select_n3A_1602 masked %reduce_sum3A_1604 : vector<16xi32>, vector<16xi1> -> vector<16xi32>
    %reduce_sum3A_1606 = vector.extract %reduce_sum3A_1605[15] : i32 from vector<16xi32>
    %add3A_1607 = arith.addi %add3A_1589, %reduce_sum3A_1606 : i32
    %rev3A_1608 = arith.constant 15 : i32
    %rev3A_1609 = vector.broadcast %rev3A_1608 : i32 to vector<16xi32>
    %rev3A_1610 = tpu.iota {dimensions = array<i32: 0>} : vector<16xi32>
    %rev3A_1611 = arith.subi %rev3A_1609, %rev3A_1610 : vector<16xi32>
    %rev3A_1612 = tpu.dynamic_gather %get3A_1399[%rev3A_1611] in [0] : vector<16xi32>, vector<16xi32> -> vector<16xi32>
    %broadcast_in_dim3A_1613 = arith.constant true
    %broadcast_in_dim3A_1614 = vector.broadcast %broadcast_in_dim3A_1613 : i1 to vector<16xi1>
    %masked_cumsum3A_1615 = tpu.scan <sum>, %rev3A_1612 masked %broadcast_in_dim3A_1614 : vector<16xi32>, vector<16xi1> -> vector<16xi32>
    %add3A_1616 = vector.broadcast %add3A_1491 : i32 to vector<16xi32>
    %add3A_1617 = arith.addi %masked_cumsum3A_1615, %add3A_1616 : vector<16xi32>
    %ge3A_1618 = vector.broadcast %sub3A_1317 : i32 to vector<16xi32>
    %ge3A_1619 = arith.cmpi sge, %add3A_1617, %ge3A_1618 : vector<16xi32>
    %select_n3A_1620 = arith.select %ge3A_1619, %broadcast_in_dim3A_0, %broadcast_in_dim3A_2 : vector<16xi1>, vector<16xi32>
    %reduce_sum3A_1621 = arith.constant true
    %reduce_sum3A_1622 = vector.broadcast %reduce_sum3A_1621 : i1 to vector<16xi1>
    %reduce_sum3A_1623 = tpu.scan <sum>, %select_n3A_1620 masked %reduce_sum3A_1622 : vector<16xi32>, vector<16xi1> -> vector<16xi32>
    %reduce_sum3A_1624 = vector.extract %reduce_sum3A_1623[15] : i32 from vector<16xi32>
    %add3A_1625 = arith.addi %add3A_1607, %reduce_sum3A_1624 : i32
    %rev3A_1626 = arith.constant 15 : i32
    %rev3A_1627 = vector.broadcast %rev3A_1626 : i32 to vector<16xi32>
    %rev3A_1628 = tpu.iota {dimensions = array<i32: 0>} : vector<16xi32>
    %rev3A_1629 = arith.subi %rev3A_1627, %rev3A_1628 : vector<16xi32>
    %rev3A_1630 = tpu.dynamic_gather %get3A_1401[%rev3A_1629] in [0] : vector<16xi32>, vector<16xi32> -> vector<16xi32>
    %broadcast_in_dim3A_1631 = arith.constant true
    %broadcast_in_dim3A_1632 = vector.broadcast %broadcast_in_dim3A_1631 : i1 to vector<16xi1>
    %masked_cumsum3A_1633 = tpu.scan <sum>, %rev3A_1630 masked %broadcast_in_dim3A_1632 : vector<16xi32>, vector<16xi1> -> vector<16xi32>
    %add3A_1634 = vector.broadcast %add3A_1490 : i32 to vector<16xi32>
    %add3A_1635 = arith.addi %masked_cumsum3A_1633, %add3A_1634 : vector<16xi32>
    %ge3A_1636 = vector.broadcast %sub3A_1317 : i32 to vector<16xi32>
    %ge3A_1637 = arith.cmpi sge, %add3A_1635, %ge3A_1636 : vector<16xi32>
    %select_n3A_1638 = arith.select %ge3A_1637, %broadcast_in_dim3A_0, %broadcast_in_dim3A_2 : vector<16xi1>, vector<16xi32>
    %reduce_sum3A_1639 = arith.constant true
    %reduce_sum3A_1640 = vector.broadcast %reduce_sum3A_1639 : i1 to vector<16xi1>
    %reduce_sum3A_1641 = tpu.scan <sum>, %select_n3A_1638 masked %reduce_sum3A_1640 : vector<16xi32>, vector<16xi1> -> vector<16xi32>
    %reduce_sum3A_1642 = vector.extract %reduce_sum3A_1641[15] : i32 from vector<16xi32>
    %add3A_1643 = arith.addi %add3A_1625, %reduce_sum3A_1642 : i32
    %rev3A_1644 = arith.constant 15 : i32
    %rev3A_1645 = vector.broadcast %rev3A_1644 : i32 to vector<16xi32>
    %rev3A_1646 = tpu.iota {dimensions = array<i32: 0>} : vector<16xi32>
    %rev3A_1647 = arith.subi %rev3A_1645, %rev3A_1646 : vector<16xi32>
    %rev3A_1648 = tpu.dynamic_gather %get3A_1403[%rev3A_1647] in [0] : vector<16xi32>, vector<16xi32> -> vector<16xi32>
    %broadcast_in_dim3A_1649 = arith.constant true
    %broadcast_in_dim3A_1650 = vector.broadcast %broadcast_in_dim3A_1649 : i1 to vector<16xi1>
    %masked_cumsum3A_1651 = tpu.scan <sum>, %rev3A_1648 masked %broadcast_in_dim3A_1650 : vector<16xi32>, vector<16xi1> -> vector<16xi32>
    %add3A_1652 = vector.broadcast %add3A_1489 : i32 to vector<16xi32>
    %add3A_1653 = arith.addi %masked_cumsum3A_1651, %add3A_1652 : vector<16xi32>
    %ge3A_1654 = vector.broadcast %sub3A_1317 : i32 to vector<16xi32>
    %ge3A_1655 = arith.cmpi sge, %add3A_1653, %ge3A_1654 : vector<16xi32>
    %select_n3A_1656 = arith.select %ge3A_1655, %broadcast_in_dim3A_0, %broadcast_in_dim3A_2 : vector<16xi1>, vector<16xi32>
    %reduce_sum3A_1657 = arith.constant true
    %reduce_sum3A_1658 = vector.broadcast %reduce_sum3A_1657 : i1 to vector<16xi1>
    %reduce_sum3A_1659 = tpu.scan <sum>, %select_n3A_1656 masked %reduce_sum3A_1658 : vector<16xi32>, vector<16xi1> -> vector<16xi32>
    %reduce_sum3A_1660 = vector.extract %reduce_sum3A_1659[15] : i32 from vector<16xi32>
    %add3A_1661 = arith.addi %add3A_1643, %reduce_sum3A_1660 : i32
    %rev3A_1662 = arith.constant 15 : i32
    %rev3A_1663 = vector.broadcast %rev3A_1662 : i32 to vector<16xi32>
    %rev3A_1664 = tpu.iota {dimensions = array<i32: 0>} : vector<16xi32>
    %rev3A_1665 = arith.subi %rev3A_1663, %rev3A_1664 : vector<16xi32>
    %rev3A_1666 = tpu.dynamic_gather %get3A_1405[%rev3A_1665] in [0] : vector<16xi32>, vector<16xi32> -> vector<16xi32>
    %broadcast_in_dim3A_1667 = arith.constant true
    %broadcast_in_dim3A_1668 = vector.broadcast %broadcast_in_dim3A_1667 : i1 to vector<16xi1>
    %masked_cumsum3A_1669 = tpu.scan <sum>, %rev3A_1666 masked %broadcast_in_dim3A_1668 : vector<16xi32>, vector<16xi1> -> vector<16xi32>
    %add3A_1670 = vector.broadcast %add3A_1488 : i32 to vector<16xi32>
    %add3A_1671 = arith.addi %masked_cumsum3A_1669, %add3A_1670 : vector<16xi32>
    %ge3A_1672 = vector.broadcast %sub3A_1317 : i32 to vector<16xi32>
    %ge3A_1673 = arith.cmpi sge, %add3A_1671, %ge3A_1672 : vector<16xi32>
    %select_n3A_1674 = arith.select %ge3A_1673, %broadcast_in_dim3A_0, %broadcast_in_dim3A_2 : vector<16xi1>, vector<16xi32>
    %reduce_sum3A_1675 = arith.constant true
    %reduce_sum3A_1676 = vector.broadcast %reduce_sum3A_1675 : i1 to vector<16xi1>
    %reduce_sum3A_1677 = tpu.scan <sum>, %select_n3A_1674 masked %reduce_sum3A_1676 : vector<16xi32>, vector<16xi1> -> vector<16xi32>
    %reduce_sum3A_1678 = vector.extract %reduce_sum3A_1677[15] : i32 from vector<16xi32>
    %add3A_1679 = arith.addi %add3A_1661, %reduce_sum3A_1678 : i32
    %rev3A_1680 = arith.constant 15 : i32
    %rev3A_1681 = vector.broadcast %rev3A_1680 : i32 to vector<16xi32>
    %rev3A_1682 = tpu.iota {dimensions = array<i32: 0>} : vector<16xi32>
    %rev3A_1683 = arith.subi %rev3A_1681, %rev3A_1682 : vector<16xi32>
    %rev3A_1684 = tpu.dynamic_gather %get3A_1407[%rev3A_1683] in [0] : vector<16xi32>, vector<16xi32> -> vector<16xi32>
    %broadcast_in_dim3A_1685 = arith.constant true
    %broadcast_in_dim3A_1686 = vector.broadcast %broadcast_in_dim3A_1685 : i1 to vector<16xi1>
    %masked_cumsum3A_1687 = tpu.scan <sum>, %rev3A_1684 masked %broadcast_in_dim3A_1686 : vector<16xi32>, vector<16xi1> -> vector<16xi32>
    %add3A_1688 = vector.broadcast %add3A_1487 : i32 to vector<16xi32>
    %add3A_1689 = arith.addi %masked_cumsum3A_1687, %add3A_1688 : vector<16xi32>
    %ge3A_1690 = vector.broadcast %sub3A_1317 : i32 to vector<16xi32>
    %ge3A_1691 = arith.cmpi sge, %add3A_1689, %ge3A_1690 : vector<16xi32>
    %select_n3A_1692 = arith.select %ge3A_1691, %broadcast_in_dim3A_0, %broadcast_in_dim3A_2 : vector<16xi1>, vector<16xi32>
    %reduce_sum3A_1693 = arith.constant true
    %reduce_sum3A_1694 = vector.broadcast %reduce_sum3A_1693 : i1 to vector<16xi1>
    %reduce_sum3A_1695 = tpu.scan <sum>, %select_n3A_1692 masked %reduce_sum3A_1694 : vector<16xi32>, vector<16xi1> -> vector<16xi32>
    %reduce_sum3A_1696 = vector.extract %reduce_sum3A_1695[15] : i32 from vector<16xi32>
    %add3A_1697 = arith.addi %add3A_1679, %reduce_sum3A_1696 : i32
    %rev3A_1698 = arith.constant 15 : i32
    %rev3A_1699 = vector.broadcast %rev3A_1698 : i32 to vector<16xi32>
    %rev3A_1700 = tpu.iota {dimensions = array<i32: 0>} : vector<16xi32>
    %rev3A_1701 = arith.subi %rev3A_1699, %rev3A_1700 : vector<16xi32>
    %rev3A_1702 = tpu.dynamic_gather %get3A_1409[%rev3A_1701] in [0] : vector<16xi32>, vector<16xi32> -> vector<16xi32>
    %broadcast_in_dim3A_1703 = arith.constant true
    %broadcast_in_dim3A_1704 = vector.broadcast %broadcast_in_dim3A_1703 : i1 to vector<16xi1>
    %masked_cumsum3A_1705 = tpu.scan <sum>, %rev3A_1702 masked %broadcast_in_dim3A_1704 : vector<16xi32>, vector<16xi1> -> vector<16xi32>
    %add3A_1706 = vector.broadcast %add3A_1486 : i32 to vector<16xi32>
    %add3A_1707 = arith.addi %masked_cumsum3A_1705, %add3A_1706 : vector<16xi32>
    %ge3A_1708 = vector.broadcast %sub3A_1317 : i32 to vector<16xi32>
    %ge3A_1709 = arith.cmpi sge, %add3A_1707, %ge3A_1708 : vector<16xi32>
    %select_n3A_1710 = arith.select %ge3A_1709, %broadcast_in_dim3A_0, %broadcast_in_dim3A_2 : vector<16xi1>, vector<16xi32>
    %reduce_sum3A_1711 = arith.constant true
    %reduce_sum3A_1712 = vector.broadcast %reduce_sum3A_1711 : i1 to vector<16xi1>
    %reduce_sum3A_1713 = tpu.scan <sum>, %select_n3A_1710 masked %reduce_sum3A_1712 : vector<16xi32>, vector<16xi1> -> vector<16xi32>
    %reduce_sum3A_1714 = vector.extract %reduce_sum3A_1713[15] : i32 from vector<16xi32>
    %add3A_1715 = arith.addi %add3A_1697, %reduce_sum3A_1714 : i32
    %rev3A_1716 = arith.constant 15 : i32
    %rev3A_1717 = vector.broadcast %rev3A_1716 : i32 to vector<16xi32>
    %rev3A_1718 = tpu.iota {dimensions = array<i32: 0>} : vector<16xi32>
    %rev3A_1719 = arith.subi %rev3A_1717, %rev3A_1718 : vector<16xi32>
    %rev3A_1720 = tpu.dynamic_gather %get3A_1411[%rev3A_1719] in [0] : vector<16xi32>, vector<16xi32> -> vector<16xi32>
    %broadcast_in_dim3A_1721 = arith.constant true
    %broadcast_in_dim3A_1722 = vector.broadcast %broadcast_in_dim3A_1721 : i1 to vector<16xi1>
    %masked_cumsum3A_1723 = tpu.scan <sum>, %rev3A_1720 masked %broadcast_in_dim3A_1722 : vector<16xi32>, vector<16xi1> -> vector<16xi32>
    %add3A_1724 = vector.broadcast %add3A_1485 : i32 to vector<16xi32>
    %add3A_1725 = arith.addi %masked_cumsum3A_1723, %add3A_1724 : vector<16xi32>
    %ge3A_1726 = vector.broadcast %sub3A_1317 : i32 to vector<16xi32>
    %ge3A_1727 = arith.cmpi sge, %add3A_1725, %ge3A_1726 : vector<16xi32>
    %select_n3A_1728 = arith.select %ge3A_1727, %broadcast_in_dim3A_0, %broadcast_in_dim3A_2 : vector<16xi1>, vector<16xi32>
    %reduce_sum3A_1729 = arith.constant true
    %reduce_sum3A_1730 = vector.broadcast %reduce_sum3A_1729 : i1 to vector<16xi1>
    %reduce_sum3A_1731 = tpu.scan <sum>, %select_n3A_1728 masked %reduce_sum3A_1730 : vector<16xi32>, vector<16xi1> -> vector<16xi32>
    %reduce_sum3A_1732 = vector.extract %reduce_sum3A_1731[15] : i32 from vector<16xi32>
    %add3A_1733 = arith.addi %add3A_1715, %reduce_sum3A_1732 : i32
    %rev3A_1734 = arith.constant 15 : i32
    %rev3A_1735 = vector.broadcast %rev3A_1734 : i32 to vector<16xi32>
    %rev3A_1736 = tpu.iota {dimensions = array<i32: 0>} : vector<16xi32>
    %rev3A_1737 = arith.subi %rev3A_1735, %rev3A_1736 : vector<16xi32>
    %rev3A_1738 = tpu.dynamic_gather %get3A_1413[%rev3A_1737] in [0] : vector<16xi32>, vector<16xi32> -> vector<16xi32>
    %broadcast_in_dim3A_1739 = arith.constant true
    %broadcast_in_dim3A_1740 = vector.broadcast %broadcast_in_dim3A_1739 : i1 to vector<16xi1>
    %masked_cumsum3A_1741 = tpu.scan <sum>, %rev3A_1738 masked %broadcast_in_dim3A_1740 : vector<16xi32>, vector<16xi1> -> vector<16xi32>
    %add3A_1742 = vector.broadcast %add3A_1484 : i32 to vector<16xi32>
    %add3A_1743 = arith.addi %masked_cumsum3A_1741, %add3A_1742 : vector<16xi32>
    %ge3A_1744 = vector.broadcast %sub3A_1317 : i32 to vector<16xi32>
    %ge3A_1745 = arith.cmpi sge, %add3A_1743, %ge3A_1744 : vector<16xi32>
    %select_n3A_1746 = arith.select %ge3A_1745, %broadcast_in_dim3A_0, %broadcast_in_dim3A_2 : vector<16xi1>, vector<16xi32>
    %reduce_sum3A_1747 = arith.constant true
    %reduce_sum3A_1748 = vector.broadcast %reduce_sum3A_1747 : i1 to vector<16xi1>
    %reduce_sum3A_1749 = tpu.scan <sum>, %select_n3A_1746 masked %reduce_sum3A_1748 : vector<16xi32>, vector<16xi1> -> vector<16xi32>
    %reduce_sum3A_1750 = vector.extract %reduce_sum3A_1749[15] : i32 from vector<16xi32>
    %add3A_1751 = arith.addi %add3A_1733, %reduce_sum3A_1750 : i32
    %rev3A_1752 = arith.constant 15 : i32
    %rev3A_1753 = vector.broadcast %rev3A_1752 : i32 to vector<16xi32>
    %rev3A_1754 = tpu.iota {dimensions = array<i32: 0>} : vector<16xi32>
    %rev3A_1755 = arith.subi %rev3A_1753, %rev3A_1754 : vector<16xi32>
    %rev3A_1756 = tpu.dynamic_gather %get3A_1415[%rev3A_1755] in [0] : vector<16xi32>, vector<16xi32> -> vector<16xi32>
    %broadcast_in_dim3A_1757 = arith.constant true
    %broadcast_in_dim3A_1758 = vector.broadcast %broadcast_in_dim3A_1757 : i1 to vector<16xi1>
    %masked_cumsum3A_1759 = tpu.scan <sum>, %rev3A_1756 masked %broadcast_in_dim3A_1758 : vector<16xi32>, vector<16xi1> -> vector<16xi32>
    %add3A_1760 = vector.broadcast %add3A_1483 : i32 to vector<16xi32>
    %add3A_1761 = arith.addi %masked_cumsum3A_1759, %add3A_1760 : vector<16xi32>
    %ge3A_1762 = vector.broadcast %sub3A_1317 : i32 to vector<16xi32>
    %ge3A_1763 = arith.cmpi sge, %add3A_1761, %ge3A_1762 : vector<16xi32>
    %select_n3A_1764 = arith.select %ge3A_1763, %broadcast_in_dim3A_0, %broadcast_in_dim3A_2 : vector<16xi1>, vector<16xi32>
    %reduce_sum3A_1765 = arith.constant true
    %reduce_sum3A_1766 = vector.broadcast %reduce_sum3A_1765 : i1 to vector<16xi1>
    %reduce_sum3A_1767 = tpu.scan <sum>, %select_n3A_1764 masked %reduce_sum3A_1766 : vector<16xi32>, vector<16xi1> -> vector<16xi32>
    %reduce_sum3A_1768 = vector.extract %reduce_sum3A_1767[15] : i32 from vector<16xi32>
    %add3A_1769 = arith.addi %add3A_1751, %reduce_sum3A_1768 : i32
    %rev3A_1770 = arith.constant 15 : i32
    %rev3A_1771 = vector.broadcast %rev3A_1770 : i32 to vector<16xi32>
    %rev3A_1772 = tpu.iota {dimensions = array<i32: 0>} : vector<16xi32>
    %rev3A_1773 = arith.subi %rev3A_1771, %rev3A_1772 : vector<16xi32>
    %rev3A_1774 = tpu.dynamic_gather %get3A_1417[%rev3A_1773] in [0] : vector<16xi32>, vector<16xi32> -> vector<16xi32>
    %broadcast_in_dim3A_1775 = arith.constant true
    %broadcast_in_dim3A_1776 = vector.broadcast %broadcast_in_dim3A_1775 : i1 to vector<16xi1>
    %masked_cumsum3A_1777 = tpu.scan <sum>, %rev3A_1774 masked %broadcast_in_dim3A_1776 : vector<16xi32>, vector<16xi1> -> vector<16xi32>
    %add3A_1778 = arith.constant 0 : i32
    %add3A_1779 = vector.broadcast %add3A_1778 : i32 to vector<16xi32>
    %add3A_1780 = arith.addi %masked_cumsum3A_1777, %add3A_1779 : vector<16xi32>
    %ge3A_1781 = vector.broadcast %sub3A_1317 : i32 to vector<16xi32>
    %ge3A_1782 = arith.cmpi sge, %add3A_1780, %ge3A_1781 : vector<16xi32>
    %select_n3A_1783 = arith.select %ge3A_1782, %broadcast_in_dim3A_0, %broadcast_in_dim3A_2 : vector<16xi1>, vector<16xi32>
    %reduce_sum3A_1784 = arith.constant true
    %reduce_sum3A_1785 = vector.broadcast %reduce_sum3A_1784 : i1 to vector<16xi1>
    %reduce_sum3A_1786 = tpu.scan <sum>, %select_n3A_1783 masked %reduce_sum3A_1785 : vector<16xi32>, vector<16xi1> -> vector<16xi32>
    %reduce_sum3A_1787 = vector.extract %reduce_sum3A_1786[15] : i32 from vector<16xi32>
    %add3A_1788 = arith.addi %add3A_1769, %reduce_sum3A_1787 : i32
    %sub3A_1789 = arith.constant 1 : i32
    %sub3A_1790 = arith.subi %add3A_1788, %sub3A_1789 : i32
    %add3A_1791 = arith.constant 0 : i32
    %add3A_1792 = vector.broadcast %add3A_1791 : i32 to vector<16xi32>
    %add3A_1793 = arith.addi %add3A_1792, %iota3A : vector<16xi32>
    %gt3A_1794 = vector.broadcast %sub3A_1790 : i32 to vector<16xi32>
    %gt3A_1795 = arith.cmpi sgt, %add3A_1793, %gt3A_1794 : vector<16xi32>
    %select_n3A_1796 = arith.select %gt3A_1795, %get3A_1387, %broadcast_in_dim3A_2 : vector<16xi1>, vector<16xi32>
    %reduce_sum3A_1797 = arith.constant true
    %reduce_sum3A_1798 = vector.broadcast %reduce_sum3A_1797 : i1 to vector<16xi1>
    %reduce_sum3A_1799 = tpu.scan <sum>, %select_n3A_1796 masked %reduce_sum3A_1798 : vector<16xi32>, vector<16xi1> -> vector<16xi32>
    %reduce_sum3A_1800 = vector.extract %reduce_sum3A_1799[15] : i32 from vector<16xi32>
    %add3A_1801 = arith.constant 0 : i32
    %add3A_1802 = arith.addi %add3A_1801, %reduce_sum3A_1800 : i32
    %add3A_1803 = arith.constant 16 : i32
    %add3A_1804 = vector.broadcast %add3A_1803 : i32 to vector<16xi32>
    %add3A_1805 = arith.addi %add3A_1804, %iota3A : vector<16xi32>
    %gt3A_1806 = vector.broadcast %sub3A_1790 : i32 to vector<16xi32>
    %gt3A_1807 = arith.cmpi sgt, %add3A_1805, %gt3A_1806 : vector<16xi32>
    %select_n3A_1808 = arith.select %gt3A_1807, %get3A_1389, %broadcast_in_dim3A_2 : vector<16xi1>, vector<16xi32>
    %reduce_sum3A_1809 = arith.constant true
    %reduce_sum3A_1810 = vector.broadcast %reduce_sum3A_1809 : i1 to vector<16xi1>
    %reduce_sum3A_1811 = tpu.scan <sum>, %select_n3A_1808 masked %reduce_sum3A_1810 : vector<16xi32>, vector<16xi1> -> vector<16xi32>
    %reduce_sum3A_1812 = vector.extract %reduce_sum3A_1811[15] : i32 from vector<16xi32>
    %add3A_1813 = arith.addi %add3A_1802, %reduce_sum3A_1812 : i32
    %add3A_1814 = arith.constant 32 : i32
    %add3A_1815 = vector.broadcast %add3A_1814 : i32 to vector<16xi32>
    %add3A_1816 = arith.addi %add3A_1815, %iota3A : vector<16xi32>
    %gt3A_1817 = vector.broadcast %sub3A_1790 : i32 to vector<16xi32>
    %gt3A_1818 = arith.cmpi sgt, %add3A_1816, %gt3A_1817 : vector<16xi32>
    %select_n3A_1819 = arith.select %gt3A_1818, %get3A_1391, %broadcast_in_dim3A_2 : vector<16xi1>, vector<16xi32>
    %reduce_sum3A_1820 = arith.constant true
    %reduce_sum3A_1821 = vector.broadcast %reduce_sum3A_1820 : i1 to vector<16xi1>
    %reduce_sum3A_1822 = tpu.scan <sum>, %select_n3A_1819 masked %reduce_sum3A_1821 : vector<16xi32>, vector<16xi1> -> vector<16xi32>
    %reduce_sum3A_1823 = vector.extract %reduce_sum3A_1822[15] : i32 from vector<16xi32>
    %add3A_1824 = arith.addi %add3A_1813, %reduce_sum3A_1823 : i32
    %add3A_1825 = arith.constant 48 : i32
    %add3A_1826 = vector.broadcast %add3A_1825 : i32 to vector<16xi32>
    %add3A_1827 = arith.addi %add3A_1826, %iota3A : vector<16xi32>
    %gt3A_1828 = vector.broadcast %sub3A_1790 : i32 to vector<16xi32>
    %gt3A_1829 = arith.cmpi sgt, %add3A_1827, %gt3A_1828 : vector<16xi32>
    %select_n3A_1830 = arith.select %gt3A_1829, %get3A_1393, %broadcast_in_dim3A_2 : vector<16xi1>, vector<16xi32>
    %reduce_sum3A_1831 = arith.constant true
    %reduce_sum3A_1832 = vector.broadcast %reduce_sum3A_1831 : i1 to vector<16xi1>
    %reduce_sum3A_1833 = tpu.scan <sum>, %select_n3A_1830 masked %reduce_sum3A_1832 : vector<16xi32>, vector<16xi1> -> vector<16xi32>
    %reduce_sum3A_1834 = vector.extract %reduce_sum3A_1833[15] : i32 from vector<16xi32>
    %add3A_1835 = arith.addi %add3A_1824, %reduce_sum3A_1834 : i32
    %add3A_1836 = arith.constant 64 : i32
    %add3A_1837 = vector.broadcast %add3A_1836 : i32 to vector<16xi32>
    %add3A_1838 = arith.addi %add3A_1837, %iota3A : vector<16xi32>
    %gt3A_1839 = vector.broadcast %sub3A_1790 : i32 to vector<16xi32>
    %gt3A_1840 = arith.cmpi sgt, %add3A_1838, %gt3A_1839 : vector<16xi32>
    %select_n3A_1841 = arith.select %gt3A_1840, %get3A_1395, %broadcast_in_dim3A_2 : vector<16xi1>, vector<16xi32>
    %reduce_sum3A_1842 = arith.constant true
    %reduce_sum3A_1843 = vector.broadcast %reduce_sum3A_1842 : i1 to vector<16xi1>
    %reduce_sum3A_1844 = tpu.scan <sum>, %select_n3A_1841 masked %reduce_sum3A_1843 : vector<16xi32>, vector<16xi1> -> vector<16xi32>
    %reduce_sum3A_1845 = vector.extract %reduce_sum3A_1844[15] : i32 from vector<16xi32>
    %add3A_1846 = arith.addi %add3A_1835, %reduce_sum3A_1845 : i32
    %add3A_1847 = arith.constant 80 : i32
    %add3A_1848 = vector.broadcast %add3A_1847 : i32 to vector<16xi32>
    %add3A_1849 = arith.addi %add3A_1848, %iota3A : vector<16xi32>
    %gt3A_1850 = vector.broadcast %sub3A_1790 : i32 to vector<16xi32>
    %gt3A_1851 = arith.cmpi sgt, %add3A_1849, %gt3A_1850 : vector<16xi32>
    %select_n3A_1852 = arith.select %gt3A_1851, %get3A_1397, %broadcast_in_dim3A_2 : vector<16xi1>, vector<16xi32>
    %reduce_sum3A_1853 = arith.constant true
    %reduce_sum3A_1854 = vector.broadcast %reduce_sum3A_1853 : i1 to vector<16xi1>
    %reduce_sum3A_1855 = tpu.scan <sum>, %select_n3A_1852 masked %reduce_sum3A_1854 : vector<16xi32>, vector<16xi1> -> vector<16xi32>
    %reduce_sum3A_1856 = vector.extract %reduce_sum3A_1855[15] : i32 from vector<16xi32>
    %add3A_1857 = arith.addi %add3A_1846, %reduce_sum3A_1856 : i32
    %add3A_1858 = arith.constant 96 : i32
    %add3A_1859 = vector.broadcast %add3A_1858 : i32 to vector<16xi32>
    %add3A_1860 = arith.addi %add3A_1859, %iota3A : vector<16xi32>
    %gt3A_1861 = vector.broadcast %sub3A_1790 : i32 to vector<16xi32>
    %gt3A_1862 = arith.cmpi sgt, %add3A_1860, %gt3A_1861 : vector<16xi32>
    %select_n3A_1863 = arith.select %gt3A_1862, %get3A_1399, %broadcast_in_dim3A_2 : vector<16xi1>, vector<16xi32>
    %reduce_sum3A_1864 = arith.constant true
    %reduce_sum3A_1865 = vector.broadcast %reduce_sum3A_1864 : i1 to vector<16xi1>
    %reduce_sum3A_1866 = tpu.scan <sum>, %select_n3A_1863 masked %reduce_sum3A_1865 : vector<16xi32>, vector<16xi1> -> vector<16xi32>
    %reduce_sum3A_1867 = vector.extract %reduce_sum3A_1866[15] : i32 from vector<16xi32>
    %add3A_1868 = arith.addi %add3A_1857, %reduce_sum3A_1867 : i32
    %add3A_1869 = arith.constant 112 : i32
    %add3A_1870 = vector.broadcast %add3A_1869 : i32 to vector<16xi32>
    %add3A_1871 = arith.addi %add3A_1870, %iota3A : vector<16xi32>
    %gt3A_1872 = vector.broadcast %sub3A_1790 : i32 to vector<16xi32>
    %gt3A_1873 = arith.cmpi sgt, %add3A_1871, %gt3A_1872 : vector<16xi32>
    %select_n3A_1874 = arith.select %gt3A_1873, %get3A_1401, %broadcast_in_dim3A_2 : vector<16xi1>, vector<16xi32>
    %reduce_sum3A_1875 = arith.constant true
    %reduce_sum3A_1876 = vector.broadcast %reduce_sum3A_1875 : i1 to vector<16xi1>
    %reduce_sum3A_1877 = tpu.scan <sum>, %select_n3A_1874 masked %reduce_sum3A_1876 : vector<16xi32>, vector<16xi1> -> vector<16xi32>
    %reduce_sum3A_1878 = vector.extract %reduce_sum3A_1877[15] : i32 from vector<16xi32>
    %add3A_1879 = arith.addi %add3A_1868, %reduce_sum3A_1878 : i32
    %add3A_1880 = arith.constant 128 : i32
    %add3A_1881 = vector.broadcast %add3A_1880 : i32 to vector<16xi32>
    %add3A_1882 = arith.addi %add3A_1881, %iota3A : vector<16xi32>
    %gt3A_1883 = vector.broadcast %sub3A_1790 : i32 to vector<16xi32>
    %gt3A_1884 = arith.cmpi sgt, %add3A_1882, %gt3A_1883 : vector<16xi32>
    %select_n3A_1885 = arith.select %gt3A_1884, %get3A_1403, %broadcast_in_dim3A_2 : vector<16xi1>, vector<16xi32>
    %reduce_sum3A_1886 = arith.constant true
    %reduce_sum3A_1887 = vector.broadcast %reduce_sum3A_1886 : i1 to vector<16xi1>
    %reduce_sum3A_1888 = tpu.scan <sum>, %select_n3A_1885 masked %reduce_sum3A_1887 : vector<16xi32>, vector<16xi1> -> vector<16xi32>
    %reduce_sum3A_1889 = vector.extract %reduce_sum3A_1888[15] : i32 from vector<16xi32>
    %add3A_1890 = arith.addi %add3A_1879, %reduce_sum3A_1889 : i32
    %add3A_1891 = arith.constant 144 : i32
    %add3A_1892 = vector.broadcast %add3A_1891 : i32 to vector<16xi32>
    %add3A_1893 = arith.addi %add3A_1892, %iota3A : vector<16xi32>
    %gt3A_1894 = vector.broadcast %sub3A_1790 : i32 to vector<16xi32>
    %gt3A_1895 = arith.cmpi sgt, %add3A_1893, %gt3A_1894 : vector<16xi32>
    %select_n3A_1896 = arith.select %gt3A_1895, %get3A_1405, %broadcast_in_dim3A_2 : vector<16xi1>, vector<16xi32>
    %reduce_sum3A_1897 = arith.constant true
    %reduce_sum3A_1898 = vector.broadcast %reduce_sum3A_1897 : i1 to vector<16xi1>
    %reduce_sum3A_1899 = tpu.scan <sum>, %select_n3A_1896 masked %reduce_sum3A_1898 : vector<16xi32>, vector<16xi1> -> vector<16xi32>
    %reduce_sum3A_1900 = vector.extract %reduce_sum3A_1899[15] : i32 from vector<16xi32>
    %add3A_1901 = arith.addi %add3A_1890, %reduce_sum3A_1900 : i32
    %add3A_1902 = arith.constant 160 : i32
    %add3A_1903 = vector.broadcast %add3A_1902 : i32 to vector<16xi32>
    %add3A_1904 = arith.addi %add3A_1903, %iota3A : vector<16xi32>
    %gt3A_1905 = vector.broadcast %sub3A_1790 : i32 to vector<16xi32>
    %gt3A_1906 = arith.cmpi sgt, %add3A_1904, %gt3A_1905 : vector<16xi32>
    %select_n3A_1907 = arith.select %gt3A_1906, %get3A_1407, %broadcast_in_dim3A_2 : vector<16xi1>, vector<16xi32>
    %reduce_sum3A_1908 = arith.constant true
    %reduce_sum3A_1909 = vector.broadcast %reduce_sum3A_1908 : i1 to vector<16xi1>
    %reduce_sum3A_1910 = tpu.scan <sum>, %select_n3A_1907 masked %reduce_sum3A_1909 : vector<16xi32>, vector<16xi1> -> vector<16xi32>
    %reduce_sum3A_1911 = vector.extract %reduce_sum3A_1910[15] : i32 from vector<16xi32>
    %add3A_1912 = arith.addi %add3A_1901, %reduce_sum3A_1911 : i32
    %add3A_1913 = arith.constant 176 : i32
    %add3A_1914 = vector.broadcast %add3A_1913 : i32 to vector<16xi32>
    %add3A_1915 = arith.addi %add3A_1914, %iota3A : vector<16xi32>
    %gt3A_1916 = vector.broadcast %sub3A_1790 : i32 to vector<16xi32>
    %gt3A_1917 = arith.cmpi sgt, %add3A_1915, %gt3A_1916 : vector<16xi32>
    %select_n3A_1918 = arith.select %gt3A_1917, %get3A_1409, %broadcast_in_dim3A_2 : vector<16xi1>, vector<16xi32>
    %reduce_sum3A_1919 = arith.constant true
    %reduce_sum3A_1920 = vector.broadcast %reduce_sum3A_1919 : i1 to vector<16xi1>
    %reduce_sum3A_1921 = tpu.scan <sum>, %select_n3A_1918 masked %reduce_sum3A_1920 : vector<16xi32>, vector<16xi1> -> vector<16xi32>
    %reduce_sum3A_1922 = vector.extract %reduce_sum3A_1921[15] : i32 from vector<16xi32>
    %add3A_1923 = arith.addi %add3A_1912, %reduce_sum3A_1922 : i32
    %add3A_1924 = arith.constant 192 : i32
    %add3A_1925 = vector.broadcast %add3A_1924 : i32 to vector<16xi32>
    %add3A_1926 = arith.addi %add3A_1925, %iota3A : vector<16xi32>
    %gt3A_1927 = vector.broadcast %sub3A_1790 : i32 to vector<16xi32>
    %gt3A_1928 = arith.cmpi sgt, %add3A_1926, %gt3A_1927 : vector<16xi32>
    %select_n3A_1929 = arith.select %gt3A_1928, %get3A_1411, %broadcast_in_dim3A_2 : vector<16xi1>, vector<16xi32>
    %reduce_sum3A_1930 = arith.constant true
    %reduce_sum3A_1931 = vector.broadcast %reduce_sum3A_1930 : i1 to vector<16xi1>
    %reduce_sum3A_1932 = tpu.scan <sum>, %select_n3A_1929 masked %reduce_sum3A_1931 : vector<16xi32>, vector<16xi1> -> vector<16xi32>
    %reduce_sum3A_1933 = vector.extract %reduce_sum3A_1932[15] : i32 from vector<16xi32>
    %add3A_1934 = arith.addi %add3A_1923, %reduce_sum3A_1933 : i32
    %add3A_1935 = arith.constant 208 : i32
    %add3A_1936 = vector.broadcast %add3A_1935 : i32 to vector<16xi32>
    %add3A_1937 = arith.addi %add3A_1936, %iota3A : vector<16xi32>
    %gt3A_1938 = vector.broadcast %sub3A_1790 : i32 to vector<16xi32>
    %gt3A_1939 = arith.cmpi sgt, %add3A_1937, %gt3A_1938 : vector<16xi32>
    %select_n3A_1940 = arith.select %gt3A_1939, %get3A_1413, %broadcast_in_dim3A_2 : vector<16xi1>, vector<16xi32>
    %reduce_sum3A_1941 = arith.constant true
    %reduce_sum3A_1942 = vector.broadcast %reduce_sum3A_1941 : i1 to vector<16xi1>
    %reduce_sum3A_1943 = tpu.scan <sum>, %select_n3A_1940 masked %reduce_sum3A_1942 : vector<16xi32>, vector<16xi1> -> vector<16xi32>
    %reduce_sum3A_1944 = vector.extract %reduce_sum3A_1943[15] : i32 from vector<16xi32>
    %add3A_1945 = arith.addi %add3A_1934, %reduce_sum3A_1944 : i32
    %add3A_1946 = arith.constant 224 : i32
    %add3A_1947 = vector.broadcast %add3A_1946 : i32 to vector<16xi32>
    %add3A_1948 = arith.addi %add3A_1947, %iota3A : vector<16xi32>
    %gt3A_1949 = vector.broadcast %sub3A_1790 : i32 to vector<16xi32>
    %gt3A_1950 = arith.cmpi sgt, %add3A_1948, %gt3A_1949 : vector<16xi32>
    %select_n3A_1951 = arith.select %gt3A_1950, %get3A_1415, %broadcast_in_dim3A_2 : vector<16xi1>, vector<16xi32>
    %reduce_sum3A_1952 = arith.constant true
    %reduce_sum3A_1953 = vector.broadcast %reduce_sum3A_1952 : i1 to vector<16xi1>
    %reduce_sum3A_1954 = tpu.scan <sum>, %select_n3A_1951 masked %reduce_sum3A_1953 : vector<16xi32>, vector<16xi1> -> vector<16xi32>
    %reduce_sum3A_1955 = vector.extract %reduce_sum3A_1954[15] : i32 from vector<16xi32>
    %add3A_1956 = arith.addi %add3A_1945, %reduce_sum3A_1955 : i32
    %add3A_1957 = arith.constant 240 : i32
    %add3A_1958 = vector.broadcast %add3A_1957 : i32 to vector<16xi32>
    %add3A_1959 = arith.addi %add3A_1958, %iota3A : vector<16xi32>
    %gt3A_1960 = vector.broadcast %sub3A_1790 : i32 to vector<16xi32>
    %gt3A_1961 = arith.cmpi sgt, %add3A_1959, %gt3A_1960 : vector<16xi32>
    %select_n3A_1962 = arith.select %gt3A_1961, %get3A_1417, %broadcast_in_dim3A_2 : vector<16xi1>, vector<16xi32>
    %reduce_sum3A_1963 = arith.constant true
    %reduce_sum3A_1964 = vector.broadcast %reduce_sum3A_1963 : i1 to vector<16xi1>
    %reduce_sum3A_1965 = tpu.scan <sum>, %select_n3A_1962 masked %reduce_sum3A_1964 : vector<16xi32>, vector<16xi1> -> vector<16xi32>
    %reduce_sum3A_1966 = vector.extract %reduce_sum3A_1965[15] : i32 from vector<16xi32>
    %add3A_1967 = arith.addi %add3A_1956, %reduce_sum3A_1966 : i32
    %sub3A_1968 = arith.subi %sub3A_1317, %add3A_1967 : i32
    %shift_left3A_1969 = arith.constant 8 : i32
    %shift_left3A_1970 = arith.shli %or3A_1320, %shift_left3A_1969 : i32
    %or3A_1971 = arith.ori %shift_left3A_1970, %sub3A_1790 : i32
    %scan3A_1972 = arith.constant 0 : i32
    %scan3A_1973 = arith.constant 0 : i32
    %scan3A_1974 = arith.constant 256 : i32
    %scan3A_1975 = arith.addi %scan3A_1973, %scan3A_1974 : i32
    %scan3A_1976 = arith.constant 1 : i32
    %scan3A_1977 = scf.for %scan3A_2632 = %scan3A_1973 to %scan3A_1975 step %scan3A_1976 iter_args(%scan3A_2633 = %scan3A_1972) -> (i32)  : i32 {
      %mul3A_2634 = arith.constant 16 : i32
      %mul3A_2635 = arith.muli %scan3A_2632, %mul3A_2634 : i32
      %swap3A_2636 = arith.index_cast %mul3A_2635 : i32 to index
      %swap3A_2637 = tpu.vector_load %arg6[%swap3A_2636] {strides = array<i32>} : memref<4096xi32, #tpu.memory_space<vmem>>, vector<16xi32>,
      tpu.vector_store %arg6[%swap3A_2636], %broadcast_in_dim3A_2 {strides = array<i32>} : memref<4096xi32, #tpu.memory_space<vmem>>, vector<16xi32>,
      %scan3A_2638 = arith.constant 0 : i32
      scf.yield %scan3A_2638 : i32
    }
    %scan3A_1978 = arith.constant 256 : i32
    %broadcast_in_dim3A_1979 = vector.broadcast %or3A_1971 : i32 to vector<16xi32>
    %scan3A_1980 = arith.constant 0 : i32
    %scan3A_1981 = arith.constant 0 : i32
    %scan3A_1982 = arith.constant 1024 : i32
    %scan3A_1983 = arith.addi %scan3A_1981, %scan3A_1982 : i32
    %scan3A_1984 = arith.constant 1 : i32
    %scan3A_1985 = scf.for %scan3A_2632 = %scan3A_1981 to %scan3A_1983 step %scan3A_1984 iter_args(%scan3A_2633 = %scan3A_1980) -> (i32)  : i32 {
      %mul3A_2634 = arith.constant 16 : i32
      %mul3A_2635 = arith.muli %scan3A_2632, %mul3A_2634 : i32
      %get3A_2636 = arith.index_cast %mul3A_2635 : i32 to index
      %get3A_2637 = tpu.vector_load %arg5[%get3A_2636] {strides = array<i32>} : memref<16384xi32, #tpu.memory_space<vmem>>, vector<16xi32>,
      %shift_right_logical3A = arith.constant 0 : i32
      %shift_right_logical3A_2638 = vector.broadcast %shift_right_logical3A : i32 to vector<16xi32>
      %shift_right_logical3A_2639 = arith.shrui %get3A_2637, %shift_right_logical3A_2638 : vector<16xi32>
      %and3A = arith.constant 255 : i32
      %and3A_2640 = vector.broadcast %and3A : i32 to vector<16xi32>
      %and3A_2641 = arith.andi %shift_right_logical3A_2639, %and3A_2640 : vector<16xi32>
      %mul3A_2642 = arith.constant 16 : i32
      %mul3A_2643 = vector.broadcast %mul3A_2642 : i32 to vector<16xi32>
      %mul3A_2644 = arith.muli %and3A_2641, %mul3A_2643 : vector<16xi32>
      %add3A_2645 = arith.addi %mul3A_2644, %iota3A : vector<16xi32>
      %shift_right_logical3A_2646 = arith.constant 8 : i32
      %shift_right_logical3A_2647 = vector.broadcast %shift_right_logical3A_2646 : i32 to vector<16xi32>
      %shift_right_logical3A_2648 = arith.shrui %get3A_2637, %shift_right_logical3A_2647 : vector<16xi32>
      %eq3A = arith.cmpi eq, %shift_right_logical3A_2648, %broadcast_in_dim3A_1979 : vector<16xi32>
      tpu.vector_store_idx %arg6[%add3A_2645], %broadcast_in_dim3A_0 masked %eq3A {add = true} : memref<4096xi32, #tpu.memory_space<vmem>>[vector<16xi32>], vector<16xi32>, vector<16xi1>
      %scan3A_2649 = arith.constant 0 : i32
      scf.yield %scan3A_2649 : i32
    }
    %scan3A_1986 = arith.constant 1024 : i32
    %scan3A_1987 = arith.constant 0 : i32
    %scan3A_1988 = arith.constant 0 : i32
    %scan3A_1989 = arith.constant 16 : i32
    %scan3A_1990 = arith.addi %scan3A_1988, %scan3A_1989 : i32
    %scan3A_1991 = arith.constant 1 : i32
    %scan3A_1992 = scf.for %scan3A_2632 = %scan3A_1988 to %scan3A_1990 step %scan3A_1991 iter_args(%scan3A_2633 = %scan3A_1987) -> (i32)  : i32 {
      %mul3A_2634 = arith.constant 16 : i32
      %mul3A_2635 = arith.muli %scan3A_2632, %mul3A_2634 : i32
      %add3A_2636 = vector.broadcast %mul3A_2635 : i32 to vector<16xi32>
      %add3A_2637 = arith.addi %add3A_2636, %iota3A : vector<16xi32>
      %mul3A_2638 = arith.constant 16 : i32
      %mul3A_2639 = vector.broadcast %mul3A_2638 : i32 to vector<16xi32>
      %mul3A_2640 = arith.muli %add3A_2637, %mul3A_2639 : vector<16xi32>
      %add3A_2641 = arith.constant 0 : i32
      %add3A_2642 = vector.broadcast %add3A_2641 : i32 to vector<16xi32>
      %add3A_2643 = arith.addi %mul3A_2640, %add3A_2642 : vector<16xi32>
      %gather3A = tpu.vector_load_idx %arg6[%add3A_2643] : memref<4096xi32, #tpu.memory_space<vmem>>[vector<16xi32>], vector<16xi32>,
      %add3A_2644 = arith.addi %broadcast_in_dim3A_2, %gather3A : vector<16xi32>
      %add3A_2645 = arith.constant 1 : i32
      %add3A_2646 = vector.broadcast %add3A_2645 : i32 to vector<16xi32>
      %add3A_2647 = arith.addi %mul3A_2640, %add3A_2646 : vector<16xi32>
      %gather3A_2648 = tpu.vector_load_idx %arg6[%add3A_2647] : memref<4096xi32, #tpu.memory_space<vmem>>[vector<16xi32>], vector<16xi32>,
      %add3A_2649 = arith.addi %add3A_2644, %gather3A_2648 : vector<16xi32>
      %add3A_2650 = arith.constant 2 : i32
      %add3A_2651 = vector.broadcast %add3A_2650 : i32 to vector<16xi32>
      %add3A_2652 = arith.addi %mul3A_2640, %add3A_2651 : vector<16xi32>
      %gather3A_2653 = tpu.vector_load_idx %arg6[%add3A_2652] : memref<4096xi32, #tpu.memory_space<vmem>>[vector<16xi32>], vector<16xi32>,
      %add3A_2654 = arith.addi %add3A_2649, %gather3A_2653 : vector<16xi32>
      %add3A_2655 = arith.constant 3 : i32
      %add3A_2656 = vector.broadcast %add3A_2655 : i32 to vector<16xi32>
      %add3A_2657 = arith.addi %mul3A_2640, %add3A_2656 : vector<16xi32>
      %gather3A_2658 = tpu.vector_load_idx %arg6[%add3A_2657] : memref<4096xi32, #tpu.memory_space<vmem>>[vector<16xi32>], vector<16xi32>,
      %add3A_2659 = arith.addi %add3A_2654, %gather3A_2658 : vector<16xi32>
      %add3A_2660 = arith.constant 4 : i32
      %add3A_2661 = vector.broadcast %add3A_2660 : i32 to vector<16xi32>
      %add3A_2662 = arith.addi %mul3A_2640, %add3A_2661 : vector<16xi32>
      %gather3A_2663 = tpu.vector_load_idx %arg6[%add3A_2662] : memref<4096xi32, #tpu.memory_space<vmem>>[vector<16xi32>], vector<16xi32>,
      %add3A_2664 = arith.addi %add3A_2659, %gather3A_2663 : vector<16xi32>
      %add3A_2665 = arith.constant 5 : i32
      %add3A_2666 = vector.broadcast %add3A_2665 : i32 to vector<16xi32>
      %add3A_2667 = arith.addi %mul3A_2640, %add3A_2666 : vector<16xi32>
      %gather3A_2668 = tpu.vector_load_idx %arg6[%add3A_2667] : memref<4096xi32, #tpu.memory_space<vmem>>[vector<16xi32>], vector<16xi32>,
      %add3A_2669 = arith.addi %add3A_2664, %gather3A_2668 : vector<16xi32>
      %add3A_2670 = arith.constant 6 : i32
      %add3A_2671 = vector.broadcast %add3A_2670 : i32 to vector<16xi32>
      %add3A_2672 = arith.addi %mul3A_2640, %add3A_2671 : vector<16xi32>
      %gather3A_2673 = tpu.vector_load_idx %arg6[%add3A_2672] : memref<4096xi32, #tpu.memory_space<vmem>>[vector<16xi32>], vector<16xi32>,
      %add3A_2674 = arith.addi %add3A_2669, %gather3A_2673 : vector<16xi32>
      %add3A_2675 = arith.constant 7 : i32
      %add3A_2676 = vector.broadcast %add3A_2675 : i32 to vector<16xi32>
      %add3A_2677 = arith.addi %mul3A_2640, %add3A_2676 : vector<16xi32>
      %gather3A_2678 = tpu.vector_load_idx %arg6[%add3A_2677] : memref<4096xi32, #tpu.memory_space<vmem>>[vector<16xi32>], vector<16xi32>,
      %add3A_2679 = arith.addi %add3A_2674, %gather3A_2678 : vector<16xi32>
      %add3A_2680 = arith.constant 8 : i32
      %add3A_2681 = vector.broadcast %add3A_2680 : i32 to vector<16xi32>
      %add3A_2682 = arith.addi %mul3A_2640, %add3A_2681 : vector<16xi32>
      %gather3A_2683 = tpu.vector_load_idx %arg6[%add3A_2682] : memref<4096xi32, #tpu.memory_space<vmem>>[vector<16xi32>], vector<16xi32>,
      %add3A_2684 = arith.addi %add3A_2679, %gather3A_2683 : vector<16xi32>
      %add3A_2685 = arith.constant 9 : i32
      %add3A_2686 = vector.broadcast %add3A_2685 : i32 to vector<16xi32>
      %add3A_2687 = arith.addi %mul3A_2640, %add3A_2686 : vector<16xi32>
      %gather3A_2688 = tpu.vector_load_idx %arg6[%add3A_2687] : memref<4096xi32, #tpu.memory_space<vmem>>[vector<16xi32>], vector<16xi32>,
      %add3A_2689 = arith.addi %add3A_2684, %gather3A_2688 : vector<16xi32>
      %add3A_2690 = arith.constant 10 : i32
      %add3A_2691 = vector.broadcast %add3A_2690 : i32 to vector<16xi32>
      %add3A_2692 = arith.addi %mul3A_2640, %add3A_2691 : vector<16xi32>
      %gather3A_2693 = tpu.vector_load_idx %arg6[%add3A_2692] : memref<4096xi32, #tpu.memory_space<vmem>>[vector<16xi32>], vector<16xi32>,
      %add3A_2694 = arith.addi %add3A_2689, %gather3A_2693 : vector<16xi32>
      %add3A_2695 = arith.constant 11 : i32
      %add3A_2696 = vector.broadcast %add3A_2695 : i32 to vector<16xi32>
      %add3A_2697 = arith.addi %mul3A_2640, %add3A_2696 : vector<16xi32>
      %gather3A_2698 = tpu.vector_load_idx %arg6[%add3A_2697] : memref<4096xi32, #tpu.memory_space<vmem>>[vector<16xi32>], vector<16xi32>,
      %add3A_2699 = arith.addi %add3A_2694, %gather3A_2698 : vector<16xi32>
      %add3A_2700 = arith.constant 12 : i32
      %add3A_2701 = vector.broadcast %add3A_2700 : i32 to vector<16xi32>
      %add3A_2702 = arith.addi %mul3A_2640, %add3A_2701 : vector<16xi32>
      %gather3A_2703 = tpu.vector_load_idx %arg6[%add3A_2702] : memref<4096xi32, #tpu.memory_space<vmem>>[vector<16xi32>], vector<16xi32>,
      %add3A_2704 = arith.addi %add3A_2699, %gather3A_2703 : vector<16xi32>
      %add3A_2705 = arith.constant 13 : i32
      %add3A_2706 = vector.broadcast %add3A_2705 : i32 to vector<16xi32>
      %add3A_2707 = arith.addi %mul3A_2640, %add3A_2706 : vector<16xi32>
      %gather3A_2708 = tpu.vector_load_idx %arg6[%add3A_2707] : memref<4096xi32, #tpu.memory_space<vmem>>[vector<16xi32>], vector<16xi32>,
      %add3A_2709 = arith.addi %add3A_2704, %gather3A_2708 : vector<16xi32>
      %add3A_2710 = arith.constant 14 : i32
      %add3A_2711 = vector.broadcast %add3A_2710 : i32 to vector<16xi32>
      %add3A_2712 = arith.addi %mul3A_2640, %add3A_2711 : vector<16xi32>
      %gather3A_2713 = tpu.vector_load_idx %arg6[%add3A_2712] : memref<4096xi32, #tpu.memory_space<vmem>>[vector<16xi32>], vector<16xi32>,
      %add3A_2714 = arith.addi %add3A_2709, %gather3A_2713 : vector<16xi32>
      %add3A_2715 = arith.constant 15 : i32
      %add3A_2716 = vector.broadcast %add3A_2715 : i32 to vector<16xi32>
      %add3A_2717 = arith.addi %mul3A_2640, %add3A_2716 : vector<16xi32>
      %gather3A_2718 = tpu.vector_load_idx %arg6[%add3A_2717] : memref<4096xi32, #tpu.memory_space<vmem>>[vector<16xi32>], vector<16xi32>,
      %add3A_2719 = arith.addi %add3A_2714, %gather3A_2718 : vector<16xi32>
      %swap3A_2720 = arith.index_cast %mul3A_2635 : i32 to index
      %swap3A_2721 = tpu.vector_load %arg7[%swap3A_2720] {strides = array<i32>} : memref<256xi32, #tpu.memory_space<vmem>>, vector<16xi32>,
      tpu.vector_store %arg7[%swap3A_2720], %add3A_2719 {strides = array<i32>} : memref<256xi32, #tpu.memory_space<vmem>>, vector<16xi32>,
      %scan3A_2722 = arith.constant 0 : i32
      scf.yield %scan3A_2722 : i32
    }
    %scan3A_1993 = arith.constant 16 : i32
    %mul3A_1994 = arith.constant 256 : i32
    %mul3A_1995 = arith.muli %arg1, %mul3A_1994 : i32
    "tpu.region"() ({
      %run_scoped3A = tpu.sem_alloc : memref<!tpu.dma_semaphore, #tpu.memory_space<semaphore_mem>>
      %dma_start3A = tpu.memref_slice %arg10[%mul3A_1995] : memref<4096xi32, #tpu.memory_space<vmem_shared>> -> memref<256xi32, #tpu.memory_space<vmem_shared>>
      %dma_start3A_2632 = tpu.memref_slice %arg10[%mul3A_1995] : memref<4096xi32, #tpu.memory_space<vmem_shared>> -> memref<256xi32, #tpu.memory_space<vmem_shared>>
      tpu.enqueue_dma source(%arg7 : memref<256xi32, #tpu.memory_space<vmem>>) target(%dma_start3A_2632 : memref<256xi32, #tpu.memory_space<vmem_shared>>) target_semaphore(%run_scoped3A : memref<!tpu.dma_semaphore, #tpu.memory_space<semaphore_mem>>)
      %dma_wait3A = tpu.memref_slice %arg10[%mul3A_1995] : memref<4096xi32, #tpu.memory_space<vmem_shared>> -> memref<256xi32, #tpu.memory_space<vmem_shared>>
      %dma_wait3A_2633 = tpu.memref_slice %arg10[%mul3A_1995] : memref<4096xi32, #tpu.memory_space<vmem_shared>> -> memref<256xi32, #tpu.memory_space<vmem_shared>>
      tpu.wait_dma2 semaphore(%run_scoped3A : memref<!tpu.dma_semaphore, #tpu.memory_space<semaphore_mem>>) src(%arg7 : memref<256xi32, #tpu.memory_space<vmem>>) dst(%dma_wait3A_2633 : memref<256xi32, #tpu.memory_space<vmem_shared>>)
      tpu.yield
    }) : () -> ()
    %barrier3A_1996 = arith.constant 0 : index
    tpu.barrier barrier_id(%barrier3A_1996)
    "tpu.region"() ({
      %run_scoped3A = tpu.sem_alloc : memref<!tpu.dma_semaphore, #tpu.memory_space<semaphore_mem>>
      tpu.enqueue_dma source(%arg10 : memref<4096xi32, #tpu.memory_space<vmem_shared>>) target(%arg8 : memref<4096xi32, #tpu.memory_space<vmem>>) target_semaphore(%run_scoped3A : memref<!tpu.dma_semaphore, #tpu.memory_space<semaphore_mem>>)
      tpu.wait_dma2 semaphore(%run_scoped3A : memref<!tpu.dma_semaphore, #tpu.memory_space<semaphore_mem>>) src(%arg10 : memref<4096xi32, #tpu.memory_space<vmem_shared>>) dst(%arg8 : memref<4096xi32, #tpu.memory_space<vmem>>)
      tpu.yield
    }) : () -> ()
    %barrier3A_1997 = arith.constant 0 : index
    tpu.barrier barrier_id(%barrier3A_1997)
    %swap3A_1998 = arith.constant 0 : index
    %swap3A_1999 = tpu.vector_load %arg9[%swap3A_1998] {strides = array<i32>} : memref<256xi32, #tpu.memory_space<vmem>>, vector<16xi32>,
    tpu.vector_store %arg9[%swap3A_1998], %broadcast_in_dim3A_2 {strides = array<i32>} : memref<256xi32, #tpu.memory_space<vmem>>, vector<16xi32>,
    %swap3A_2000 = arith.constant 16 : index
    %swap3A_2001 = tpu.vector_load %arg9[%swap3A_2000] {strides = array<i32>} : memref<256xi32, #tpu.memory_space<vmem>>, vector<16xi32>,
    tpu.vector_store %arg9[%swap3A_2000], %broadcast_in_dim3A_2 {strides = array<i32>} : memref<256xi32, #tpu.memory_space<vmem>>, vector<16xi32>,
    %swap3A_2002 = arith.constant 32 : index
    %swap3A_2003 = tpu.vector_load %arg9[%swap3A_2002] {strides = array<i32>} : memref<256xi32, #tpu.memory_space<vmem>>, vector<16xi32>,
    tpu.vector_store %arg9[%swap3A_2002], %broadcast_in_dim3A_2 {strides = array<i32>} : memref<256xi32, #tpu.memory_space<vmem>>, vector<16xi32>,
    %swap3A_2004 = arith.constant 48 : index
    %swap3A_2005 = tpu.vector_load %arg9[%swap3A_2004] {strides = array<i32>} : memref<256xi32, #tpu.memory_space<vmem>>, vector<16xi32>,
    tpu.vector_store %arg9[%swap3A_2004], %broadcast_in_dim3A_2 {strides = array<i32>} : memref<256xi32, #tpu.memory_space<vmem>>, vector<16xi32>,
    %swap3A_2006 = arith.constant 64 : index
    %swap3A_2007 = tpu.vector_load %arg9[%swap3A_2006] {strides = array<i32>} : memref<256xi32, #tpu.memory_space<vmem>>, vector<16xi32>,
    tpu.vector_store %arg9[%swap3A_2006], %broadcast_in_dim3A_2 {strides = array<i32>} : memref<256xi32, #tpu.memory_space<vmem>>, vector<16xi32>,
    %swap3A_2008 = arith.constant 80 : index
    %swap3A_2009 = tpu.vector_load %arg9[%swap3A_2008] {strides = array<i32>} : memref<256xi32, #tpu.memory_space<vmem>>, vector<16xi32>,
    tpu.vector_store %arg9[%swap3A_2008], %broadcast_in_dim3A_2 {strides = array<i32>} : memref<256xi32, #tpu.memory_space<vmem>>, vector<16xi32>,
    %swap3A_2010 = arith.constant 96 : index
    %swap3A_2011 = tpu.vector_load %arg9[%swap3A_2010] {strides = array<i32>} : memref<256xi32, #tpu.memory_space<vmem>>, vector<16xi32>,
    tpu.vector_store %arg9[%swap3A_2010], %broadcast_in_dim3A_2 {strides = array<i32>} : memref<256xi32, #tpu.memory_space<vmem>>, vector<16xi32>,
    %swap3A_2012 = arith.constant 112 : index
    %swap3A_2013 = tpu.vector_load %arg9[%swap3A_2012] {strides = array<i32>} : memref<256xi32, #tpu.memory_space<vmem>>, vector<16xi32>,
    tpu.vector_store %arg9[%swap3A_2012], %broadcast_in_dim3A_2 {strides = array<i32>} : memref<256xi32, #tpu.memory_space<vmem>>, vector<16xi32>,
    %swap3A_2014 = arith.constant 128 : index
    %swap3A_2015 = tpu.vector_load %arg9[%swap3A_2014] {strides = array<i32>} : memref<256xi32, #tpu.memory_space<vmem>>, vector<16xi32>,
    tpu.vector_store %arg9[%swap3A_2014], %broadcast_in_dim3A_2 {strides = array<i32>} : memref<256xi32, #tpu.memory_space<vmem>>, vector<16xi32>,
    %swap3A_2016 = arith.constant 144 : index
    %swap3A_2017 = tpu.vector_load %arg9[%swap3A_2016] {strides = array<i32>} : memref<256xi32, #tpu.memory_space<vmem>>, vector<16xi32>,
    tpu.vector_store %arg9[%swap3A_2016], %broadcast_in_dim3A_2 {strides = array<i32>} : memref<256xi32, #tpu.memory_space<vmem>>, vector<16xi32>,
    %swap3A_2018 = arith.constant 160 : index
    %swap3A_2019 = tpu.vector_load %arg9[%swap3A_2018] {strides = array<i32>} : memref<256xi32, #tpu.memory_space<vmem>>, vector<16xi32>,
    tpu.vector_store %arg9[%swap3A_2018], %broadcast_in_dim3A_2 {strides = array<i32>} : memref<256xi32, #tpu.memory_space<vmem>>, vector<16xi32>,
    %swap3A_2020 = arith.constant 176 : index
    %swap3A_2021 = tpu.vector_load %arg9[%swap3A_2020] {strides = array<i32>} : memref<256xi32, #tpu.memory_space<vmem>>, vector<16xi32>,
    tpu.vector_store %arg9[%swap3A_2020], %broadcast_in_dim3A_2 {strides = array<i32>} : memref<256xi32, #tpu.memory_space<vmem>>, vector<16xi32>,
    %swap3A_2022 = arith.constant 192 : index
    %swap3A_2023 = tpu.vector_load %arg9[%swap3A_2022] {strides = array<i32>} : memref<256xi32, #tpu.memory_space<vmem>>, vector<16xi32>,
    tpu.vector_store %arg9[%swap3A_2022], %broadcast_in_dim3A_2 {strides = array<i32>} : memref<256xi32, #tpu.memory_space<vmem>>, vector<16xi32>,
    %swap3A_2024 = arith.constant 208 : index
    %swap3A_2025 = tpu.vector_load %arg9[%swap3A_2024] {strides = array<i32>} : memref<256xi32, #tpu.memory_space<vmem>>, vector<16xi32>,
    tpu.vector_store %arg9[%swap3A_2024], %broadcast_in_dim3A_2 {strides = array<i32>} : memref<256xi32, #tpu.memory_space<vmem>>, vector<16xi32>,
    %swap3A_2026 = arith.constant 224 : index
    %swap3A_2027 = tpu.vector_load %arg9[%swap3A_2026] {strides = array<i32>} : memref<256xi32, #tpu.memory_space<vmem>>, vector<16xi32>,
    tpu.vector_store %arg9[%swap3A_2026], %broadcast_in_dim3A_2 {strides = array<i32>} : memref<256xi32, #tpu.memory_space<vmem>>, vector<16xi32>,
    %swap3A_2028 = arith.constant 240 : index
    %swap3A_2029 = tpu.vector_load %arg9[%swap3A_2028] {strides = array<i32>} : memref<256xi32, #tpu.memory_space<vmem>>, vector<16xi32>,
    tpu.vector_store %arg9[%swap3A_2028], %broadcast_in_dim3A_2 {strides = array<i32>} : memref<256xi32, #tpu.memory_space<vmem>>, vector<16xi32>,
    %scan3A_2030 = arith.constant 0 : i32
    %scan3A_2031 = arith.constant 0 : i32
    %scan3A_2032 = arith.constant 16 : i32
    %scan3A_2033 = arith.addi %scan3A_2031, %scan3A_2032 : i32
    %scan3A_2034 = arith.constant 1 : i32
    %scan3A_2035 = scf.for %scan3A_2632 = %scan3A_2031 to %scan3A_2033 step %scan3A_2034 iter_args(%scan3A_2633 = %scan3A_2030) -> (i32)  : i32 {
      %get3A_2634 = arith.constant 0 : index
      %get3A_2635 = tpu.vector_load %arg9[%get3A_2634] {strides = array<i32>} : memref<256xi32, #tpu.memory_space<vmem>>, vector<16xi32>,
      %mul3A_2636 = arith.constant 256 : i32
      %mul3A_2637 = arith.muli %scan3A_2632, %mul3A_2636 : i32
      %add3A_2638 = arith.constant 0 : i32
      %add3A_2639 = arith.addi %mul3A_2637, %add3A_2638 : i32
      %get3A_2640 = arith.index_cast %add3A_2639 : i32 to index
      %get3A_2641 = tpu.vector_load %arg8[%get3A_2640] {strides = array<i32>} : memref<4096xi32, #tpu.memory_space<vmem>>, vector<16xi32>,
      %add3A_2642 = arith.addi %get3A_2635, %get3A_2641 : vector<16xi32>
      %swap3A_2643 = arith.constant 0 : index
      %swap3A_2644 = tpu.vector_load %arg9[%swap3A_2643] {strides = array<i32>} : memref<256xi32, #tpu.memory_space<vmem>>, vector<16xi32>,
      tpu.vector_store %arg9[%swap3A_2643], %add3A_2642 {strides = array<i32>} : memref<256xi32, #tpu.memory_space<vmem>>, vector<16xi32>,
      %get3A_2645 = arith.constant 16 : index
      %get3A_2646 = tpu.vector_load %arg9[%get3A_2645] {strides = array<i32>} : memref<256xi32, #tpu.memory_space<vmem>>, vector<16xi32>,
      %mul3A_2647 = arith.constant 256 : i32
      %mul3A_2648 = arith.muli %scan3A_2632, %mul3A_2647 : i32
      %add3A_2649 = arith.constant 16 : i32
      %add3A_2650 = arith.addi %mul3A_2648, %add3A_2649 : i32
      %get3A_2651 = arith.index_cast %add3A_2650 : i32 to index
      %get3A_2652 = tpu.vector_load %arg8[%get3A_2651] {strides = array<i32>} : memref<4096xi32, #tpu.memory_space<vmem>>, vector<16xi32>,
      %add3A_2653 = arith.addi %get3A_2646, %get3A_2652 : vector<16xi32>
      %swap3A_2654 = arith.constant 16 : index
      %swap3A_2655 = tpu.vector_load %arg9[%swap3A_2654] {strides = array<i32>} : memref<256xi32, #tpu.memory_space<vmem>>, vector<16xi32>,
      tpu.vector_store %arg9[%swap3A_2654], %add3A_2653 {strides = array<i32>} : memref<256xi32, #tpu.memory_space<vmem>>, vector<16xi32>,
      %get3A_2656 = arith.constant 32 : index
      %get3A_2657 = tpu.vector_load %arg9[%get3A_2656] {strides = array<i32>} : memref<256xi32, #tpu.memory_space<vmem>>, vector<16xi32>,
      %mul3A_2658 = arith.constant 256 : i32
      %mul3A_2659 = arith.muli %scan3A_2632, %mul3A_2658 : i32
      %add3A_2660 = arith.constant 32 : i32
      %add3A_2661 = arith.addi %mul3A_2659, %add3A_2660 : i32
      %get3A_2662 = arith.index_cast %add3A_2661 : i32 to index
      %get3A_2663 = tpu.vector_load %arg8[%get3A_2662] {strides = array<i32>} : memref<4096xi32, #tpu.memory_space<vmem>>, vector<16xi32>,
      %add3A_2664 = arith.addi %get3A_2657, %get3A_2663 : vector<16xi32>
      %swap3A_2665 = arith.constant 32 : index
      %swap3A_2666 = tpu.vector_load %arg9[%swap3A_2665] {strides = array<i32>} : memref<256xi32, #tpu.memory_space<vmem>>, vector<16xi32>,
      tpu.vector_store %arg9[%swap3A_2665], %add3A_2664 {strides = array<i32>} : memref<256xi32, #tpu.memory_space<vmem>>, vector<16xi32>,
      %get3A_2667 = arith.constant 48 : index
      %get3A_2668 = tpu.vector_load %arg9[%get3A_2667] {strides = array<i32>} : memref<256xi32, #tpu.memory_space<vmem>>, vector<16xi32>,
      %mul3A_2669 = arith.constant 256 : i32
      %mul3A_2670 = arith.muli %scan3A_2632, %mul3A_2669 : i32
      %add3A_2671 = arith.constant 48 : i32
      %add3A_2672 = arith.addi %mul3A_2670, %add3A_2671 : i32
      %get3A_2673 = arith.index_cast %add3A_2672 : i32 to index
      %get3A_2674 = tpu.vector_load %arg8[%get3A_2673] {strides = array<i32>} : memref<4096xi32, #tpu.memory_space<vmem>>, vector<16xi32>,
      %add3A_2675 = arith.addi %get3A_2668, %get3A_2674 : vector<16xi32>
      %swap3A_2676 = arith.constant 48 : index
      %swap3A_2677 = tpu.vector_load %arg9[%swap3A_2676] {strides = array<i32>} : memref<256xi32, #tpu.memory_space<vmem>>, vector<16xi32>,
      tpu.vector_store %arg9[%swap3A_2676], %add3A_2675 {strides = array<i32>} : memref<256xi32, #tpu.memory_space<vmem>>, vector<16xi32>,
      %get3A_2678 = arith.constant 64 : index
      %get3A_2679 = tpu.vector_load %arg9[%get3A_2678] {strides = array<i32>} : memref<256xi32, #tpu.memory_space<vmem>>, vector<16xi32>,
      %mul3A_2680 = arith.constant 256 : i32
      %mul3A_2681 = arith.muli %scan3A_2632, %mul3A_2680 : i32
      %add3A_2682 = arith.constant 64 : i32
      %add3A_2683 = arith.addi %mul3A_2681, %add3A_2682 : i32
      %get3A_2684 = arith.index_cast %add3A_2683 : i32 to index
      %get3A_2685 = tpu.vector_load %arg8[%get3A_2684] {strides = array<i32>} : memref<4096xi32, #tpu.memory_space<vmem>>, vector<16xi32>,
      %add3A_2686 = arith.addi %get3A_2679, %get3A_2685 : vector<16xi32>
      %swap3A_2687 = arith.constant 64 : index
      %swap3A_2688 = tpu.vector_load %arg9[%swap3A_2687] {strides = array<i32>} : memref<256xi32, #tpu.memory_space<vmem>>, vector<16xi32>,
      tpu.vector_store %arg9[%swap3A_2687], %add3A_2686 {strides = array<i32>} : memref<256xi32, #tpu.memory_space<vmem>>, vector<16xi32>,
      %get3A_2689 = arith.constant 80 : index
      %get3A_2690 = tpu.vector_load %arg9[%get3A_2689] {strides = array<i32>} : memref<256xi32, #tpu.memory_space<vmem>>, vector<16xi32>,
      %mul3A_2691 = arith.constant 256 : i32
      %mul3A_2692 = arith.muli %scan3A_2632, %mul3A_2691 : i32
      %add3A_2693 = arith.constant 80 : i32
      %add3A_2694 = arith.addi %mul3A_2692, %add3A_2693 : i32
      %get3A_2695 = arith.index_cast %add3A_2694 : i32 to index
      %get3A_2696 = tpu.vector_load %arg8[%get3A_2695] {strides = array<i32>} : memref<4096xi32, #tpu.memory_space<vmem>>, vector<16xi32>,
      %add3A_2697 = arith.addi %get3A_2690, %get3A_2696 : vector<16xi32>
      %swap3A_2698 = arith.constant 80 : index
      %swap3A_2699 = tpu.vector_load %arg9[%swap3A_2698] {strides = array<i32>} : memref<256xi32, #tpu.memory_space<vmem>>, vector<16xi32>,
      tpu.vector_store %arg9[%swap3A_2698], %add3A_2697 {strides = array<i32>} : memref<256xi32, #tpu.memory_space<vmem>>, vector<16xi32>,
      %get3A_2700 = arith.constant 96 : index
      %get3A_2701 = tpu.vector_load %arg9[%get3A_2700] {strides = array<i32>} : memref<256xi32, #tpu.memory_space<vmem>>, vector<16xi32>,
      %mul3A_2702 = arith.constant 256 : i32
      %mul3A_2703 = arith.muli %scan3A_2632, %mul3A_2702 : i32
      %add3A_2704 = arith.constant 96 : i32
      %add3A_2705 = arith.addi %mul3A_2703, %add3A_2704 : i32
      %get3A_2706 = arith.index_cast %add3A_2705 : i32 to index
      %get3A_2707 = tpu.vector_load %arg8[%get3A_2706] {strides = array<i32>} : memref<4096xi32, #tpu.memory_space<vmem>>, vector<16xi32>,
      %add3A_2708 = arith.addi %get3A_2701, %get3A_2707 : vector<16xi32>
      %swap3A_2709 = arith.constant 96 : index
      %swap3A_2710 = tpu.vector_load %arg9[%swap3A_2709] {strides = array<i32>} : memref<256xi32, #tpu.memory_space<vmem>>, vector<16xi32>,
      tpu.vector_store %arg9[%swap3A_2709], %add3A_2708 {strides = array<i32>} : memref<256xi32, #tpu.memory_space<vmem>>, vector<16xi32>,
      %get3A_2711 = arith.constant 112 : index
      %get3A_2712 = tpu.vector_load %arg9[%get3A_2711] {strides = array<i32>} : memref<256xi32, #tpu.memory_space<vmem>>, vector<16xi32>,
      %mul3A_2713 = arith.constant 256 : i32
      %mul3A_2714 = arith.muli %scan3A_2632, %mul3A_2713 : i32
      %add3A_2715 = arith.constant 112 : i32
      %add3A_2716 = arith.addi %mul3A_2714, %add3A_2715 : i32
      %get3A_2717 = arith.index_cast %add3A_2716 : i32 to index
      %get3A_2718 = tpu.vector_load %arg8[%get3A_2717] {strides = array<i32>} : memref<4096xi32, #tpu.memory_space<vmem>>, vector<16xi32>,
      %add3A_2719 = arith.addi %get3A_2712, %get3A_2718 : vector<16xi32>
      %swap3A_2720 = arith.constant 112 : index
      %swap3A_2721 = tpu.vector_load %arg9[%swap3A_2720] {strides = array<i32>} : memref<256xi32, #tpu.memory_space<vmem>>, vector<16xi32>,
      tpu.vector_store %arg9[%swap3A_2720], %add3A_2719 {strides = array<i32>} : memref<256xi32, #tpu.memory_space<vmem>>, vector<16xi32>,
      %get3A_2722 = arith.constant 128 : index
      %get3A_2723 = tpu.vector_load %arg9[%get3A_2722] {strides = array<i32>} : memref<256xi32, #tpu.memory_space<vmem>>, vector<16xi32>,
      %mul3A_2724 = arith.constant 256 : i32
      %mul3A_2725 = arith.muli %scan3A_2632, %mul3A_2724 : i32
      %add3A_2726 = arith.constant 128 : i32
      %add3A_2727 = arith.addi %mul3A_2725, %add3A_2726 : i32
      %get3A_2728 = arith.index_cast %add3A_2727 : i32 to index
      %get3A_2729 = tpu.vector_load %arg8[%get3A_2728] {strides = array<i32>} : memref<4096xi32, #tpu.memory_space<vmem>>, vector<16xi32>,
      %add3A_2730 = arith.addi %get3A_2723, %get3A_2729 : vector<16xi32>
      %swap3A_2731 = arith.constant 128 : index
      %swap3A_2732 = tpu.vector_load %arg9[%swap3A_2731] {strides = array<i32>} : memref<256xi32, #tpu.memory_space<vmem>>, vector<16xi32>,
      tpu.vector_store %arg9[%swap3A_2731], %add3A_2730 {strides = array<i32>} : memref<256xi32, #tpu.memory_space<vmem>>, vector<16xi32>,
      %get3A_2733 = arith.constant 144 : index
      %get3A_2734 = tpu.vector_load %arg9[%get3A_2733] {strides = array<i32>} : memref<256xi32, #tpu.memory_space<vmem>>, vector<16xi32>,
      %mul3A_2735 = arith.constant 256 : i32
      %mul3A_2736 = arith.muli %scan3A_2632, %mul3A_2735 : i32
      %add3A_2737 = arith.constant 144 : i32
      %add3A_2738 = arith.addi %mul3A_2736, %add3A_2737 : i32
      %get3A_2739 = arith.index_cast %add3A_2738 : i32 to index
      %get3A_2740 = tpu.vector_load %arg8[%get3A_2739] {strides = array<i32>} : memref<4096xi32, #tpu.memory_space<vmem>>, vector<16xi32>,
      %add3A_2741 = arith.addi %get3A_2734, %get3A_2740 : vector<16xi32>
      %swap3A_2742 = arith.constant 144 : index
      %swap3A_2743 = tpu.vector_load %arg9[%swap3A_2742] {strides = array<i32>} : memref<256xi32, #tpu.memory_space<vmem>>, vector<16xi32>,
      tpu.vector_store %arg9[%swap3A_2742], %add3A_2741 {strides = array<i32>} : memref<256xi32, #tpu.memory_space<vmem>>, vector<16xi32>,
      %get3A_2744 = arith.constant 160 : index
      %get3A_2745 = tpu.vector_load %arg9[%get3A_2744] {strides = array<i32>} : memref<256xi32, #tpu.memory_space<vmem>>, vector<16xi32>,
      %mul3A_2746 = arith.constant 256 : i32
      %mul3A_2747 = arith.muli %scan3A_2632, %mul3A_2746 : i32
      %add3A_2748 = arith.constant 160 : i32
      %add3A_2749 = arith.addi %mul3A_2747, %add3A_2748 : i32
      %get3A_2750 = arith.index_cast %add3A_2749 : i32 to index
      %get3A_2751 = tpu.vector_load %arg8[%get3A_2750] {strides = array<i32>} : memref<4096xi32, #tpu.memory_space<vmem>>, vector<16xi32>,
      %add3A_2752 = arith.addi %get3A_2745, %get3A_2751 : vector<16xi32>
      %swap3A_2753 = arith.constant 160 : index
      %swap3A_2754 = tpu.vector_load %arg9[%swap3A_2753] {strides = array<i32>} : memref<256xi32, #tpu.memory_space<vmem>>, vector<16xi32>,
      tpu.vector_store %arg9[%swap3A_2753], %add3A_2752 {strides = array<i32>} : memref<256xi32, #tpu.memory_space<vmem>>, vector<16xi32>,
      %get3A_2755 = arith.constant 176 : index
      %get3A_2756 = tpu.vector_load %arg9[%get3A_2755] {strides = array<i32>} : memref<256xi32, #tpu.memory_space<vmem>>, vector<16xi32>,
      %mul3A_2757 = arith.constant 256 : i32
      %mul3A_2758 = arith.muli %scan3A_2632, %mul3A_2757 : i32
      %add3A_2759 = arith.constant 176 : i32
      %add3A_2760 = arith.addi %mul3A_2758, %add3A_2759 : i32
      %get3A_2761 = arith.index_cast %add3A_2760 : i32 to index
      %get3A_2762 = tpu.vector_load %arg8[%get3A_2761] {strides = array<i32>} : memref<4096xi32, #tpu.memory_space<vmem>>, vector<16xi32>,
      %add3A_2763 = arith.addi %get3A_2756, %get3A_2762 : vector<16xi32>
      %swap3A_2764 = arith.constant 176 : index
      %swap3A_2765 = tpu.vector_load %arg9[%swap3A_2764] {strides = array<i32>} : memref<256xi32, #tpu.memory_space<vmem>>, vector<16xi32>,
      tpu.vector_store %arg9[%swap3A_2764], %add3A_2763 {strides = array<i32>} : memref<256xi32, #tpu.memory_space<vmem>>, vector<16xi32>,
      %get3A_2766 = arith.constant 192 : index
      %get3A_2767 = tpu.vector_load %arg9[%get3A_2766] {strides = array<i32>} : memref<256xi32, #tpu.memory_space<vmem>>, vector<16xi32>,
      %mul3A_2768 = arith.constant 256 : i32
      %mul3A_2769 = arith.muli %scan3A_2632, %mul3A_2768 : i32
      %add3A_2770 = arith.constant 192 : i32
      %add3A_2771 = arith.addi %mul3A_2769, %add3A_2770 : i32
      %get3A_2772 = arith.index_cast %add3A_2771 : i32 to index
      %get3A_2773 = tpu.vector_load %arg8[%get3A_2772] {strides = array<i32>} : memref<4096xi32, #tpu.memory_space<vmem>>, vector<16xi32>,
      %add3A_2774 = arith.addi %get3A_2767, %get3A_2773 : vector<16xi32>
      %swap3A_2775 = arith.constant 192 : index
      %swap3A_2776 = tpu.vector_load %arg9[%swap3A_2775] {strides = array<i32>} : memref<256xi32, #tpu.memory_space<vmem>>, vector<16xi32>,
      tpu.vector_store %arg9[%swap3A_2775], %add3A_2774 {strides = array<i32>} : memref<256xi32, #tpu.memory_space<vmem>>, vector<16xi32>,
      %get3A_2777 = arith.constant 208 : index
      %get3A_2778 = tpu.vector_load %arg9[%get3A_2777] {strides = array<i32>} : memref<256xi32, #tpu.memory_space<vmem>>, vector<16xi32>,
      %mul3A_2779 = arith.constant 256 : i32
      %mul3A_2780 = arith.muli %scan3A_2632, %mul3A_2779 : i32
      %add3A_2781 = arith.constant 208 : i32
      %add3A_2782 = arith.addi %mul3A_2780, %add3A_2781 : i32
      %get3A_2783 = arith.index_cast %add3A_2782 : i32 to index
      %get3A_2784 = tpu.vector_load %arg8[%get3A_2783] {strides = array<i32>} : memref<4096xi32, #tpu.memory_space<vmem>>, vector<16xi32>,
      %add3A_2785 = arith.addi %get3A_2778, %get3A_2784 : vector<16xi32>
      %swap3A_2786 = arith.constant 208 : index
      %swap3A_2787 = tpu.vector_load %arg9[%swap3A_2786] {strides = array<i32>} : memref<256xi32, #tpu.memory_space<vmem>>, vector<16xi32>,
      tpu.vector_store %arg9[%swap3A_2786], %add3A_2785 {strides = array<i32>} : memref<256xi32, #tpu.memory_space<vmem>>, vector<16xi32>,
      %get3A_2788 = arith.constant 224 : index
      %get3A_2789 = tpu.vector_load %arg9[%get3A_2788] {strides = array<i32>} : memref<256xi32, #tpu.memory_space<vmem>>, vector<16xi32>,
      %mul3A_2790 = arith.constant 256 : i32
      %mul3A_2791 = arith.muli %scan3A_2632, %mul3A_2790 : i32
      %add3A_2792 = arith.constant 224 : i32
      %add3A_2793 = arith.addi %mul3A_2791, %add3A_2792 : i32
      %get3A_2794 = arith.index_cast %add3A_2793 : i32 to index
      %get3A_2795 = tpu.vector_load %arg8[%get3A_2794] {strides = array<i32>} : memref<4096xi32, #tpu.memory_space<vmem>>, vector<16xi32>,
      %add3A_2796 = arith.addi %get3A_2789, %get3A_2795 : vector<16xi32>
      %swap3A_2797 = arith.constant 224 : index
      %swap3A_2798 = tpu.vector_load %arg9[%swap3A_2797] {strides = array<i32>} : memref<256xi32, #tpu.memory_space<vmem>>, vector<16xi32>,
      tpu.vector_store %arg9[%swap3A_2797], %add3A_2796 {strides = array<i32>} : memref<256xi32, #tpu.memory_space<vmem>>, vector<16xi32>,
      %get3A_2799 = arith.constant 240 : index
      %get3A_2800 = tpu.vector_load %arg9[%get3A_2799] {strides = array<i32>} : memref<256xi32, #tpu.memory_space<vmem>>, vector<16xi32>,
      %mul3A_2801 = arith.constant 256 : i32
      %mul3A_2802 = arith.muli %scan3A_2632, %mul3A_2801 : i32
      %add3A_2803 = arith.constant 240 : i32
      %add3A_2804 = arith.addi %mul3A_2802, %add3A_2803 : i32
      %get3A_2805 = arith.index_cast %add3A_2804 : i32 to index
      %get3A_2806 = tpu.vector_load %arg8[%get3A_2805] {strides = array<i32>} : memref<4096xi32, #tpu.memory_space<vmem>>, vector<16xi32>,
      %add3A_2807 = arith.addi %get3A_2800, %get3A_2806 : vector<16xi32>
      %swap3A_2808 = arith.constant 240 : index
      %swap3A_2809 = tpu.vector_load %arg9[%swap3A_2808] {strides = array<i32>} : memref<256xi32, #tpu.memory_space<vmem>>, vector<16xi32>,
      tpu.vector_store %arg9[%swap3A_2808], %add3A_2807 {strides = array<i32>} : memref<256xi32, #tpu.memory_space<vmem>>, vector<16xi32>,
      %scan3A_2810 = arith.constant 0 : i32
      scf.yield %scan3A_2810 : i32
    }
    %scan3A_2036 = arith.constant 16 : i32
    %get3A_2037 = arith.constant 0 : index
    %get3A_2038 = tpu.vector_load %arg9[%get3A_2037] {strides = array<i32>} : memref<256xi32, #tpu.memory_space<vmem>>, vector<16xi32>,
    %get3A_2039 = arith.constant 16 : index
    %get3A_2040 = tpu.vector_load %arg9[%get3A_2039] {strides = array<i32>} : memref<256xi32, #tpu.memory_space<vmem>>, vector<16xi32>,
    %get3A_2041 = arith.constant 32 : index
    %get3A_2042 = tpu.vector_load %arg9[%get3A_2041] {strides = array<i32>} : memref<256xi32, #tpu.memory_space<vmem>>, vector<16xi32>,
    %get3A_2043 = arith.constant 48 : index
    %get3A_2044 = tpu.vector_load %arg9[%get3A_2043] {strides = array<i32>} : memref<256xi32, #tpu.memory_space<vmem>>, vector<16xi32>,
    %get3A_2045 = arith.constant 64 : index
    %get3A_2046 = tpu.vector_load %arg9[%get3A_2045] {strides = array<i32>} : memref<256xi32, #tpu.memory_space<vmem>>, vector<16xi32>,
    %get3A_2047 = arith.constant 80 : index
    %get3A_2048 = tpu.vector_load %arg9[%get3A_2047] {strides = array<i32>} : memref<256xi32, #tpu.memory_space<vmem>>, vector<16xi32>,
    %get3A_2049 = arith.constant 96 : index
    %get3A_2050 = tpu.vector_load %arg9[%get3A_2049] {strides = array<i32>} : memref<256xi32, #tpu.memory_space<vmem>>, vector<16xi32>,
    %get3A_2051 = arith.constant 112 : index
    %get3A_2052 = tpu.vector_load %arg9[%get3A_2051] {strides = array<i32>} : memref<256xi32, #tpu.memory_space<vmem>>, vector<16xi32>,
    %get3A_2053 = arith.constant 128 : index
    %get3A_2054 = tpu.vector_load %arg9[%get3A_2053] {strides = array<i32>} : memref<256xi32, #tpu.memory_space<vmem>>, vector<16xi32>,
    %get3A_2055 = arith.constant 144 : index
    %get3A_2056 = tpu.vector_load %arg9[%get3A_2055] {strides = array<i32>} : memref<256xi32, #tpu.memory_space<vmem>>, vector<16xi32>,
    %get3A_2057 = arith.constant 160 : index
    %get3A_2058 = tpu.vector_load %arg9[%get3A_2057] {strides = array<i32>} : memref<256xi32, #tpu.memory_space<vmem>>, vector<16xi32>,
    %get3A_2059 = arith.constant 176 : index
    %get3A_2060 = tpu.vector_load %arg9[%get3A_2059] {strides = array<i32>} : memref<256xi32, #tpu.memory_space<vmem>>, vector<16xi32>,
    %get3A_2061 = arith.constant 192 : index
    %get3A_2062 = tpu.vector_load %arg9[%get3A_2061] {strides = array<i32>} : memref<256xi32, #tpu.memory_space<vmem>>, vector<16xi32>,
    %get3A_2063 = arith.constant 208 : index
    %get3A_2064 = tpu.vector_load %arg9[%get3A_2063] {strides = array<i32>} : memref<256xi32, #tpu.memory_space<vmem>>, vector<16xi32>,
    %get3A_2065 = arith.constant 224 : index
    %get3A_2066 = tpu.vector_load %arg9[%get3A_2065] {strides = array<i32>} : memref<256xi32, #tpu.memory_space<vmem>>, vector<16xi32>,
    %get3A_2067 = arith.constant 240 : index
    %get3A_2068 = tpu.vector_load %arg9[%get3A_2067] {strides = array<i32>} : memref<256xi32, #tpu.memory_space<vmem>>, vector<16xi32>,
    %reduce_sum3A_2069 = arith.constant true
    %reduce_sum3A_2070 = vector.broadcast %reduce_sum3A_2069 : i1 to vector<16xi1>
    %reduce_sum3A_2071 = tpu.scan <sum>, %get3A_2038 masked %reduce_sum3A_2070 : vector<16xi32>, vector<16xi1> -> vector<16xi32>
    %reduce_sum3A_2072 = vector.extract %reduce_sum3A_2071[15] : i32 from vector<16xi32>
    %reduce_sum3A_2073 = arith.constant true
    %reduce_sum3A_2074 = vector.broadcast %reduce_sum3A_2073 : i1 to vector<16xi1>
    %reduce_sum3A_2075 = tpu.scan <sum>, %get3A_2040 masked %reduce_sum3A_2074 : vector<16xi32>, vector<16xi1> -> vector<16xi32>
    %reduce_sum3A_2076 = vector.extract %reduce_sum3A_2075[15] : i32 from vector<16xi32>
    %reduce_sum3A_2077 = arith.constant true
    %reduce_sum3A_2078 = vector.broadcast %reduce_sum3A_2077 : i1 to vector<16xi1>
    %reduce_sum3A_2079 = tpu.scan <sum>, %get3A_2042 masked %reduce_sum3A_2078 : vector<16xi32>, vector<16xi1> -> vector<16xi32>
    %reduce_sum3A_2080 = vector.extract %reduce_sum3A_2079[15] : i32 from vector<16xi32>
    %reduce_sum3A_2081 = arith.constant true
    %reduce_sum3A_2082 = vector.broadcast %reduce_sum3A_2081 : i1 to vector<16xi1>
    %reduce_sum3A_2083 = tpu.scan <sum>, %get3A_2044 masked %reduce_sum3A_2082 : vector<16xi32>, vector<16xi1> -> vector<16xi32>
    %reduce_sum3A_2084 = vector.extract %reduce_sum3A_2083[15] : i32 from vector<16xi32>
    %reduce_sum3A_2085 = arith.constant true
    %reduce_sum3A_2086 = vector.broadcast %reduce_sum3A_2085 : i1 to vector<16xi1>
    %reduce_sum3A_2087 = tpu.scan <sum>, %get3A_2046 masked %reduce_sum3A_2086 : vector<16xi32>, vector<16xi1> -> vector<16xi32>
    %reduce_sum3A_2088 = vector.extract %reduce_sum3A_2087[15] : i32 from vector<16xi32>
    %reduce_sum3A_2089 = arith.constant true
    %reduce_sum3A_2090 = vector.broadcast %reduce_sum3A_2089 : i1 to vector<16xi1>
    %reduce_sum3A_2091 = tpu.scan <sum>, %get3A_2048 masked %reduce_sum3A_2090 : vector<16xi32>, vector<16xi1> -> vector<16xi32>
    %reduce_sum3A_2092 = vector.extract %reduce_sum3A_2091[15] : i32 from vector<16xi32>
    %reduce_sum3A_2093 = arith.constant true
    %reduce_sum3A_2094 = vector.broadcast %reduce_sum3A_2093 : i1 to vector<16xi1>
    %reduce_sum3A_2095 = tpu.scan <sum>, %get3A_2050 masked %reduce_sum3A_2094 : vector<16xi32>, vector<16xi1> -> vector<16xi32>
    %reduce_sum3A_2096 = vector.extract %reduce_sum3A_2095[15] : i32 from vector<16xi32>
    %reduce_sum3A_2097 = arith.constant true
    %reduce_sum3A_2098 = vector.broadcast %reduce_sum3A_2097 : i1 to vector<16xi1>
    %reduce_sum3A_2099 = tpu.scan <sum>, %get3A_2052 masked %reduce_sum3A_2098 : vector<16xi32>, vector<16xi1> -> vector<16xi32>
    %reduce_sum3A_2100 = vector.extract %reduce_sum3A_2099[15] : i32 from vector<16xi32>
    %reduce_sum3A_2101 = arith.constant true
    %reduce_sum3A_2102 = vector.broadcast %reduce_sum3A_2101 : i1 to vector<16xi1>
    %reduce_sum3A_2103 = tpu.scan <sum>, %get3A_2054 masked %reduce_sum3A_2102 : vector<16xi32>, vector<16xi1> -> vector<16xi32>
    %reduce_sum3A_2104 = vector.extract %reduce_sum3A_2103[15] : i32 from vector<16xi32>
    %reduce_sum3A_2105 = arith.constant true
    %reduce_sum3A_2106 = vector.broadcast %reduce_sum3A_2105 : i1 to vector<16xi1>
    %reduce_sum3A_2107 = tpu.scan <sum>, %get3A_2056 masked %reduce_sum3A_2106 : vector<16xi32>, vector<16xi1> -> vector<16xi32>
    %reduce_sum3A_2108 = vector.extract %reduce_sum3A_2107[15] : i32 from vector<16xi32>
    %reduce_sum3A_2109 = arith.constant true
    %reduce_sum3A_2110 = vector.broadcast %reduce_sum3A_2109 : i1 to vector<16xi1>
    %reduce_sum3A_2111 = tpu.scan <sum>, %get3A_2058 masked %reduce_sum3A_2110 : vector<16xi32>, vector<16xi1> -> vector<16xi32>
    %reduce_sum3A_2112 = vector.extract %reduce_sum3A_2111[15] : i32 from vector<16xi32>
    %reduce_sum3A_2113 = arith.constant true
    %reduce_sum3A_2114 = vector.broadcast %reduce_sum3A_2113 : i1 to vector<16xi1>
    %reduce_sum3A_2115 = tpu.scan <sum>, %get3A_2060 masked %reduce_sum3A_2114 : vector<16xi32>, vector<16xi1> -> vector<16xi32>
    %reduce_sum3A_2116 = vector.extract %reduce_sum3A_2115[15] : i32 from vector<16xi32>
    %reduce_sum3A_2117 = arith.constant true
    %reduce_sum3A_2118 = vector.broadcast %reduce_sum3A_2117 : i1 to vector<16xi1>
    %reduce_sum3A_2119 = tpu.scan <sum>, %get3A_2062 masked %reduce_sum3A_2118 : vector<16xi32>, vector<16xi1> -> vector<16xi32>
    %reduce_sum3A_2120 = vector.extract %reduce_sum3A_2119[15] : i32 from vector<16xi32>
    %reduce_sum3A_2121 = arith.constant true
    %reduce_sum3A_2122 = vector.broadcast %reduce_sum3A_2121 : i1 to vector<16xi1>
    %reduce_sum3A_2123 = tpu.scan <sum>, %get3A_2064 masked %reduce_sum3A_2122 : vector<16xi32>, vector<16xi1> -> vector<16xi32>
    %reduce_sum3A_2124 = vector.extract %reduce_sum3A_2123[15] : i32 from vector<16xi32>
    %reduce_sum3A_2125 = arith.constant true
    %reduce_sum3A_2126 = vector.broadcast %reduce_sum3A_2125 : i1 to vector<16xi1>
    %reduce_sum3A_2127 = tpu.scan <sum>, %get3A_2066 masked %reduce_sum3A_2126 : vector<16xi32>, vector<16xi1> -> vector<16xi32>
    %reduce_sum3A_2128 = vector.extract %reduce_sum3A_2127[15] : i32 from vector<16xi32>
    %reduce_sum3A_2129 = arith.constant true
    %reduce_sum3A_2130 = vector.broadcast %reduce_sum3A_2129 : i1 to vector<16xi1>
    %reduce_sum3A_2131 = tpu.scan <sum>, %get3A_2068 masked %reduce_sum3A_2130 : vector<16xi32>, vector<16xi1> -> vector<16xi32>
    %reduce_sum3A_2132 = vector.extract %reduce_sum3A_2131[15] : i32 from vector<16xi32>
    %add3A_2133 = arith.constant 0 : i32
    %add3A_2134 = arith.addi %add3A_2133, %reduce_sum3A_2132 : i32
    %add3A_2135 = arith.addi %add3A_2134, %reduce_sum3A_2128 : i32
    %add3A_2136 = arith.addi %add3A_2135, %reduce_sum3A_2124 : i32
    %add3A_2137 = arith.addi %add3A_2136, %reduce_sum3A_2120 : i32
    %add3A_2138 = arith.addi %add3A_2137, %reduce_sum3A_2116 : i32
    %add3A_2139 = arith.addi %add3A_2138, %reduce_sum3A_2112 : i32
    %add3A_2140 = arith.addi %add3A_2139, %reduce_sum3A_2108 : i32
    %add3A_2141 = arith.addi %add3A_2140, %reduce_sum3A_2104 : i32
    %add3A_2142 = arith.addi %add3A_2141, %reduce_sum3A_2100 : i32
    %add3A_2143 = arith.addi %add3A_2142, %reduce_sum3A_2096 : i32
    %add3A_2144 = arith.addi %add3A_2143, %reduce_sum3A_2092 : i32
    %add3A_2145 = arith.addi %add3A_2144, %reduce_sum3A_2088 : i32
    %add3A_2146 = arith.addi %add3A_2145, %reduce_sum3A_2084 : i32
    %add3A_2147 = arith.addi %add3A_2146, %reduce_sum3A_2080 : i32
    %add3A_2148 = arith.addi %add3A_2147, %reduce_sum3A_2076 : i32
    %add3A_2149 = arith.addi %add3A_2148, %reduce_sum3A_2072 : i32
    %rev3A_2150 = arith.constant 15 : i32
    %rev3A_2151 = vector.broadcast %rev3A_2150 : i32 to vector<16xi32>
    %rev3A_2152 = tpu.iota {dimensions = array<i32: 0>} : vector<16xi32>
    %rev3A_2153 = arith.subi %rev3A_2151, %rev3A_2152 : vector<16xi32>
    %rev3A_2154 = tpu.dynamic_gather %get3A_2038[%rev3A_2153] in [0] : vector<16xi32>, vector<16xi32> -> vector<16xi32>
    %broadcast_in_dim3A_2155 = arith.constant true
    %broadcast_in_dim3A_2156 = vector.broadcast %broadcast_in_dim3A_2155 : i1 to vector<16xi1>
    %masked_cumsum3A_2157 = tpu.scan <sum>, %rev3A_2154 masked %broadcast_in_dim3A_2156 : vector<16xi32>, vector<16xi1> -> vector<16xi32>
    %add3A_2158 = vector.broadcast %add3A_2148 : i32 to vector<16xi32>
    %add3A_2159 = arith.addi %masked_cumsum3A_2157, %add3A_2158 : vector<16xi32>
    %ge3A_2160 = vector.broadcast %sub3A_1968 : i32 to vector<16xi32>
    %ge3A_2161 = arith.cmpi sge, %add3A_2159, %ge3A_2160 : vector<16xi32>
    %select_n3A_2162 = arith.select %ge3A_2161, %broadcast_in_dim3A_0, %broadcast_in_dim3A_2 : vector<16xi1>, vector<16xi32>
    %reduce_sum3A_2163 = arith.constant true
    %reduce_sum3A_2164 = vector.broadcast %reduce_sum3A_2163 : i1 to vector<16xi1>
    %reduce_sum3A_2165 = tpu.scan <sum>, %select_n3A_2162 masked %reduce_sum3A_2164 : vector<16xi32>, vector<16xi1> -> vector<16xi32>
    %reduce_sum3A_2166 = vector.extract %reduce_sum3A_2165[15] : i32 from vector<16xi32>
    %add3A_2167 = arith.constant 0 : i32
    %add3A_2168 = arith.addi %add3A_2167, %reduce_sum3A_2166 : i32
    %rev3A_2169 = arith.constant 15 : i32
    %rev3A_2170 = vector.broadcast %rev3A_2169 : i32 to vector<16xi32>
    %rev3A_2171 = tpu.iota {dimensions = array<i32: 0>} : vector<16xi32>
    %rev3A_2172 = arith.subi %rev3A_2170, %rev3A_2171 : vector<16xi32>
    %rev3A_2173 = tpu.dynamic_gather %get3A_2040[%rev3A_2172] in [0] : vector<16xi32>, vector<16xi32> -> vector<16xi32>
    %broadcast_in_dim3A_2174 = arith.constant true
    %broadcast_in_dim3A_2175 = vector.broadcast %broadcast_in_dim3A_2174 : i1 to vector<16xi1>
    %masked_cumsum3A_2176 = tpu.scan <sum>, %rev3A_2173 masked %broadcast_in_dim3A_2175 : vector<16xi32>, vector<16xi1> -> vector<16xi32>
    %add3A_2177 = vector.broadcast %add3A_2147 : i32 to vector<16xi32>
    %add3A_2178 = arith.addi %masked_cumsum3A_2176, %add3A_2177 : vector<16xi32>
    %ge3A_2179 = vector.broadcast %sub3A_1968 : i32 to vector<16xi32>
    %ge3A_2180 = arith.cmpi sge, %add3A_2178, %ge3A_2179 : vector<16xi32>
    %select_n3A_2181 = arith.select %ge3A_2180, %broadcast_in_dim3A_0, %broadcast_in_dim3A_2 : vector<16xi1>, vector<16xi32>
    %reduce_sum3A_2182 = arith.constant true
    %reduce_sum3A_2183 = vector.broadcast %reduce_sum3A_2182 : i1 to vector<16xi1>
    %reduce_sum3A_2184 = tpu.scan <sum>, %select_n3A_2181 masked %reduce_sum3A_2183 : vector<16xi32>, vector<16xi1> -> vector<16xi32>
    %reduce_sum3A_2185 = vector.extract %reduce_sum3A_2184[15] : i32 from vector<16xi32>
    %add3A_2186 = arith.addi %add3A_2168, %reduce_sum3A_2185 : i32
    %rev3A_2187 = arith.constant 15 : i32
    %rev3A_2188 = vector.broadcast %rev3A_2187 : i32 to vector<16xi32>
    %rev3A_2189 = tpu.iota {dimensions = array<i32: 0>} : vector<16xi32>
    %rev3A_2190 = arith.subi %rev3A_2188, %rev3A_2189 : vector<16xi32>
    %rev3A_2191 = tpu.dynamic_gather %get3A_2042[%rev3A_2190] in [0] : vector<16xi32>, vector<16xi32> -> vector<16xi32>
    %broadcast_in_dim3A_2192 = arith.constant true
    %broadcast_in_dim3A_2193 = vector.broadcast %broadcast_in_dim3A_2192 : i1 to vector<16xi1>
    %masked_cumsum3A_2194 = tpu.scan <sum>, %rev3A_2191 masked %broadcast_in_dim3A_2193 : vector<16xi32>, vector<16xi1> -> vector<16xi32>
    %add3A_2195 = vector.broadcast %add3A_2146 : i32 to vector<16xi32>
    %add3A_2196 = arith.addi %masked_cumsum3A_2194, %add3A_2195 : vector<16xi32>
    %ge3A_2197 = vector.broadcast %sub3A_1968 : i32 to vector<16xi32>
    %ge3A_2198 = arith.cmpi sge, %add3A_2196, %ge3A_2197 : vector<16xi32>
    %select_n3A_2199 = arith.select %ge3A_2198, %broadcast_in_dim3A_0, %broadcast_in_dim3A_2 : vector<16xi1>, vector<16xi32>
    %reduce_sum3A_2200 = arith.constant true
    %reduce_sum3A_2201 = vector.broadcast %reduce_sum3A_2200 : i1 to vector<16xi1>
    %reduce_sum3A_2202 = tpu.scan <sum>, %select_n3A_2199 masked %reduce_sum3A_2201 : vector<16xi32>, vector<16xi1> -> vector<16xi32>
    %reduce_sum3A_2203 = vector.extract %reduce_sum3A_2202[15] : i32 from vector<16xi32>
    %add3A_2204 = arith.addi %add3A_2186, %reduce_sum3A_2203 : i32
    %rev3A_2205 = arith.constant 15 : i32
    %rev3A_2206 = vector.broadcast %rev3A_2205 : i32 to vector<16xi32>
    %rev3A_2207 = tpu.iota {dimensions = array<i32: 0>} : vector<16xi32>
    %rev3A_2208 = arith.subi %rev3A_2206, %rev3A_2207 : vector<16xi32>
    %rev3A_2209 = tpu.dynamic_gather %get3A_2044[%rev3A_2208] in [0] : vector<16xi32>, vector<16xi32> -> vector<16xi32>
    %broadcast_in_dim3A_2210 = arith.constant true
    %broadcast_in_dim3A_2211 = vector.broadcast %broadcast_in_dim3A_2210 : i1 to vector<16xi1>
    %masked_cumsum3A_2212 = tpu.scan <sum>, %rev3A_2209 masked %broadcast_in_dim3A_2211 : vector<16xi32>, vector<16xi1> -> vector<16xi32>
    %add3A_2213 = vector.broadcast %add3A_2145 : i32 to vector<16xi32>
    %add3A_2214 = arith.addi %masked_cumsum3A_2212, %add3A_2213 : vector<16xi32>
    %ge3A_2215 = vector.broadcast %sub3A_1968 : i32 to vector<16xi32>
    %ge3A_2216 = arith.cmpi sge, %add3A_2214, %ge3A_2215 : vector<16xi32>
    %select_n3A_2217 = arith.select %ge3A_2216, %broadcast_in_dim3A_0, %broadcast_in_dim3A_2 : vector<16xi1>, vector<16xi32>
    %reduce_sum3A_2218 = arith.constant true
    %reduce_sum3A_2219 = vector.broadcast %reduce_sum3A_2218 : i1 to vector<16xi1>
    %reduce_sum3A_2220 = tpu.scan <sum>, %select_n3A_2217 masked %reduce_sum3A_2219 : vector<16xi32>, vector<16xi1> -> vector<16xi32>
    %reduce_sum3A_2221 = vector.extract %reduce_sum3A_2220[15] : i32 from vector<16xi32>
    %add3A_2222 = arith.addi %add3A_2204, %reduce_sum3A_2221 : i32
    %rev3A_2223 = arith.constant 15 : i32
    %rev3A_2224 = vector.broadcast %rev3A_2223 : i32 to vector<16xi32>
    %rev3A_2225 = tpu.iota {dimensions = array<i32: 0>} : vector<16xi32>
    %rev3A_2226 = arith.subi %rev3A_2224, %rev3A_2225 : vector<16xi32>
    %rev3A_2227 = tpu.dynamic_gather %get3A_2046[%rev3A_2226] in [0] : vector<16xi32>, vector<16xi32> -> vector<16xi32>
    %broadcast_in_dim3A_2228 = arith.constant true
    %broadcast_in_dim3A_2229 = vector.broadcast %broadcast_in_dim3A_2228 : i1 to vector<16xi1>
    %masked_cumsum3A_2230 = tpu.scan <sum>, %rev3A_2227 masked %broadcast_in_dim3A_2229 : vector<16xi32>, vector<16xi1> -> vector<16xi32>
    %add3A_2231 = vector.broadcast %add3A_2144 : i32 to vector<16xi32>
    %add3A_2232 = arith.addi %masked_cumsum3A_2230, %add3A_2231 : vector<16xi32>
    %ge3A_2233 = vector.broadcast %sub3A_1968 : i32 to vector<16xi32>
    %ge3A_2234 = arith.cmpi sge, %add3A_2232, %ge3A_2233 : vector<16xi32>
    %select_n3A_2235 = arith.select %ge3A_2234, %broadcast_in_dim3A_0, %broadcast_in_dim3A_2 : vector<16xi1>, vector<16xi32>
    %reduce_sum3A_2236 = arith.constant true
    %reduce_sum3A_2237 = vector.broadcast %reduce_sum3A_2236 : i1 to vector<16xi1>
    %reduce_sum3A_2238 = tpu.scan <sum>, %select_n3A_2235 masked %reduce_sum3A_2237 : vector<16xi32>, vector<16xi1> -> vector<16xi32>
    %reduce_sum3A_2239 = vector.extract %reduce_sum3A_2238[15] : i32 from vector<16xi32>
    %add3A_2240 = arith.addi %add3A_2222, %reduce_sum3A_2239 : i32
    %rev3A_2241 = arith.constant 15 : i32
    %rev3A_2242 = vector.broadcast %rev3A_2241 : i32 to vector<16xi32>
    %rev3A_2243 = tpu.iota {dimensions = array<i32: 0>} : vector<16xi32>
    %rev3A_2244 = arith.subi %rev3A_2242, %rev3A_2243 : vector<16xi32>
    %rev3A_2245 = tpu.dynamic_gather %get3A_2048[%rev3A_2244] in [0] : vector<16xi32>, vector<16xi32> -> vector<16xi32>
    %broadcast_in_dim3A_2246 = arith.constant true
    %broadcast_in_dim3A_2247 = vector.broadcast %broadcast_in_dim3A_2246 : i1 to vector<16xi1>
    %masked_cumsum3A_2248 = tpu.scan <sum>, %rev3A_2245 masked %broadcast_in_dim3A_2247 : vector<16xi32>, vector<16xi1> -> vector<16xi32>
    %add3A_2249 = vector.broadcast %add3A_2143 : i32 to vector<16xi32>
    %add3A_2250 = arith.addi %masked_cumsum3A_2248, %add3A_2249 : vector<16xi32>
    %ge3A_2251 = vector.broadcast %sub3A_1968 : i32 to vector<16xi32>
    %ge3A_2252 = arith.cmpi sge, %add3A_2250, %ge3A_2251 : vector<16xi32>
    %select_n3A_2253 = arith.select %ge3A_2252, %broadcast_in_dim3A_0, %broadcast_in_dim3A_2 : vector<16xi1>, vector<16xi32>
    %reduce_sum3A_2254 = arith.constant true
    %reduce_sum3A_2255 = vector.broadcast %reduce_sum3A_2254 : i1 to vector<16xi1>
    %reduce_sum3A_2256 = tpu.scan <sum>, %select_n3A_2253 masked %reduce_sum3A_2255 : vector<16xi32>, vector<16xi1> -> vector<16xi32>
    %reduce_sum3A_2257 = vector.extract %reduce_sum3A_2256[15] : i32 from vector<16xi32>
    %add3A_2258 = arith.addi %add3A_2240, %reduce_sum3A_2257 : i32
    %rev3A_2259 = arith.constant 15 : i32
    %rev3A_2260 = vector.broadcast %rev3A_2259 : i32 to vector<16xi32>
    %rev3A_2261 = tpu.iota {dimensions = array<i32: 0>} : vector<16xi32>
    %rev3A_2262 = arith.subi %rev3A_2260, %rev3A_2261 : vector<16xi32>
    %rev3A_2263 = tpu.dynamic_gather %get3A_2050[%rev3A_2262] in [0] : vector<16xi32>, vector<16xi32> -> vector<16xi32>
    %broadcast_in_dim3A_2264 = arith.constant true
    %broadcast_in_dim3A_2265 = vector.broadcast %broadcast_in_dim3A_2264 : i1 to vector<16xi1>
    %masked_cumsum3A_2266 = tpu.scan <sum>, %rev3A_2263 masked %broadcast_in_dim3A_2265 : vector<16xi32>, vector<16xi1> -> vector<16xi32>
    %add3A_2267 = vector.broadcast %add3A_2142 : i32 to vector<16xi32>
    %add3A_2268 = arith.addi %masked_cumsum3A_2266, %add3A_2267 : vector<16xi32>
    %ge3A_2269 = vector.broadcast %sub3A_1968 : i32 to vector<16xi32>
    %ge3A_2270 = arith.cmpi sge, %add3A_2268, %ge3A_2269 : vector<16xi32>
    %select_n3A_2271 = arith.select %ge3A_2270, %broadcast_in_dim3A_0, %broadcast_in_dim3A_2 : vector<16xi1>, vector<16xi32>
    %reduce_sum3A_2272 = arith.constant true
    %reduce_sum3A_2273 = vector.broadcast %reduce_sum3A_2272 : i1 to vector<16xi1>
    %reduce_sum3A_2274 = tpu.scan <sum>, %select_n3A_2271 masked %reduce_sum3A_2273 : vector<16xi32>, vector<16xi1> -> vector<16xi32>
    %reduce_sum3A_2275 = vector.extract %reduce_sum3A_2274[15] : i32 from vector<16xi32>
    %add3A_2276 = arith.addi %add3A_2258, %reduce_sum3A_2275 : i32
    %rev3A_2277 = arith.constant 15 : i32
    %rev3A_2278 = vector.broadcast %rev3A_2277 : i32 to vector<16xi32>
    %rev3A_2279 = tpu.iota {dimensions = array<i32: 0>} : vector<16xi32>
    %rev3A_2280 = arith.subi %rev3A_2278, %rev3A_2279 : vector<16xi32>
    %rev3A_2281 = tpu.dynamic_gather %get3A_2052[%rev3A_2280] in [0] : vector<16xi32>, vector<16xi32> -> vector<16xi32>
    %broadcast_in_dim3A_2282 = arith.constant true
    %broadcast_in_dim3A_2283 = vector.broadcast %broadcast_in_dim3A_2282 : i1 to vector<16xi1>
    %masked_cumsum3A_2284 = tpu.scan <sum>, %rev3A_2281 masked %broadcast_in_dim3A_2283 : vector<16xi32>, vector<16xi1> -> vector<16xi32>
    %add3A_2285 = vector.broadcast %add3A_2141 : i32 to vector<16xi32>
    %add3A_2286 = arith.addi %masked_cumsum3A_2284, %add3A_2285 : vector<16xi32>
    %ge3A_2287 = vector.broadcast %sub3A_1968 : i32 to vector<16xi32>
    %ge3A_2288 = arith.cmpi sge, %add3A_2286, %ge3A_2287 : vector<16xi32>
    %select_n3A_2289 = arith.select %ge3A_2288, %broadcast_in_dim3A_0, %broadcast_in_dim3A_2 : vector<16xi1>, vector<16xi32>
    %reduce_sum3A_2290 = arith.constant true
    %reduce_sum3A_2291 = vector.broadcast %reduce_sum3A_2290 : i1 to vector<16xi1>
    %reduce_sum3A_2292 = tpu.scan <sum>, %select_n3A_2289 masked %reduce_sum3A_2291 : vector<16xi32>, vector<16xi1> -> vector<16xi32>
    %reduce_sum3A_2293 = vector.extract %reduce_sum3A_2292[15] : i32 from vector<16xi32>
    %add3A_2294 = arith.addi %add3A_2276, %reduce_sum3A_2293 : i32
    %rev3A_2295 = arith.constant 15 : i32
    %rev3A_2296 = vector.broadcast %rev3A_2295 : i32 to vector<16xi32>
    %rev3A_2297 = tpu.iota {dimensions = array<i32: 0>} : vector<16xi32>
    %rev3A_2298 = arith.subi %rev3A_2296, %rev3A_2297 : vector<16xi32>
    %rev3A_2299 = tpu.dynamic_gather %get3A_2054[%rev3A_2298] in [0] : vector<16xi32>, vector<16xi32> -> vector<16xi32>
    %broadcast_in_dim3A_2300 = arith.constant true
    %broadcast_in_dim3A_2301 = vector.broadcast %broadcast_in_dim3A_2300 : i1 to vector<16xi1>
    %masked_cumsum3A_2302 = tpu.scan <sum>, %rev3A_2299 masked %broadcast_in_dim3A_2301 : vector<16xi32>, vector<16xi1> -> vector<16xi32>
    %add3A_2303 = vector.broadcast %add3A_2140 : i32 to vector<16xi32>
    %add3A_2304 = arith.addi %masked_cumsum3A_2302, %add3A_2303 : vector<16xi32>
    %ge3A_2305 = vector.broadcast %sub3A_1968 : i32 to vector<16xi32>
    %ge3A_2306 = arith.cmpi sge, %add3A_2304, %ge3A_2305 : vector<16xi32>
    %select_n3A_2307 = arith.select %ge3A_2306, %broadcast_in_dim3A_0, %broadcast_in_dim3A_2 : vector<16xi1>, vector<16xi32>
    %reduce_sum3A_2308 = arith.constant true
    %reduce_sum3A_2309 = vector.broadcast %reduce_sum3A_2308 : i1 to vector<16xi1>
    %reduce_sum3A_2310 = tpu.scan <sum>, %select_n3A_2307 masked %reduce_sum3A_2309 : vector<16xi32>, vector<16xi1> -> vector<16xi32>
    %reduce_sum3A_2311 = vector.extract %reduce_sum3A_2310[15] : i32 from vector<16xi32>
    %add3A_2312 = arith.addi %add3A_2294, %reduce_sum3A_2311 : i32
    %rev3A_2313 = arith.constant 15 : i32
    %rev3A_2314 = vector.broadcast %rev3A_2313 : i32 to vector<16xi32>
    %rev3A_2315 = tpu.iota {dimensions = array<i32: 0>} : vector<16xi32>
    %rev3A_2316 = arith.subi %rev3A_2314, %rev3A_2315 : vector<16xi32>
    %rev3A_2317 = tpu.dynamic_gather %get3A_2056[%rev3A_2316] in [0] : vector<16xi32>, vector<16xi32> -> vector<16xi32>
    %broadcast_in_dim3A_2318 = arith.constant true
    %broadcast_in_dim3A_2319 = vector.broadcast %broadcast_in_dim3A_2318 : i1 to vector<16xi1>
    %masked_cumsum3A_2320 = tpu.scan <sum>, %rev3A_2317 masked %broadcast_in_dim3A_2319 : vector<16xi32>, vector<16xi1> -> vector<16xi32>
    %add3A_2321 = vector.broadcast %add3A_2139 : i32 to vector<16xi32>
    %add3A_2322 = arith.addi %masked_cumsum3A_2320, %add3A_2321 : vector<16xi32>
    %ge3A_2323 = vector.broadcast %sub3A_1968 : i32 to vector<16xi32>
    %ge3A_2324 = arith.cmpi sge, %add3A_2322, %ge3A_2323 : vector<16xi32>
    %select_n3A_2325 = arith.select %ge3A_2324, %broadcast_in_dim3A_0, %broadcast_in_dim3A_2 : vector<16xi1>, vector<16xi32>
    %reduce_sum3A_2326 = arith.constant true
    %reduce_sum3A_2327 = vector.broadcast %reduce_sum3A_2326 : i1 to vector<16xi1>
    %reduce_sum3A_2328 = tpu.scan <sum>, %select_n3A_2325 masked %reduce_sum3A_2327 : vector<16xi32>, vector<16xi1> -> vector<16xi32>
    %reduce_sum3A_2329 = vector.extract %reduce_sum3A_2328[15] : i32 from vector<16xi32>
    %add3A_2330 = arith.addi %add3A_2312, %reduce_sum3A_2329 : i32
    %rev3A_2331 = arith.constant 15 : i32
    %rev3A_2332 = vector.broadcast %rev3A_2331 : i32 to vector<16xi32>
    %rev3A_2333 = tpu.iota {dimensions = array<i32: 0>} : vector<16xi32>
    %rev3A_2334 = arith.subi %rev3A_2332, %rev3A_2333 : vector<16xi32>
    %rev3A_2335 = tpu.dynamic_gather %get3A_2058[%rev3A_2334] in [0] : vector<16xi32>, vector<16xi32> -> vector<16xi32>
    %broadcast_in_dim3A_2336 = arith.constant true
    %broadcast_in_dim3A_2337 = vector.broadcast %broadcast_in_dim3A_2336 : i1 to vector<16xi1>
    %masked_cumsum3A_2338 = tpu.scan <sum>, %rev3A_2335 masked %broadcast_in_dim3A_2337 : vector<16xi32>, vector<16xi1> -> vector<16xi32>
    %add3A_2339 = vector.broadcast %add3A_2138 : i32 to vector<16xi32>
    %add3A_2340 = arith.addi %masked_cumsum3A_2338, %add3A_2339 : vector<16xi32>
    %ge3A_2341 = vector.broadcast %sub3A_1968 : i32 to vector<16xi32>
    %ge3A_2342 = arith.cmpi sge, %add3A_2340, %ge3A_2341 : vector<16xi32>
    %select_n3A_2343 = arith.select %ge3A_2342, %broadcast_in_dim3A_0, %broadcast_in_dim3A_2 : vector<16xi1>, vector<16xi32>
    %reduce_sum3A_2344 = arith.constant true
    %reduce_sum3A_2345 = vector.broadcast %reduce_sum3A_2344 : i1 to vector<16xi1>
    %reduce_sum3A_2346 = tpu.scan <sum>, %select_n3A_2343 masked %reduce_sum3A_2345 : vector<16xi32>, vector<16xi1> -> vector<16xi32>
    %reduce_sum3A_2347 = vector.extract %reduce_sum3A_2346[15] : i32 from vector<16xi32>
    %add3A_2348 = arith.addi %add3A_2330, %reduce_sum3A_2347 : i32
    %rev3A_2349 = arith.constant 15 : i32
    %rev3A_2350 = vector.broadcast %rev3A_2349 : i32 to vector<16xi32>
    %rev3A_2351 = tpu.iota {dimensions = array<i32: 0>} : vector<16xi32>
    %rev3A_2352 = arith.subi %rev3A_2350, %rev3A_2351 : vector<16xi32>
    %rev3A_2353 = tpu.dynamic_gather %get3A_2060[%rev3A_2352] in [0] : vector<16xi32>, vector<16xi32> -> vector<16xi32>
    %broadcast_in_dim3A_2354 = arith.constant true
    %broadcast_in_dim3A_2355 = vector.broadcast %broadcast_in_dim3A_2354 : i1 to vector<16xi1>
    %masked_cumsum3A_2356 = tpu.scan <sum>, %rev3A_2353 masked %broadcast_in_dim3A_2355 : vector<16xi32>, vector<16xi1> -> vector<16xi32>
    %add3A_2357 = vector.broadcast %add3A_2137 : i32 to vector<16xi32>
    %add3A_2358 = arith.addi %masked_cumsum3A_2356, %add3A_2357 : vector<16xi32>
    %ge3A_2359 = vector.broadcast %sub3A_1968 : i32 to vector<16xi32>
    %ge3A_2360 = arith.cmpi sge, %add3A_2358, %ge3A_2359 : vector<16xi32>
    %select_n3A_2361 = arith.select %ge3A_2360, %broadcast_in_dim3A_0, %broadcast_in_dim3A_2 : vector<16xi1>, vector<16xi32>
    %reduce_sum3A_2362 = arith.constant true
    %reduce_sum3A_2363 = vector.broadcast %reduce_sum3A_2362 : i1 to vector<16xi1>
    %reduce_sum3A_2364 = tpu.scan <sum>, %select_n3A_2361 masked %reduce_sum3A_2363 : vector<16xi32>, vector<16xi1> -> vector<16xi32>
    %reduce_sum3A_2365 = vector.extract %reduce_sum3A_2364[15] : i32 from vector<16xi32>
    %add3A_2366 = arith.addi %add3A_2348, %reduce_sum3A_2365 : i32
    %rev3A_2367 = arith.constant 15 : i32
    %rev3A_2368 = vector.broadcast %rev3A_2367 : i32 to vector<16xi32>
    %rev3A_2369 = tpu.iota {dimensions = array<i32: 0>} : vector<16xi32>
    %rev3A_2370 = arith.subi %rev3A_2368, %rev3A_2369 : vector<16xi32>
    %rev3A_2371 = tpu.dynamic_gather %get3A_2062[%rev3A_2370] in [0] : vector<16xi32>, vector<16xi32> -> vector<16xi32>
    %broadcast_in_dim3A_2372 = arith.constant true
    %broadcast_in_dim3A_2373 = vector.broadcast %broadcast_in_dim3A_2372 : i1 to vector<16xi1>
    %masked_cumsum3A_2374 = tpu.scan <sum>, %rev3A_2371 masked %broadcast_in_dim3A_2373 : vector<16xi32>, vector<16xi1> -> vector<16xi32>
    %add3A_2375 = vector.broadcast %add3A_2136 : i32 to vector<16xi32>
    %add3A_2376 = arith.addi %masked_cumsum3A_2374, %add3A_2375 : vector<16xi32>
    %ge3A_2377 = vector.broadcast %sub3A_1968 : i32 to vector<16xi32>
    %ge3A_2378 = arith.cmpi sge, %add3A_2376, %ge3A_2377 : vector<16xi32>
    %select_n3A_2379 = arith.select %ge3A_2378, %broadcast_in_dim3A_0, %broadcast_in_dim3A_2 : vector<16xi1>, vector<16xi32>
    %reduce_sum3A_2380 = arith.constant true
    %reduce_sum3A_2381 = vector.broadcast %reduce_sum3A_2380 : i1 to vector<16xi1>
    %reduce_sum3A_2382 = tpu.scan <sum>, %select_n3A_2379 masked %reduce_sum3A_2381 : vector<16xi32>, vector<16xi1> -> vector<16xi32>
    %reduce_sum3A_2383 = vector.extract %reduce_sum3A_2382[15] : i32 from vector<16xi32>
    %add3A_2384 = arith.addi %add3A_2366, %reduce_sum3A_2383 : i32
    %rev3A_2385 = arith.constant 15 : i32
    %rev3A_2386 = vector.broadcast %rev3A_2385 : i32 to vector<16xi32>
    %rev3A_2387 = tpu.iota {dimensions = array<i32: 0>} : vector<16xi32>
    %rev3A_2388 = arith.subi %rev3A_2386, %rev3A_2387 : vector<16xi32>
    %rev3A_2389 = tpu.dynamic_gather %get3A_2064[%rev3A_2388] in [0] : vector<16xi32>, vector<16xi32> -> vector<16xi32>
    %broadcast_in_dim3A_2390 = arith.constant true
    %broadcast_in_dim3A_2391 = vector.broadcast %broadcast_in_dim3A_2390 : i1 to vector<16xi1>
    %masked_cumsum3A_2392 = tpu.scan <sum>, %rev3A_2389 masked %broadcast_in_dim3A_2391 : vector<16xi32>, vector<16xi1> -> vector<16xi32>
    %add3A_2393 = vector.broadcast %add3A_2135 : i32 to vector<16xi32>
    %add3A_2394 = arith.addi %masked_cumsum3A_2392, %add3A_2393 : vector<16xi32>
    %ge3A_2395 = vector.broadcast %sub3A_1968 : i32 to vector<16xi32>
    %ge3A_2396 = arith.cmpi sge, %add3A_2394, %ge3A_2395 : vector<16xi32>
    %select_n3A_2397 = arith.select %ge3A_2396, %broadcast_in_dim3A_0, %broadcast_in_dim3A_2 : vector<16xi1>, vector<16xi32>
    %reduce_sum3A_2398 = arith.constant true
    %reduce_sum3A_2399 = vector.broadcast %reduce_sum3A_2398 : i1 to vector<16xi1>
    %reduce_sum3A_2400 = tpu.scan <sum>, %select_n3A_2397 masked %reduce_sum3A_2399 : vector<16xi32>, vector<16xi1> -> vector<16xi32>
    %reduce_sum3A_2401 = vector.extract %reduce_sum3A_2400[15] : i32 from vector<16xi32>
    %add3A_2402 = arith.addi %add3A_2384, %reduce_sum3A_2401 : i32
    %rev3A_2403 = arith.constant 15 : i32
    %rev3A_2404 = vector.broadcast %rev3A_2403 : i32 to vector<16xi32>
    %rev3A_2405 = tpu.iota {dimensions = array<i32: 0>} : vector<16xi32>
    %rev3A_2406 = arith.subi %rev3A_2404, %rev3A_2405 : vector<16xi32>
    %rev3A_2407 = tpu.dynamic_gather %get3A_2066[%rev3A_2406] in [0] : vector<16xi32>, vector<16xi32> -> vector<16xi32>
    %broadcast_in_dim3A_2408 = arith.constant true
    %broadcast_in_dim3A_2409 = vector.broadcast %broadcast_in_dim3A_2408 : i1 to vector<16xi1>
    %masked_cumsum3A_2410 = tpu.scan <sum>, %rev3A_2407 masked %broadcast_in_dim3A_2409 : vector<16xi32>, vector<16xi1> -> vector<16xi32>
    %add3A_2411 = vector.broadcast %add3A_2134 : i32 to vector<16xi32>
    %add3A_2412 = arith.addi %masked_cumsum3A_2410, %add3A_2411 : vector<16xi32>
    %ge3A_2413 = vector.broadcast %sub3A_1968 : i32 to vector<16xi32>
    %ge3A_2414 = arith.cmpi sge, %add3A_2412, %ge3A_2413 : vector<16xi32>
    %select_n3A_2415 = arith.select %ge3A_2414, %broadcast_in_dim3A_0, %broadcast_in_dim3A_2 : vector<16xi1>, vector<16xi32>
    %reduce_sum3A_2416 = arith.constant true
    %reduce_sum3A_2417 = vector.broadcast %reduce_sum3A_2416 : i1 to vector<16xi1>
    %reduce_sum3A_2418 = tpu.scan <sum>, %select_n3A_2415 masked %reduce_sum3A_2417 : vector<16xi32>, vector<16xi1> -> vector<16xi32>
    %reduce_sum3A_2419 = vector.extract %reduce_sum3A_2418[15] : i32 from vector<16xi32>
    %add3A_2420 = arith.addi %add3A_2402, %reduce_sum3A_2419 : i32
    %rev3A_2421 = arith.constant 15 : i32
    %rev3A_2422 = vector.broadcast %rev3A_2421 : i32 to vector<16xi32>
    %rev3A_2423 = tpu.iota {dimensions = array<i32: 0>} : vector<16xi32>
    %rev3A_2424 = arith.subi %rev3A_2422, %rev3A_2423 : vector<16xi32>
    %rev3A_2425 = tpu.dynamic_gather %get3A_2068[%rev3A_2424] in [0] : vector<16xi32>, vector<16xi32> -> vector<16xi32>
    %broadcast_in_dim3A_2426 = arith.constant true
    %broadcast_in_dim3A_2427 = vector.broadcast %broadcast_in_dim3A_2426 : i1 to vector<16xi1>
    %masked_cumsum3A_2428 = tpu.scan <sum>, %rev3A_2425 masked %broadcast_in_dim3A_2427 : vector<16xi32>, vector<16xi1> -> vector<16xi32>
    %add3A_2429 = arith.constant 0 : i32
    %add3A_2430 = vector.broadcast %add3A_2429 : i32 to vector<16xi32>
    %add3A_2431 = arith.addi %masked_cumsum3A_2428, %add3A_2430 : vector<16xi32>
    %ge3A_2432 = vector.broadcast %sub3A_1968 : i32 to vector<16xi32>
    %ge3A_2433 = arith.cmpi sge, %add3A_2431, %ge3A_2432 : vector<16xi32>
    %select_n3A_2434 = arith.select %ge3A_2433, %broadcast_in_dim3A_0, %broadcast_in_dim3A_2 : vector<16xi1>, vector<16xi32>
    %reduce_sum3A_2435 = arith.constant true
    %reduce_sum3A_2436 = vector.broadcast %reduce_sum3A_2435 : i1 to vector<16xi1>
    %reduce_sum3A_2437 = tpu.scan <sum>, %select_n3A_2434 masked %reduce_sum3A_2436 : vector<16xi32>, vector<16xi1> -> vector<16xi32>
    %reduce_sum3A_2438 = vector.extract %reduce_sum3A_2437[15] : i32 from vector<16xi32>
    %add3A_2439 = arith.addi %add3A_2420, %reduce_sum3A_2438 : i32
    %sub3A_2440 = arith.constant 1 : i32
    %sub3A_2441 = arith.subi %add3A_2439, %sub3A_2440 : i32
    %add3A_2442 = arith.constant 0 : i32
    %add3A_2443 = vector.broadcast %add3A_2442 : i32 to vector<16xi32>
    %add3A_2444 = arith.addi %add3A_2443, %iota3A : vector<16xi32>
    %gt3A_2445 = vector.broadcast %sub3A_2441 : i32 to vector<16xi32>
    %gt3A_2446 = arith.cmpi sgt, %add3A_2444, %gt3A_2445 : vector<16xi32>
    %select_n3A_2447 = arith.select %gt3A_2446, %get3A_2038, %broadcast_in_dim3A_2 : vector<16xi1>, vector<16xi32>
    %reduce_sum3A_2448 = arith.constant true
    %reduce_sum3A_2449 = vector.broadcast %reduce_sum3A_2448 : i1 to vector<16xi1>
    %reduce_sum3A_2450 = tpu.scan <sum>, %select_n3A_2447 masked %reduce_sum3A_2449 : vector<16xi32>, vector<16xi1> -> vector<16xi32>
    %reduce_sum3A_2451 = vector.extract %reduce_sum3A_2450[15] : i32 from vector<16xi32>
    %add3A_2452 = arith.constant 0 : i32
    %add3A_2453 = arith.addi %add3A_2452, %reduce_sum3A_2451 : i32
    %add3A_2454 = arith.constant 16 : i32
    %add3A_2455 = vector.broadcast %add3A_2454 : i32 to vector<16xi32>
    %add3A_2456 = arith.addi %add3A_2455, %iota3A : vector<16xi32>
    %gt3A_2457 = vector.broadcast %sub3A_2441 : i32 to vector<16xi32>
    %gt3A_2458 = arith.cmpi sgt, %add3A_2456, %gt3A_2457 : vector<16xi32>
    %select_n3A_2459 = arith.select %gt3A_2458, %get3A_2040, %broadcast_in_dim3A_2 : vector<16xi1>, vector<16xi32>
    %reduce_sum3A_2460 = arith.constant true
    %reduce_sum3A_2461 = vector.broadcast %reduce_sum3A_2460 : i1 to vector<16xi1>
    %reduce_sum3A_2462 = tpu.scan <sum>, %select_n3A_2459 masked %reduce_sum3A_2461 : vector<16xi32>, vector<16xi1> -> vector<16xi32>
    %reduce_sum3A_2463 = vector.extract %reduce_sum3A_2462[15] : i32 from vector<16xi32>
    %add3A_2464 = arith.addi %add3A_2453, %reduce_sum3A_2463 : i32
    %add3A_2465 = arith.constant 32 : i32
    %add3A_2466 = vector.broadcast %add3A_2465 : i32 to vector<16xi32>
    %add3A_2467 = arith.addi %add3A_2466, %iota3A : vector<16xi32>
    %gt3A_2468 = vector.broadcast %sub3A_2441 : i32 to vector<16xi32>
    %gt3A_2469 = arith.cmpi sgt, %add3A_2467, %gt3A_2468 : vector<16xi32>
    %select_n3A_2470 = arith.select %gt3A_2469, %get3A_2042, %broadcast_in_dim3A_2 : vector<16xi1>, vector<16xi32>
    %reduce_sum3A_2471 = arith.constant true
    %reduce_sum3A_2472 = vector.broadcast %reduce_sum3A_2471 : i1 to vector<16xi1>
    %reduce_sum3A_2473 = tpu.scan <sum>, %select_n3A_2470 masked %reduce_sum3A_2472 : vector<16xi32>, vector<16xi1> -> vector<16xi32>
    %reduce_sum3A_2474 = vector.extract %reduce_sum3A_2473[15] : i32 from vector<16xi32>
    %add3A_2475 = arith.addi %add3A_2464, %reduce_sum3A_2474 : i32
    %add3A_2476 = arith.constant 48 : i32
    %add3A_2477 = vector.broadcast %add3A_2476 : i32 to vector<16xi32>
    %add3A_2478 = arith.addi %add3A_2477, %iota3A : vector<16xi32>
    %gt3A_2479 = vector.broadcast %sub3A_2441 : i32 to vector<16xi32>
    %gt3A_2480 = arith.cmpi sgt, %add3A_2478, %gt3A_2479 : vector<16xi32>
    %select_n3A_2481 = arith.select %gt3A_2480, %get3A_2044, %broadcast_in_dim3A_2 : vector<16xi1>, vector<16xi32>
    %reduce_sum3A_2482 = arith.constant true
    %reduce_sum3A_2483 = vector.broadcast %reduce_sum3A_2482 : i1 to vector<16xi1>
    %reduce_sum3A_2484 = tpu.scan <sum>, %select_n3A_2481 masked %reduce_sum3A_2483 : vector<16xi32>, vector<16xi1> -> vector<16xi32>
    %reduce_sum3A_2485 = vector.extract %reduce_sum3A_2484[15] : i32 from vector<16xi32>
    %add3A_2486 = arith.addi %add3A_2475, %reduce_sum3A_2485 : i32
    %add3A_2487 = arith.constant 64 : i32
    %add3A_2488 = vector.broadcast %add3A_2487 : i32 to vector<16xi32>
    %add3A_2489 = arith.addi %add3A_2488, %iota3A : vector<16xi32>
    %gt3A_2490 = vector.broadcast %sub3A_2441 : i32 to vector<16xi32>
    %gt3A_2491 = arith.cmpi sgt, %add3A_2489, %gt3A_2490 : vector<16xi32>
    %select_n3A_2492 = arith.select %gt3A_2491, %get3A_2046, %broadcast_in_dim3A_2 : vector<16xi1>, vector<16xi32>
    %reduce_sum3A_2493 = arith.constant true
    %reduce_sum3A_2494 = vector.broadcast %reduce_sum3A_2493 : i1 to vector<16xi1>
    %reduce_sum3A_2495 = tpu.scan <sum>, %select_n3A_2492 masked %reduce_sum3A_2494 : vector<16xi32>, vector<16xi1> -> vector<16xi32>
    %reduce_sum3A_2496 = vector.extract %reduce_sum3A_2495[15] : i32 from vector<16xi32>
    %add3A_2497 = arith.addi %add3A_2486, %reduce_sum3A_2496 : i32
    %add3A_2498 = arith.constant 80 : i32
    %add3A_2499 = vector.broadcast %add3A_2498 : i32 to vector<16xi32>
    %add3A_2500 = arith.addi %add3A_2499, %iota3A : vector<16xi32>
    %gt3A_2501 = vector.broadcast %sub3A_2441 : i32 to vector<16xi32>
    %gt3A_2502 = arith.cmpi sgt, %add3A_2500, %gt3A_2501 : vector<16xi32>
    %select_n3A_2503 = arith.select %gt3A_2502, %get3A_2048, %broadcast_in_dim3A_2 : vector<16xi1>, vector<16xi32>
    %reduce_sum3A_2504 = arith.constant true
    %reduce_sum3A_2505 = vector.broadcast %reduce_sum3A_2504 : i1 to vector<16xi1>
    %reduce_sum3A_2506 = tpu.scan <sum>, %select_n3A_2503 masked %reduce_sum3A_2505 : vector<16xi32>, vector<16xi1> -> vector<16xi32>
    %reduce_sum3A_2507 = vector.extract %reduce_sum3A_2506[15] : i32 from vector<16xi32>
    %add3A_2508 = arith.addi %add3A_2497, %reduce_sum3A_2507 : i32
    %add3A_2509 = arith.constant 96 : i32
    %add3A_2510 = vector.broadcast %add3A_2509 : i32 to vector<16xi32>
    %add3A_2511 = arith.addi %add3A_2510, %iota3A : vector<16xi32>
    %gt3A_2512 = vector.broadcast %sub3A_2441 : i32 to vector<16xi32>
    %gt3A_2513 = arith.cmpi sgt, %add3A_2511, %gt3A_2512 : vector<16xi32>
    %select_n3A_2514 = arith.select %gt3A_2513, %get3A_2050, %broadcast_in_dim3A_2 : vector<16xi1>, vector<16xi32>
    %reduce_sum3A_2515 = arith.constant true
    %reduce_sum3A_2516 = vector.broadcast %reduce_sum3A_2515 : i1 to vector<16xi1>
    %reduce_sum3A_2517 = tpu.scan <sum>, %select_n3A_2514 masked %reduce_sum3A_2516 : vector<16xi32>, vector<16xi1> -> vector<16xi32>
    %reduce_sum3A_2518 = vector.extract %reduce_sum3A_2517[15] : i32 from vector<16xi32>
    %add3A_2519 = arith.addi %add3A_2508, %reduce_sum3A_2518 : i32
    %add3A_2520 = arith.constant 112 : i32
    %add3A_2521 = vector.broadcast %add3A_2520 : i32 to vector<16xi32>
    %add3A_2522 = arith.addi %add3A_2521, %iota3A : vector<16xi32>
    %gt3A_2523 = vector.broadcast %sub3A_2441 : i32 to vector<16xi32>
    %gt3A_2524 = arith.cmpi sgt, %add3A_2522, %gt3A_2523 : vector<16xi32>
    %select_n3A_2525 = arith.select %gt3A_2524, %get3A_2052, %broadcast_in_dim3A_2 : vector<16xi1>, vector<16xi32>
    %reduce_sum3A_2526 = arith.constant true
    %reduce_sum3A_2527 = vector.broadcast %reduce_sum3A_2526 : i1 to vector<16xi1>
    %reduce_sum3A_2528 = tpu.scan <sum>, %select_n3A_2525 masked %reduce_sum3A_2527 : vector<16xi32>, vector<16xi1> -> vector<16xi32>
    %reduce_sum3A_2529 = vector.extract %reduce_sum3A_2528[15] : i32 from vector<16xi32>
    %add3A_2530 = arith.addi %add3A_2519, %reduce_sum3A_2529 : i32
    %add3A_2531 = arith.constant 128 : i32
    %add3A_2532 = vector.broadcast %add3A_2531 : i32 to vector<16xi32>
    %add3A_2533 = arith.addi %add3A_2532, %iota3A : vector<16xi32>
    %gt3A_2534 = vector.broadcast %sub3A_2441 : i32 to vector<16xi32>
    %gt3A_2535 = arith.cmpi sgt, %add3A_2533, %gt3A_2534 : vector<16xi32>
    %select_n3A_2536 = arith.select %gt3A_2535, %get3A_2054, %broadcast_in_dim3A_2 : vector<16xi1>, vector<16xi32>
    %reduce_sum3A_2537 = arith.constant true
    %reduce_sum3A_2538 = vector.broadcast %reduce_sum3A_2537 : i1 to vector<16xi1>
    %reduce_sum3A_2539 = tpu.scan <sum>, %select_n3A_2536 masked %reduce_sum3A_2538 : vector<16xi32>, vector<16xi1> -> vector<16xi32>
    %reduce_sum3A_2540 = vector.extract %reduce_sum3A_2539[15] : i32 from vector<16xi32>
    %add3A_2541 = arith.addi %add3A_2530, %reduce_sum3A_2540 : i32
    %add3A_2542 = arith.constant 144 : i32
    %add3A_2543 = vector.broadcast %add3A_2542 : i32 to vector<16xi32>
    %add3A_2544 = arith.addi %add3A_2543, %iota3A : vector<16xi32>
    %gt3A_2545 = vector.broadcast %sub3A_2441 : i32 to vector<16xi32>
    %gt3A_2546 = arith.cmpi sgt, %add3A_2544, %gt3A_2545 : vector<16xi32>
    %select_n3A_2547 = arith.select %gt3A_2546, %get3A_2056, %broadcast_in_dim3A_2 : vector<16xi1>, vector<16xi32>
    %reduce_sum3A_2548 = arith.constant true
    %reduce_sum3A_2549 = vector.broadcast %reduce_sum3A_2548 : i1 to vector<16xi1>
    %reduce_sum3A_2550 = tpu.scan <sum>, %select_n3A_2547 masked %reduce_sum3A_2549 : vector<16xi32>, vector<16xi1> -> vector<16xi32>
    %reduce_sum3A_2551 = vector.extract %reduce_sum3A_2550[15] : i32 from vector<16xi32>
    %add3A_2552 = arith.addi %add3A_2541, %reduce_sum3A_2551 : i32
    %add3A_2553 = arith.constant 160 : i32
    %add3A_2554 = vector.broadcast %add3A_2553 : i32 to vector<16xi32>
    %add3A_2555 = arith.addi %add3A_2554, %iota3A : vector<16xi32>
    %gt3A_2556 = vector.broadcast %sub3A_2441 : i32 to vector<16xi32>
    %gt3A_2557 = arith.cmpi sgt, %add3A_2555, %gt3A_2556 : vector<16xi32>
    %select_n3A_2558 = arith.select %gt3A_2557, %get3A_2058, %broadcast_in_dim3A_2 : vector<16xi1>, vector<16xi32>
    %reduce_sum3A_2559 = arith.constant true
    %reduce_sum3A_2560 = vector.broadcast %reduce_sum3A_2559 : i1 to vector<16xi1>
    %reduce_sum3A_2561 = tpu.scan <sum>, %select_n3A_2558 masked %reduce_sum3A_2560 : vector<16xi32>, vector<16xi1> -> vector<16xi32>
    %reduce_sum3A_2562 = vector.extract %reduce_sum3A_2561[15] : i32 from vector<16xi32>
    %add3A_2563 = arith.addi %add3A_2552, %reduce_sum3A_2562 : i32
    %add3A_2564 = arith.constant 176 : i32
    %add3A_2565 = vector.broadcast %add3A_2564 : i32 to vector<16xi32>
    %add3A_2566 = arith.addi %add3A_2565, %iota3A : vector<16xi32>
    %gt3A_2567 = vector.broadcast %sub3A_2441 : i32 to vector<16xi32>
    %gt3A_2568 = arith.cmpi sgt, %add3A_2566, %gt3A_2567 : vector<16xi32>
    %select_n3A_2569 = arith.select %gt3A_2568, %get3A_2060, %broadcast_in_dim3A_2 : vector<16xi1>, vector<16xi32>
    %reduce_sum3A_2570 = arith.constant true
    %reduce_sum3A_2571 = vector.broadcast %reduce_sum3A_2570 : i1 to vector<16xi1>
    %reduce_sum3A_2572 = tpu.scan <sum>, %select_n3A_2569 masked %reduce_sum3A_2571 : vector<16xi32>, vector<16xi1> -> vector<16xi32>
    %reduce_sum3A_2573 = vector.extract %reduce_sum3A_2572[15] : i32 from vector<16xi32>
    %add3A_2574 = arith.addi %add3A_2563, %reduce_sum3A_2573 : i32
    %add3A_2575 = arith.constant 192 : i32
    %add3A_2576 = vector.broadcast %add3A_2575 : i32 to vector<16xi32>
    %add3A_2577 = arith.addi %add3A_2576, %iota3A : vector<16xi32>
    %gt3A_2578 = vector.broadcast %sub3A_2441 : i32 to vector<16xi32>
    %gt3A_2579 = arith.cmpi sgt, %add3A_2577, %gt3A_2578 : vector<16xi32>
    %select_n3A_2580 = arith.select %gt3A_2579, %get3A_2062, %broadcast_in_dim3A_2 : vector<16xi1>, vector<16xi32>
    %reduce_sum3A_2581 = arith.constant true
    %reduce_sum3A_2582 = vector.broadcast %reduce_sum3A_2581 : i1 to vector<16xi1>
    %reduce_sum3A_2583 = tpu.scan <sum>, %select_n3A_2580 masked %reduce_sum3A_2582 : vector<16xi32>, vector<16xi1> -> vector<16xi32>
    %reduce_sum3A_2584 = vector.extract %reduce_sum3A_2583[15] : i32 from vector<16xi32>
    %add3A_2585 = arith.addi %add3A_2574, %reduce_sum3A_2584 : i32
    %add3A_2586 = arith.constant 208 : i32
    %add3A_2587 = vector.broadcast %add3A_2586 : i32 to vector<16xi32>
    %add3A_2588 = arith.addi %add3A_2587, %iota3A : vector<16xi32>
    %gt3A_2589 = vector.broadcast %sub3A_2441 : i32 to vector<16xi32>
    %gt3A_2590 = arith.cmpi sgt, %add3A_2588, %gt3A_2589 : vector<16xi32>
    %select_n3A_2591 = arith.select %gt3A_2590, %get3A_2064, %broadcast_in_dim3A_2 : vector<16xi1>, vector<16xi32>
    %reduce_sum3A_2592 = arith.constant true
    %reduce_sum3A_2593 = vector.broadcast %reduce_sum3A_2592 : i1 to vector<16xi1>
    %reduce_sum3A_2594 = tpu.scan <sum>, %select_n3A_2591 masked %reduce_sum3A_2593 : vector<16xi32>, vector<16xi1> -> vector<16xi32>
    %reduce_sum3A_2595 = vector.extract %reduce_sum3A_2594[15] : i32 from vector<16xi32>
    %add3A_2596 = arith.addi %add3A_2585, %reduce_sum3A_2595 : i32
    %add3A_2597 = arith.constant 224 : i32
    %add3A_2598 = vector.broadcast %add3A_2597 : i32 to vector<16xi32>
    %add3A_2599 = arith.addi %add3A_2598, %iota3A : vector<16xi32>
    %gt3A_2600 = vector.broadcast %sub3A_2441 : i32 to vector<16xi32>
    %gt3A_2601 = arith.cmpi sgt, %add3A_2599, %gt3A_2600 : vector<16xi32>
    %select_n3A_2602 = arith.select %gt3A_2601, %get3A_2066, %broadcast_in_dim3A_2 : vector<16xi1>, vector<16xi32>
    %reduce_sum3A_2603 = arith.constant true
    %reduce_sum3A_2604 = vector.broadcast %reduce_sum3A_2603 : i1 to vector<16xi1>
    %reduce_sum3A_2605 = tpu.scan <sum>, %select_n3A_2602 masked %reduce_sum3A_2604 : vector<16xi32>, vector<16xi1> -> vector<16xi32>
    %reduce_sum3A_2606 = vector.extract %reduce_sum3A_2605[15] : i32 from vector<16xi32>
    %add3A_2607 = arith.addi %add3A_2596, %reduce_sum3A_2606 : i32
    %add3A_2608 = arith.constant 240 : i32
    %add3A_2609 = vector.broadcast %add3A_2608 : i32 to vector<16xi32>
    %add3A_2610 = arith.addi %add3A_2609, %iota3A : vector<16xi32>
    %gt3A_2611 = vector.broadcast %sub3A_2441 : i32 to vector<16xi32>
    %gt3A_2612 = arith.cmpi sgt, %add3A_2610, %gt3A_2611 : vector<16xi32>
    %select_n3A_2613 = arith.select %gt3A_2612, %get3A_2068, %broadcast_in_dim3A_2 : vector<16xi1>, vector<16xi32>
    %reduce_sum3A_2614 = arith.constant true
    %reduce_sum3A_2615 = vector.broadcast %reduce_sum3A_2614 : i1 to vector<16xi1>
    %reduce_sum3A_2616 = tpu.scan <sum>, %select_n3A_2613 masked %reduce_sum3A_2615 : vector<16xi32>, vector<16xi1> -> vector<16xi32>
    %reduce_sum3A_2617 = vector.extract %reduce_sum3A_2616[15] : i32 from vector<16xi32>
    %add3A_2618 = arith.addi %add3A_2607, %reduce_sum3A_2617 : i32
    %sub3A_2619 = arith.subi %sub3A_1968, %add3A_2618 : i32
    %shift_left3A_2620 = arith.constant 8 : i32
    %shift_left3A_2621 = arith.shli %or3A_1971, %shift_left3A_2620 : i32
    %or3A_2622 = arith.ori %shift_left3A_2621, %sub3A_2441 : i32
    %xor3A = arith.constant -2147483648 : i32
    %xor3A_2623 = arith.xori %or3A_2622, %xor3A : i32
    %broadcast_in_dim3A_2624 = vector.broadcast %xor3A_2623 : i32 to vector<16xi32>
    %bitcast3A = vector.bitcast %broadcast_in_dim3A_2624 : vector<16xi32> to vector<16xi32>
    %swap3A_2625 = arith.constant 0 : index
    %swap3A_2626 = tpu.vector_load %arg7[%swap3A_2625] {strides = array<i32>} : memref<256xi32, #tpu.memory_space<vmem>>, vector<16xi32>,
    tpu.vector_store %arg7[%swap3A_2625], %bitcast3A {strides = array<i32>} : memref<256xi32, #tpu.memory_space<vmem>>, vector<16xi32>,
    %mul3A_2627 = arith.constant 16 : i32
    %mul3A_2628 = arith.muli %arg0, %mul3A_2627 : i32
    %add3A_2629 = arith.addi %mul3A_2628, %arg1 : i32
    %mul3A_2630 = arith.constant 16 : i32
    %mul3A_2631 = arith.muli %add3A_2629, %mul3A_2630 : i32
    "tpu.region"() ({
      %run_scoped3A = tpu.sem_alloc : memref<!tpu.dma_semaphore, #tpu.memory_space<semaphore_mem>>
      %dma_start3A = arith.constant 0 : i32
      %dma_start3A_2632 = tpu.memref_slice %arg7[%dma_start3A] : memref<256xi32, #tpu.memory_space<vmem>> -> memref<16xi32, #tpu.memory_space<vmem>>
      %dma_start3A_2633 = tpu.memref_slice %arg3[%mul3A_2631] : memref<512xi32, #tpu.memory_space<hbm>> -> memref<16xi32, #tpu.memory_space<hbm>>
      %dma_start3A_2634 = tpu.memref_slice %arg3[%mul3A_2631] : memref<512xi32, #tpu.memory_space<hbm>> -> memref<16xi32, #tpu.memory_space<hbm>>
      %dma_start3A_2635 = arith.constant 0 : i32
      %dma_start3A_2636 = tpu.memref_slice %arg7[%dma_start3A_2635] : memref<256xi32, #tpu.memory_space<vmem>> -> memref<16xi32, #tpu.memory_space<vmem>>
      tpu.enqueue_dma source(%dma_start3A_2636 : memref<16xi32, #tpu.memory_space<vmem>>) target(%dma_start3A_2634 : memref<16xi32, #tpu.memory_space<hbm>>) target_semaphore(%run_scoped3A : memref<!tpu.dma_semaphore, #tpu.memory_space<semaphore_mem>>)
      %dma_wait3A = arith.constant 0 : i32
      %dma_wait3A_2637 = tpu.memref_slice %arg7[%dma_wait3A] : memref<256xi32, #tpu.memory_space<vmem>> -> memref<16xi32, #tpu.memory_space<vmem>>
      %dma_wait3A_2638 = tpu.memref_slice %arg3[%mul3A_2631] : memref<512xi32, #tpu.memory_space<hbm>> -> memref<16xi32, #tpu.memory_space<hbm>>
      %dma_wait3A_2639 = tpu.memref_slice %arg3[%mul3A_2631] : memref<512xi32, #tpu.memory_space<hbm>> -> memref<16xi32, #tpu.memory_space<hbm>>
      %dma_wait3A_2640 = arith.constant 0 : i32
      %dma_wait3A_2641 = tpu.memref_slice %arg7[%dma_wait3A_2640] : memref<256xi32, #tpu.memory_space<vmem>> -> memref<16xi32, #tpu.memory_space<vmem>>
      tpu.wait_dma2 semaphore(%run_scoped3A : memref<!tpu.dma_semaphore, #tpu.memory_space<semaphore_mem>>) src(%dma_wait3A_2641 : memref<16xi32, #tpu.memory_space<vmem>>) dst(%dma_wait3A_2639 : memref<16xi32, #tpu.memory_space<hbm>>)
      tpu.yield
    }) : () -> ()
    return
  }
}

</mosaic_0001>

<sc_bundles>
// kernel: _sc_thresholds.3.cloned.1.call-start
scs
__scs_entry_jumppad:
0x0: {  	(pc) =	sbr.rel $0x88, $3  }
0x1: {  	(tag) =	ssettag $0x0;
	lr =	simm.s32 $0x1  }
0x2: {  	[smem:$0x3FA0] =	sst lr;
	_ =	strace $0xD0000000  }
0x3: {  	_ = 	snop  }
0x4: {  	_ = 	snop  }
0x5: {  	_ = 	snop  }
0x6: {  	_ = 	snop  }
0x7: {  	_ = 	snop  }
__scs_overlays_trampoline_lowered:
0x8: {  	[smem:$0x3FAF] =	sst s0  }
0x9: {  	[smem:$0x3FB0] =	sst s1  }
0xa: {  	[smem:$0x3FB1] =	sst s2  }
0xb: {  	[smem:$0x3FB2] =	sst s3  }
0xc: {  	[smem:$0x3FB3] =	sst s4  }
0xd: {  	[smem:$0x3FB4] =	sst s5  }
0xe: {  	[smem:$0x3FB5] =	sst s6  }
0xf: {  	[smem:$0x3FB6] =	sst s7  }
0x10: {  	[smem:$0x3FB7] =	sst s8  }
0x11: {  	[smem:$0x3FB8] =	sst s9;
	s0 =	simm.s32 @!p0 $0x0  }
0x12: {  	s1 =	sld [smem:$0x3F9E];
	s0 =	simm.s32 @p0 $0x1  }
0x13: {  	[smem:$0x3FB9] =	sst s0;
	s0 =	simm.s32 @!p1 $0x0  }
0x14: {  	s2 =	sld [smem:$0x3F9D];
	s0 =	simm.s32 @p1 $0x1  }
0x15: {  	[smem:$0x3FBA] =	sst s0;
	s0 =	simm.s32 @!p2 $0x0  }
0x16: {  	s3 =	sld [smem:$0x3FDB];
	s0 =	simm.s32 @p2 $0x1  }
0x17: {  	s4 =	simm.s32 $0x1BF5;
	[smem:$0x3FBC] =	sst s0  }
0x18: {  	s0 =	sld [smem:$0x3F9F];
	_ =	swait.ge [sflag:s4], $0x0  }
0x19: {  	s7 =	sld [smem:$0x3FA0]  }
0x1a: {  	s8 =	sadd.s32 $0xFFFFE003, lr  }
0x1b: {  	s9 =	sadd.s32 $0xFFFFFEF7, lr;
	s5 =	simm.s32 $0xFFFFFFFF;
	p2 =	slt.u32 s8, $0xFFFFF086  }
0x1c: {  	p1 =	slt.u32 s9, $0xF7A;
	s5 =	simm.s32 @!p2 $0x0  }
0x1d: {  	s5 =	simm.s32 @p1 $0x1;
	p0 =	seq.s32 s7, s2  }
0x1e: {  	s7 =	smul.u32 @!p0 $0xF7A, s2;
	p2 =	seq.s32 @!p0 s5, $0x0  }
0x1f: {  	s9 =	smul.u32 $0xF7A, s1;
	s8 =	simm.s32 @!p0 $0x1BF5;
	p2 =	por !p2, p0  }
0x20: {  	[sflag:s8] =	ssyncset.s32 @!p0 $0xFFFFF086;
	s6 =	sadd.s32 @!p0 s3, s7;
	s7 =	simm.s32 @!p0 $0x108  }
0x21: {  	s3 =	sadd.s32 s3, s9;
	s6 =	sadd.s32 @!p0 $0x88, s6;
	s7 =	simm.s32 @p2 $0x1082  }
0x22: {  	[simem:s7], [sflag:s8] =	dma.local @!p0 [hbm:s6], $0xF7A  }
0x23: {  	s9 =	sor.u32 $0xD0000000, s2;
	s6 =	simm.s32 $0x108;
	_ =	swait.ge @!p0 [sflag:s8], $0x0  }
0x24: {  	s3 =	sadd.s32 $0x88, s3;
	s6 =	simm.s32 @!p1 $0x1082;
	[sflag:s4] =	ssyncset.s32 $0xFFFFF086  }
0x25: {  	[simem:s6], [sflag:s4] =	dma.local [hbm:s3], $0xF7A  }
0x26: {  	[smem:$0x3FA0] =	sst s1;
	(tag) =	ssettag s2;
	_ =	strace s9  }
0x27: {  	s1 =	sld [smem:$0x3FB0]  }
0x28: {  	s2 =	sld [smem:$0x3FB1]  }
0x29: {  	s4 =	sld [smem:$0x3FB3]  }
0x2a: {  	p0 =	seq.s32 s5, $0x0;
	s5 =	sld [smem:$0x3FB4]  }
0x2b: {  	s6 =	sld [smem:$0x3FB5]  }
0x2c: {  	s7 =	sld [smem:$0x3FB6]  }
0x2d: {  	s3 =	simm.s32 $0x108;
	s8 =	sld [smem:$0x3FB7]  }
0x2e: {  	s3 =	simm.s32 @!p0 $0x1082;
	s9 =	sld [smem:$0x3FB8]  }
0x2f: {  	lr =	sadd.s32 s0, s3;
	s0 =	sld [smem:$0x3FAF]  }
0x30: {  	s3 =	sld [smem:$0x3FB2]  }
0x31: {  	[smem:$0x3FBB] =	sst s10  }
0x32: {  	s10 =	sld [smem:$0x3FB9];
	_ =	sdelay $0x3  }
0x33: {  	p0 =	seq.s32 s10, $0x1;
	s10 =	sld [smem:$0x3FBB];
	_ =	sdelay $0x3  }
0x34: {  	[smem:$0x3FBB] =	sst s10  }
0x35: {  	s10 =	sld [smem:$0x3FBA];
	_ =	sdelay $0x3  }
0x36: {  	p1 =	seq.s32 s10, $0x1;
	s10 =	sld [smem:$0x3FBB];
	_ =	sdelay $0x3  }
0x37: {  	[smem:$0x3FBB] =	sst s10  }
0x38: {  	s10 =	sld [smem:$0x3FBC]  }
0x39: {  	_ = 	snop;
	(pc) =	sbr.ind lr, $3  }
0x3a: {  	_ = 	snop  }
0x3b: {  	_ = 	snop  }
0x3c: {  	p2 =	seq.s32 s10, $0x1;
	s10 =	sld [smem:$0x3FBB]  }
0x3d: {  	_ =	shalt  }
0x3e: {  	_ =	shalt  }
0x3f: {  	_ =	shalt  }
0x40: {  	_ =	shalt  }
0x41: {  	_ =	shalt  }
0x42: {  	_ =	shalt  }
0x43: {  	_ =	shalt  }
0x44: {  	_ =	shalt  }
0x45: {  	_ =	shalt  }
0x46: {  	_ =	shalt  }
0x47: {  	_ =	shalt  }
0x48: {  	_ =	shalt  }
0x49: {  	_ =	shalt  }
0x4a: {  	_ =	shalt  }
0x4b: {  	_ =	shalt  }
0x4c: {  	_ =	shalt  }
0x4d: {  	_ =	shalt  }
0x4e: {  	_ =	shalt  }
0x4f: {  	_ =	shalt  }
0x50: {  	_ =	shalt  }
0x51: {  	_ =	shalt  }
0x52: {  	_ =	shalt  }
0x53: {  	_ =	shalt  }
0x54: {  	_ =	shalt  }
0x55: {  	_ =	shalt  }
0x56: {  	_ =	shalt  }
0x57: {  	_ =	shalt  }
0x58: {  	_ =	shalt  }
0x59: {  	_ =	shalt  }
0x5a: {  	_ =	shalt  }
0x5b: {  	_ =	shalt  }
0x5c: {  	_ =	shalt  }
0x5d: {  	_ =	shalt  }
0x5e: {  	_ =	shalt  }
0x5f: {  	_ =	shalt  }
0x60: {  	_ =	shalt  }
0x61: {  	_ =	shalt  }
0x62: {  	_ =	shalt  }
0x63: {  	_ =	shalt  }
0x64: {  	_ =	shalt  }
0x65: {  	_ =	shalt  }
0x66: {  	_ =	shalt  }
0x67: {  	_ =	shalt  }
0x68: {  	_ =	shalt  }
0x69: {  	_ =	shalt  }
0x6a: {  	_ =	shalt  }
0x6b: {  	_ =	shalt  }
0x6c: {  	_ =	shalt  }
0x6d: {  	_ =	shalt  }
0x6e: {  	_ =	shalt  }
0x6f: {  	_ =	shalt  }
0x70: {  	_ =	shalt  }
0x71: {  	_ =	shalt  }
0x72: {  	_ =	shalt  }
0x73: {  	_ =	shalt  }
0x74: {  	_ =	shalt  }
0x75: {  	_ =	shalt  }
0x76: {  	_ =	shalt  }
0x77: {  	_ =	shalt  }
0x78: {  	_ =	shalt  }
0x79: {  	_ =	shalt  }
0x7a: {  	_ =	shalt  }
0x7b: {  	_ =	shalt  }
0x7c: {  	_ =	shalt  }
0x7d: {  	_ =	shalt  }
0x7e: {  	_ =	shalt  }
0x7f: {  	_ =	shalt  }
0x80: {  	_ =	shalt  }
0x81: {  	_ =	shalt  }
0x82: {  	_ =	shalt  }
0x83: {  	_ =	shalt  }
0x84: {  	_ =	shalt  }
0x85: {  	_ =	shalt  }
0x86: {  	_ =	shalt  }
0x87: {  	_ =	shalt  }
.Lfunc_end0:
.L_simem_size_0:
called_computation_lowered:
.L_overlay_start_0:
0x88: {  	s2 =	sld [smem:$0x3FD9]  }
0x89: {  	s3 =	sld [smem:$0x3FFE];
	_ =	sdelay $0x1  }
0x8a: {  	s1 =	srdreg.scid  }
0x8b: {  	s0 =	sand.u32 $0x1, s1  }
0x8c: {  	s18 =	sshll.u32 s0, $0xA;
	s2 =	sadd.s32 s3, s2  }
0x8d: {  	s2 =	sadd.s32 s2, s18  }
0x8e: {  	[smem:$0x3FC7] =	sst s2  }
0x8f: {  	_ = 	snop  }
0x90: {  	s2 =	sld [smem:$0x3FC9]  }
0x91: {  	s19 =	sld [smem:$0x3FD0];
	(tm) =	ssettm $0x1  }
0x92: {  	s4 =	sld [smem:$0x3FFB];
	_ =	sdelay $0x3  }
0x93: {  	_ =	strace s4  }
0x94: {  	s4 =	sld [smem:$0x3FFC];
	_ =	sdelay $0x3  }
0x95: {  	_ =	strace s4  }
0x96: {  	s4 =	sld [smem:$0x3FFD];
	_ =	sdelay $0x3  }
0x97: {  	_ =	strace s4  }
0x98: {  	_ =	strace $0x8FFFFFFF  }
0x99: {  	s20 =	sld [smem:$0x3FDB];
	_ =	sdelay $0x1  }
0x9a: {  	s5 =	simm.s32 $_scs_section_size  }
0x9b: {  	s6 =	simm.s32 $_size__tile_overlayer_lowered;
	s7 =	simm.s32 $_tile_overlayer_lowered  }
0x9c: {  	s23 =	simm.s32 $0x1BFF;
	s22 =	sshll.u32 s7, $0x1;
	s4 =	sadd.s32 s5, s20  }
0x9d: {  	s8 =	simm.s32 $0x0;
	s21 =	sshll.u32 s6, $0x1;
	s6 =	sadd.s32 s22, s4  }
0x9e: {  	[timem:s8], [sflag:s23] =	dma.local [hbm:s6], s21  }
0x9f: {  	_ =	swait.ge [sflag:s23], s21  }
0xa0: {  	s5 =	ssub.s32 $0x0, s21;
	[sflag:s23] =	ssyncset.done $0x0  }
0xa1: {  	[sflag:s23] =	ssyncadd.s32 s5;
	_ =	sdelay $0x1  }
0xa2: {  	s24 =	simm.s32 $0x1B8B  }
0xa3: {  	_ =	swait.ge [sflag:s24], $0x1  }
0xa4: {  	[sflag:s24] =	ssyncset.done $0x0  }
0xa5: {  	s25 =	simm.s32 $0x1B8E;
	[sflag:s24] =	ssyncadd.s32 $0xFFFFFFFF  }
0xa6: {  	s26 =	simm.s32 $execute0_lowered;
	[smem:$0x3FD2] =	sst s25  }
0xa7: {  	s5 =	sshll.u32 s26, $0x1;
	_ =	strace $0x80000046;
	[dreg:$0x1] =	wrdreg $0xFFFFFFFF  }
0xa8: {  	s28 =	simm.s32 $_size_execute0_lowered;
	s4 =	sadd.s32 s4, s5;
	[dreg:$0x0] =	wrdreg $0x0  }
0xa9: {  	s5 =	sshll.u32 s28, $0x1;
	[dreg:$0x2] =	wrdreg s4  }
0xaa: {  	[dreg:$0x3] =	wrdreg s5  }
0xab: {  	[dreg:$0x4] =	wrdreg $0xC0  }
0xac: {  	_ =	task [dreg:s8], $0x5FFFF  }
0xad: {  	[dreg:$0x1] =	wrdreg $0xFFFFFFFF  }
0xae: {  	[dreg:$0x0] =	wrdreg $0x60  }
0xaf: {  	[dreg:$0x2] =	wrdreg s2  }
0xb0: {  	[dreg:$0x3] =	wrdreg s19  }
0xb1: {  	[dreg:$0x4] =	wrdreg $0xA2000  }
0xb2: {  	[dreg:$0x5] =	wrdreg $0x9  }
0xb3: {  	_ =	task.clear_ibuf [dreg:s8], $0x6FFFF;
	_ =	strace $0x90000046  }
0xb4: {  	s29 =	simm.s32 $0x9;
	_ =	strace $0x80000048  }
0xb5: {  	_ =	swait.ge [sflag:s29], $0x1  }
0xb6: {  	[sflag:s29] =	ssyncadd.s32 $0xFFFFFFFF  }
0xb7: {  	_ =	strace $0x90000048  }
0xb8: {  	_ =	sfence  }
0xb9: {  	s30 =	sld [smem:$0x0];
	_ =	sdelay $0x2  }
0xba: {  	s31 =	sshll.u32 s1, $0xD;
	s1 =	sshrl.u32 s1, $0x2  }
0xbb: {  	s3 =	sand.u32 $0x4000, s31;
	s1 =	sadd.s32 s1, s30  }
0xbc: {  	s0 =	sor.u32 s3, s0;
	s1 =	sshll.u32 s1, $0x11  }
0xbd: {  	s0 =	sor.u32 s1, s0  }
0xbe: {  	s0 =	sadd.s32 $0x8F2B, s0  }
0xbf: {  	[sflag:s0] =	ssyncadd.remote.s32 $0x1  }
0xc0: {  	_ =	sfence.sel $0xFFFF  }
0xc1: {  	[dreg:$0x0] =	wrdreg $0xFFFFFFFF;
	(pc) =	sbr.abs _section_cstart, $3  }
0xc2: {  	[dreg:$0x1] =	wrdreg $0xFFFFFFFF  }
0xc3: {  	_ =	task.clear_ibuf [dreg:s8], $0x2FFFF;
	_ =	strace $0x9FFFFFFF  }
0xc4: {  	(tm) =	ssettm $0x7FFFFFFF  }
0xc5: {  	_ =	shalt  }
tec
execute0_lowered:
.L_overlay_start_1:
0x0: {  	(tag) =	ssettag $0x1  }
0x1: {  	s4 =	rddreg [dreg:$0x0]  }
0x2: {  	s5 =	rddreg [dreg:$0x1]  }
0x3: {  	s0 =	srdreg.scid;
	s1 =	rddreg [dreg:$0x2]  }
0x4: {  	s2 =	simm.s32 $0x0;
	s24 =	stileid.u32;
	s6 =	sand.u32 $0x1, s0  }
0x5: {  	[smem:$0x7FF] =	sst s2;
	s25 =	sshll.u32 s24, $0xB;
	s26 =	sshll.u32 s24, $0x1  }
0x6: {  	s10 =	sshll.u32 s24, $0x8;
	s7 =	ssub.s32 $0x2, s6;
	_ =	strace $0x80000047  }
0x7: {  	s9 =	sshll.u32 s6, $0xF;
	s4 =	sadd.s32 s4, s25;
	s6 =	sshll.u32 s6, $0x5  }
0x8: {  	s29 =	sadd.s32 s10, s1;
	s8 =	sshrl.u32 s7, $0x1;
	s28 =	sadd.s32 s9, s4  }
0x9: {  	v0 =	vlaneseq.u32;
	[dreg:$0x5] =	wrdreg s29;
	s7 =	ssub.s32 s7, s8;
	s8 =	sadd.s32 s5, s26  }
0xa: {  	v4 =	vmul.u32 $0xFFFFFFFF, v0;
	[dreg:$0x4] =	wrdreg s28;
	s30 =	sadd.s32 s6, s8  }
0xb: {  	s3 =	simm.s32 $0x0;
	v3 =	vmul.u32 $0x10, v0;
	s31 =	smax.u32 s7, $0x1;
	[dreg:$0x6] =	wrdreg s30  }
0xc: {  	v1 =	vimm.s32 $0x0;
	v2 =	vimm.s32 $0x1;
	s1 =	simm.s32 $0x1;
	s9 =	simm.s32 $0x8000;
	v4 =	vadd.s32 $0xF, v4;
	[dreg:$0x7] =	wrdreg s31  }
.LBB2_1:
0xd: {  	s0 =	rddreg [dreg:$0x4]  }
0xe: {  	[tilespmem:s2], [sflag:$0x1] =	stream.linear.gather [hbm4b:s0+s2], $0x4000, $0x38;
	[tilespmem:$0xA300] =	vst v63  }
0xf: {  	_ =	swait.ge [sflag:s1], $0x4000  }
0x10: {  	[sflag:s1] =	ssyncset.done $0x0  }
0x11: {  	s13 =	simm.s32 $0x0;
	[sflag:s1] =	ssyncadd.s32 $0xFFFFC000  }
0x12: {  	s14 =	simm.s32 $0x40;
	v5 =	vld [tilespmem:s13+$0x0]  }
.LBB2_2:
0x13: {  	_ =	sdelay $0x1  }
0x14: {  	p0 =	sne.s32 s14, $0xFFC0  }
.Ltmp0:
0x15: {  	_ = 	snop;
	(pc) =	sbr.rel @p0 .LBB2_2-.Ltmp0, $4  }
0x16: {  	v6 =	vshra.s32 v5, $0x1F  }
0x17: {  	v7 =	vmov v5;
	v6 =	vor.u32 $0x80000000, v6  }
0x18: {  	s15 =	sshra.s32 s14, $0x2;
	v6 =	vxor.u32 v7, v6  }
0x19: {  	s14 =	sadd.s32 $0x40, s14;
	v5 =	vld [tilespmem:s15+$0x0];
	[tilespmem:s13+$0x4000] =	vst v6;
	s13 =	smov.u32 s15  }
0x1a: {  	_ =	sdelay $0x3  }
0x1b: {  	v6 =	vshra.s32 v5, $0x1F  }
0x1c: {  	v6 =	vor.u32 $0x80000000, v6  }
0x1d: {  	v5 =	vxor.u32 v5, v6  }
0x1e: {  	s14 =	simm.s32 $0x40;
	s15 =	simm.s32 $0x0;
	[tilespmem:s13+$0x4000] =	vst v5;
	s13 =	simm.s32 $0x0  }
.LBB2_4:
0x1f: {  	p0 =	sne.s32 s14, $0x3FC0;
	[tilespmem:s15+$0x8000] =	vst v1;
	s15 =	smov.u32 s14;
	s14 =	sadd.s32 $0x40, s14  }
.Ltmp1:
0x20: {  	(pc) =	sbr.rel @p0 .LBB2_4-.Ltmp1, $2  }
0x21: {  	_ =	sdelay $0x2  }
0x22: {  	s15 =	sshra.s32 s15, $0x2  }
0x23: {  	[tilespmem:s15+$0x8000] =	vst v1  }
.LBB2_6:
0x24: {  	s14 =	sshra.s32 s13, $0x2  }
0x25: {  	v5 =	vld [tilespmem:s14+$0x4000];
	_ =	sdelay $0x4  }
0x26: {  	v5 =	vshrl.u32 v5, $0x14  }
0x27: {  	v5 =	vand.u32 $0xFF0, v5  }
0x28: {  	p0 =	sne.s32 s13, $0xFFC0;
	v5 =	vor.u32 v0, v5  }
.Ltmp2:
0x29: {  	_ = 	snop;
	(pc) =	sbr.rel @p0 .LBB2_6-.Ltmp2, $2  }
0x2a: {  	_ =	sdelay $0x2  }
0x2b: {  	s13 =	sadd.s32 $0x40, s13;
	[tilespmem:v5+s9+$0x0] =	vst.idx.add.s32.msk $0xffff, v2  }
0x2c: {  	s13 =	simm.s32 $0x0  }
0x2d: {  	v5 =	vmov s13  }
0x2e: {  	v5 =	vshll.u32 v5, $0x4  }
0x2f: {  	v5 =	vor.u32 v3, v5  }
0x30: {  	v6 =	vor.u32 $0x1, v5  }
0x31: {  	v7 =	vor.u32 $0x2, v5  }
0x32: {  	v8 =	vor.u32 $0x3, v5  }
0x33: {  	v9 =	vor.u32 $0x4, v5  }
0x34: {  	v10 =	vor.u32 $0x5, v5;
	v11 =	vld.idx.msk [tilespmem:v5+s9+$0x0], $0xffff  }
0x35: {  	v12 =	vor.u32 $0x6, v5;
	v6 =	vld.idx.msk [tilespmem:v6+s9+$0x0], $0xffff  }
0x36: {  	v13 =	vor.u32 $0x7, v5;
	v7 =	vld.idx.msk [tilespmem:v7+s9+$0x0], $0xffff  }
0x37: {  	v14 =	vor.u32 $0x8, v5;
	v8 =	vld.idx.msk [tilespmem:v8+s9+$0x0], $0xffff  }
0x38: {  	v15 =	vor.u32 $0x9, v5;
	v9 =	vld.idx.msk [tilespmem:v9+s9+$0x0], $0xffff  }
0x39: {  	v16 =	vor.u32 $0xA, v5;
	v10 =	vld.idx.msk [tilespmem:v10+s9+$0x0], $0xffff  }
0x3a: {  	v17 =	vor.u32 $0xB, v5;
	v12 =	vld.idx.msk [tilespmem:v12+s9+$0x0], $0xffff;
	v6 =	vadd.s32 v11, v6  }
0x3b: {  	v51 =	vor.u32 $0xC, v5;
	v11 =	vld.idx.msk [tilespmem:v13+s9+$0x0], $0xffff;
	v6 =	vadd.s32 v7, v6  }
0x3c: {  	v52 =	vor.u32 $0xD, v5;
	v7 =	vld.idx.msk [tilespmem:v14+s9+$0x0], $0xffff;
	v6 =	vadd.s32 v8, v6  }
0x3d: {  	v53 =	vor.u32 $0xE, v5;
	v8 =	vld.idx.msk [tilespmem:v15+s9+$0x0], $0xffff;
	v6 =	vadd.s32 v9, v6  }
0x3e: {  	v5 =	vor.u32 $0xF, v5;
	v9 =	vld.idx.msk [tilespmem:v16+s9+$0x0], $0xffff;
	v6 =	vadd.s32 v10, v6  }
0x3f: {  	v10 =	vld.idx.msk [tilespmem:v17+s9+$0x0], $0xffff;
	v6 =	vadd.s32 v12, v6  }
0x40: {  	v54 =	vld.idx.msk [tilespmem:v51+s9+$0x0], $0xffff;
	v6 =	vadd.s32 v11, v6  }
0x41: {  	s31 =	simm.s32 $0x10;
	v11 =	vld.idx.msk [tilespmem:v52+s9+$0x0], $0xffff;
	v6 =	vadd.s32 v7, v6  }
0x42: {  	v55 =	vmov s31;
	v7 =	vld.idx.msk [tilespmem:v53+s9+$0x0], $0xffff;
	v6 =	vadd.s32 v8, v6  }
0x43: {  	v5 =	vld.idx.msk [tilespmem:v5+s9+$0x0], $0xffff;
	v8 =	vshll.u32 v55, $0x4;
	v6 =	vadd.s32 v9, v6  }
0x44: {  	v8 =	vor.u32 v3, v8;
	v6 =	vadd.s32 v10, v6  }
0x45: {  	v9 =	vor.u32 $0x1, v8;
	v6 =	vadd.s32 v54, v6  }
0x46: {  	v6 =	vadd.s32 v11, v6  }
0x47: {  	v10 =	vor.u32 $0x2, v8;
	v6 =	vadd.s32 v7, v6  }
0x48: {  	s13 =	simm.s32 $0x9000;
	v7 =	vor.u32 $0x3, v8;
	v5 =	vadd.s32 v5, v6  }
0x49: {  	v6 =	vor.u32 $0x4, v8;
	[tilespmem:s13+$0x0] =	vst v5  }
0x4a: {  	v5 =	vld.idx.msk [tilespmem:v9+s9+$0x0], $0xffff;
	v9 =	vor.u32 $0x5, v8  }
0x4b: {  	v56 =	vor.u32 $0x6, v8;
	v11 =	vld.idx.msk [tilespmem:v8+s9+$0x0], $0xffff  }
0x4c: {  	v57 =	vor.u32 $0x7, v8;
	v10 =	vld.idx.msk [tilespmem:v10+s9+$0x0], $0xffff  }
0x4d: {  	v58 =	vor.u32 $0x8, v8;
	v7 =	vld.idx.msk [tilespmem:v7+s9+$0x0], $0xffff  }
0x4e: {  	v59 =	vor.u32 $0x9, v8;
	v6 =	vld.idx.msk [tilespmem:v6+s9+$0x0], $0xffff  }
0x4f: {  	v60 =	vor.u32 $0xA, v8;
	v9 =	vld.idx.msk [tilespmem:v9+s9+$0x0], $0xffff  }
0x50: {  	v61 =	vor.u32 $0xB, v8;
	v12 =	vld.idx.msk [tilespmem:v56+s9+$0x0], $0xffff;
	v5 =	vadd.s32 v11, v5  }
0x51: {  	v62 =	vor.u32 $0xC, v8;
	v11 =	vld.idx.msk [tilespmem:v57+s9+$0x0], $0xffff;
	v5 =	vadd.s32 v10, v5  }
0x52: {  	v63 =	vor.u32 $0xD, v8;
	v10 =	vld.idx.msk [tilespmem:v58+s9+$0x0], $0xffff;
	v5 =	vadd.s32 v7, v5  }
0x53: {  	v18 =	vor.u32 $0xE, v8;
	v15 =	vld.idx.msk [tilespmem:v59+s9+$0x0], $0xffff;
	v5 =	vadd.s32 v6, v5  }
0x54: {  	v19 =	vor.u32 $0xF, v8;
	v16 =	vld.idx.msk [tilespmem:v60+s9+$0x0], $0xffff;
	v6 =	vadd.s32 v9, v5  }
0x55: {  	v5 =	vld.idx.msk [tilespmem:v61+s9+$0x0], $0xffff;
	v7 =	vadd.s32 v12, v6  }
0x56: {  	v6 =	vld.idx.msk [tilespmem:v62+s9+$0x0], $0xffff;
	v8 =	vadd.s32 v11, v7  }
0x57: {  	s14 =	simm.s32 $0x20;
	v7 =	vld.idx.msk [tilespmem:v63+s9+$0x0], $0xffff;
	v9 =	vadd.s32 v10, v8  }
0x58: {  	v8 =	vld.idx.msk [tilespmem:v18+s9+$0x0], $0xffff;
	v10 =	vmov s14;
	v11 =	vadd.s32 v15, v9  }
0x59: {  	s14 =	simm.s32 $0x30;
	v9 =	vld.idx.msk [tilespmem:v19+s9+$0x0], $0xffff;
	v10 =	vshll.u32 v10, $0x4;
	v11 =	vadd.s32 v16, v11  }
.LBB2_8:
0x5a: {  	p0 =	sne.s32 s14, $0xF0;
	v10 =	vor.u32 v3, v10;
	v5 =	vadd.s32 v5, v11  }
0x5b: {  	v11 =	vor.u32 $0x1, v10;
	v5 =	vadd.s32 v6, v5  }
0x5c: {  	v5 =	vadd.s32 v7, v5  }
0x5d: {  	v6 =	vor.u32 $0x2, v10;
	v5 =	vadd.s32 v8, v5  }
0x5e: {  	s13 =	sadd.s32 $0x10, s13;
	v7 =	vor.u32 $0x3, v10;
	v5 =	vadd.s32 v9, v5  }
0x5f: {  	v8 =	vor.u32 $0x4, v10;
	[tilespmem:s13+$0x0] =	vst v5  }
0x60: {  	v9 =	vor.u32 $0x5, v10;
	v5 =	vld.idx.msk [tilespmem:v11+s9+$0x0], $0xffff  }
0x61: {  	v12 =	vor.u32 $0x6, v10;
	v11 =	vld.idx.msk [tilespmem:v10+s9+$0x0], $0xffff  }
0x62: {  	v13 =	vor.u32 $0x7, v10;
	v6 =	vld.idx.msk [tilespmem:v6+s9+$0x0], $0xffff  }
0x63: {  	v14 =	vor.u32 $0x8, v10;
	v7 =	vld.idx.msk [tilespmem:v7+s9+$0x0], $0xffff  }
0x64: {  	v15 =	vor.u32 $0x9, v10;
	v8 =	vld.idx.msk [tilespmem:v8+s9+$0x0], $0xffff  }
0x65: {  	v16 =	vor.u32 $0xA, v10;
	v9 =	vld.idx.msk [tilespmem:v9+s9+$0x0], $0xffff  }
0x66: {  	v17 =	vor.u32 $0xB, v10;
	v12 =	vld.idx.msk [tilespmem:v12+s9+$0x0], $0xffff  }
0x67: {  	v5 =	vadd.s32 v11, v5;
	v11 =	vld.idx.msk [tilespmem:v13+s9+$0x0], $0xffff;
	v13 =	vor.u32 $0xC, v10  }
0x68: {  	v18 =	vor.u32 $0xD, v10;
	v5 =	vadd.s32 v6, v5;
	v14 =	vld.idx.msk [tilespmem:v14+s9+$0x0], $0xffff  }
0x69: {  	v19 =	vor.u32 $0xE, v10;
	v5 =	vadd.s32 v7, v5;
	v15 =	vld.idx.msk [tilespmem:v15+s9+$0x0], $0xffff  }
0x6a: {  	v10 =	vor.u32 $0xF, v10;
	v5 =	vadd.s32 v8, v5;
	v16 =	vld.idx.msk [tilespmem:v16+s9+$0x0], $0xffff  }
0x6b: {  	v6 =	vadd.s32 v9, v5;
	v5 =	vld.idx.msk [tilespmem:v17+s9+$0x0], $0xffff  }
.Ltmp3:
0x6c: {  	v7 =	vadd.s32 v12, v6;
	v6 =	vld.idx.msk [tilespmem:v13+s9+$0x0], $0xffff;
	(pc) =	sbr.rel @p0 .LBB2_8-.Ltmp3, $4  }
0x6d: {  	v8 =	vadd.s32 v11, v7;
	v7 =	vld.idx.msk [tilespmem:v18+s9+$0x0], $0xffff  }
0x6e: {  	v9 =	vadd.s32 v14, v8;
	v8 =	vld.idx.msk [tilespmem:v19+s9+$0x0], $0xffff  }
0x6f: {  	v11 =	vmov s14;
	v12 =	vadd.s32 v15, v9;
	v9 =	vld.idx.msk [tilespmem:v10+s9+$0x0], $0xffff  }
0x70: {  	s14 =	sadd.s32 $0x10, s14;
	v10 =	vshll.u32 v11, $0x4;
	v11 =	vadd.s32 v16, v12  }
0x71: {  	v10 =	vor.u32 v3, v10;
	v5 =	vadd.s32 v5, v11  }
0x72: {  	v11 =	vor.u32 $0x1, v10;
	v5 =	vadd.s32 v6, v5  }
0x73: {  	v5 =	vadd.s32 v7, v5  }
0x74: {  	v6 =	vor.u32 $0x2, v10;
	v5 =	vadd.s32 v8, v5  }
0x75: {  	s13 =	sadd.s32 $0x10, s13;
	v7 =	vor.u32 $0x3, v10;
	v5 =	vadd.s32 v9, v5  }
0x76: {  	v8 =	vor.u32 $0x4, v10;
	[tilespmem:s13+$0x0] =	vst v5  }
0x77: {  	v9 =	vor.u32 $0x5, v10;
	v5 =	vld.idx.msk [tilespmem:v11+s9+$0x0], $0xffff  }
0x78: {  	v12 =	vor.u32 $0x6, v10;
	v11 =	vld.idx.msk [tilespmem:v10+s9+$0x0], $0xffff  }
0x79: {  	v13 =	vor.u32 $0x7, v10;
	v6 =	vld.idx.msk [tilespmem:v6+s9+$0x0], $0xffff  }
0x7a: {  	v14 =	vor.u32 $0x8, v10;
	v7 =	vld.idx.msk [tilespmem:v7+s9+$0x0], $0xffff  }
0x7b: {  	v15 =	vor.u32 $0x9, v10;
	v8 =	vld.idx.msk [tilespmem:v8+s9+$0x0], $0xffff  }
0x7c: {  	v16 =	vor.u32 $0xA, v10;
	v9 =	vld.idx.msk [tilespmem:v9+s9+$0x0], $0xffff  }
0x7d: {  	v17 =	vor.u32 $0xB, v10;
	v12 =	vld.idx.msk [tilespmem:v12+s9+$0x0], $0xffff;
	v5 =	vadd.s32 v11, v5  }
0x7e: {  	v11 =	vld.idx.msk [tilespmem:v13+s9+$0x0], $0xffff;
	v13 =	vor.u32 $0xC, v10;
	v5 =	vadd.s32 v6, v5  }
0x7f: {  	v6 =	vld.idx.msk [tilespmem:v14+s9+$0x0], $0xffff;
	v14 =	vor.u32 $0xD, v10;
	v5 =	vadd.s32 v7, v5  }
0x80: {  	v7 =	vld.idx.msk [tilespmem:v15+s9+$0x0], $0xffff;
	v15 =	vor.u32 $0xE, v10;
	v5 =	vadd.s32 v8, v5  }
0x81: {  	v10 =	vor.u32 $0xF, v10;
	v8 =	vld.idx.msk [tilespmem:v16+s9+$0x0], $0xffff;
	v5 =	vadd.s32 v9, v5  }
0x82: {  	v9 =	vld.idx.msk [tilespmem:v17+s9+$0x0], $0xffff;
	v5 =	vadd.s32 v12, v5  }
0x83: {  	v12 =	vld.idx.msk [tilespmem:v13+s9+$0x0], $0xffff;
	v5 =	vadd.s32 v11, v5  }
0x84: {  	v11 =	vld.idx.msk [tilespmem:v14+s9+$0x0], $0xffff;
	v5 =	vadd.s32 v6, v5  }
0x85: {  	v6 =	vld.idx.msk [tilespmem:v15+s9+$0x0], $0xffff;
	v5 =	vadd.s32 v7, v5  }
0x86: {  	v7 =	vld.idx.msk [tilespmem:v10+s9+$0x0], $0xffff;
	v5 =	vadd.s32 v8, v5  }
0x87: {  	v5 =	vadd.s32 v9, v5  }
0x88: {  	v5 =	vadd.s32 v12, v5  }
0x89: {  	v5 =	vadd.s32 v11, v5  }
0x8a: {  	v5 =	vadd.s32 v6, v5  }
0x8b: {  	s13 =	sadd.s32 $0x10, s13;
	v5 =	vadd.s32 v7, v5  }
0x8c: {  	s0 =	rddreg [dreg:$0x5];
	s2 =	simm.s32 $0x9000;
	[tilespmem:s13+$0x0] =	vst v5  }
0x8d: {  	[spmem:s0] =	stream.linear.scatter [tilespmem:s2], [sflag:$0x1], $0x100, $0x38;
	[tilespmem:$0xA300] =	vst v63  }
0x8e: {  	_ =	swait.ge [sflag:s1], $0x100  }
0x8f: {  	[sflag:s1] =	ssyncset.done $0x0  }
0x90: {  	[sflag:s1] =	ssyncadd.s32 $0xFFFFFF00  }
0x91: {  	[bflag:$0x0] =	sbarrier.arrive $0xFFFF  }
0x92: {  	s31 =	simm.s32 $0x9100;
	s30 =	rddreg [dreg:$0x2]  }
0x93: {  	[tilespmem:s31], [sflag:$0x1] =	stream.linear.gather [spmem:s30], $0x1000, $0x38;
	[tilespmem:$0xA300] =	vst v63  }
0x94: {  	_ =	swait.ge [sflag:s1], $0x1000  }
0x95: {  	[sflag:s1] =	ssyncset.done $0x0  }
0x96: {  	[sflag:s1] =	ssyncadd.s32 $0xFFFFF000  }
0x97: {  	v5 =	vimm.s32 $0x0;
	[bflag:$0x0] =	sbarrier.arrive $0xFFFF  }
0x98: {  	[tilespmem:$0xA100] =	vst v5  }
0x99: {  	[tilespmem:$0xA110] =	vst v5  }
0x9a: {  	[tilespmem:$0xA120] =	vst v5  }
0x9b: {  	[tilespmem:$0xA130] =	vst v5  }
0x9c: {  	[tilespmem:$0xA140] =	vst v5  }
0x9d: {  	[tilespmem:$0xA150] =	vst v5  }
0x9e: {  	[tilespmem:$0xA160] =	vst v5  }
0x9f: {  	[tilespmem:$0xA170] =	vst v5  }
0xa0: {  	[tilespmem:$0xA180] =	vst v5  }
0xa1: {  	[tilespmem:$0xA190] =	vst v5  }
0xa2: {  	[tilespmem:$0xA1A0] =	vst v5  }
0xa3: {  	v18 =	vimm.s32 $0x0;
	v19 =	vimm.s32 $0x0;
	v20 =	vimm.s32 $0x0;
	[tilespmem:$0xA1B0] =	vst v5  }
0xa4: {  	v16 =	vimm.s32 $0x0;
	v17 =	vimm.s32 $0x0;
	v13 =	vimm.s32 $0x0;
	[tilespmem:$0xA1C0] =	vst v5  }
0xa5: {  	v14 =	vimm.s32 $0x0;
	v15 =	vimm.s32 $0x0;
	v10 =	vimm.s32 $0x0;
	[tilespmem:$0xA1D0] =	vst v5  }
0xa6: {  	v8 =	vimm.s32 $0x0;
	v9 =	vimm.s32 $0x0;
	v12 =	vimm.s32 $0x0;
	[tilespmem:$0xA1E0] =	vst v5  }
0xa7: {  	s14 =	simm.s32 $0x400;
	v11 =	vimm.s32 $0x0;
	v6 =	vimm.s32 $0x0;
	v7 =	vimm.s32 $0x0;
	s13 =	simm.s32 $0x0;
	[tilespmem:$0xA1F0] =	vst v5  }
.LBB2_10:
0xa8: {  	p0 =	sne.s32 s14, $0x3C00;
	v21 =	vld [tilespmem:s13+$0x9100];
	_ =	sdelay $0x4  }
0xa9: {  	v5 =	vadd.s32 v5, v21  }
0xaa: {  	[tilespmem:$0xA100] =	vst v5  }
0xab: {  	v21 =	vld [tilespmem:s13+$0x9110];
	_ =	sdelay $0x4  }
0xac: {  	v7 =	vadd.s32 v7, v21  }
0xad: {  	[tilespmem:$0xA110] =	vst v7  }
0xae: {  	v21 =	vld [tilespmem:s13+$0x9120];
	_ =	sdelay $0x4  }
0xaf: {  	v8 =	vadd.s32 v8, v21  }
0xb0: {  	[tilespmem:$0xA120] =	vst v8  }
0xb1: {  	v21 =	vld [tilespmem:s13+$0x9130];
	_ =	sdelay $0x4  }
0xb2: {  	v9 =	vadd.s32 v9, v21  }
0xb3: {  	[tilespmem:$0xA130] =	vst v9  }
0xb4: {  	v21 =	vld [tilespmem:s13+$0x9140];
	_ =	sdelay $0x4  }
0xb5: {  	v18 =	vadd.s32 v18, v21  }
0xb6: {  	[tilespmem:$0xA140] =	vst v18  }
0xb7: {  	v21 =	vld [tilespmem:s13+$0x9150];
	_ =	sdelay $0x4  }
0xb8: {  	v19 =	vadd.s32 v19, v21  }
0xb9: {  	[tilespmem:$0xA150] =	vst v19  }
0xba: {  	v21 =	vld [tilespmem:s13+$0x9160];
	_ =	sdelay $0x4  }
0xbb: {  	v17 =	vadd.s32 v17, v21  }
0xbc: {  	[tilespmem:$0xA160] =	vst v17  }
0xbd: {  	v21 =	vld [tilespmem:s13+$0x9170];
	_ =	sdelay $0x4  }
0xbe: {  	v16 =	vadd.s32 v16, v21  }
0xbf: {  	[tilespmem:$0xA170] =	vst v16  }
0xc0: {  	v21 =	vld [tilespmem:s13+$0x9180];
	_ =	sdelay $0x4  }
0xc1: {  	v15 =	vadd.s32 v15, v21  }
0xc2: {  	[tilespmem:$0xA180] =	vst v15  }
0xc3: {  	v21 =	vld [tilespmem:s13+$0x9190];
	_ =	sdelay $0x4  }
0xc4: {  	v14 =	vadd.s32 v14, v21  }
0xc5: {  	[tilespmem:$0xA190] =	vst v14  }
0xc6: {  	v21 =	vld [tilespmem:s13+$0x91A0];
	_ =	sdelay $0x4  }
0xc7: {  	v13 =	vadd.s32 v13, v21  }
0xc8: {  	[tilespmem:$0xA1A0] =	vst v13  }
0xc9: {  	v21 =	vld [tilespmem:s13+$0x91B0];
	_ =	sdelay $0x4  }
0xca: {  	v12 =	vadd.s32 v12, v21  }
0xcb: {  	[tilespmem:$0xA1B0] =	vst v12  }
0xcc: {  	v21 =	vld [tilespmem:s13+$0x91C0];
	_ =	sdelay $0x4  }
0xcd: {  	v10 =	vadd.s32 v10, v21  }
0xce: {  	[tilespmem:$0xA1C0] =	vst v10  }
0xcf: {  	v21 =	vld [tilespmem:s13+$0x91D0];
	_ =	sdelay $0x4  }
0xd0: {  	v11 =	vadd.s32 v11, v21  }
0xd1: {  	[tilespmem:$0xA1D0] =	vst v11  }
0xd2: {  	v21 =	vld [tilespmem:s13+$0x91E0];
	_ =	sdelay $0x4  }
0xd3: {  	v20 =	vadd.s32 v20, v21  }
0xd4: {  	[tilespmem:$0xA1E0] =	vst v20  }
0xd5: {  	v21 =	vld [tilespmem:s13+$0x91F0];
	_ =	sdelay $0x1  }
.Ltmp4:
0xd6: {  	(pc) =	sbr.rel @p0 .LBB2_10-.Ltmp4, $3  }
0xd7: {  	_ =	sdelay $0x1  }
0xd8: {  	v6 =	vadd.s32 v6, v21  }
0xd9: {  	s13 =	sshra.s32 s14, $0x2;
	s14 =	sadd.s32 $0x400, s14;
	[tilespmem:$0xA1F0] =	vst v6  }
0xda: {  	v21 =	vld [tilespmem:s13+$0x9100];
	_ =	sdelay $0x4  }
0xdb: {  	v5 =	vadd.s32 v5, v21  }
0xdc: {  	[tilespmem:$0xA100] =	vst v5  }
0xdd: {  	v21 =	vld [tilespmem:s13+$0x9110];
	_ =	sdelay $0x4  }
0xde: {  	v7 =	vadd.s32 v7, v21  }
0xdf: {  	[tilespmem:$0xA110] =	vst v7  }
0xe0: {  	v21 =	vld [tilespmem:s13+$0x9120];
	_ =	sdelay $0x4  }
0xe1: {  	v8 =	vadd.s32 v8, v21  }
0xe2: {  	[tilespmem:$0xA120] =	vst v8  }
0xe3: {  	v21 =	vld [tilespmem:s13+$0x9130];
	_ =	sdelay $0x4  }
0xe4: {  	v9 =	vadd.s32 v9, v21  }
0xe5: {  	[tilespmem:$0xA130] =	vst v9  }
0xe6: {  	v21 =	vld [tilespmem:s13+$0x9140];
	_ =	sdelay $0x4  }
0xe7: {  	v18 =	vadd.s32 v18, v21  }
0xe8: {  	[tilespmem:$0xA140] =	vst v18  }
0xe9: {  	v21 =	vld [tilespmem:s13+$0x9150];
	_ =	sdelay $0x4  }
0xea: {  	v19 =	vadd.s32 v19, v21  }
0xeb: {  	[tilespmem:$0xA150] =	vst v19  }
0xec: {  	v21 =	vld [tilespmem:s13+$0x9160];
	_ =	sdelay $0x4  }
0xed: {  	v17 =	vadd.s32 v17, v21  }
0xee: {  	[tilespmem:$0xA160] =	vst v17  }
0xef: {  	v21 =	vld [tilespmem:s13+$0x9170];
	_ =	sdelay $0x4  }
0xf0: {  	v16 =	vadd.s32 v16, v21  }
0xf1: {  	[tilespmem:$0xA170] =	vst v16  }
0xf2: {  	v21 =	vld [tilespmem:s13+$0x9180];
	_ =	sdelay $0x4  }
0xf3: {  	v15 =	vadd.s32 v15, v21  }
0xf4: {  	[tilespmem:$0xA180] =	vst v15  }
0xf5: {  	v21 =	vld [tilespmem:s13+$0x9190];
	_ =	sdelay $0x4  }
0xf6: {  	v14 =	vadd.s32 v14, v21  }
0xf7: {  	[tilespmem:$0xA190] =	vst v14  }
0xf8: {  	v21 =	vld [tilespmem:s13+$0x91A0];
	_ =	sdelay $0x4  }
0xf9: {  	v13 =	vadd.s32 v13, v21  }
0xfa: {  	[tilespmem:$0xA1A0] =	vst v13  }
0xfb: {  	v21 =	vld [tilespmem:s13+$0x91B0];
	_ =	sdelay $0x4  }
0xfc: {  	v12 =	vadd.s32 v12, v21  }
0xfd: {  	[tilespmem:$0xA1B0] =	vst v12  }
0xfe: {  	v21 =	vld [tilespmem:s13+$0x91C0];
	_ =	sdelay $0x4  }
0xff: {  	v10 =	vadd.s32 v10, v21  }
0x100: {  	[tilespmem:$0xA1C0] =	vst v10  }
0x101: {  	v21 =	vld [tilespmem:s13+$0x91D0];
	_ =	sdelay $0x4  }
0x102: {  	v11 =	vadd.s32 v11, v21  }
0x103: {  	[tilespmem:$0xA1D0] =	vst v11  }
0x104: {  	v21 =	vld [tilespmem:s13+$0x91E0];
	_ =	sdelay $0x4  }
0x105: {  	v36 =	vadd.s32 v20, v21  }
0x106: {  	v35 =	vperm.xlane v5, v4;
	v34 =	vperm.xlane v7, v4;
	[tilespmem:$0xA1E0] =	vst v36  }
0x107: {  	v33 =	vperm.xlane v8, v4;
	v32 =	vperm.xlane v9, v4;
	v20 =	vld [tilespmem:s13+$0x91F0]  }
0x108: {  	v30 =	vperm.xlane v18, v4;
	v29 =	vperm.xlane v19, v4  }
0x109: {  	v28 =	vperm.xlane v17, v4;
	v27 =	vperm.xlane v16, v4  }
0x10a: {  	v26 =	vperm.xlane v15, v4;
	v25 =	vperm.xlane v14, v4  }
0x10b: {  	v24 =	vperm.xlane v13, v4;
	v23 =	vperm.xlane v12, v4  }
0x10c: {  	v22 =	vperm.xlane v10, v4;
	v21 =	vperm.xlane v11, v4;
	v37 =	vadd.s32 v6, v20  }
0x10d: {  	s14 =	simm.s32 $0x0;
	s13 =	simm.s32 $0x40;
	v20 =	vperm.xlane v36, v4;
	[tilespmem:$0xA1F0] =	vst v37;
	v6 =	vperm.xlane v37, v4  }
.LBB2_12:
0x10e: {  	p0 =	sne.s32 s13, $0x3FC0;
	[tilespmem:s14+$0x8000] =	vst v1;
	s14 =	smov.u32 s13;
	s13 =	sadd.s32 $0x40, s13  }
.Ltmp5:
0x10f: {  	(pc) =	sbr.rel @p0 .LBB2_12-.Ltmp5, $2  }
0x110: {  	_ =	sdelay $0x2  }
0x111: {  	s14 =	sshra.s32 s14, $0x2  }
0x112: {  	(xrf0) =	vadd.scan.msk.s32 $0xffff, v7  }
0x113: {  	(xrf0) =	vadd.scan.msk.s32 $0xffff, v8  }
0x114: {  	(xrf0) =	vadd.scan.msk.s32 $0xffff, v9  }
0x115: {  	(xrf0) =	vadd.scan.msk.s32 $0xffff, v18  }
0x116: {  	(xrf0) =	vadd.scan.msk.s32 $0xffff, v19  }
0x117: {  	(xrf0) =	vadd.scan.msk.s32 $0xffff, v17  }
0x118: {  	v31, _, _ =	vpop (xrf0);
	(xrf0) =	vadd.scan.msk.s32 $0xffff, v16  }
0x119: {  	(v2sf) =	vpush v31, $0xF;
	v49, _, _ =	vpop (xrf0);
	(xrf0) =	vadd.scan.msk.s32 $0xffff, v15  }
0x11a: {  	(v2sf) =	vpush v49, $0xF;
	v50, _, _ =	vpop (xrf0);
	(xrf0) =	vadd.scan.msk.s32 $0xffff, v14  }
0x11b: {  	(v2sf) =	vpush v50, $0xF;
	v51, _, _ =	vpop (xrf0);
	(xrf0) =	vadd.scan.msk.s32 $0xffff, v13  }
0x11c: {  	(v2sf) =	vpush v51, $0xF;
	v52, _, _ =	vpop (xrf0);
	(xrf0) =	vadd.scan.msk.s32 $0xffff, v12  }
0x11d: {  	(v2sf) =	vpush v52, $0xF;
	v53, _, _ =	vpop (xrf0);
	(xrf0) =	vadd.scan.msk.s32 $0xffff, v10  }
0x11e: {  	(v2sf) =	vpush v53, $0xF;
	v54, _, _ =	vpop (xrf0);
	(xrf0) =	vadd.scan.msk.s32 $0xffff, v11  }
0x11f: {  	(v2sf) =	vpush v54, $0xF;
	v55, _, _ =	vpop (xrf0);
	(xrf0) =	vadd.scan.msk.s32 $0xffff, v36  }
0x120: {  	(v2sf) =	vpush v55, $0xF;
	v56, _, _ =	vpop (xrf0);
	(xrf0) =	vadd.scan.msk.s32 $0xffff, v37  }
0x121: {  	v38, _, _ =	vpop (xrf0);
	(v2sf) =	vpush v56, $0xF  }
0x122: {  	v57, _, _ =	vpop (xrf0);
	(v2sf) =	vpush v38, $0xF  }
0x123: {  	v58, _, _ =	vpop (xrf0);
	(v2sf) =	vpush v57, $0xF  }
0x124: {  	v59, _, _ =	vpop (xrf0);
	(v2sf) =	vpush v58, $0xF  }
0x125: {  	(v2sf) =	vpush v59, $0xF;
	v60, _, _ =	vpop (xrf0)  }
0x126: {  	(v2sf) =	vpush v60, $0xF;
	v61, _, _ =	vpop (xrf0)  }
0x127: {  	(v2sf) =	vpush v61, $0xF  }
0x128: {  	s20 =	spop (v2sf)  }
0x129: {  	s21 =	spop (v2sf)  }
0x12a: {  	s22 =	spop (v2sf)  }
0x12b: {  	s23 =	spop (v2sf)  }
0x12c: {  	s24 =	spop (v2sf)  }
0x12d: {  	s25 =	spop (v2sf)  }
0x12e: {  	s26 =	spop (v2sf)  }
0x12f: {  	s28 =	spop (v2sf)  }
0x130: {  	s19 =	spop (v2sf)  }
0x131: {  	s18 =	spop (v2sf)  }
0x132: {  	s17 =	spop (v2sf)  }
0x133: {  	s16 =	spop (v2sf)  }
0x134: {  	s15 =	spop (v2sf)  }
0x135: {  	s13 =	spop (v2sf)  }
0x136: {  	s29 =	spop (v2sf)  }
0x137: {  	s13 =	sadd.s32 s13, s29  }
0x138: {  	s15 =	sadd.s32 s15, s13  }
0x139: {  	s16 =	sadd.s32 s16, s15  }
0x13a: {  	s17 =	sadd.s32 s17, s16  }
0x13b: {  	s18 =	sadd.s32 s18, s17  }
0x13c: {  	s19 =	sadd.s32 s19, s18  }
0x13d: {  	s28 =	sadd.s32 s28, s19  }
0x13e: {  	(xrf0) =	vadd.scan.msk.s32 $0xffff, v35;
	s26 =	sadd.s32 s26, s28  }
0x13f: {  	s25 =	sadd.s32 s25, s26  }
0x140: {  	s24 =	sadd.s32 s24, s25  }
0x141: {  	s23 =	sadd.s32 s23, s24  }
0x142: {  	s22 =	sadd.s32 s22, s23  }
0x143: {  	s21 =	sadd.s32 s21, s22  }
0x144: {  	v35, _, _ =	vpop (xrf0);
	s20 =	sadd.s32 s20, s21  }
0x145: {  	v35 =	vadd.s32 s20, v35  }
0x146: {  	vm0 =	vgt.s32 v35, $0x6665  }
0x147: {  	v35 =	vsel vm0, $0x1, v1  }
0x148: {  	(xrf0) =	vadd.scan.msk.s32 $0xffff, v35  }
0x149: {  	(xrf0) =	vadd.scan.msk.s32 $0xffff, v34;
	_ =	sdelay $0x4  }
0x14a: {  	v34, _, _ =	vpop (xrf0)  }
0x14b: {  	v62, _, _ =	vpop (xrf0)  }
0x14c: {  	v35 =	vadd.s32 s21, v62  }
0x14d: {  	vm13 =	vgt.s32 v35, $0x6665  }
0x14e: {  	v35 =	vsel vm13, $0x1, v1  }
0x14f: {  	(xrf0) =	vadd.scan.msk.s32 $0xffff, v35  }
0x150: {  	(xrf0) =	vadd.scan.msk.s32 $0xffff, v33;
	_ =	sdelay $0x4  }
0x151: {  	v63, _, _ =	vpop (xrf0)  }
0x152: {  	v38, _, _ =	vpop (xrf0)  }
0x153: {  	v35 =	vadd.s32 s22, v38  }
0x154: {  	vm14 =	vgt.s32 v35, $0x6665  }
0x155: {  	v35 =	vsel vm14, $0x1, v1  }
0x156: {  	(xrf0) =	vadd.scan.msk.s32 $0xffff, v35  }
0x157: {  	(xrf0) =	vadd.scan.msk.s32 $0xffff, v32;
	_ =	sdelay $0x4  }
0x158: {  	v39, _, _ =	vpop (xrf0)  }
0x159: {  	v40, _, _ =	vpop (xrf0)  }
0x15a: {  	v35 =	vadd.s32 s23, v40  }
0x15b: {  	vm15 =	vgt.s32 v35, $0x6665  }
0x15c: {  	v35 =	vsel vm15, $0x1, v1  }
0x15d: {  	(xrf0) =	vadd.scan.msk.s32 $0xffff, v35  }
0x15e: {  	(xrf0) =	vadd.scan.msk.s32 $0xffff, v30;
	_ =	sdelay $0x4  }
0x15f: {  	v41, _, _ =	vpop (xrf0)  }
0x160: {  	v42, _, _ =	vpop (xrf0)  }
0x161: {  	v35 =	vadd.s32 s24, v42  }
0x162: {  	vm4 =	vgt.s32 v35, $0x6665  }
0x163: {  	v35 =	vsel vm4, $0x1, v1  }
0x164: {  	(xrf0) =	vadd.scan.msk.s32 $0xffff, v35  }
0x165: {  	(xrf0) =	vadd.scan.msk.s32 $0xffff, v29;
	_ =	sdelay $0x4  }
0x166: {  	v43, _, _ =	vpop (xrf0)  }
0x167: {  	v44, _, _ =	vpop (xrf0)  }
0x168: {  	v35 =	vadd.s32 s25, v44  }
0x169: {  	vm5 =	vgt.s32 v35, $0x6665  }
0x16a: {  	v35 =	vsel vm5, $0x1, v1  }
0x16b: {  	(xrf0) =	vadd.scan.msk.s32 $0xffff, v35  }
0x16c: {  	(xrf0) =	vadd.scan.msk.s32 $0xffff, v28;
	_ =	sdelay $0x4  }
0x16d: {  	v45, _, _ =	vpop (xrf0)  }
0x16e: {  	v46, _, _ =	vpop (xrf0)  }
0x16f: {  	v35 =	vadd.s32 s26, v46  }
0x170: {  	vm6 =	vgt.s32 v35, $0x6665  }
0x171: {  	v35 =	vsel vm6, $0x1, v1  }
0x172: {  	(xrf0) =	vadd.scan.msk.s32 $0xffff, v35  }
0x173: {  	(xrf0) =	vadd.scan.msk.s32 $0xffff, v27;
	_ =	sdelay $0x4  }
0x174: {  	v47, _, _ =	vpop (xrf0)  }
0x175: {  	v48, _, _ =	vpop (xrf0)  }
0x176: {  	v35 =	vadd.s32 s28, v48  }
0x177: {  	vm7 =	vgt.s32 v35, $0x6665  }
0x178: {  	v35 =	vsel vm7, $0x1, v1  }
0x179: {  	(xrf0) =	vadd.scan.msk.s32 $0xffff, v35  }
0x17a: {  	(xrf0) =	vadd.scan.msk.s32 $0xffff, v26;
	_ =	sdelay $0x4  }
0x17b: {  	v49, _, _ =	vpop (xrf0)  }
0x17c: {  	v50, _, _ =	vpop (xrf0)  }
0x17d: {  	v35 =	vadd.s32 s19, v50  }
0x17e: {  	vm8 =	vgt.s32 v35, $0x6665  }
0x17f: {  	v35 =	vsel vm8, $0x1, v1  }
0x180: {  	(xrf0) =	vadd.scan.msk.s32 $0xffff, v35  }
0x181: {  	(xrf0) =	vadd.scan.msk.s32 $0xffff, v25;
	_ =	sdelay $0x4  }
0x182: {  	v51, _, _ =	vpop (xrf0)  }
0x183: {  	v52, _, _ =	vpop (xrf0)  }
0x184: {  	v35 =	vadd.s32 s18, v52  }
0x185: {  	vm9 =	vgt.s32 v35, $0x6665  }
0x186: {  	v35 =	vsel vm9, $0x1, v1  }
0x187: {  	(xrf0) =	vadd.scan.msk.s32 $0xffff, v35  }
0x188: {  	(xrf0) =	vadd.scan.msk.s32 $0xffff, v24;
	_ =	sdelay $0x4  }
0x189: {  	v53, _, _ =	vpop (xrf0)  }
0x18a: {  	v54, _, _ =	vpop (xrf0)  }
0x18b: {  	v35 =	vadd.s32 s17, v54  }
0x18c: {  	vm10 =	vgt.s32 v35, $0x6665  }
0x18d: {  	v35 =	vsel vm10, $0x1, v1  }
0x18e: {  	(xrf0) =	vadd.scan.msk.s32 $0xffff, v35  }
0x18f: {  	(xrf0) =	vadd.scan.msk.s32 $0xffff, v23;
	_ =	sdelay $0x4  }
0x190: {  	v55, _, _ =	vpop (xrf0)  }
0x191: {  	v56, _, _ =	vpop (xrf0)  }
0x192: {  	v35 =	vadd.s32 s16, v56  }
0x193: {  	vm11 =	vgt.s32 v35, $0x6665  }
0x194: {  	v35 =	vsel vm11, $0x1, v1  }
0x195: {  	(xrf0) =	vadd.scan.msk.s32 $0xffff, v35  }
0x196: {  	(xrf0) =	vadd.scan.msk.s32 $0xffff, v22;
	_ =	sdelay $0x4  }
0x197: {  	v57, _, _ =	vpop (xrf0)  }
0x198: {  	v58, _, _ =	vpop (xrf0)  }
0x199: {  	v35 =	vadd.s32 s15, v58  }
0x19a: {  	vm12 =	vgt.s32 v35, $0x6665  }
0x19b: {  	v35 =	vsel vm12, $0x1, v1  }
0x19c: {  	(xrf0) =	vadd.scan.msk.s32 $0xffff, v35  }
0x19d: {  	(xrf0) =	vadd.scan.msk.s32 $0xffff, v21;
	_ =	sdelay $0x4  }
0x19e: {  	v59, _, _ =	vpop (xrf0)  }
0x19f: {  	v60, _, _ =	vpop (xrf0)  }
0x1a0: {  	v35 =	vadd.s32 s13, v60  }
0x1a1: {  	vm13 =	vgt.s32 v35, $0x6665  }
0x1a2: {  	v35 =	vsel vm13, $0x1, v1  }
0x1a3: {  	(xrf0) =	vadd.scan.msk.s32 $0xffff, v35  }
0x1a4: {  	(xrf0) =	vadd.scan.msk.s32 $0xffff, v20;
	_ =	sdelay $0x4  }
0x1a5: {  	v31 =	vbroadcast v61, $0xF;
	v20, _, _ =	vpop (xrf0)  }
0x1a6: {  	v61, _, _ =	vpop (xrf0)  }
0x1a7: {  	(v2sf) =	vpush v34, $0xF;
	v31 =	vadd.s32 v31, v61  }
0x1a8: {  	(v2sf) =	vpush v63, $0xF;
	vm14 =	vgt.s32 v31, $0x6665  }
0x1a9: {  	(v2sf) =	vpush v39, $0xF;
	v31 =	vsel vm14, $0x1, v1  }
0x1aa: {  	(v2sf) =	vpush v41, $0xF;
	(xrf0) =	vadd.scan.msk.s32 $0xffff, v31  }
0x1ab: {  	(v2sf) =	vpush v43, $0xF;
	(xrf0) =	vadd.scan.msk.s32 $0xffff, v6  }
0x1ac: {  	(v2sf) =	vpush v45, $0xF  }
0x1ad: {  	(v2sf) =	vpush v47, $0xF  }
0x1ae: {  	(v2sf) =	vpush v49, $0xF  }
0x1af: {  	(v2sf) =	vpush v51, $0xF  }
0x1b0: {  	(v2sf) =	vpush v53, $0xF;
	v6, _, _ =	vpop (xrf0)  }
0x1b1: {  	v62, _, _ =	vpop (xrf0)  }
0x1b2: {  	(v2sf) =	vpush v55, $0xF;
	vm15 =	vgt.s32 v62, $0x6665  }
0x1b3: {  	v63 =	vsel vm15, $0x1, v1  }
0x1b4: {  	(v2sf) =	vpush v57, $0xF;
	(xrf0) =	vadd.scan.msk.s32 $0xffff, v63;
	_ =	sdelay $0x1  }
0x1b5: {  	s5 =	spop (v2sf);
	(v2sf) =	vpush v59, $0xF  }
0x1b6: {  	s6 =	spop (v2sf)  }
0x1b7: {  	s7 =	spop (v2sf);
	(v2sf) =	vpush v20, $0xF  }
0x1b8: {  	s8 =	spop (v2sf)  }
0x1b9: {  	s10 =	spop (v2sf);
	(v2sf) =	vpush v6, $0xF;
	v6, _, _ =	vpop (xrf0)  }
0x1ba: {  	s11 =	spop (v2sf);
	(v2sf) =	vpush v6, $0xF  }
0x1bb: {  	s12 =	spop (v2sf)  }
0x1bc: {  	s22 =	spop (v2sf)  }
0x1bd: {  	s23 =	spop (v2sf)  }
0x1be: {  	s21 =	sadd.s32 s22, s23;
	s24 =	spop (v2sf)  }
0x1bf: {  	s21 =	sadd.s32 s24, s21  }
0x1c0: {  	s20 =	sadd.s32 s12, s21;
	s25 =	spop (v2sf)  }
0x1c1: {  	s20 =	sadd.s32 s25, s20  }
0x1c2: {  	s19 =	sadd.s32 s11, s20;
	s26 =	spop (v2sf)  }
0x1c3: {  	s19 =	sadd.s32 s26, s19  }
0x1c4: {  	s18 =	sadd.s32 s10, s19;
	s28 =	spop (v2sf)  }
0x1c5: {  	s18 =	sadd.s32 s28, s18  }
0x1c6: {  	s17 =	sadd.s32 s8, s18;
	s29 =	spop (v2sf)  }
0x1c7: {  	s17 =	sadd.s32 s29, s17  }
0x1c8: {  	s16 =	sadd.s32 s7, s17;
	s30 =	spop (v2sf)  }
0x1c9: {  	s16 =	sadd.s32 s30, s16;
	s31 =	spop (v2sf)  }
0x1ca: {  	s16 =	sadd.s32 s31, s16  }
0x1cb: {  	s15 =	sadd.s32 s6, s16  }
0x1cc: {  	s13 =	sadd.s32 s5, s15  }
0x1cd: {  	s0 =	sadd.s32 $0xFFFFFFFF, s13  }
0x1ce: {  	[tilespmem:s14+$0x8000] =	vst v1;
	s14 =	simm.s32 $0x0;
	s15 =	simm.s32 $0x0;
	[dreg:$0x9] =	wrdreg s0;
	v38 =	vmov s0  }
.LBB2_14:
0x1cf: {  	s16 =	sshra.s32 s15, $0x2  }
0x1d0: {  	v6 =	vld [tilespmem:s16+$0x4000];
	_ =	sdelay $0x4  }
0x1d1: {  	v20 =	vshrl.u32 v6, $0xC;
	v6 =	vshrl.u32 v6, $0x18  }
0x1d2: {  	vm0 =	veq.s32 v6, v38;
	v6 =	vand.u32 $0xFF0, v20  }
0x1d3: {  	p0 =	sne.s32 s15, $0xFFC0;
	v6 =	vor.u32 v0, v6  }
.Ltmp6:
0x1d4: {  	_ = 	snop;
	(pc) =	sbr.rel @p0 .LBB2_14-.Ltmp6, $2  }
0x1d5: {  	_ =	sdelay $0x2  }
0x1d6: {  	s15 =	sadd.s32 $0x40, s15;
	[tilespmem:v6+s9+$0x0] =	vst.idx.add.s32.msk vm0, v2  }
0x1d7: {  	v6 =	vmov s14  }
0x1d8: {  	v6 =	vshll.u32 v6, $0x4  }
0x1d9: {  	v6 =	vor.u32 v3, v6  }
0x1da: {  	v20 =	vor.u32 $0x1, v6  }
0x1db: {  	v21 =	vor.u32 $0x2, v6  }
0x1dc: {  	v22 =	vor.u32 $0x3, v6  }
0x1dd: {  	v23 =	vor.u32 $0x4, v6  }
0x1de: {  	v24 =	vor.u32 $0x5, v6;
	v25 =	vld.idx.msk [tilespmem:v6+s9+$0x0], $0xffff  }
0x1df: {  	v26 =	vor.u32 $0x6, v6;
	v20 =	vld.idx.msk [tilespmem:v20+s9+$0x0], $0xffff  }
0x1e0: {  	v27 =	vor.u32 $0x7, v6;
	v21 =	vld.idx.msk [tilespmem:v21+s9+$0x0], $0xffff  }
0x1e1: {  	v28 =	vor.u32 $0x8, v6;
	v22 =	vld.idx.msk [tilespmem:v22+s9+$0x0], $0xffff  }
0x1e2: {  	v29 =	vor.u32 $0x9, v6;
	v23 =	vld.idx.msk [tilespmem:v23+s9+$0x0], $0xffff  }
0x1e3: {  	v30 =	vor.u32 $0xA, v6;
	v24 =	vld.idx.msk [tilespmem:v24+s9+$0x0], $0xffff  }
0x1e4: {  	v31 =	vor.u32 $0xB, v6;
	v26 =	vld.idx.msk [tilespmem:v26+s9+$0x0], $0xffff;
	v20 =	vadd.s32 v25, v20  }
0x1e5: {  	v25 =	vld.idx.msk [tilespmem:v27+s9+$0x0], $0xffff;
	v27 =	vor.u32 $0xC, v6;
	v20 =	vadd.s32 v21, v20  }
0x1e6: {  	v57 =	vor.u32 $0xD, v6;
	v21 =	vld.idx.msk [tilespmem:v28+s9+$0x0], $0xffff;
	v20 =	vadd.s32 v22, v20  }
0x1e7: {  	v58 =	vor.u32 $0xE, v6;
	v22 =	vld.idx.msk [tilespmem:v29+s9+$0x0], $0xffff;
	v20 =	vadd.s32 v23, v20  }
0x1e8: {  	v6 =	vor.u32 $0xF, v6;
	v23 =	vld.idx.msk [tilespmem:v30+s9+$0x0], $0xffff;
	v20 =	vadd.s32 v24, v20  }
0x1e9: {  	v24 =	vld.idx.msk [tilespmem:v31+s9+$0x0], $0xffff;
	v20 =	vadd.s32 v26, v20  }
0x1ea: {  	v26 =	vld.idx.msk [tilespmem:v27+s9+$0x0], $0xffff;
	v20 =	vadd.s32 v25, v20  }
0x1eb: {  	s31 =	simm.s32 $0x10;
	v25 =	vld.idx.msk [tilespmem:v57+s9+$0x0], $0xffff;
	v20 =	vadd.s32 v21, v20  }
0x1ec: {  	v27 =	vmov s31;
	v21 =	vld.idx.msk [tilespmem:v58+s9+$0x0], $0xffff;
	v20 =	vadd.s32 v22, v20  }
0x1ed: {  	v6 =	vld.idx.msk [tilespmem:v6+s9+$0x0], $0xffff;
	v22 =	vshll.u32 v27, $0x4;
	v20 =	vadd.s32 v23, v20  }
0x1ee: {  	v22 =	vor.u32 v3, v22;
	v20 =	vadd.s32 v24, v20  }
0x1ef: {  	v23 =	vor.u32 $0x1, v22;
	v20 =	vadd.s32 v26, v20  }
0x1f0: {  	v20 =	vadd.s32 v25, v20  }
0x1f1: {  	v24 =	vor.u32 $0x2, v22;
	v20 =	vadd.s32 v21, v20  }
0x1f2: {  	s14 =	simm.s32 $0x9000;
	v21 =	vor.u32 $0x3, v22;
	v6 =	vadd.s32 v6, v20  }
0x1f3: {  	v20 =	vor.u32 $0x4, v22;
	[tilespmem:s14+$0x0] =	vst v6  }
0x1f4: {  	v6 =	vld.idx.msk [tilespmem:v23+s9+$0x0], $0xffff;
	v23 =	vor.u32 $0x5, v22  }
0x1f5: {  	v26 =	vor.u32 $0x6, v22;
	v25 =	vld.idx.msk [tilespmem:v22+s9+$0x0], $0xffff  }
0x1f6: {  	v27 =	vor.u32 $0x7, v22;
	v24 =	vld.idx.msk [tilespmem:v24+s9+$0x0], $0xffff  }
0x1f7: {  	v59 =	vor.u32 $0x8, v22;
	v21 =	vld.idx.msk [tilespmem:v21+s9+$0x0], $0xffff  }
0x1f8: {  	v60 =	vor.u32 $0x9, v22;
	v20 =	vld.idx.msk [tilespmem:v20+s9+$0x0], $0xffff  }
0x1f9: {  	v61 =	vor.u32 $0xA, v22;
	v23 =	vld.idx.msk [tilespmem:v23+s9+$0x0], $0xffff  }
0x1fa: {  	v62 =	vor.u32 $0xB, v22;
	v26 =	vld.idx.msk [tilespmem:v26+s9+$0x0], $0xffff;
	v6 =	vadd.s32 v25, v6  }
0x1fb: {  	v25 =	vld.idx.msk [tilespmem:v27+s9+$0x0], $0xffff;
	v27 =	vor.u32 $0xC, v22;
	v6 =	vadd.s32 v24, v6  }
0x1fc: {  	v63 =	vor.u32 $0xD, v22;
	v24 =	vld.idx.msk [tilespmem:v59+s9+$0x0], $0xffff;
	v6 =	vadd.s32 v21, v6  }
0x1fd: {  	v32 =	vor.u32 $0xE, v22;
	v29 =	vld.idx.msk [tilespmem:v60+s9+$0x0], $0xffff;
	v6 =	vadd.s32 v20, v6  }
0x1fe: {  	v33 =	vor.u32 $0xF, v22;
	v30 =	vld.idx.msk [tilespmem:v61+s9+$0x0], $0xffff;
	v20 =	vadd.s32 v23, v6  }
0x1ff: {  	v6 =	vld.idx.msk [tilespmem:v62+s9+$0x0], $0xffff;
	v21 =	vadd.s32 v26, v20  }
0x200: {  	v20 =	vld.idx.msk [tilespmem:v27+s9+$0x0], $0xffff;
	v22 =	vadd.s32 v25, v21  }
0x201: {  	s15 =	simm.s32 $0x20;
	v21 =	vld.idx.msk [tilespmem:v63+s9+$0x0], $0xffff;
	v23 =	vadd.s32 v24, v22  }
0x202: {  	v22 =	vld.idx.msk [tilespmem:v32+s9+$0x0], $0xffff;
	v24 =	vmov s15;
	v25 =	vadd.s32 v29, v23  }
0x203: {  	s15 =	simm.s32 $0x30;
	v23 =	vld.idx.msk [tilespmem:v33+s9+$0x0], $0xffff;
	v24 =	vshll.u32 v24, $0x4;
	v25 =	vadd.s32 v30, v25  }
.LBB2_16:
0x204: {  	p0 =	sne.s32 s15, $0xF0;
	v24 =	vor.u32 v3, v24;
	v6 =	vadd.s32 v6, v25  }
0x205: {  	v25 =	vor.u32 $0x1, v24;
	v6 =	vadd.s32 v20, v6  }
0x206: {  	v6 =	vadd.s32 v21, v6  }
0x207: {  	v20 =	vor.u32 $0x2, v24;
	v6 =	vadd.s32 v22, v6  }
0x208: {  	s14 =	sadd.s32 $0x10, s14;
	v21 =	vor.u32 $0x3, v24;
	v6 =	vadd.s32 v23, v6  }
0x209: {  	v22 =	vor.u32 $0x4, v24;
	[tilespmem:s14+$0x0] =	vst v6  }
0x20a: {  	v23 =	vor.u32 $0x5, v24;
	v6 =	vld.idx.msk [tilespmem:v25+s9+$0x0], $0xffff  }
0x20b: {  	v26 =	vor.u32 $0x6, v24;
	v25 =	vld.idx.msk [tilespmem:v24+s9+$0x0], $0xffff  }
0x20c: {  	v27 =	vor.u32 $0x7, v24;
	v20 =	vld.idx.msk [tilespmem:v20+s9+$0x0], $0xffff  }
0x20d: {  	v28 =	vor.u32 $0x8, v24;
	v21 =	vld.idx.msk [tilespmem:v21+s9+$0x0], $0xffff  }
0x20e: {  	v29 =	vor.u32 $0x9, v24;
	v22 =	vld.idx.msk [tilespmem:v22+s9+$0x0], $0xffff  }
0x20f: {  	v30 =	vor.u32 $0xA, v24;
	v23 =	vld.idx.msk [tilespmem:v23+s9+$0x0], $0xffff  }
0x210: {  	v31 =	vor.u32 $0xB, v24;
	v26 =	vld.idx.msk [tilespmem:v26+s9+$0x0], $0xffff  }
0x211: {  	v6 =	vadd.s32 v25, v6;
	v25 =	vld.idx.msk [tilespmem:v27+s9+$0x0], $0xffff;
	v27 =	vor.u32 $0xC, v24  }
0x212: {  	v32 =	vor.u32 $0xD, v24;
	v6 =	vadd.s32 v20, v6;
	v28 =	vld.idx.msk [tilespmem:v28+s9+$0x0], $0xffff  }
0x213: {  	v33 =	vor.u32 $0xE, v24;
	v6 =	vadd.s32 v21, v6;
	v29 =	vld.idx.msk [tilespmem:v29+s9+$0x0], $0xffff  }
0x214: {  	v24 =	vor.u32 $0xF, v24;
	v6 =	vadd.s32 v22, v6;
	v30 =	vld.idx.msk [tilespmem:v30+s9+$0x0], $0xffff  }
0x215: {  	v20 =	vadd.s32 v23, v6;
	v6 =	vld.idx.msk [tilespmem:v31+s9+$0x0], $0xffff  }
.Ltmp7:
0x216: {  	v21 =	vadd.s32 v26, v20;
	v20 =	vld.idx.msk [tilespmem:v27+s9+$0x0], $0xffff;
	(pc) =	sbr.rel @p0 .LBB2_16-.Ltmp7, $4  }
0x217: {  	v22 =	vadd.s32 v25, v21;
	v21 =	vld.idx.msk [tilespmem:v32+s9+$0x0], $0xffff  }
0x218: {  	v23 =	vadd.s32 v28, v22;
	v22 =	vld.idx.msk [tilespmem:v33+s9+$0x0], $0xffff  }
0x219: {  	v25 =	vmov s15;
	v26 =	vadd.s32 v29, v23;
	v23 =	vld.idx.msk [tilespmem:v24+s9+$0x0], $0xffff  }
0x21a: {  	s15 =	sadd.s32 $0x10, s15;
	v24 =	vshll.u32 v25, $0x4;
	v25 =	vadd.s32 v30, v26  }
0x21b: {  	v24 =	vor.u32 v3, v24;
	v6 =	vadd.s32 v6, v25  }
0x21c: {  	v25 =	vor.u32 $0x1, v24;
	v6 =	vadd.s32 v20, v6  }
0x21d: {  	v6 =	vadd.s32 v21, v6  }
0x21e: {  	v20 =	vor.u32 $0x2, v24;
	v6 =	vadd.s32 v22, v6  }
0x21f: {  	s14 =	sadd.s32 $0x10, s14;
	v21 =	vor.u32 $0x3, v24;
	v6 =	vadd.s32 v23, v6  }
0x220: {  	v22 =	vor.u32 $0x4, v24;
	[tilespmem:s14+$0x0] =	vst v6  }
0x221: {  	v23 =	vor.u32 $0x5, v24;
	v6 =	vld.idx.msk [tilespmem:v25+s9+$0x0], $0xffff  }
0x222: {  	v26 =	vor.u32 $0x6, v24;
	v25 =	vld.idx.msk [tilespmem:v24+s9+$0x0], $0xffff  }
0x223: {  	v27 =	vor.u32 $0x7, v24;
	v20 =	vld.idx.msk [tilespmem:v20+s9+$0x0], $0xffff  }
0x224: {  	v28 =	vor.u32 $0x8, v24;
	v21 =	vld.idx.msk [tilespmem:v21+s9+$0x0], $0xffff  }
0x225: {  	v29 =	vor.u32 $0x9, v24;
	v22 =	vld.idx.msk [tilespmem:v22+s9+$0x0], $0xffff  }
0x226: {  	v30 =	vor.u32 $0xA, v24;
	v23 =	vld.idx.msk [tilespmem:v23+s9+$0x0], $0xffff  }
0x227: {  	v31 =	vor.u32 $0xB, v24;
	v26 =	vld.idx.msk [tilespmem:v26+s9+$0x0], $0xffff;
	v6 =	vadd.s32 v25, v6  }
0x228: {  	v25 =	vld.idx.msk [tilespmem:v27+s9+$0x0], $0xffff;
	v27 =	vor.u32 $0xC, v24;
	v6 =	vadd.s32 v20, v6  }
0x229: {  	v20 =	vld.idx.msk [tilespmem:v28+s9+$0x0], $0xffff;
	v28 =	vor.u32 $0xD, v24;
	v6 =	vadd.s32 v21, v6  }
0x22a: {  	v21 =	vld.idx.msk [tilespmem:v29+s9+$0x0], $0xffff;
	v29 =	vor.u32 $0xE, v24;
	v6 =	vadd.s32 v22, v6  }
0x22b: {  	v24 =	vor.u32 $0xF, v24;
	v22 =	vld.idx.msk [tilespmem:v30+s9+$0x0], $0xffff;
	v6 =	vadd.s32 v23, v6  }
0x22c: {  	v23 =	vld.idx.msk [tilespmem:v31+s9+$0x0], $0xffff;
	v6 =	vadd.s32 v26, v6  }
0x22d: {  	v26 =	vld.idx.msk [tilespmem:v27+s9+$0x0], $0xffff;
	v6 =	vadd.s32 v25, v6  }
0x22e: {  	v25 =	vld.idx.msk [tilespmem:v28+s9+$0x0], $0xffff;
	v6 =	vadd.s32 v20, v6  }
0x22f: {  	v20 =	vld.idx.msk [tilespmem:v29+s9+$0x0], $0xffff;
	v6 =	vadd.s32 v21, v6  }
0x230: {  	v21 =	vld.idx.msk [tilespmem:v24+s9+$0x0], $0xffff;
	v6 =	vadd.s32 v22, v6  }
0x231: {  	v6 =	vadd.s32 v23, v6  }
0x232: {  	v6 =	vadd.s32 v26, v6  }
0x233: {  	v6 =	vadd.s32 v25, v6  }
0x234: {  	v6 =	vadd.s32 v20, v6  }
0x235: {  	s14 =	sadd.s32 $0x10, s14;
	v6 =	vadd.s32 v21, v6  }
0x236: {  	s0 =	rddreg [dreg:$0x5];
	s2 =	simm.s32 $0x9000;
	[tilespmem:s14+$0x0] =	vst v6  }
0x237: {  	[spmem:s0] =	stream.linear.scatter [tilespmem:s2], [sflag:$0x1], $0x100, $0x38;
	[tilespmem:$0xA300] =	vst v63  }
0x238: {  	_ =	swait.ge [sflag:s1], $0x100  }
0x239: {  	[sflag:s1] =	ssyncset.done $0x0  }
0x23a: {  	[sflag:s1] =	ssyncadd.s32 $0xFFFFFF00  }
0x23b: {  	[bflag:$0x0] =	sbarrier.arrive $0xFFFF  }
0x23c: {  	s31 =	simm.s32 $0x9100;
	s30 =	rddreg [dreg:$0x2]  }
0x23d: {  	[tilespmem:s31], [sflag:$0x1] =	stream.linear.gather [spmem:s30], $0x1000, $0x38;
	[tilespmem:$0xA300] =	vst v63  }
0x23e: {  	_ =	swait.ge [sflag:s1], $0x1000  }
0x23f: {  	[sflag:s1] =	ssyncset.done $0x0  }
0x240: {  	[sflag:s1] =	ssyncadd.s32 $0xFFFFF000  }
0x241: {  	v27 =	vimm.s32 $0x0;
	[bflag:$0x0] =	sbarrier.arrive $0xFFFF  }
0x242: {  	[tilespmem:$0xA100] =	vst v27  }
0x243: {  	[tilespmem:$0xA110] =	vst v27  }
0x244: {  	[tilespmem:$0xA120] =	vst v27  }
0x245: {  	[tilespmem:$0xA130] =	vst v27  }
0x246: {  	[tilespmem:$0xA140] =	vst v27  }
0x247: {  	[tilespmem:$0xA150] =	vst v27  }
0x248: {  	[tilespmem:$0xA160] =	vst v27  }
0x249: {  	[tilespmem:$0xA170] =	vst v27  }
0x24a: {  	[tilespmem:$0xA180] =	vst v27  }
0x24b: {  	[tilespmem:$0xA190] =	vst v27  }
0x24c: {  	[tilespmem:$0xA1A0] =	vst v27  }
0x24d: {  	v32 =	vimm.s32 $0x0;
	v33 =	vimm.s32 $0x0;
	v34 =	vimm.s32 $0x0;
	[tilespmem:$0xA1B0] =	vst v27  }
0x24e: {  	v35 =	vimm.s32 $0x0;
	v30 =	vimm.s32 $0x0;
	v31 =	vimm.s32 $0x0;
	[tilespmem:$0xA1C0] =	vst v27  }
0x24f: {  	v28 =	vimm.s32 $0x0;
	v24 =	vimm.s32 $0x0;
	v22 =	vimm.s32 $0x0;
	[tilespmem:$0xA1D0] =	vst v27  }
0x250: {  	v23 =	vimm.s32 $0x0;
	v26 =	vimm.s32 $0x0;
	v25 =	vimm.s32 $0x0;
	[tilespmem:$0xA1E0] =	vst v27  }
0x251: {  	s15 =	simm.s32 $0x400;
	v20 =	vimm.s32 $0x0;
	v21 =	vimm.s32 $0x0;
	s14 =	simm.s32 $0x0;
	v6 =	vimm.s32 $0x0;
	[tilespmem:$0xA1F0] =	vst v27  }
.LBB2_18:
0x252: {  	p0 =	sne.s32 s15, $0x3C00;
	v29 =	vld [tilespmem:s14+$0x9100];
	_ =	sdelay $0x4  }
0x253: {  	v27 =	vadd.s32 v27, v29  }
0x254: {  	[tilespmem:$0xA100] =	vst v27  }
0x255: {  	v29 =	vld [tilespmem:s14+$0x9110];
	_ =	sdelay $0x4  }
0x256: {  	v30 =	vadd.s32 v30, v29  }
0x257: {  	[tilespmem:$0xA110] =	vst v30  }
0x258: {  	v29 =	vld [tilespmem:s14+$0x9120];
	_ =	sdelay $0x4  }
0x259: {  	v31 =	vadd.s32 v31, v29  }
0x25a: {  	[tilespmem:$0xA120] =	vst v31  }
0x25b: {  	v29 =	vld [tilespmem:s14+$0x9130];
	_ =	sdelay $0x4  }
0x25c: {  	v32 =	vadd.s32 v32, v29  }
0x25d: {  	[tilespmem:$0xA130] =	vst v32  }
0x25e: {  	v29 =	vld [tilespmem:s14+$0x9140];
	_ =	sdelay $0x4  }
0x25f: {  	v33 =	vadd.s32 v33, v29  }
0x260: {  	[tilespmem:$0xA140] =	vst v33  }
0x261: {  	v29 =	vld [tilespmem:s14+$0x9150];
	_ =	sdelay $0x4  }
0x262: {  	v34 =	vadd.s32 v34, v29  }
0x263: {  	[tilespmem:$0xA150] =	vst v34  }
0x264: {  	v29 =	vld [tilespmem:s14+$0x9160];
	_ =	sdelay $0x4  }
0x265: {  	v35 =	vadd.s32 v35, v29  }
0x266: {  	[tilespmem:$0xA160] =	vst v35  }
0x267: {  	v29 =	vld [tilespmem:s14+$0x9170];
	_ =	sdelay $0x4  }
0x268: {  	v28 =	vadd.s32 v28, v29  }
0x269: {  	[tilespmem:$0xA170] =	vst v28  }
0x26a: {  	v29 =	vld [tilespmem:s14+$0x9180];
	_ =	sdelay $0x4  }
0x26b: {  	v25 =	vadd.s32 v25, v29  }
0x26c: {  	[tilespmem:$0xA180] =	vst v25  }
0x26d: {  	v29 =	vld [tilespmem:s14+$0x9190];
	_ =	sdelay $0x4  }
0x26e: {  	v24 =	vadd.s32 v24, v29  }
0x26f: {  	[tilespmem:$0xA190] =	vst v24  }
0x270: {  	v29 =	vld [tilespmem:s14+$0x91A0];
	_ =	sdelay $0x4  }
0x271: {  	v23 =	vadd.s32 v23, v29  }
0x272: {  	[tilespmem:$0xA1A0] =	vst v23  }
0x273: {  	v29 =	vld [tilespmem:s14+$0x91B0];
	_ =	sdelay $0x4  }
0x274: {  	v22 =	vadd.s32 v22, v29  }
0x275: {  	[tilespmem:$0xA1B0] =	vst v22  }
0x276: {  	v29 =	vld [tilespmem:s14+$0x91C0];
	_ =	sdelay $0x4  }
0x277: {  	v21 =	vadd.s32 v21, v29  }
0x278: {  	[tilespmem:$0xA1C0] =	vst v21  }
0x279: {  	v29 =	vld [tilespmem:s14+$0x91D0];
	_ =	sdelay $0x4  }
0x27a: {  	v26 =	vadd.s32 v26, v29  }
0x27b: {  	[tilespmem:$0xA1D0] =	vst v26  }
0x27c: {  	v29 =	vld [tilespmem:s14+$0x91E0];
	_ =	sdelay $0x4  }
0x27d: {  	v20 =	vadd.s32 v20, v29  }
0x27e: {  	[tilespmem:$0xA1E0] =	vst v20  }
0x27f: {  	v29 =	vld [tilespmem:s14+$0x91F0];
	_ =	sdelay $0x1  }
.Ltmp8:
0x280: {  	(pc) =	sbr.rel @p0 .LBB2_18-.Ltmp8, $3  }
0x281: {  	_ =	sdelay $0x1  }
0x282: {  	v6 =	vadd.s32 v6, v29  }
0x283: {  	s14 =	sshra.s32 s15, $0x2;
	s15 =	sadd.s32 $0x400, s15;
	[tilespmem:$0xA1F0] =	vst v6  }
0x284: {  	v29 =	vld [tilespmem:s14+$0x9100];
	_ =	sdelay $0x4  }
0x285: {  	v29 =	vadd.s32 v27, v29  }
0x286: {  	[tilespmem:$0xA100] =	vst v29  }
0x287: {  	v27 =	vld [tilespmem:s14+$0x9110];
	_ =	sdelay $0x4  }
0x288: {  	v30 =	vadd.s32 v30, v27  }
0x289: {  	[tilespmem:$0xA110] =	vst v30  }
0x28a: {  	v27 =	vld [tilespmem:s14+$0x9120];
	_ =	sdelay $0x4  }
0x28b: {  	v31 =	vadd.s32 v31, v27  }
0x28c: {  	[tilespmem:$0xA120] =	vst v31  }
0x28d: {  	v27 =	vld [tilespmem:s14+$0x9130];
	_ =	sdelay $0x4  }
0x28e: {  	v32 =	vadd.s32 v32, v27  }
0x28f: {  	[tilespmem:$0xA130] =	vst v32  }
0x290: {  	v27 =	vld [tilespmem:s14+$0x9140];
	_ =	sdelay $0x4  }
0x291: {  	v33 =	vadd.s32 v33, v27  }
0x292: {  	[tilespmem:$0xA140] =	vst v33  }
0x293: {  	v27 =	vld [tilespmem:s14+$0x9150];
	_ =	sdelay $0x4  }
0x294: {  	v34 =	vadd.s32 v34, v27  }
0x295: {  	[tilespmem:$0xA150] =	vst v34  }
0x296: {  	v27 =	vld [tilespmem:s14+$0x9160];
	_ =	sdelay $0x4  }
0x297: {  	v35 =	vadd.s32 v35, v27  }
0x298: {  	[tilespmem:$0xA160] =	vst v35  }
0x299: {  	v27 =	vld [tilespmem:s14+$0x9170];
	_ =	sdelay $0x4  }
0x29a: {  	v28 =	vadd.s32 v28, v27  }
0x29b: {  	[tilespmem:$0xA170] =	vst v28  }
0x29c: {  	v27 =	vld [tilespmem:s14+$0x9180];
	_ =	sdelay $0x4  }
0x29d: {  	v27 =	vadd.s32 v25, v27  }
0x29e: {  	[tilespmem:$0xA180] =	vst v27  }
0x29f: {  	v25 =	vld [tilespmem:s14+$0x9190];
	_ =	sdelay $0x4  }
0x2a0: {  	v25 =	vadd.s32 v24, v25  }
0x2a1: {  	[tilespmem:$0xA190] =	vst v25  }
0x2a2: {  	v24 =	vld [tilespmem:s14+$0x91A0];
	_ =	sdelay $0x4  }
0x2a3: {  	v24 =	vadd.s32 v23, v24  }
0x2a4: {  	[tilespmem:$0xA1A0] =	vst v24  }
0x2a5: {  	v23 =	vld [tilespmem:s14+$0x91B0];
	_ =	sdelay $0x4  }
0x2a6: {  	v23 =	vadd.s32 v22, v23  }
0x2a7: {  	[tilespmem:$0xA1B0] =	vst v23  }
0x2a8: {  	v22 =	vld [tilespmem:s14+$0x91C0];
	_ =	sdelay $0x4  }
0x2a9: {  	v22 =	vadd.s32 v21, v22  }
0x2aa: {  	[tilespmem:$0xA1C0] =	vst v22  }
0x2ab: {  	v21 =	vld [tilespmem:s14+$0x91D0];
	_ =	sdelay $0x4  }
0x2ac: {  	v21 =	vadd.s32 v26, v21  }
0x2ad: {  	[tilespmem:$0xA1D0] =	vst v21  }
0x2ae: {  	v26 =	vld [tilespmem:s14+$0x91E0];
	_ =	sdelay $0x4  }
0x2af: {  	v20 =	vadd.s32 v20, v26  }
0x2b0: {  	v54 =	vperm.xlane v29, v4;
	v53 =	vperm.xlane v30, v4;
	[tilespmem:$0xA1E0] =	vst v20  }
0x2b1: {  	v52 =	vperm.xlane v31, v4;
	v51 =	vperm.xlane v32, v4;
	v26 =	vld [tilespmem:s14+$0x91F0]  }
0x2b2: {  	v50 =	vperm.xlane v33, v4;
	v49 =	vperm.xlane v34, v4  }
0x2b3: {  	v48 =	vperm.xlane v35, v4;
	v47 =	vperm.xlane v28, v4  }
0x2b4: {  	v46 =	vperm.xlane v27, v4;
	v45 =	vperm.xlane v25, v4  }
0x2b5: {  	v44 =	vperm.xlane v24, v4;
	v43 =	vperm.xlane v23, v4  }
0x2b6: {  	v42 =	vperm.xlane v22, v4;
	v41 =	vperm.xlane v21, v4;
	v26 =	vadd.s32 v6, v26  }
0x2b7: {  	[dreg:$0x8] =	wrdreg s3;
	s16 =	simm.s32 $0x0;
	v40 =	vperm.xlane v20, v4;
	s14 =	simm.s32 $0x40;
	[tilespmem:$0xA1F0] =	vst v26;
	v39 =	vperm.xlane v26, v4  }
.LBB2_20:
0x2b8: {  	p0 =	sne.s32 s14, $0x3FC0;
	[tilespmem:s16+$0x8000] =	vst v1;
	s15 =	smov.u32 s14;
	s14 =	sadd.s32 $0x40, s14  }
.Ltmp9:
0x2b9: {  	(pc) =	sbr.rel @p0 .LBB2_20-.Ltmp9, $2  }
0x2ba: {  	_ =	sdelay $0x2  }
0x2bb: {  	s16 =	sshra.s32 s15, $0x2  }
0x2bc: {  	vm0 =	vlt.s32 v38, v0;
	v6 =	vor.u32 $0x10, v0  }
0x2bd: {  	v5 =	vnsel vm0, $0x0, v5;
	[tilespmem:$0x1FFA0] =	vst v6;
	vm9 =	vlt.s32 v38, v6;
	v6 =	vor.u32 $0x20, v0  }
0x2be: {  	(xrf0) =	vadd.scan.msk.s32 $0xffff, v5;
	v5 =	vnsel vm9, $0x0, v7;
	vm10 =	vlt.s32 v38, v6  }
0x2bf: {  	[tilespmem:$0x1FFB0] =	vst v6;
	v6 =	vor.u32 $0x30, v0;
	(xrf0) =	vadd.scan.msk.s32 $0xffff, v5;
	v5 =	vnsel vm10, $0x0, v8  }
0x2c0: {  	[tilespmem:$0x1FFC0] =	vst v6;
	vm11 =	vlt.s32 v38, v6;
	v6 =	vor.u32 $0x40, v0;
	(xrf0) =	vadd.scan.msk.s32 $0xffff, v5  }
0x2c1: {  	v5 =	vnsel vm11, $0x0, v9;
	[tilespmem:$0x1FFD0] =	vst v6;
	vm12 =	vlt.s32 v38, v6;
	v6 =	vor.u32 $0x50, v0  }
0x2c2: {  	(xrf0) =	vadd.scan.msk.s32 $0xffff, v5;
	v5 =	vnsel vm12, $0x0, v18;
	vm13 =	vlt.s32 v38, v6  }
0x2c3: {  	(xrf0) =	vadd.scan.msk.s32 $0xffff, v5;
	v5 =	vnsel vm13, $0x0, v19;
	_ =	sdelay $0x1  }
0x2c4: {  	(xrf0) =	vadd.scan.msk.s32 $0xffff, v5  }
0x2c5: {  	v5, _, _ =	vpop (xrf0)  }
0x2c6: {  	(v2sf) =	vpush v5, $0xF;
	v5, _, _ =	vpop (xrf0)  }
0x2c7: {  	(v2sf) =	vpush v5, $0xF;
	v5, _, _ =	vpop (xrf0)  }
0x2c8: {  	v7 =	vor.u32 $0xE0, v0;
	(v2sf) =	vpush v5, $0xF;
	v5, _, _ =	vpop (xrf0)  }
0x2c9: {  	v18 =	vor.u32 $0x70, v0;
	v19 =	vor.u32 $0x60, v0;
	(v2sf) =	vpush v5, $0xF;
	v5, _, _ =	vpop (xrf0)  }
0x2ca: {  	vm15 =	vlt.s32 v38, v18;
	vm14 =	vlt.s32 v38, v19;
	(v2sf) =	vpush v5, $0xF;
	v5, _, _ =	vpop (xrf0)  }
0x2cb: {  	(v2sf) =	vpush v5, $0xF;
	v5 =	vnsel vm14, $0x0, v17;
	v17 =	vor.u32 $0x80, v0  }
0x2cc: {  	(xrf0) =	vadd.scan.msk.s32 $0xffff, v5;
	v5 =	vnsel vm15, $0x0, v16;
	vm4 =	vlt.s32 v38, v17;
	v16 =	vor.u32 $0x90, v0  }
0x2cd: {  	(xrf0) =	vadd.scan.msk.s32 $0xffff, v5;
	v5 =	vnsel vm4, $0x0, v15;
	vm5 =	vlt.s32 v38, v16;
	v15 =	vor.u32 $0xA0, v0  }
0x2ce: {  	(xrf0) =	vadd.scan.msk.s32 $0xffff, v5;
	v5 =	vnsel vm5, $0x0, v14;
	vm6 =	vlt.s32 v38, v15;
	v14 =	vor.u32 $0xB0, v0  }
0x2cf: {  	(xrf0) =	vadd.scan.msk.s32 $0xffff, v5;
	v5 =	vnsel vm6, $0x0, v13;
	vm7 =	vlt.s32 v38, v14;
	v13 =	vor.u32 $0xC0, v0  }
0x2d0: {  	(xrf0) =	vadd.scan.msk.s32 $0xffff, v5;
	v5 =	vnsel vm7, $0x0, v12;
	vm8 =	vlt.s32 v38, v13;
	v12 =	vor.u32 $0xD0, v0  }
0x2d1: {  	vm10 =	vlt.s32 v38, v7;
	(xrf0) =	vadd.scan.msk.s32 $0xffff, v5;
	v5 =	vnsel vm8, $0x0, v10;
	vm9 =	vlt.s32 v38, v12  }
0x2d2: {  	[tilespmem:$0x1FFE0] =	vst v6;
	v6, _, _ =	vpop (xrf0);
	(xrf0) =	vadd.scan.msk.s32 $0xffff, v5;
	v5 =	vnsel vm9, $0x0, v11;
	v11 =	vor.u32 $0xF0, v0  }
0x2d3: {  	(v2sf) =	vpush v6, $0xF;
	v6, _, _ =	vpop (xrf0);
	(xrf0) =	vadd.scan.msk.s32 $0xffff, v5;
	v5 =	vnsel vm10, $0x0, v36;
	vm11 =	vlt.s32 v38, v11  }
0x2d4: {  	(v2sf) =	vpush v6, $0xF;
	v6, _, _ =	vpop (xrf0);
	(xrf0) =	vadd.scan.msk.s32 $0xffff, v5;
	v5 =	vnsel vm11, $0x0, v37;
	_ =	sdelay $0x1  }
0x2d5: {  	(v2sf) =	vpush v6, $0xF;
	v6, _, _ =	vpop (xrf0);
	(xrf0) =	vadd.scan.msk.s32 $0xffff, v5  }
0x2d6: {  	(v2sf) =	vpush v6, $0xF;
	v5, _, _ =	vpop (xrf0);
	(xrf0) =	vadd.scan.msk.s32 $0xffff, v30  }
0x2d7: {  	(v2sf) =	vpush v5, $0xF;
	v5, _, _ =	vpop (xrf0);
	(xrf0) =	vadd.scan.msk.s32 $0xffff, v31  }
0x2d8: {  	(v2sf) =	vpush v5, $0xF;
	v5, _, _ =	vpop (xrf0);
	(xrf0) =	vadd.scan.msk.s32 $0xffff, v32  }
0x2d9: {  	(v2sf) =	vpush v5, $0xF;
	v5, _, _ =	vpop (xrf0);
	(xrf0) =	vadd.scan.msk.s32 $0xffff, v33  }
0x2da: {  	(v2sf) =	vpush v5, $0xF;
	v5, _, _ =	vpop (xrf0);
	(xrf0) =	vadd.scan.msk.s32 $0xffff, v34  }
0x2db: {  	(v2sf) =	vpush v5, $0xF;
	v5, _, _ =	vpop (xrf0);
	(xrf0) =	vadd.scan.msk.s32 $0xffff, v35  }
0x2dc: {  	s0 =	spop (v2sf);
	(v2sf) =	vpush v5, $0xF;
	v5, _, _ =	vpop (xrf0);
	(xrf0) =	vadd.scan.msk.s32 $0xffff, v28  }
0x2dd: {  	s15 =	spop (v2sf);
	(v2sf) =	vpush v5, $0xF;
	v5, _, _ =	vpop (xrf0);
	(xrf0) =	vadd.scan.msk.s32 $0xffff, v27  }
0x2de: {  	s1 =	spop (v2sf);
	(v2sf) =	vpush v5, $0xF;
	v5, _, _ =	vpop (xrf0);
	(xrf0) =	vadd.scan.msk.s32 $0xffff, v25  }
0x2df: {  	s17 =	spop (v2sf);
	(v2sf) =	vpush v5, $0xF;
	v5, _, _ =	vpop (xrf0);
	(xrf0) =	vadd.scan.msk.s32 $0xffff, v24  }
0x2e0: {  	s19 =	spop (v2sf);
	(v2sf) =	vpush v5, $0xF;
	v5, _, _ =	vpop (xrf0);
	(xrf0) =	vadd.scan.msk.s32 $0xffff, v23  }
0x2e1: {  	s20 =	spop (v2sf);
	(v2sf) =	vpush v5, $0xF;
	v5, _, _ =	vpop (xrf0);
	(xrf0) =	vadd.scan.msk.s32 $0xffff, v22  }
0x2e2: {  	s21 =	spop (v2sf);
	(v2sf) =	vpush v5, $0xF;
	v5, _, _ =	vpop (xrf0);
	(xrf0) =	vadd.scan.msk.s32 $0xffff, v21  }
0x2e3: {  	s22 =	spop (v2sf);
	(v2sf) =	vpush v5, $0xF;
	v5, _, _ =	vpop (xrf0);
	(xrf0) =	vadd.scan.msk.s32 $0xffff, v20  }
0x2e4: {  	s23 =	spop (v2sf);
	(v2sf) =	vpush v5, $0xF;
	v5, _, _ =	vpop (xrf0);
	(xrf0) =	vadd.scan.msk.s32 $0xffff, v26  }
0x2e5: {  	s24 =	spop (v2sf);
	v6, _, _ =	vpop (xrf0);
	(v2sf) =	vpush v5, $0xF  }
0x2e6: {  	v5, _, _ =	vpop (xrf0);
	s25 =	spop (v2sf);
	(v2sf) =	vpush v6, $0xF  }
0x2e7: {  	v6, _, _ =	vpop (xrf0);
	s26 =	spop (v2sf);
	(v2sf) =	vpush v5, $0xF  }
0x2e8: {  	v5, _, _ =	vpop (xrf0);
	s28 =	spop (v2sf);
	(v2sf) =	vpush v6, $0xF  }
0x2e9: {  	s29 =	spop (v2sf);
	(v2sf) =	vpush v5, $0xF;
	v5, _, _ =	vpop (xrf0)  }
0x2ea: {  	s30 =	spop (v2sf);
	(v2sf) =	vpush v5, $0xF;
	v5, _, _ =	vpop (xrf0)  }
0x2eb: {  	s31 =	spop (v2sf);
	(v2sf) =	vpush v5, $0xF  }
0x2ec: {  	[dreg:$0x10] =	wrdreg s17;
	s17 =	spop (v2sf)  }
0x2ed: {  	s14 =	spop (v2sf)  }
0x2ee: {  	s3 =	spop (v2sf)  }
0x2ef: {  	s4 =	spop (v2sf)  }
0x2f0: {  	s6 =	spop (v2sf)  }
0x2f1: {  	s7 =	spop (v2sf)  }
0x2f2: {  	s2 =	spop (v2sf)  }
0x2f3: {  	s11 =	spop (v2sf)  }
0x2f4: {  	s10 =	spop (v2sf)  }
0x2f5: {  	s5 =	spop (v2sf)  }
0x2f6: {  	s12 =	spop (v2sf)  }
0x2f7: {  	s13 =	spop (v2sf)  }
0x2f8: {  	s8 =	spop (v2sf)  }
0x2f9: {  	[dreg:$0xe] =	wrdreg s1;
	s1 =	spop (v2sf)  }
0x2fa: {  	s15 =	sadd.s32 s0, s15;
	s18 =	rddreg [dreg:$0xe];
	s0 =	spop (v2sf)  }
0x2fb: {  	s15 =	sadd.s32 s18, s15;
	s18 =	rddreg [dreg:$0x10];
	s1 =	sadd.s32 s1, s0  }
0x2fc: {  	s15 =	sadd.s32 s18, s15;
	s0 =	sadd.s32 s8, s1  }
0x2fd: {  	s19 =	sadd.s32 s19, s15;
	s18 =	sadd.s32 s13, s0  }
0x2fe: {  	s8 =	sadd.s32 s20, s19;
	s19 =	sadd.s32 s12, s18  }
0x2ff: {  	s8 =	sadd.s32 s21, s8;
	s20 =	sadd.s32 s5, s19  }
0x300: {  	s13 =	sadd.s32 s22, s8;
	s15 =	sadd.s32 s10, s20  }
0x301: {  	s5 =	sadd.s32 s23, s13;
	s23 =	sadd.s32 s11, s15  }
0x302: {  	(xrf0) =	vadd.scan.msk.s32 $0xffff, v54;
	s5 =	sadd.s32 s24, s5;
	s2 =	sadd.s32 s2, s23  }
0x303: {  	s5 =	sadd.s32 s25, s5;
	s7 =	sadd.s32 s7, s2  }
0x304: {  	s5 =	sadd.s32 s26, s5;
	s6 =	sadd.s32 s6, s7  }
0x305: {  	s5 =	sadd.s32 s28, s5;
	s4 =	sadd.s32 s4, s6  }
0x306: {  	s5 =	sadd.s32 s29, s5;
	s3 =	sadd.s32 s3, s4  }
0x307: {  	s5 =	sadd.s32 s30, s5;
	s11 =	sadd.s32 s14, s3  }
0x308: {  	v6, _, _ =	vpop (xrf0);
	s5 =	sadd.s32 s31, s5;
	s12 =	sadd.s32 s17, s11  }
0x309: {  	s5 =	ssub.s32 $0x6666, s5;
	v6 =	vadd.s32 s12, v6  }
0x30a: {  	vm12 =	vge.s32 v6, s5  }
0x30b: {  	v6 =	vsel vm12, $0x1, v1  }
0x30c: {  	(xrf0) =	vadd.scan.msk.s32 $0xffff, v6  }
0x30d: {  	(xrf0) =	vadd.scan.msk.s32 $0xffff, v53;
	_ =	sdelay $0x4  }
0x30e: {  	v6, _, _ =	vpop (xrf0)  }
0x30f: {  	[tilespmem:$0x1FFF0] =	vst v7;
	v7, _, _ =	vpop (xrf0)  }
0x310: {  	v7 =	vadd.s32 s11, v7  }
0x311: {  	vm13 =	vge.s32 v7, s5  }
0x312: {  	v7 =	vsel vm13, $0x1, v1  }
0x313: {  	(xrf0) =	vadd.scan.msk.s32 $0xffff, v7  }
0x314: {  	(xrf0) =	vadd.scan.msk.s32 $0xffff, v52;
	_ =	sdelay $0x4  }
0x315: {  	v7, _, _ =	vpop (xrf0)  }
0x316: {  	v8, _, _ =	vpop (xrf0)  }
0x317: {  	v8 =	vadd.s32 s3, v8  }
0x318: {  	vm14 =	vge.s32 v8, s5  }
0x319: {  	v8 =	vsel vm14, $0x1, v1  }
0x31a: {  	(xrf0) =	vadd.scan.msk.s32 $0xffff, v8  }
0x31b: {  	(xrf0) =	vadd.scan.msk.s32 $0xffff, v51;
	_ =	sdelay $0x4  }
0x31c: {  	v8, _, _ =	vpop (xrf0)  }
0x31d: {  	v59, _, _ =	vpop (xrf0)  }
0x31e: {  	v36 =	vadd.s32 s4, v59  }
0x31f: {  	vm15 =	vge.s32 v36, s5  }
0x320: {  	v36 =	vsel vm15, $0x1, v1  }
0x321: {  	(xrf0) =	vadd.scan.msk.s32 $0xffff, v36  }
0x322: {  	(xrf0) =	vadd.scan.msk.s32 $0xffff, v50;
	_ =	sdelay $0x4  }
0x323: {  	v36, _, _ =	vpop (xrf0)  }
0x324: {  	v60, _, _ =	vpop (xrf0)  }
0x325: {  	v37 =	vadd.s32 s6, v60  }
0x326: {  	vm4 =	vge.s32 v37, s5  }
0x327: {  	v37 =	vsel vm4, $0x1, v1  }
0x328: {  	(xrf0) =	vadd.scan.msk.s32 $0xffff, v37  }
0x329: {  	(xrf0) =	vadd.scan.msk.s32 $0xffff, v49;
	_ =	sdelay $0x4  }
0x32a: {  	v37, _, _ =	vpop (xrf0)  }
0x32b: {  	v61, _, _ =	vpop (xrf0)  }
0x32c: {  	v38 =	vadd.s32 s7, v61  }
0x32d: {  	vm5 =	vge.s32 v38, s5  }
0x32e: {  	v38 =	vsel vm5, $0x1, v1  }
0x32f: {  	(xrf0) =	vadd.scan.msk.s32 $0xffff, v38  }
0x330: {  	(xrf0) =	vadd.scan.msk.s32 $0xffff, v48;
	_ =	sdelay $0x4  }
0x331: {  	v38, _, _ =	vpop (xrf0)  }
0x332: {  	v48, _, _ =	vpop (xrf0)  }
0x333: {  	v48 =	vadd.s32 s2, v48  }
0x334: {  	vm6 =	vge.s32 v48, s5  }
0x335: {  	v48 =	vsel vm6, $0x1, v1  }
0x336: {  	(xrf0) =	vadd.scan.msk.s32 $0xffff, v48  }
0x337: {  	(xrf0) =	vadd.scan.msk.s32 $0xffff, v47;
	_ =	sdelay $0x4  }
0x338: {  	v47, _, _ =	vpop (xrf0)  }
0x339: {  	v62, _, _ =	vpop (xrf0)  }
0x33a: {  	v48 =	vadd.s32 s23, v62  }
0x33b: {  	vm7 =	vge.s32 v48, s5  }
0x33c: {  	v48 =	vsel vm7, $0x1, v1  }
0x33d: {  	(xrf0) =	vadd.scan.msk.s32 $0xffff, v48  }
0x33e: {  	(xrf0) =	vadd.scan.msk.s32 $0xffff, v46;
	_ =	sdelay $0x4  }
0x33f: {  	v46, _, _ =	vpop (xrf0)  }
0x340: {  	v63, _, _ =	vpop (xrf0)  }
0x341: {  	v48 =	vadd.s32 s15, v63  }
0x342: {  	vm8 =	vge.s32 v48, s5  }
0x343: {  	v48 =	vsel vm8, $0x1, v1  }
0x344: {  	(xrf0) =	vadd.scan.msk.s32 $0xffff, v48  }
0x345: {  	(xrf0) =	vadd.scan.msk.s32 $0xffff, v45;
	_ =	sdelay $0x4  }
0x346: {  	v52, _, _ =	vpop (xrf0)  }
0x347: {  	v53, _, _ =	vpop (xrf0)  }
0x348: {  	v48 =	vadd.s32 s20, v53  }
0x349: {  	vm9 =	vge.s32 v48, s5  }
0x34a: {  	v48 =	vsel vm9, $0x1, v1  }
0x34b: {  	(xrf0) =	vadd.scan.msk.s32 $0xffff, v48  }
0x34c: {  	(xrf0) =	vadd.scan.msk.s32 $0xffff, v44;
	_ =	sdelay $0x4  }
0x34d: {  	v54, _, _ =	vpop (xrf0)  }
0x34e: {  	v55, _, _ =	vpop (xrf0)  }
0x34f: {  	v48 =	vadd.s32 s19, v55  }
0x350: {  	vm10 =	vge.s32 v48, s5  }
0x351: {  	v48 =	vsel vm10, $0x1, v1  }
0x352: {  	(xrf0) =	vadd.scan.msk.s32 $0xffff, v48  }
0x353: {  	(xrf0) =	vadd.scan.msk.s32 $0xffff, v43;
	_ =	sdelay $0x4  }
0x354: {  	v56, _, _ =	vpop (xrf0)  }
0x355: {  	v57, _, _ =	vpop (xrf0)  }
0x356: {  	v48 =	vadd.s32 s18, v57  }
0x357: {  	vm11 =	vge.s32 v48, s5  }
0x358: {  	v48 =	vsel vm11, $0x1, v1  }
0x359: {  	(xrf0) =	vadd.scan.msk.s32 $0xffff, v48  }
0x35a: {  	(xrf0) =	vadd.scan.msk.s32 $0xffff, v42;
	_ =	sdelay $0x4  }
0x35b: {  	v58, _, _ =	vpop (xrf0)  }
0x35c: {  	v59, _, _ =	vpop (xrf0)  }
0x35d: {  	v48 =	vadd.s32 s0, v59  }
0x35e: {  	vm12 =	vge.s32 v48, s5  }
0x35f: {  	v48 =	vsel vm12, $0x1, v1  }
0x360: {  	(xrf0) =	vadd.scan.msk.s32 $0xffff, v48  }
0x361: {  	(xrf0) =	vadd.scan.msk.s32 $0xffff, v41;
	_ =	sdelay $0x4  }
0x362: {  	v60, _, _ =	vpop (xrf0)  }
0x363: {  	v61, _, _ =	vpop (xrf0)  }
0x364: {  	v48 =	vadd.s32 s1, v61  }
0x365: {  	vm13 =	vge.s32 v48, s5  }
0x366: {  	v48 =	vsel vm13, $0x1, v1  }
0x367: {  	(xrf0) =	vadd.scan.msk.s32 $0xffff, v48  }
0x368: {  	(xrf0) =	vadd.scan.msk.s32 $0xffff, v40;
	_ =	sdelay $0x4  }
0x369: {  	v5 =	vbroadcast v5, $0xF;
	v62, _, _ =	vpop (xrf0)  }
0x36a: {  	v63, _, _ =	vpop (xrf0)  }
0x36b: {  	(v2sf) =	vpush v6, $0xF;
	v5 =	vadd.s32 v5, v63  }
0x36c: {  	(v2sf) =	vpush v7, $0xF;
	vm14 =	vge.s32 v5, s5  }
0x36d: {  	(v2sf) =	vpush v8, $0xF;
	v5 =	vsel vm14, $0x1, v1  }
0x36e: {  	(v2sf) =	vpush v36, $0xF;
	(xrf0) =	vadd.scan.msk.s32 $0xffff, v5  }
0x36f: {  	(v2sf) =	vpush v37, $0xF;
	(xrf0) =	vadd.scan.msk.s32 $0xffff, v39  }
0x370: {  	(v2sf) =	vpush v38, $0xF  }
0x371: {  	(v2sf) =	vpush v47, $0xF  }
0x372: {  	(v2sf) =	vpush v46, $0xF  }
0x373: {  	(v2sf) =	vpush v52, $0xF  }
0x374: {  	(v2sf) =	vpush v54, $0xF;
	v5, _, _ =	vpop (xrf0)  }
0x375: {  	v6, _, _ =	vpop (xrf0)  }
0x376: {  	(v2sf) =	vpush v56, $0xF;
	vm15 =	vge.s32 v6, s5  }
0x377: {  	v6 =	vsel vm15, $0x1, v1  }
0x378: {  	(v2sf) =	vpush v58, $0xF;
	(xrf0) =	vadd.scan.msk.s32 $0xffff, v6;
	_ =	sdelay $0x1  }
0x379: {  	s13 =	spop (v2sf);
	(v2sf) =	vpush v60, $0xF  }
0x37a: {  	s14 =	spop (v2sf)  }
0x37b: {  	s15 =	spop (v2sf);
	(v2sf) =	vpush v62, $0xF  }
0x37c: {  	s17 =	spop (v2sf)  }
0x37d: {  	s18 =	spop (v2sf);
	(v2sf) =	vpush v5, $0xF;
	v5, _, _ =	vpop (xrf0)  }
0x37e: {  	s19 =	spop (v2sf);
	(v2sf) =	vpush v5, $0xF  }
0x37f: {  	s20 =	spop (v2sf)  }
0x380: {  	s21 =	spop (v2sf)  }
0x381: {  	s22 =	spop (v2sf)  }
0x382: {  	s23 =	spop (v2sf);
	s7 =	sadd.s32 s21, s22  }
0x383: {  	s7 =	sadd.s32 s23, s7  }
0x384: {  	s6 =	sadd.s32 s20, s7;
	s24 =	spop (v2sf)  }
0x385: {  	s6 =	sadd.s32 s24, s6  }
0x386: {  	[dreg:$0xa] =	wrdreg s5;
	s25 =	spop (v2sf);
	s5 =	sadd.s32 s19, s6  }
0x387: {  	s5 =	sadd.s32 s25, s5  }
0x388: {  	s26 =	spop (v2sf);
	s4 =	sadd.s32 s18, s5  }
0x389: {  	s4 =	sadd.s32 s26, s4  }
0x38a: {  	s28 =	spop (v2sf);
	s3 =	sadd.s32 s17, s4  }
0x38b: {  	s3 =	sadd.s32 s28, s3  }
0x38c: {  	s2 =	sadd.s32 s15, s3;
	s29 =	spop (v2sf)  }
0x38d: {  	s2 =	sadd.s32 s29, s2;
	s30 =	spop (v2sf)  }
0x38e: {  	s2 =	sadd.s32 s30, s2  }
0x38f: {  	s1 =	sadd.s32 s14, s2  }
0x390: {  	s31 =	rddreg [dreg:$0x9];
	s0 =	sadd.s32 s13, s1  }
0x391: {  	s15 =	sadd.s32 $0xFFFFFFFF, s0;
	s0 =	sshll.u32 s31, $0x8  }
0x392: {  	s0 =	sor.u32 s0, s15  }
0x393: {  	[tilespmem:s16+$0x8000] =	vst v1;
	s16 =	simm.s32 $0x0;
	s17 =	simm.s32 $0x0;
	[dreg:$0xb] =	wrdreg s0;
	v5 =	vmov s0  }
.LBB2_22:
0x394: {  	s0 =	sshra.s32 s17, $0x2  }
0x395: {  	v6 =	vld [tilespmem:s0+$0x4000];
	_ =	sdelay $0x4  }
0x396: {  	v7 =	vshrl.u32 v6, $0x4;
	v6 =	vshrl.u32 v6, $0x10  }
0x397: {  	vm0 =	veq.s32 v6, v5;
	v6 =	vand.u32 $0xFF0, v7  }
0x398: {  	p0 =	sne.s32 s17, $0xFFC0;
	v6 =	vor.u32 v0, v6  }
.Ltmp10:
0x399: {  	_ = 	snop;
	(pc) =	sbr.rel @p0 .LBB2_22-.Ltmp10, $2  }
0x39a: {  	_ =	sdelay $0x2  }
0x39b: {  	s17 =	sadd.s32 $0x40, s17;
	[tilespmem:v6+s9+$0x0] =	vst.idx.add.s32.msk vm0, v2  }
0x39c: {  	v5 =	vmov s16  }
0x39d: {  	v5 =	vshll.u32 v5, $0x4  }
0x39e: {  	v5 =	vor.u32 v3, v5  }
0x39f: {  	v6 =	vor.u32 $0x1, v5  }
0x3a0: {  	v7 =	vor.u32 $0x2, v5  }
0x3a1: {  	v8 =	vor.u32 $0x3, v5  }
0x3a2: {  	v36 =	vor.u32 $0x4, v5  }
0x3a3: {  	v37 =	vor.u32 $0x5, v5;
	v38 =	vld.idx.msk [tilespmem:v5+s9+$0x0], $0xffff  }
0x3a4: {  	v39 =	vor.u32 $0x6, v5;
	v6 =	vld.idx.msk [tilespmem:v6+s9+$0x0], $0xffff  }
0x3a5: {  	v40 =	vor.u32 $0x7, v5;
	v7 =	vld.idx.msk [tilespmem:v7+s9+$0x0], $0xffff  }
0x3a6: {  	v41 =	vor.u32 $0x8, v5;
	v8 =	vld.idx.msk [tilespmem:v8+s9+$0x0], $0xffff  }
0x3a7: {  	v42 =	vor.u32 $0x9, v5;
	v36 =	vld.idx.msk [tilespmem:v36+s9+$0x0], $0xffff  }
0x3a8: {  	v43 =	vor.u32 $0xA, v5;
	v37 =	vld.idx.msk [tilespmem:v37+s9+$0x0], $0xffff  }
0x3a9: {  	v44 =	vor.u32 $0xB, v5;
	v39 =	vld.idx.msk [tilespmem:v39+s9+$0x0], $0xffff;
	v6 =	vadd.s32 v38, v6  }
0x3aa: {  	v59 =	vor.u32 $0xC, v5;
	v58 =	vld.idx.msk [tilespmem:v40+s9+$0x0], $0xffff;
	v6 =	vadd.s32 v7, v6  }
0x3ab: {  	v60 =	vor.u32 $0xD, v5;
	v7 =	vld.idx.msk [tilespmem:v41+s9+$0x0], $0xffff;
	v6 =	vadd.s32 v8, v6  }
0x3ac: {  	v61 =	vor.u32 $0xE, v5;
	v8 =	vld.idx.msk [tilespmem:v42+s9+$0x0], $0xffff;
	v6 =	vadd.s32 v36, v6  }
0x3ad: {  	v5 =	vor.u32 $0xF, v5;
	v62 =	vld.idx.msk [tilespmem:v43+s9+$0x0], $0xffff;
	v6 =	vadd.s32 v37, v6  }
0x3ae: {  	v63 =	vld.idx.msk [tilespmem:v44+s9+$0x0], $0xffff;
	v6 =	vadd.s32 v39, v6  }
0x3af: {  	v44 =	vld.idx.msk [tilespmem:v59+s9+$0x0], $0xffff;
	v6 =	vadd.s32 v58, v6  }
0x3b0: {  	s0 =	simm.s32 $0x10;
	v45 =	vld.idx.msk [tilespmem:v60+s9+$0x0], $0xffff;
	v6 =	vadd.s32 v7, v6  }
0x3b1: {  	v46 =	vmov s0;
	v7 =	vld.idx.msk [tilespmem:v61+s9+$0x0], $0xffff;
	v6 =	vadd.s32 v8, v6  }
0x3b2: {  	v5 =	vld.idx.msk [tilespmem:v5+s9+$0x0], $0xffff;
	v8 =	vshll.u32 v46, $0x4;
	v6 =	vadd.s32 v62, v6  }
0x3b3: {  	v8 =	vor.u32 v3, v8;
	v6 =	vadd.s32 v63, v6  }
0x3b4: {  	v47 =	vor.u32 $0x1, v8;
	v6 =	vadd.s32 v44, v6  }
0x3b5: {  	v6 =	vadd.s32 v45, v6  }
0x3b6: {  	v48 =	vor.u32 $0x2, v8;
	v6 =	vadd.s32 v7, v6  }
0x3b7: {  	s16 =	simm.s32 $0x9000;
	v7 =	vor.u32 $0x3, v8;
	v5 =	vadd.s32 v5, v6  }
0x3b8: {  	v6 =	vor.u32 $0x4, v8;
	[tilespmem:s16+$0x0] =	vst v5  }
0x3b9: {  	v49 =	vor.u32 $0x5, v8;
	v5 =	vld.idx.msk [tilespmem:v47+s9+$0x0], $0xffff  }
0x3ba: {  	v51 =	vor.u32 $0x6, v8;
	v50 =	vld.idx.msk [tilespmem:v8+s9+$0x0], $0xffff  }
0x3bb: {  	v52 =	vor.u32 $0x7, v8;
	v37 =	vld.idx.msk [tilespmem:v48+s9+$0x0], $0xffff  }
0x3bc: {  	v53 =	vor.u32 $0x8, v8;
	v7 =	vld.idx.msk [tilespmem:v7+s9+$0x0], $0xffff  }
0x3bd: {  	v54 =	vor.u32 $0x9, v8;
	v6 =	vld.idx.msk [tilespmem:v6+s9+$0x0], $0xffff  }
0x3be: {  	v55 =	vor.u32 $0xA, v8;
	v36 =	vld.idx.msk [tilespmem:v49+s9+$0x0], $0xffff  }
0x3bf: {  	v56 =	vor.u32 $0xB, v8;
	v39 =	vld.idx.msk [tilespmem:v51+s9+$0x0], $0xffff;
	v5 =	vadd.s32 v50, v5  }
0x3c0: {  	v58 =	vor.u32 $0xC, v8;
	v57 =	vld.idx.msk [tilespmem:v52+s9+$0x0], $0xffff;
	v5 =	vadd.s32 v37, v5  }
0x3c1: {  	v60 =	vor.u32 $0xD, v8;
	v59 =	vld.idx.msk [tilespmem:v53+s9+$0x0], $0xffff;
	v5 =	vadd.s32 v7, v5  }
0x3c2: {  	v45 =	vor.u32 $0xE, v8;
	v42 =	vld.idx.msk [tilespmem:v54+s9+$0x0], $0xffff;
	v5 =	vadd.s32 v6, v5  }
0x3c3: {  	v46 =	vor.u32 $0xF, v8;
	v43 =	vld.idx.msk [tilespmem:v55+s9+$0x0], $0xffff;
	v6 =	vadd.s32 v36, v5  }
0x3c4: {  	v5 =	vld.idx.msk [tilespmem:v56+s9+$0x0], $0xffff;
	v7 =	vadd.s32 v39, v6  }
0x3c5: {  	v6 =	vld.idx.msk [tilespmem:v58+s9+$0x0], $0xffff;
	v8 =	vadd.s32 v57, v7  }
0x3c6: {  	s31 =	simm.s32 $0x20;
	v7 =	vld.idx.msk [tilespmem:v60+s9+$0x0], $0xffff;
	v61 =	vadd.s32 v59, v8  }
0x3c7: {  	v62 =	vmov s31;
	v8 =	vld.idx.msk [tilespmem:v45+s9+$0x0], $0xffff;
	v63 =	vadd.s32 v42, v61  }
0x3c8: {  	s17 =	simm.s32 $0x30;
	s1 =	simm.s32 $0x1;
	v37 =	vshll.u32 v62, $0x4;
	v36 =	vld.idx.msk [tilespmem:v46+s9+$0x0], $0xffff;
	v38 =	vadd.s32 v43, v63  }
.LBB2_24:
0x3c9: {  	p0 =	sne.s32 s17, $0xF0;
	v37 =	vor.u32 v3, v37;
	v5 =	vadd.s32 v5, v38  }
0x3ca: {  	v38 =	vor.u32 $0x1, v37;
	v5 =	vadd.s32 v6, v5  }
0x3cb: {  	v5 =	vadd.s32 v7, v5  }
0x3cc: {  	v6 =	vor.u32 $0x2, v37;
	v5 =	vadd.s32 v8, v5  }
0x3cd: {  	s16 =	sadd.s32 $0x10, s16;
	v7 =	vor.u32 $0x3, v37;
	v5 =	vadd.s32 v36, v5  }
0x3ce: {  	v8 =	vor.u32 $0x4, v37;
	[tilespmem:s16+$0x0] =	vst v5  }
0x3cf: {  	v36 =	vor.u32 $0x5, v37;
	v5 =	vld.idx.msk [tilespmem:v38+s9+$0x0], $0xffff  }
0x3d0: {  	v39 =	vor.u32 $0x6, v37;
	v38 =	vld.idx.msk [tilespmem:v37+s9+$0x0], $0xffff  }
0x3d1: {  	v40 =	vor.u32 $0x7, v37;
	v6 =	vld.idx.msk [tilespmem:v6+s9+$0x0], $0xffff  }
0x3d2: {  	v41 =	vor.u32 $0x8, v37;
	v7 =	vld.idx.msk [tilespmem:v7+s9+$0x0], $0xffff  }
0x3d3: {  	v42 =	vor.u32 $0x9, v37;
	v8 =	vld.idx.msk [tilespmem:v8+s9+$0x0], $0xffff  }
0x3d4: {  	v43 =	vor.u32 $0xA, v37;
	v36 =	vld.idx.msk [tilespmem:v36+s9+$0x0], $0xffff  }
0x3d5: {  	v44 =	vor.u32 $0xB, v37;
	v39 =	vld.idx.msk [tilespmem:v39+s9+$0x0], $0xffff  }
0x3d6: {  	v5 =	vadd.s32 v38, v5;
	v38 =	vld.idx.msk [tilespmem:v40+s9+$0x0], $0xffff;
	v40 =	vor.u32 $0xC, v37  }
0x3d7: {  	v45 =	vor.u32 $0xD, v37;
	v5 =	vadd.s32 v6, v5;
	v41 =	vld.idx.msk [tilespmem:v41+s9+$0x0], $0xffff  }
0x3d8: {  	v46 =	vor.u32 $0xE, v37;
	v5 =	vadd.s32 v7, v5;
	v42 =	vld.idx.msk [tilespmem:v42+s9+$0x0], $0xffff  }
0x3d9: {  	v37 =	vor.u32 $0xF, v37;
	v5 =	vadd.s32 v8, v5;
	v43 =	vld.idx.msk [tilespmem:v43+s9+$0x0], $0xffff  }
0x3da: {  	v6 =	vadd.s32 v36, v5;
	v5 =	vld.idx.msk [tilespmem:v44+s9+$0x0], $0xffff  }
.Ltmp11:
0x3db: {  	v7 =	vadd.s32 v39, v6;
	v6 =	vld.idx.msk [tilespmem:v40+s9+$0x0], $0xffff;
	(pc) =	sbr.rel @p0 .LBB2_24-.Ltmp11, $4  }
0x3dc: {  	v8 =	vadd.s32 v38, v7;
	v7 =	vld.idx.msk [tilespmem:v45+s9+$0x0], $0xffff  }
0x3dd: {  	v36 =	vadd.s32 v41, v8;
	v8 =	vld.idx.msk [tilespmem:v46+s9+$0x0], $0xffff  }
0x3de: {  	v38 =	vmov s17;
	v39 =	vadd.s32 v42, v36;
	v36 =	vld.idx.msk [tilespmem:v37+s9+$0x0], $0xffff  }
0x3df: {  	s17 =	sadd.s32 $0x10, s17;
	v37 =	vshll.u32 v38, $0x4;
	v38 =	vadd.s32 v43, v39  }
0x3e0: {  	v37 =	vor.u32 v3, v37;
	v5 =	vadd.s32 v5, v38  }
0x3e1: {  	v54 =	vor.u32 $0x1, v37;
	v5 =	vadd.s32 v6, v5  }
0x3e2: {  	v5 =	vadd.s32 v7, v5  }
0x3e3: {  	v6 =	vor.u32 $0x2, v37;
	v5 =	vadd.s32 v8, v5  }
0x3e4: {  	s0 =	sadd.s32 $0x10, s16;
	v7 =	vor.u32 $0x3, v37;
	v5 =	vadd.s32 v36, v5  }
0x3e5: {  	v8 =	vor.u32 $0x4, v37;
	[tilespmem:s0+$0x0] =	vst v5  }
0x3e6: {  	v55 =	vor.u32 $0x5, v37;
	v5 =	vld.idx.msk [tilespmem:v54+s9+$0x0], $0xffff  }
0x3e7: {  	v39 =	vor.u32 $0x6, v37;
	v56 =	vld.idx.msk [tilespmem:v37+s9+$0x0], $0xffff  }
0x3e8: {  	v40 =	vor.u32 $0x7, v37;
	v6 =	vld.idx.msk [tilespmem:v6+s9+$0x0], $0xffff  }
0x3e9: {  	v41 =	vor.u32 $0x8, v37;
	v7 =	vld.idx.msk [tilespmem:v7+s9+$0x0], $0xffff  }
0x3ea: {  	v42 =	vor.u32 $0x9, v37;
	v8 =	vld.idx.msk [tilespmem:v8+s9+$0x0], $0xffff  }
0x3eb: {  	v43 =	vor.u32 $0xA, v37;
	v36 =	vld.idx.msk [tilespmem:v55+s9+$0x0], $0xffff  }
0x3ec: {  	v44 =	vor.u32 $0xB, v37;
	v39 =	vld.idx.msk [tilespmem:v39+s9+$0x0], $0xffff;
	v5 =	vadd.s32 v56, v5  }
0x3ed: {  	v58 =	vor.u32 $0xC, v37;
	v57 =	vld.idx.msk [tilespmem:v40+s9+$0x0], $0xffff;
	v5 =	vadd.s32 v6, v5  }
0x3ee: {  	v59 =	vor.u32 $0xD, v37;
	v6 =	vld.idx.msk [tilespmem:v41+s9+$0x0], $0xffff;
	v5 =	vadd.s32 v7, v5  }
0x3ef: {  	v60 =	vor.u32 $0xE, v37;
	v7 =	vld.idx.msk [tilespmem:v42+s9+$0x0], $0xffff;
	v5 =	vadd.s32 v8, v5  }
0x3f0: {  	v37 =	vor.u32 $0xF, v37;
	v8 =	vld.idx.msk [tilespmem:v43+s9+$0x0], $0xffff;
	v5 =	vadd.s32 v36, v5  }
0x3f1: {  	v61 =	vld.idx.msk [tilespmem:v44+s9+$0x0], $0xffff;
	v5 =	vadd.s32 v39, v5  }
0x3f2: {  	v62 =	vld.idx.msk [tilespmem:v58+s9+$0x0], $0xffff;
	v5 =	vadd.s32 v57, v5  }
0x3f3: {  	v63 =	vld.idx.msk [tilespmem:v59+s9+$0x0], $0xffff;
	v5 =	vadd.s32 v6, v5  }
0x3f4: {  	v6 =	vld.idx.msk [tilespmem:v60+s9+$0x0], $0xffff;
	v5 =	vadd.s32 v7, v5  }
0x3f5: {  	v7 =	vld.idx.msk [tilespmem:v37+s9+$0x0], $0xffff;
	v5 =	vadd.s32 v8, v5  }
0x3f6: {  	v5 =	vadd.s32 v61, v5  }
0x3f7: {  	v5 =	vadd.s32 v62, v5  }
0x3f8: {  	v5 =	vadd.s32 v63, v5  }
0x3f9: {  	v5 =	vadd.s32 v6, v5  }
0x3fa: {  	s0 =	sadd.s32 $0x10, s0;
	v5 =	vadd.s32 v7, v5  }
0x3fb: {  	s29 =	rddreg [dreg:$0x5];
	s2 =	simm.s32 $0x9000;
	[tilespmem:s0+$0x0] =	vst v5  }
0x3fc: {  	[spmem:s29] =	stream.linear.scatter [tilespmem:s2], [sflag:$0x1], $0x100, $0x38;
	[tilespmem:$0xA300] =	vst v63  }
0x3fd: {  	_ =	swait.ge [sflag:s1], $0x100  }
0x3fe: {  	[sflag:s1] =	ssyncset.done $0x0  }
0x3ff: {  	[sflag:s1] =	ssyncadd.s32 $0xFFFFFF00  }
0x400: {  	[bflag:$0x0] =	sbarrier.arrive $0xFFFF  }
0x401: {  	s31 =	simm.s32 $0x9100;
	s30 =	rddreg [dreg:$0x2]  }
0x402: {  	[tilespmem:s31], [sflag:$0x1] =	stream.linear.gather [spmem:s30], $0x1000, $0x38;
	[tilespmem:$0xA300] =	vst v63  }
0x403: {  	_ =	swait.ge [sflag:s1], $0x1000  }
0x404: {  	[sflag:s1] =	ssyncset.done $0x0  }
0x405: {  	[sflag:s1] =	ssyncadd.s32 $0xFFFFF000  }
0x406: {  	v39 =	vimm.s32 $0x0;
	[bflag:$0x0] =	sbarrier.arrive $0xFFFF  }
0x407: {  	[tilespmem:$0xA100] =	vst v39  }
0x408: {  	[tilespmem:$0xA110] =	vst v39  }
0x409: {  	[tilespmem:$0xA120] =	vst v39  }
0x40a: {  	[tilespmem:$0xA130] =	vst v39  }
0x40b: {  	[tilespmem:$0xA140] =	vst v39  }
0x40c: {  	[tilespmem:$0xA150] =	vst v39  }
0x40d: {  	[tilespmem:$0xA160] =	vst v39  }
0x40e: {  	[tilespmem:$0xA170] =	vst v39  }
0x40f: {  	[tilespmem:$0xA180] =	vst v39  }
0x410: {  	[tilespmem:$0xA190] =	vst v39  }
0x411: {  	[tilespmem:$0xA1A0] =	vst v39  }
0x412: {  	v46 =	vimm.s32 $0x0;
	v47 =	vimm.s32 $0x0;
	v45 =	vimm.s32 $0x0;
	[tilespmem:$0xA1B0] =	vst v39  }
0x413: {  	v38 =	vimm.s32 $0x0;
	v44 =	vimm.s32 $0x0;
	v40 =	vimm.s32 $0x0;
	[tilespmem:$0xA1C0] =	vst v39  }
0x414: {  	v41 =	vimm.s32 $0x0;
	v42 =	vimm.s32 $0x0;
	v43 =	vimm.s32 $0x0;
	[tilespmem:$0xA1D0] =	vst v39  }
0x415: {  	v36 =	vimm.s32 $0x0;
	v37 =	vimm.s32 $0x0;
	v8 =	vimm.s32 $0x0;
	[tilespmem:$0xA1E0] =	vst v39  }
0x416: {  	s16 =	simm.s32 $0x0;
	s17 =	simm.s32 $0x400;
	v6 =	vimm.s32 $0x0;
	v7 =	vimm.s32 $0x0;
	v5 =	vimm.s32 $0x0;
	[tilespmem:$0xA1F0] =	vst v39  }
.LBB2_26:
0x417: {  	p0 =	sne.s32 s17, $0x3C00;
	v48 =	vld [tilespmem:s16+$0x9100];
	_ =	sdelay $0x4  }
0x418: {  	v39 =	vadd.s32 v39, v48  }
0x419: {  	[tilespmem:$0xA100] =	vst v39  }
0x41a: {  	v48 =	vld [tilespmem:s16+$0x9110];
	_ =	sdelay $0x4  }
0x41b: {  	v46 =	vadd.s32 v46, v48  }
0x41c: {  	[tilespmem:$0xA110] =	vst v46  }
0x41d: {  	v48 =	vld [tilespmem:s16+$0x9120];
	_ =	sdelay $0x4  }
0x41e: {  	v47 =	vadd.s32 v47, v48  }
0x41f: {  	[tilespmem:$0xA120] =	vst v47  }
0x420: {  	v48 =	vld [tilespmem:s16+$0x9130];
	_ =	sdelay $0x4  }
0x421: {  	v45 =	vadd.s32 v45, v48  }
0x422: {  	[tilespmem:$0xA130] =	vst v45  }
0x423: {  	v48 =	vld [tilespmem:s16+$0x9140];
	_ =	sdelay $0x4  }
0x424: {  	v44 =	vadd.s32 v44, v48  }
0x425: {  	[tilespmem:$0xA140] =	vst v44  }
0x426: {  	v48 =	vld [tilespmem:s16+$0x9150];
	_ =	sdelay $0x4  }
0x427: {  	v43 =	vadd.s32 v43, v48  }
0x428: {  	[tilespmem:$0xA150] =	vst v43  }
0x429: {  	v48 =	vld [tilespmem:s16+$0x9160];
	_ =	sdelay $0x4  }
0x42a: {  	v42 =	vadd.s32 v42, v48  }
0x42b: {  	[tilespmem:$0xA160] =	vst v42  }
0x42c: {  	v48 =	vld [tilespmem:s16+$0x9170];
	_ =	sdelay $0x4  }
0x42d: {  	v40 =	vadd.s32 v40, v48  }
0x42e: {  	[tilespmem:$0xA170] =	vst v40  }
0x42f: {  	v48 =	vld [tilespmem:s16+$0x9180];
	_ =	sdelay $0x4  }
0x430: {  	v38 =	vadd.s32 v38, v48  }
0x431: {  	[tilespmem:$0xA180] =	vst v38  }
0x432: {  	v48 =	vld [tilespmem:s16+$0x9190];
	_ =	sdelay $0x4  }
0x433: {  	v37 =	vadd.s32 v37, v48  }
0x434: {  	[tilespmem:$0xA190] =	vst v37  }
0x435: {  	v48 =	vld [tilespmem:s16+$0x91A0];
	_ =	sdelay $0x4  }
0x436: {  	v36 =	vadd.s32 v36, v48  }
0x437: {  	[tilespmem:$0xA1A0] =	vst v36  }
0x438: {  	v48 =	vld [tilespmem:s16+$0x91B0];
	_ =	sdelay $0x4  }
0x439: {  	v8 =	vadd.s32 v8, v48  }
0x43a: {  	[tilespmem:$0xA1B0] =	vst v8  }
0x43b: {  	v48 =	vld [tilespmem:s16+$0x91C0];
	_ =	sdelay $0x4  }
0x43c: {  	v6 =	vadd.s32 v6, v48  }
0x43d: {  	[tilespmem:$0xA1C0] =	vst v6  }
0x43e: {  	v48 =	vld [tilespmem:s16+$0x91D0];
	_ =	sdelay $0x4  }
0x43f: {  	v7 =	vadd.s32 v7, v48  }
0x440: {  	[tilespmem:$0xA1D0] =	vst v7  }
0x441: {  	v48 =	vld [tilespmem:s16+$0x91E0];
	_ =	sdelay $0x4  }
0x442: {  	v5 =	vadd.s32 v5, v48  }
0x443: {  	[tilespmem:$0xA1E0] =	vst v5  }
0x444: {  	v48 =	vld [tilespmem:s16+$0x91F0];
	_ =	sdelay $0x1  }
.Ltmp12:
0x445: {  	(pc) =	sbr.rel @p0 .LBB2_26-.Ltmp12, $3  }
0x446: {  	_ =	sdelay $0x1  }
0x447: {  	v41 =	vadd.s32 v41, v48  }
0x448: {  	s16 =	sshra.s32 s17, $0x2;
	s17 =	sadd.s32 $0x400, s17;
	[tilespmem:$0xA1F0] =	vst v41  }
0x449: {  	v48 =	vld [tilespmem:s16+$0x9100];
	_ =	sdelay $0x4  }
0x44a: {  	v51 =	vadd.s32 v39, v48  }
0x44b: {  	[tilespmem:$0xA100] =	vst v51  }
0x44c: {  	v53 =	vld [tilespmem:s16+$0x9110];
	_ =	sdelay $0x4  }
0x44d: {  	v46 =	vadd.s32 v46, v53  }
0x44e: {  	[tilespmem:$0xA110] =	vst v46  }
0x44f: {  	v54 =	vld [tilespmem:s16+$0x9120];
	_ =	sdelay $0x4  }
0x450: {  	v47 =	vadd.s32 v47, v54  }
0x451: {  	[tilespmem:$0xA120] =	vst v47  }
0x452: {  	v55 =	vld [tilespmem:s16+$0x9130];
	_ =	sdelay $0x4  }
0x453: {  	v48 =	vadd.s32 v45, v55  }
0x454: {  	[tilespmem:$0xA130] =	vst v48  }
0x455: {  	v56 =	vld [tilespmem:s16+$0x9140];
	_ =	sdelay $0x4  }
0x456: {  	v49 =	vadd.s32 v44, v56  }
0x457: {  	[tilespmem:$0xA140] =	vst v49  }
0x458: {  	v57 =	vld [tilespmem:s16+$0x9150];
	_ =	sdelay $0x4  }
0x459: {  	v50 =	vadd.s32 v43, v57  }
0x45a: {  	[tilespmem:$0xA150] =	vst v50  }
0x45b: {  	v58 =	vld [tilespmem:s16+$0x9160];
	_ =	sdelay $0x4  }
0x45c: {  	v45 =	vadd.s32 v42, v58  }
0x45d: {  	[tilespmem:$0xA160] =	vst v45  }
0x45e: {  	v59 =	vld [tilespmem:s16+$0x9170];
	_ =	sdelay $0x4  }
0x45f: {  	v44 =	vadd.s32 v40, v59  }
0x460: {  	[tilespmem:$0xA170] =	vst v44  }
0x461: {  	v60 =	vld [tilespmem:s16+$0x9180];
	_ =	sdelay $0x4  }
0x462: {  	v43 =	vadd.s32 v38, v60  }
0x463: {  	[tilespmem:$0xA180] =	vst v43  }
0x464: {  	v61 =	vld [tilespmem:s16+$0x9190];
	_ =	sdelay $0x4  }
0x465: {  	v42 =	vadd.s32 v37, v61  }
0x466: {  	[tilespmem:$0xA190] =	vst v42  }
0x467: {  	v62 =	vld [tilespmem:s16+$0x91A0];
	_ =	sdelay $0x4  }
0x468: {  	v40 =	vadd.s32 v36, v62  }
0x469: {  	[tilespmem:$0xA1A0] =	vst v40  }
0x46a: {  	v63 =	vld [tilespmem:s16+$0x91B0];
	_ =	sdelay $0x4  }
0x46b: {  	v39 =	vadd.s32 v8, v63  }
0x46c: {  	[tilespmem:$0xA1B0] =	vst v39  }
0x46d: {  	v8 =	vld [tilespmem:s16+$0x91C0];
	_ =	sdelay $0x4  }
0x46e: {  	v38 =	vadd.s32 v6, v8  }
0x46f: {  	[tilespmem:$0xA1C0] =	vst v38  }
0x470: {  	v6 =	vld [tilespmem:s16+$0x91D0];
	_ =	sdelay $0x4  }
0x471: {  	v37 =	vadd.s32 v7, v6  }
0x472: {  	[tilespmem:$0xA1D0] =	vst v37  }
0x473: {  	v6 =	vld [tilespmem:s16+$0x91E0];
	_ =	sdelay $0x4  }
0x474: {  	v36 =	vadd.s32 v5, v6  }
0x475: {  	v60 =	vperm.xlane v44, v4;
	v59 =	vperm.xlane v43, v4;
	[tilespmem:$0xA1E0] =	vst v36  }
0x476: {  	v61 =	vperm.xlane v45, v4;
	v58 =	vperm.xlane v42, v4;
	v52 =	vld [tilespmem:s16+$0x91F0]  }
0x477: {  	v62 =	vperm.xlane v50, v4;
	v57 =	vperm.xlane v40, v4  }
0x478: {  	v63 =	vperm.xlane v49, v4;
	v56 =	vperm.xlane v39, v4  }
0x479: {  	v8 =	vperm.xlane v51, v4;
	v55 =	vperm.xlane v38, v4  }
0x47a: {  	v7 =	vperm.xlane v46, v4;
	v54 =	vperm.xlane v37, v4  }
0x47b: {  	v6 =	vperm.xlane v47, v4;
	v5 =	vperm.xlane v48, v4;
	v41 =	vadd.s32 v41, v52  }
0x47c: {  	s17 =	simm.s32 $0x40;
	v53 =	vperm.xlane v36, v4;
	s16 =	simm.s32 $0x0;
	[tilespmem:$0xA1F0] =	vst v41;
	v52 =	vperm.xlane v41, v4  }
.LBB2_28:
0x47d: {  	p0 =	sne.s32 s17, $0x3FC0;
	[tilespmem:s16+$0x8000] =	vst v1;
	s0 =	smov.u32 s17;
	s17 =	sadd.s32 $0x40, s17  }
.Ltmp13:
0x47e: {  	(pc) =	sbr.rel @p0 .LBB2_28-.Ltmp13, $2  }
0x47f: {  	_ =	sdelay $0x2  }
0x480: {  	s16 =	sshra.s32 s0, $0x2  }
0x481: {  	v10 =	vld [tilespmem:$0x1FFA0];
	_ =	sdelay $0x2  }
0x482: {  	v9 =	vmov s15  }
0x483: {  	vm0 =	vlt.s32 v9, v0  }
0x484: {  	v29 =	vnsel vm0, $0x0, v29;
	vm9 =	vlt.s32 v9, v10  }
0x485: {  	(xrf0) =	vadd.scan.msk.s32 $0xffff, v29;
	v29 =	vnsel vm9, $0x0, v30;
	v30 =	vld [tilespmem:$0x1FFB0];
	_ =	sdelay $0x3  }
0x486: {  	v10 =	vld [tilespmem:$0x1FFC0]  }
0x487: {  	vm10 =	vlt.s32 v9, v30;
	v30 =	vld [tilespmem:$0x1FFD0];
	_ =	sdelay $0x3  }
0x488: {  	(xrf0) =	vadd.scan.msk.s32 $0xffff, v29;
	vm11 =	vlt.s32 v9, v10;
	v29 =	vnsel vm10, $0x0, v31  }
0x489: {  	(xrf0) =	vadd.scan.msk.s32 $0xffff, v29;
	v29 =	vnsel vm11, $0x0, v32;
	vm12 =	vlt.s32 v9, v30  }
0x48a: {  	(xrf0) =	vadd.scan.msk.s32 $0xffff, v29;
	v29 =	vnsel vm12, $0x0, v33;
	v33 =	vld [tilespmem:$0x1FFE0];
	_ =	sdelay $0x4  }
0x48b: {  	vm13 =	vlt.s32 v9, v33  }
0x48c: {  	vm14 =	vlt.s32 v9, v19;
	v34 =	vnsel vm13, $0x0, v34  }
0x48d: {  	v35 =	vnsel vm14, $0x0, v35;
	v32, _, _ =	vpop (xrf0)  }
0x48e: {  	(v2sf) =	vpush v32, $0xF;
	(xrf0) =	vadd.scan.msk.s32 $0xffff, v29;
	v33, _, _ =	vpop (xrf0)  }
0x48f: {  	vm15 =	vlt.s32 v9, v18;
	(v2sf) =	vpush v33, $0xF;
	(xrf0) =	vadd.scan.msk.s32 $0xffff, v34;
	v34, _, _ =	vpop (xrf0)  }
0x490: {  	vm4 =	vlt.s32 v9, v17;
	v28 =	vnsel vm15, $0x0, v28;
	(xrf0) =	vadd.scan.msk.s32 $0xffff, v35;
	(v2sf) =	vpush v34, $0xF;
	v35, _, _ =	vpop (xrf0)  }
0x491: {  	vm5 =	vlt.s32 v9, v16;
	v27 =	vnsel vm4, $0x0, v27;
	(xrf0) =	vadd.scan.msk.s32 $0xffff, v28;
	(v2sf) =	vpush v35, $0xF;
	v35 =	vld [tilespmem:$0x1FFF0]  }
0x492: {  	vm6 =	vlt.s32 v9, v15;
	v25 =	vnsel vm5, $0x0, v25;
	(xrf0) =	vadd.scan.msk.s32 $0xffff, v27  }
0x493: {  	vm7 =	vlt.s32 v9, v14;
	v24 =	vnsel vm6, $0x0, v24;
	(xrf0) =	vadd.scan.msk.s32 $0xffff, v25  }
0x494: {  	vm8 =	vlt.s32 v9, v13;
	v23 =	vnsel vm7, $0x0, v23;
	v28, _, _ =	vpop (xrf0);
	(xrf0) =	vadd.scan.msk.s32 $0xffff, v24  }
0x495: {  	v22 =	vnsel vm8, $0x0, v22;
	vm9 =	vlt.s32 v9, v12;
	(v2sf) =	vpush v28, $0xF;
	(xrf0) =	vadd.scan.msk.s32 $0xffff, v23;
	v29, _, _ =	vpop (xrf0)  }
0x496: {  	v21 =	vnsel vm9, $0x0, v21;
	(v2sf) =	vpush v29, $0xF;
	(xrf0) =	vadd.scan.msk.s32 $0xffff, v22;
	v30, _, _ =	vpop (xrf0);
	vm10 =	vlt.s32 v9, v35  }
0x497: {  	vm11 =	vlt.s32 v9, v11;
	(v2sf) =	vpush v30, $0xF;
	(xrf0) =	vadd.scan.msk.s32 $0xffff, v21;
	v9, _, _ =	vpop (xrf0);
	v20 =	vnsel vm10, $0x0, v20  }
0x498: {  	(v2sf) =	vpush v9, $0xF;
	v9, _, _ =	vpop (xrf0);
	(xrf0) =	vadd.scan.msk.s32 $0xffff, v20;
	v20 =	vnsel vm11, $0x0, v26  }
0x499: {  	(v2sf) =	vpush v9, $0xF;
	v9, _, _ =	vpop (xrf0);
	(xrf0) =	vadd.scan.msk.s32 $0xffff, v20  }
0x49a: {  	(v2sf) =	vpush v9, $0xF;
	v9, _, _ =	vpop (xrf0);
	(xrf0) =	vadd.scan.msk.s32 $0xffff, v46  }
0x49b: {  	(v2sf) =	vpush v9, $0xF;
	v9, _, _ =	vpop (xrf0);
	(xrf0) =	vadd.scan.msk.s32 $0xffff, v47  }
0x49c: {  	(v2sf) =	vpush v9, $0xF;
	v9, _, _ =	vpop (xrf0);
	(xrf0) =	vadd.scan.msk.s32 $0xffff, v48  }
0x49d: {  	(v2sf) =	vpush v9, $0xF;
	v9, _, _ =	vpop (xrf0);
	(xrf0) =	vadd.scan.msk.s32 $0xffff, v49  }
0x49e: {  	(v2sf) =	vpush v9, $0xF;
	v9, _, _ =	vpop (xrf0);
	(xrf0) =	vadd.scan.msk.s32 $0xffff, v50  }
0x49f: {  	(v2sf) =	vpush v9, $0xF;
	v9, _, _ =	vpop (xrf0);
	(xrf0) =	vadd.scan.msk.s32 $0xffff, v45  }
0x4a0: {  	s0 =	spop (v2sf);
	(v2sf) =	vpush v9, $0xF;
	v9, _, _ =	vpop (xrf0);
	(xrf0) =	vadd.scan.msk.s32 $0xffff, v44  }
0x4a1: {  	s17 =	spop (v2sf);
	(v2sf) =	vpush v9, $0xF;
	v9, _, _ =	vpop (xrf0);
	(xrf0) =	vadd.scan.msk.s32 $0xffff, v43  }
0x4a2: {  	s1 =	spop (v2sf);
	(v2sf) =	vpush v9, $0xF;
	v9, _, _ =	vpop (xrf0);
	(xrf0) =	vadd.scan.msk.s32 $0xffff, v42  }
0x4a3: {  	s15 =	spop (v2sf);
	(v2sf) =	vpush v9, $0xF;
	v9, _, _ =	vpop (xrf0);
	(xrf0) =	vadd.scan.msk.s32 $0xffff, v40  }
0x4a4: {  	[dreg:$0x11] =	wrdreg s15;
	s15 =	spop (v2sf);
	(v2sf) =	vpush v9, $0xF;
	v9, _, _ =	vpop (xrf0);
	(xrf0) =	vadd.scan.msk.s32 $0xffff, v39  }
0x4a5: {  	s2 =	spop (v2sf);
	(v2sf) =	vpush v9, $0xF;
	v9, _, _ =	vpop (xrf0);
	(xrf0) =	vadd.scan.msk.s32 $0xffff, v38  }
0x4a6: {  	s3 =	spop (v2sf);
	(v2sf) =	vpush v9, $0xF;
	v9, _, _ =	vpop (xrf0);
	(xrf0) =	vadd.scan.msk.s32 $0xffff, v37  }
0x4a7: {  	s4 =	spop (v2sf);
	(v2sf) =	vpush v9, $0xF;
	v9, _, _ =	vpop (xrf0);
	(xrf0) =	vadd.scan.msk.s32 $0xffff, v36  }
0x4a8: {  	s5 =	spop (v2sf);
	(v2sf) =	vpush v9, $0xF;
	v9, _, _ =	vpop (xrf0);
	(xrf0) =	vadd.scan.msk.s32 $0xffff, v41  }
0x4a9: {  	s6 =	spop (v2sf);
	(v2sf) =	vpush v9, $0xF;
	v9, _, _ =	vpop (xrf0)  }
0x4aa: {  	s7 =	spop (v2sf);
	(v2sf) =	vpush v9, $0xF;
	v9, _, _ =	vpop (xrf0)  }
0x4ab: {  	s8 =	spop (v2sf);
	(v2sf) =	vpush v9, $0xF;
	v9, _, _ =	vpop (xrf0)  }
0x4ac: {  	s10 =	spop (v2sf);
	(v2sf) =	vpush v9, $0xF;
	v9, _, _ =	vpop (xrf0)  }
0x4ad: {  	s11 =	spop (v2sf);
	(v2sf) =	vpush v9, $0xF;
	v9, _, _ =	vpop (xrf0)  }
0x4ae: {  	s12 =	spop (v2sf);
	(v2sf) =	vpush v9, $0xF;
	v20, _, _ =	vpop (xrf0)  }
0x4af: {  	s23 =	spop (v2sf);
	(v2sf) =	vpush v20, $0xF  }
0x4b0: {  	s24 =	spop (v2sf)  }
0x4b1: {  	s25 =	spop (v2sf)  }
0x4b2: {  	s26 =	spop (v2sf)  }
0x4b3: {  	s28 =	spop (v2sf)  }
0x4b4: {  	s29 =	spop (v2sf)  }
0x4b5: {  	s30 =	spop (v2sf)  }
0x4b6: {  	s31 =	spop (v2sf)  }
0x4b7: {  	s22 =	spop (v2sf)  }
0x4b8: {  	s21 =	spop (v2sf)  }
0x4b9: {  	s20 =	spop (v2sf)  }
0x4ba: {  	s19 =	spop (v2sf)  }
0x4bb: {  	s13 =	spop (v2sf)  }
0x4bc: {  	s14 =	spop (v2sf)  }
0x4bd: {  	[dreg:$0xf] =	wrdreg s1;
	s1 =	spop (v2sf)  }
0x4be: {  	s17 =	sadd.s32 s0, s17;
	s18 =	rddreg [dreg:$0xf];
	s0 =	spop (v2sf)  }
0x4bf: {  	s17 =	sadd.s32 s18, s17;
	s18 =	rddreg [dreg:$0x11];
	s0 =	sadd.s32 s1, s0  }
0x4c0: {  	s1 =	sadd.s32 s18, s17;
	s17 =	sadd.s32 s14, s0  }
0x4c1: {  	s1 =	sadd.s32 s15, s1;
	s18 =	sadd.s32 s13, s17  }
0x4c2: {  	s1 =	sadd.s32 s2, s1;
	s19 =	sadd.s32 s19, s18  }
0x4c3: {  	s1 =	sadd.s32 s3, s1;
	s20 =	sadd.s32 s20, s19  }
0x4c4: {  	s1 =	sadd.s32 s4, s1;
	s21 =	sadd.s32 s21, s20  }
0x4c5: {  	s1 =	sadd.s32 s5, s1;
	s22 =	sadd.s32 s22, s21  }
0x4c6: {  	(xrf0) =	vadd.scan.msk.s32 $0xffff, v8;
	s1 =	sadd.s32 s6, s1;
	s13 =	sadd.s32 s31, s22  }
0x4c7: {  	s1 =	sadd.s32 s7, s1;
	s14 =	sadd.s32 s30, s13  }
0x4c8: {  	s1 =	sadd.s32 s8, s1;
	s15 =	sadd.s32 s29, s14  }
0x4c9: {  	s1 =	sadd.s32 s10, s1;
	s29 =	sadd.s32 s28, s15  }
0x4ca: {  	s1 =	sadd.s32 s11, s1;
	s30 =	sadd.s32 s26, s29  }
0x4cb: {  	s1 =	sadd.s32 s12, s1;
	s31 =	sadd.s32 s25, s30  }
0x4cc: {  	v8, _, _ =	vpop (xrf0);
	s12 =	rddreg [dreg:$0xa];
	s1 =	sadd.s32 s23, s1;
	s11 =	sadd.s32 s24, s31  }
0x4cd: {  	s1 =	ssub.s32 s12, s1;
	v8 =	vadd.s32 s11, v8  }
0x4ce: {  	vm12 =	vge.s32 v8, s1  }
0x4cf: {  	v8 =	vsel vm12, $0x1, v1  }
0x4d0: {  	(xrf0) =	vadd.scan.msk.s32 $0xffff, v8  }
0x4d1: {  	(xrf0) =	vadd.scan.msk.s32 $0xffff, v7;
	_ =	sdelay $0x4  }
0x4d2: {  	v7, _, _ =	vpop (xrf0)  }
0x4d3: {  	v8, _, _ =	vpop (xrf0)  }
0x4d4: {  	v8 =	vadd.s32 s31, v8  }
0x4d5: {  	vm13 =	vge.s32 v8, s1  }
0x4d6: {  	v8 =	vsel vm13, $0x1, v1  }
0x4d7: {  	(xrf0) =	vadd.scan.msk.s32 $0xffff, v8  }
0x4d8: {  	(xrf0) =	vadd.scan.msk.s32 $0xffff, v6;
	_ =	sdelay $0x4  }
0x4d9: {  	v6, _, _ =	vpop (xrf0)  }
0x4da: {  	v8, _, _ =	vpop (xrf0)  }
0x4db: {  	v8 =	vadd.s32 s30, v8  }
0x4dc: {  	vm14 =	vge.s32 v8, s1  }
0x4dd: {  	v8 =	vsel vm14, $0x1, v1  }
0x4de: {  	(xrf0) =	vadd.scan.msk.s32 $0xffff, v8  }
0x4df: {  	(xrf0) =	vadd.scan.msk.s32 $0xffff, v5;
	_ =	sdelay $0x4  }
0x4e0: {  	v5, _, _ =	vpop (xrf0)  }
0x4e1: {  	v8, _, _ =	vpop (xrf0)  }
0x4e2: {  	v8 =	vadd.s32 s29, v8  }
0x4e3: {  	vm15 =	vge.s32 v8, s1  }
0x4e4: {  	v8 =	vsel vm15, $0x1, v1  }
0x4e5: {  	(xrf0) =	vadd.scan.msk.s32 $0xffff, v8  }
0x4e6: {  	(xrf0) =	vadd.scan.msk.s32 $0xffff, v63;
	_ =	sdelay $0x4  }
0x4e7: {  	v8, _, _ =	vpop (xrf0)  }
0x4e8: {  	v9, _, _ =	vpop (xrf0)  }
0x4e9: {  	v9 =	vadd.s32 s15, v9  }
0x4ea: {  	vm4 =	vge.s32 v9, s1  }
0x4eb: {  	v9 =	vsel vm4, $0x1, v1  }
0x4ec: {  	(xrf0) =	vadd.scan.msk.s32 $0xffff, v9  }
0x4ed: {  	(xrf0) =	vadd.scan.msk.s32 $0xffff, v62;
	_ =	sdelay $0x4  }
0x4ee: {  	v9, _, _ =	vpop (xrf0)  }
0x4ef: {  	v31, _, _ =	vpop (xrf0)  }
0x4f0: {  	v21 =	vadd.s32 s14, v31  }
0x4f1: {  	vm5 =	vge.s32 v21, s1  }
0x4f2: {  	v21 =	vsel vm5, $0x1, v1  }
0x4f3: {  	(xrf0) =	vadd.scan.msk.s32 $0xffff, v21  }
0x4f4: {  	(xrf0) =	vadd.scan.msk.s32 $0xffff, v61;
	_ =	sdelay $0x4  }
0x4f5: {  	v21, _, _ =	vpop (xrf0)  }
0x4f6: {  	v32, _, _ =	vpop (xrf0)  }
0x4f7: {  	v22 =	vadd.s32 s13, v32  }
0x4f8: {  	vm6 =	vge.s32 v22, s1  }
0x4f9: {  	v22 =	vsel vm6, $0x1, v1  }
0x4fa: {  	(xrf0) =	vadd.scan.msk.s32 $0xffff, v22  }
0x4fb: {  	(xrf0) =	vadd.scan.msk.s32 $0xffff, v60;
	_ =	sdelay $0x4  }
0x4fc: {  	v22, _, _ =	vpop (xrf0)  }
0x4fd: {  	v33, _, _ =	vpop (xrf0)  }
0x4fe: {  	v23 =	vadd.s32 s22, v33  }
0x4ff: {  	vm7 =	vge.s32 v23, s1  }
0x500: {  	v23 =	vsel vm7, $0x1, v1  }
0x501: {  	(xrf0) =	vadd.scan.msk.s32 $0xffff, v23  }
0x502: {  	(xrf0) =	vadd.scan.msk.s32 $0xffff, v59;
	_ =	sdelay $0x4  }
0x503: {  	v23, _, _ =	vpop (xrf0)  }
0x504: {  	v34, _, _ =	vpop (xrf0)  }
0x505: {  	v24 =	vadd.s32 s21, v34  }
0x506: {  	vm8 =	vge.s32 v24, s1  }
0x507: {  	v24 =	vsel vm8, $0x1, v1  }
0x508: {  	(xrf0) =	vadd.scan.msk.s32 $0xffff, v24  }
0x509: {  	(xrf0) =	vadd.scan.msk.s32 $0xffff, v58;
	_ =	sdelay $0x4  }
0x50a: {  	v24, _, _ =	vpop (xrf0)  }
0x50b: {  	v58, _, _ =	vpop (xrf0)  }
0x50c: {  	v25 =	vadd.s32 s20, v58  }
0x50d: {  	vm9 =	vge.s32 v25, s1  }
0x50e: {  	v25 =	vsel vm9, $0x1, v1  }
0x50f: {  	(xrf0) =	vadd.scan.msk.s32 $0xffff, v25  }
0x510: {  	(xrf0) =	vadd.scan.msk.s32 $0xffff, v57;
	_ =	sdelay $0x4  }
0x511: {  	v25, _, _ =	vpop (xrf0)  }
0x512: {  	v59, _, _ =	vpop (xrf0)  }
0x513: {  	v26 =	vadd.s32 s19, v59  }
0x514: {  	vm10 =	vge.s32 v26, s1  }
0x515: {  	v26 =	vsel vm10, $0x1, v1  }
0x516: {  	(xrf0) =	vadd.scan.msk.s32 $0xffff, v26  }
0x517: {  	(xrf0) =	vadd.scan.msk.s32 $0xffff, v56;
	_ =	sdelay $0x4  }
0x518: {  	v26, _, _ =	vpop (xrf0)  }
0x519: {  	v60, _, _ =	vpop (xrf0)  }
0x51a: {  	v27 =	vadd.s32 s18, v60  }
0x51b: {  	vm11 =	vge.s32 v27, s1  }
0x51c: {  	v27 =	vsel vm11, $0x1, v1  }
0x51d: {  	(xrf0) =	vadd.scan.msk.s32 $0xffff, v27  }
0x51e: {  	(xrf0) =	vadd.scan.msk.s32 $0xffff, v55;
	_ =	sdelay $0x4  }
0x51f: {  	v27, _, _ =	vpop (xrf0)  }
0x520: {  	v61, _, _ =	vpop (xrf0)  }
0x521: {  	v28 =	vadd.s32 s17, v61  }
0x522: {  	vm12 =	vge.s32 v28, s1  }
0x523: {  	v28 =	vsel vm12, $0x1, v1  }
0x524: {  	(xrf0) =	vadd.scan.msk.s32 $0xffff, v28  }
0x525: {  	(xrf0) =	vadd.scan.msk.s32 $0xffff, v54;
	_ =	sdelay $0x4  }
0x526: {  	v28, _, _ =	vpop (xrf0)  }
0x527: {  	v62, _, _ =	vpop (xrf0)  }
0x528: {  	v29 =	vadd.s32 s0, v62  }
0x529: {  	vm13 =	vge.s32 v29, s1  }
0x52a: {  	v29 =	vsel vm13, $0x1, v1  }
0x52b: {  	(xrf0) =	vadd.scan.msk.s32 $0xffff, v29  }
0x52c: {  	(xrf0) =	vadd.scan.msk.s32 $0xffff, v53;
	_ =	sdelay $0x4  }
0x52d: {  	v20 =	vbroadcast v20, $0xF;
	v29, _, _ =	vpop (xrf0)  }
0x52e: {  	v63, _, _ =	vpop (xrf0)  }
0x52f: {  	(v2sf) =	vpush v7, $0xF;
	v7 =	vadd.s32 v20, v63  }
0x530: {  	(v2sf) =	vpush v6, $0xF;
	vm14 =	vge.s32 v7, s1  }
0x531: {  	(v2sf) =	vpush v5, $0xF;
	v5 =	vsel vm14, $0x1, v1  }
0x532: {  	(v2sf) =	vpush v8, $0xF;
	(xrf0) =	vadd.scan.msk.s32 $0xffff, v5  }
0x533: {  	(v2sf) =	vpush v9, $0xF;
	(xrf0) =	vadd.scan.msk.s32 $0xffff, v52  }
0x534: {  	(v2sf) =	vpush v21, $0xF  }
0x535: {  	(v2sf) =	vpush v22, $0xF  }
0x536: {  	(v2sf) =	vpush v23, $0xF  }
0x537: {  	(v2sf) =	vpush v24, $0xF  }
0x538: {  	(v2sf) =	vpush v25, $0xF;
	v5, _, _ =	vpop (xrf0)  }
0x539: {  	v6, _, _ =	vpop (xrf0)  }
0x53a: {  	(v2sf) =	vpush v26, $0xF;
	vm15 =	vge.s32 v6, s1  }
0x53b: {  	v6 =	vsel vm15, $0x1, v1  }
0x53c: {  	(v2sf) =	vpush v27, $0xF;
	(xrf0) =	vadd.scan.msk.s32 $0xffff, v6;
	_ =	sdelay $0x1  }
0x53d: {  	s13 =	spop (v2sf);
	(v2sf) =	vpush v28, $0xF  }
0x53e: {  	s14 =	spop (v2sf)  }
0x53f: {  	s15 =	spop (v2sf);
	(v2sf) =	vpush v29, $0xF  }
0x540: {  	s17 =	spop (v2sf)  }
0x541: {  	s18 =	spop (v2sf);
	(v2sf) =	vpush v5, $0xF;
	v5, _, _ =	vpop (xrf0)  }
0x542: {  	s19 =	spop (v2sf);
	(v2sf) =	vpush v5, $0xF  }
0x543: {  	s20 =	spop (v2sf)  }
0x544: {  	s21 =	spop (v2sf)  }
0x545: {  	s22 =	spop (v2sf)  }
0x546: {  	s23 =	spop (v2sf);
	s7 =	sadd.s32 s21, s22  }
0x547: {  	s7 =	sadd.s32 s23, s7  }
0x548: {  	s24 =	spop (v2sf);
	s6 =	sadd.s32 s20, s7  }
0x549: {  	s6 =	sadd.s32 s24, s6  }
0x54a: {  	s5 =	sadd.s32 s19, s6;
	s25 =	spop (v2sf)  }
0x54b: {  	s5 =	sadd.s32 s25, s5  }
0x54c: {  	s4 =	sadd.s32 s18, s5;
	s26 =	spop (v2sf)  }
0x54d: {  	s4 =	sadd.s32 s26, s4  }
0x54e: {  	s3 =	sadd.s32 s17, s4;
	s28 =	spop (v2sf)  }
0x54f: {  	s3 =	sadd.s32 s28, s3  }
0x550: {  	s2 =	sadd.s32 s15, s3;
	s29 =	spop (v2sf)  }
0x551: {  	s2 =	sadd.s32 s29, s2;
	s30 =	spop (v2sf)  }
0x552: {  	s2 =	sadd.s32 s30, s2  }
0x553: {  	[dreg:$0xd] =	wrdreg s1;
	s1 =	sadd.s32 s14, s2  }
0x554: {  	s31 =	rddreg [dreg:$0xb];
	s0 =	sadd.s32 s13, s1  }
0x555: {  	s15 =	sadd.s32 $0xFFFFFFFF, s0;
	s0 =	sshll.u32 s31, $0x8  }
0x556: {  	s0 =	sor.u32 s0, s15  }
0x557: {  	[tilespmem:s16+$0x8000] =	vst v1;
	s16 =	simm.s32 $0x0;
	s17 =	simm.s32 $0x0;
	[dreg:$0xc] =	wrdreg s0;
	v5 =	vmov s0  }
.LBB2_30:
0x558: {  	s0 =	sshra.s32 s17, $0x2  }
0x559: {  	v6 =	vld [tilespmem:s0+$0x4000];
	_ =	sdelay $0x4  }
0x55a: {  	v7 =	vshll.u32 v6, $0x4;
	v6 =	vshrl.u32 v6, $0x8  }
0x55b: {  	v7 =	vor.u32 v0, v7;
	vm0 =	veq.s32 v6, v5  }
0x55c: {  	p0 =	sne.s32 s17, $0xFFC0;
	v6 =	vand.u32 $0xFFF, v7  }
.Ltmp14:
0x55d: {  	_ = 	snop;
	(pc) =	sbr.rel @p0 .LBB2_30-.Ltmp14, $2  }
0x55e: {  	_ =	sdelay $0x2  }
0x55f: {  	s17 =	sadd.s32 $0x40, s17;
	[tilespmem:v6+s9+$0x0] =	vst.idx.add.s32.msk vm0, v2  }
0x560: {  	v5 =	vmov s16  }
0x561: {  	v5 =	vshll.u32 v5, $0x4  }
0x562: {  	v5 =	vor.u32 v3, v5  }
0x563: {  	v6 =	vor.u32 $0x1, v5  }
0x564: {  	v7 =	vor.u32 $0x2, v5  }
0x565: {  	v8 =	vor.u32 $0x3, v5  }
0x566: {  	v9 =	vor.u32 $0x4, v5  }
0x567: {  	v20 =	vor.u32 $0x5, v5;
	v21 =	vld.idx.msk [tilespmem:v5+s9+$0x0], $0xffff  }
0x568: {  	v22 =	vor.u32 $0x6, v5;
	v6 =	vld.idx.msk [tilespmem:v6+s9+$0x0], $0xffff  }
0x569: {  	v23 =	vor.u32 $0x7, v5;
	v7 =	vld.idx.msk [tilespmem:v7+s9+$0x0], $0xffff  }
0x56a: {  	v24 =	vor.u32 $0x8, v5;
	v8 =	vld.idx.msk [tilespmem:v8+s9+$0x0], $0xffff  }
0x56b: {  	v25 =	vor.u32 $0x9, v5;
	v9 =	vld.idx.msk [tilespmem:v9+s9+$0x0], $0xffff  }
0x56c: {  	v26 =	vor.u32 $0xA, v5;
	v20 =	vld.idx.msk [tilespmem:v20+s9+$0x0], $0xffff  }
0x56d: {  	v27 =	vor.u32 $0xB, v5;
	v22 =	vld.idx.msk [tilespmem:v22+s9+$0x0], $0xffff;
	v6 =	vadd.s32 v21, v6  }
0x56e: {  	v21 =	vld.idx.msk [tilespmem:v23+s9+$0x0], $0xffff;
	v23 =	vor.u32 $0xC, v5;
	v6 =	vadd.s32 v7, v6  }
0x56f: {  	v57 =	vor.u32 $0xD, v5;
	v7 =	vld.idx.msk [tilespmem:v24+s9+$0x0], $0xffff;
	v6 =	vadd.s32 v8, v6  }
0x570: {  	v58 =	vor.u32 $0xE, v5;
	v8 =	vld.idx.msk [tilespmem:v25+s9+$0x0], $0xffff;
	v6 =	vadd.s32 v9, v6  }
0x571: {  	v5 =	vor.u32 $0xF, v5;
	v9 =	vld.idx.msk [tilespmem:v26+s9+$0x0], $0xffff;
	v6 =	vadd.s32 v20, v6  }
0x572: {  	v20 =	vld.idx.msk [tilespmem:v27+s9+$0x0], $0xffff;
	v6 =	vadd.s32 v22, v6  }
0x573: {  	v22 =	vld.idx.msk [tilespmem:v23+s9+$0x0], $0xffff;
	v6 =	vadd.s32 v21, v6  }
0x574: {  	s0 =	simm.s32 $0x10;
	v21 =	vld.idx.msk [tilespmem:v57+s9+$0x0], $0xffff;
	v6 =	vadd.s32 v7, v6  }
0x575: {  	v23 =	vmov s0;
	v7 =	vld.idx.msk [tilespmem:v58+s9+$0x0], $0xffff;
	v6 =	vadd.s32 v8, v6  }
0x576: {  	v5 =	vld.idx.msk [tilespmem:v5+s9+$0x0], $0xffff;
	v8 =	vshll.u32 v23, $0x4;
	v6 =	vadd.s32 v9, v6  }
0x577: {  	v8 =	vor.u32 v3, v8;
	v6 =	vadd.s32 v20, v6  }
0x578: {  	v9 =	vor.u32 $0x1, v8;
	v6 =	vadd.s32 v22, v6  }
0x579: {  	v6 =	vadd.s32 v21, v6  }
0x57a: {  	v20 =	vor.u32 $0x2, v8;
	v6 =	vadd.s32 v7, v6  }
0x57b: {  	s16 =	simm.s32 $0x9000;
	v7 =	vor.u32 $0x3, v8;
	v5 =	vadd.s32 v5, v6  }
0x57c: {  	v6 =	vor.u32 $0x4, v8;
	[tilespmem:s16+$0x0] =	vst v5  }
0x57d: {  	v5 =	vld.idx.msk [tilespmem:v9+s9+$0x0], $0xffff;
	v9 =	vor.u32 $0x5, v8  }
0x57e: {  	v22 =	vor.u32 $0x6, v8;
	v21 =	vld.idx.msk [tilespmem:v8+s9+$0x0], $0xffff  }
0x57f: {  	v23 =	vor.u32 $0x7, v8;
	v20 =	vld.idx.msk [tilespmem:v20+s9+$0x0], $0xffff  }
0x580: {  	v59 =	vor.u32 $0x8, v8;
	v7 =	vld.idx.msk [tilespmem:v7+s9+$0x0], $0xffff  }
0x581: {  	v60 =	vor.u32 $0x9, v8;
	v6 =	vld.idx.msk [tilespmem:v6+s9+$0x0], $0xffff  }
0x582: {  	v61 =	vor.u32 $0xA, v8;
	v9 =	vld.idx.msk [tilespmem:v9+s9+$0x0], $0xffff  }
0x583: {  	v62 =	vor.u32 $0xB, v8;
	v22 =	vld.idx.msk [tilespmem:v22+s9+$0x0], $0xffff;
	v5 =	vadd.s32 v21, v5  }
0x584: {  	v21 =	vld.idx.msk [tilespmem:v23+s9+$0x0], $0xffff;
	v23 =	vor.u32 $0xC, v8;
	v5 =	vadd.s32 v20, v5  }
0x585: {  	v63 =	vor.u32 $0xD, v8;
	v20 =	vld.idx.msk [tilespmem:v59+s9+$0x0], $0xffff;
	v5 =	vadd.s32 v7, v5  }
0x586: {  	v28 =	vor.u32 $0xE, v8;
	v25 =	vld.idx.msk [tilespmem:v60+s9+$0x0], $0xffff;
	v5 =	vadd.s32 v6, v5  }
0x587: {  	v29 =	vor.u32 $0xF, v8;
	v26 =	vld.idx.msk [tilespmem:v61+s9+$0x0], $0xffff;
	v6 =	vadd.s32 v9, v5  }
0x588: {  	v5 =	vld.idx.msk [tilespmem:v62+s9+$0x0], $0xffff;
	v7 =	vadd.s32 v22, v6  }
0x589: {  	v6 =	vld.idx.msk [tilespmem:v23+s9+$0x0], $0xffff;
	v8 =	vadd.s32 v21, v7  }
0x58a: {  	s31 =	simm.s32 $0x20;
	v7 =	vld.idx.msk [tilespmem:v63+s9+$0x0], $0xffff;
	v9 =	vadd.s32 v20, v8  }
0x58b: {  	v21 =	vmov s31;
	v8 =	vld.idx.msk [tilespmem:v28+s9+$0x0], $0xffff;
	v9 =	vadd.s32 v25, v9  }
0x58c: {  	s17 =	simm.s32 $0x30;
	s1 =	simm.s32 $0x1;
	v20 =	vld.idx.msk [tilespmem:v29+s9+$0x0], $0xffff;
	v21 =	vshll.u32 v21, $0x4;
	v22 =	vadd.s32 v26, v9  }
.LBB2_32:
0x58d: {  	p0 =	sne.s32 s17, $0xF0;
	v9 =	vor.u32 v3, v21;
	v5 =	vadd.s32 v5, v22  }
0x58e: {  	v21 =	vor.u32 $0x1, v9;
	v5 =	vadd.s32 v6, v5  }
0x58f: {  	v5 =	vadd.s32 v7, v5  }
0x590: {  	v6 =	vor.u32 $0x2, v9;
	v5 =	vadd.s32 v8, v5  }
0x591: {  	s16 =	sadd.s32 $0x10, s16;
	v7 =	vor.u32 $0x3, v9;
	v5 =	vadd.s32 v20, v5  }
0x592: {  	v8 =	vor.u32 $0x4, v9;
	[tilespmem:s16+$0x0] =	vst v5  }
0x593: {  	v20 =	vor.u32 $0x5, v9;
	v5 =	vld.idx.msk [tilespmem:v21+s9+$0x0], $0xffff  }
0x594: {  	v22 =	vor.u32 $0x6, v9;
	v21 =	vld.idx.msk [tilespmem:v9+s9+$0x0], $0xffff  }
0x595: {  	v23 =	vor.u32 $0x7, v9;
	v6 =	vld.idx.msk [tilespmem:v6+s9+$0x0], $0xffff  }
0x596: {  	v24 =	vor.u32 $0x8, v9;
	v7 =	vld.idx.msk [tilespmem:v7+s9+$0x0], $0xffff  }
0x597: {  	v25 =	vor.u32 $0x9, v9;
	v8 =	vld.idx.msk [tilespmem:v8+s9+$0x0], $0xffff  }
0x598: {  	v26 =	vor.u32 $0xA, v9;
	v20 =	vld.idx.msk [tilespmem:v20+s9+$0x0], $0xffff  }
0x599: {  	v27 =	vor.u32 $0xB, v9;
	v22 =	vld.idx.msk [tilespmem:v22+s9+$0x0], $0xffff  }
0x59a: {  	v5 =	vadd.s32 v21, v5;
	v21 =	vld.idx.msk [tilespmem:v23+s9+$0x0], $0xffff;
	v23 =	vor.u32 $0xC, v9  }
0x59b: {  	v28 =	vor.u32 $0xD, v9;
	v5 =	vadd.s32 v6, v5;
	v24 =	vld.idx.msk [tilespmem:v24+s9+$0x0], $0xffff  }
0x59c: {  	v29 =	vor.u32 $0xE, v9;
	v5 =	vadd.s32 v7, v5;
	v25 =	vld.idx.msk [tilespmem:v25+s9+$0x0], $0xffff  }
0x59d: {  	v9 =	vor.u32 $0xF, v9;
	v5 =	vadd.s32 v8, v5;
	v26 =	vld.idx.msk [tilespmem:v26+s9+$0x0], $0xffff  }
0x59e: {  	v6 =	vadd.s32 v20, v5;
	v5 =	vld.idx.msk [tilespmem:v27+s9+$0x0], $0xffff  }
.Ltmp15:
0x59f: {  	v7 =	vadd.s32 v22, v6;
	v6 =	vld.idx.msk [tilespmem:v23+s9+$0x0], $0xffff;
	(pc) =	sbr.rel @p0 .LBB2_32-.Ltmp15, $4  }
0x5a0: {  	v8 =	vadd.s32 v21, v7;
	v7 =	vld.idx.msk [tilespmem:v28+s9+$0x0], $0xffff  }
0x5a1: {  	v20 =	vadd.s32 v24, v8;
	v8 =	vld.idx.msk [tilespmem:v29+s9+$0x0], $0xffff  }
0x5a2: {  	v21 =	vmov s17;
	v22 =	vadd.s32 v25, v20;
	v20 =	vld.idx.msk [tilespmem:v9+s9+$0x0], $0xffff  }
0x5a3: {  	s17 =	sadd.s32 $0x10, s17;
	v21 =	vshll.u32 v21, $0x4;
	v22 =	vadd.s32 v26, v22  }
0x5a4: {  	v9 =	vor.u32 v3, v21;
	v5 =	vadd.s32 v5, v22  }
0x5a5: {  	v21 =	vor.u32 $0x1, v9;
	v5 =	vadd.s32 v6, v5  }
0x5a6: {  	v5 =	vadd.s32 v7, v5  }
0x5a7: {  	v6 =	vor.u32 $0x2, v9;
	v5 =	vadd.s32 v8, v5  }
0x5a8: {  	s0 =	sadd.s32 $0x10, s16;
	v7 =	vor.u32 $0x3, v9;
	v5 =	vadd.s32 v20, v5  }
0x5a9: {  	v8 =	vor.u32 $0x4, v9;
	[tilespmem:s0+$0x0] =	vst v5  }
0x5aa: {  	v20 =	vor.u32 $0x5, v9;
	v5 =	vld.idx.msk [tilespmem:v21+s9+$0x0], $0xffff  }
0x5ab: {  	v22 =	vor.u32 $0x6, v9;
	v21 =	vld.idx.msk [tilespmem:v9+s9+$0x0], $0xffff  }
0x5ac: {  	v23 =	vor.u32 $0x7, v9;
	v6 =	vld.idx.msk [tilespmem:v6+s9+$0x0], $0xffff  }
0x5ad: {  	v24 =	vor.u32 $0x8, v9;
	v7 =	vld.idx.msk [tilespmem:v7+s9+$0x0], $0xffff  }
0x5ae: {  	v25 =	vor.u32 $0x9, v9;
	v8 =	vld.idx.msk [tilespmem:v8+s9+$0x0], $0xffff  }
0x5af: {  	v26 =	vor.u32 $0xA, v9;
	v20 =	vld.idx.msk [tilespmem:v20+s9+$0x0], $0xffff  }
0x5b0: {  	v27 =	vor.u32 $0xB, v9;
	v22 =	vld.idx.msk [tilespmem:v22+s9+$0x0], $0xffff;
	v5 =	vadd.s32 v21, v5  }
0x5b1: {  	v21 =	vld.idx.msk [tilespmem:v23+s9+$0x0], $0xffff;
	v23 =	vor.u32 $0xC, v9;
	v5 =	vadd.s32 v6, v5  }
0x5b2: {  	v6 =	vld.idx.msk [tilespmem:v24+s9+$0x0], $0xffff;
	v24 =	vor.u32 $0xD, v9;
	v5 =	vadd.s32 v7, v5  }
0x5b3: {  	v7 =	vld.idx.msk [tilespmem:v25+s9+$0x0], $0xffff;
	v25 =	vor.u32 $0xE, v9;
	v5 =	vadd.s32 v8, v5  }
0x5b4: {  	v9 =	vor.u32 $0xF, v9;
	v8 =	vld.idx.msk [tilespmem:v26+s9+$0x0], $0xffff;
	v5 =	vadd.s32 v20, v5  }
0x5b5: {  	v20 =	vld.idx.msk [tilespmem:v27+s9+$0x0], $0xffff;
	v5 =	vadd.s32 v22, v5  }
0x5b6: {  	v22 =	vld.idx.msk [tilespmem:v23+s9+$0x0], $0xffff;
	v5 =	vadd.s32 v21, v5  }
0x5b7: {  	v21 =	vld.idx.msk [tilespmem:v24+s9+$0x0], $0xffff;
	v5 =	vadd.s32 v6, v5  }
0x5b8: {  	v6 =	vld.idx.msk [tilespmem:v25+s9+$0x0], $0xffff;
	v5 =	vadd.s32 v7, v5  }
0x5b9: {  	v7 =	vld.idx.msk [tilespmem:v9+s9+$0x0], $0xffff;
	v5 =	vadd.s32 v8, v5  }
0x5ba: {  	v5 =	vadd.s32 v20, v5  }
0x5bb: {  	v5 =	vadd.s32 v22, v5  }
0x5bc: {  	v5 =	vadd.s32 v21, v5  }
0x5bd: {  	v5 =	vadd.s32 v6, v5  }
0x5be: {  	s0 =	sadd.s32 $0x10, s0;
	v5 =	vadd.s32 v7, v5  }
0x5bf: {  	s29 =	rddreg [dreg:$0x5];
	s2 =	simm.s32 $0x9000;
	[tilespmem:s0+$0x0] =	vst v5  }
0x5c0: {  	[spmem:s29] =	stream.linear.scatter [tilespmem:s2], [sflag:$0x1], $0x100, $0x38;
	[tilespmem:$0xA300] =	vst v63  }
0x5c1: {  	_ =	swait.ge [sflag:s1], $0x100  }
0x5c2: {  	[sflag:s1] =	ssyncset.done $0x0  }
0x5c3: {  	[sflag:s1] =	ssyncadd.s32 $0xFFFFFF00  }
0x5c4: {  	[bflag:$0x0] =	sbarrier.arrive $0xFFFF  }
0x5c5: {  	s31 =	simm.s32 $0x9100;
	s30 =	rddreg [dreg:$0x2]  }
0x5c6: {  	[tilespmem:s31], [sflag:$0x1] =	stream.linear.gather [spmem:s30], $0x1000, $0x38;
	[tilespmem:$0xA300] =	vst v63  }
0x5c7: {  	_ =	swait.ge [sflag:s1], $0x1000  }
0x5c8: {  	[sflag:s1] =	ssyncset.done $0x0  }
0x5c9: {  	[sflag:s1] =	ssyncadd.s32 $0xFFFFF000  }
0x5ca: {  	v23 =	vimm.s32 $0x0;
	[bflag:$0x0] =	sbarrier.arrive $0xFFFF  }
0x5cb: {  	[tilespmem:$0xA100] =	vst v23  }
0x5cc: {  	[tilespmem:$0xA110] =	vst v23  }
0x5cd: {  	[tilespmem:$0xA120] =	vst v23  }
0x5ce: {  	[tilespmem:$0xA130] =	vst v23  }
0x5cf: {  	[tilespmem:$0xA140] =	vst v23  }
0x5d0: {  	[tilespmem:$0xA150] =	vst v23  }
0x5d1: {  	[tilespmem:$0xA160] =	vst v23  }
0x5d2: {  	[tilespmem:$0xA170] =	vst v23  }
0x5d3: {  	[tilespmem:$0xA180] =	vst v23  }
0x5d4: {  	[tilespmem:$0xA190] =	vst v23  }
0x5d5: {  	[tilespmem:$0xA1A0] =	vst v23  }
0x5d6: {  	v31 =	vimm.s32 $0x0;
	v30 =	vimm.s32 $0x0;
	v29 =	vimm.s32 $0x0;
	[tilespmem:$0xA1B0] =	vst v23  }
0x5d7: {  	v28 =	vimm.s32 $0x0;
	v26 =	vimm.s32 $0x0;
	v27 =	vimm.s32 $0x0;
	[tilespmem:$0xA1C0] =	vst v23  }
0x5d8: {  	v24 =	vimm.s32 $0x0;
	v25 =	vimm.s32 $0x0;
	v8 =	vimm.s32 $0x0;
	[tilespmem:$0xA1D0] =	vst v23  }
0x5d9: {  	v20 =	vimm.s32 $0x0;
	v22 =	vimm.s32 $0x0;
	v21 =	vimm.s32 $0x0;
	[tilespmem:$0xA1E0] =	vst v23  }
0x5da: {  	s16 =	simm.s32 $0x0;
	s17 =	simm.s32 $0x400;
	v6 =	vimm.s32 $0x0;
	v7 =	vimm.s32 $0x0;
	v5 =	vimm.s32 $0x0;
	[tilespmem:$0xA1F0] =	vst v23  }
.LBB2_34:
0x5db: {  	p0 =	sne.s32 s17, $0x3C00;
	v9 =	vld [tilespmem:s16+$0x9100];
	_ =	sdelay $0x4  }
0x5dc: {  	v23 =	vadd.s32 v23, v9  }
0x5dd: {  	[tilespmem:$0xA100] =	vst v23  }
0x5de: {  	v9 =	vld [tilespmem:s16+$0x9110];
	_ =	sdelay $0x4  }
0x5df: {  	v31 =	vadd.s32 v31, v9  }
0x5e0: {  	[tilespmem:$0xA110] =	vst v31  }
0x5e1: {  	v9 =	vld [tilespmem:s16+$0x9120];
	_ =	sdelay $0x4  }
0x5e2: {  	v30 =	vadd.s32 v30, v9  }
0x5e3: {  	[tilespmem:$0xA120] =	vst v30  }
0x5e4: {  	v9 =	vld [tilespmem:s16+$0x9130];
	_ =	sdelay $0x4  }
0x5e5: {  	v29 =	vadd.s32 v29, v9  }
0x5e6: {  	[tilespmem:$0xA130] =	vst v29  }
0x5e7: {  	v9 =	vld [tilespmem:s16+$0x9140];
	_ =	sdelay $0x4  }
0x5e8: {  	v28 =	vadd.s32 v28, v9  }
0x5e9: {  	[tilespmem:$0xA140] =	vst v28  }
0x5ea: {  	v9 =	vld [tilespmem:s16+$0x9150];
	_ =	sdelay $0x4  }
0x5eb: {  	v27 =	vadd.s32 v27, v9  }
0x5ec: {  	[tilespmem:$0xA150] =	vst v27  }
0x5ed: {  	v9 =	vld [tilespmem:s16+$0x9160];
	_ =	sdelay $0x4  }
0x5ee: {  	v26 =	vadd.s32 v26, v9  }
0x5ef: {  	[tilespmem:$0xA160] =	vst v26  }
0x5f0: {  	v9 =	vld [tilespmem:s16+$0x9170];
	_ =	sdelay $0x4  }
0x5f1: {  	v24 =	vadd.s32 v24, v9  }
0x5f2: {  	[tilespmem:$0xA170] =	vst v24  }
0x5f3: {  	v9 =	vld [tilespmem:s16+$0x9180];
	_ =	sdelay $0x4  }
0x5f4: {  	v22 =	vadd.s32 v22, v9  }
0x5f5: {  	[tilespmem:$0xA180] =	vst v22  }
0x5f6: {  	v9 =	vld [tilespmem:s16+$0x9190];
	_ =	sdelay $0x4  }
0x5f7: {  	v8 =	vadd.s32 v8, v9  }
0x5f8: {  	[tilespmem:$0xA190] =	vst v8  }
0x5f9: {  	v9 =	vld [tilespmem:s16+$0x91A0];
	_ =	sdelay $0x4  }
0x5fa: {  	v7 =	vadd.s32 v7, v9  }
0x5fb: {  	[tilespmem:$0xA1A0] =	vst v7  }
0x5fc: {  	v9 =	vld [tilespmem:s16+$0x91B0];
	_ =	sdelay $0x4  }
0x5fd: {  	v6 =	vadd.s32 v6, v9  }
0x5fe: {  	[tilespmem:$0xA1B0] =	vst v6  }
0x5ff: {  	v9 =	vld [tilespmem:s16+$0x91C0];
	_ =	sdelay $0x4  }
0x600: {  	v5 =	vadd.s32 v5, v9  }
0x601: {  	[tilespmem:$0xA1C0] =	vst v5  }
0x602: {  	v9 =	vld [tilespmem:s16+$0x91D0];
	_ =	sdelay $0x4  }
0x603: {  	v25 =	vadd.s32 v25, v9  }
0x604: {  	[tilespmem:$0xA1D0] =	vst v25  }
0x605: {  	v9 =	vld [tilespmem:s16+$0x91E0];
	_ =	sdelay $0x4  }
0x606: {  	v21 =	vadd.s32 v21, v9  }
0x607: {  	[tilespmem:$0xA1E0] =	vst v21  }
0x608: {  	v9 =	vld [tilespmem:s16+$0x91F0];
	_ =	sdelay $0x1  }
.Ltmp16:
0x609: {  	(pc) =	sbr.rel @p0 .LBB2_34-.Ltmp16, $3  }
0x60a: {  	_ =	sdelay $0x1  }
0x60b: {  	v20 =	vadd.s32 v20, v9  }
0x60c: {  	s16 =	sshra.s32 s17, $0x2;
	s17 =	sadd.s32 $0x400, s17;
	[tilespmem:$0xA1F0] =	vst v20  }
0x60d: {  	v9 =	vld [tilespmem:s16+$0x9100];
	_ =	sdelay $0x4  }
0x60e: {  	v34 =	vadd.s32 v23, v9  }
0x60f: {  	[tilespmem:$0xA100] =	vst v34  }
0x610: {  	v61 =	vld [tilespmem:s16+$0x9110];
	_ =	sdelay $0x4  }
0x611: {  	v33 =	vadd.s32 v31, v61  }
0x612: {  	[tilespmem:$0xA110] =	vst v33  }
0x613: {  	v62 =	vld [tilespmem:s16+$0x9120];
	_ =	sdelay $0x4  }
0x614: {  	v32 =	vadd.s32 v30, v62  }
0x615: {  	[tilespmem:$0xA120] =	vst v32  }
0x616: {  	v63 =	vld [tilespmem:s16+$0x9130];
	_ =	sdelay $0x4  }
0x617: {  	v31 =	vadd.s32 v29, v63  }
0x618: {  	[tilespmem:$0xA130] =	vst v31  }
0x619: {  	v23 =	vld [tilespmem:s16+$0x9140];
	_ =	sdelay $0x4  }
0x61a: {  	v30 =	vadd.s32 v28, v23  }
0x61b: {  	[tilespmem:$0xA140] =	vst v30  }
0x61c: {  	v29 =	vld [tilespmem:s16+$0x9150];
	_ =	sdelay $0x4  }
0x61d: {  	v29 =	vadd.s32 v27, v29  }
0x61e: {  	[tilespmem:$0xA150] =	vst v29  }
0x61f: {  	v52 =	vld [tilespmem:s16+$0x9160];
	_ =	sdelay $0x4  }
0x620: {  	v28 =	vadd.s32 v26, v52  }
0x621: {  	[tilespmem:$0xA160] =	vst v28  }
0x622: {  	v53 =	vld [tilespmem:s16+$0x9170];
	_ =	sdelay $0x4  }
0x623: {  	v27 =	vadd.s32 v24, v53  }
0x624: {  	[tilespmem:$0xA170] =	vst v27  }
0x625: {  	v54 =	vld [tilespmem:s16+$0x9180];
	_ =	sdelay $0x4  }
0x626: {  	v26 =	vadd.s32 v22, v54  }
0x627: {  	[tilespmem:$0xA180] =	vst v26  }
0x628: {  	v55 =	vld [tilespmem:s16+$0x9190];
	_ =	sdelay $0x4  }
0x629: {  	v56 =	vadd.s32 v8, v55  }
0x62a: {  	[tilespmem:$0xA190] =	vst v56  }
0x62b: {  	v57 =	vld [tilespmem:s16+$0x91A0];
	_ =	sdelay $0x4  }
0x62c: {  	v58 =	vadd.s32 v7, v57  }
0x62d: {  	[tilespmem:$0xA1A0] =	vst v58  }
0x62e: {  	v7 =	vld [tilespmem:s16+$0x91B0];
	_ =	sdelay $0x4  }
0x62f: {  	v60 =	vadd.s32 v6, v7;
	v7 =	vld [tilespmem:$0x1FFA0]  }
0x630: {  	v61 =	vld [tilespmem:$0x1FFB0];
	_ =	sdelay $0x1  }
0x631: {  	v59 =	vmov s15;
	v62 =	vld [tilespmem:$0x1FFD0]  }
0x632: {  	vm0 =	vlt.s32 v59, v0;
	v63 =	vld [tilespmem:$0x1FFE0]  }
0x633: {  	v6 =	vnsel vm0, $0x0, v51;
	vm9 =	vlt.s32 v59, v7  }
0x634: {  	vm10 =	vlt.s32 v59, v61;
	[tilespmem:$0xA1B0] =	vst v60;
	(xrf0) =	vadd.scan.msk.s32 $0xffff, v6;
	v6 =	vnsel vm9, $0x0, v46  }
0x635: {  	vm11 =	vlt.s32 v59, v10;
	v7 =	vld [tilespmem:s16+$0x91C0];
	(xrf0) =	vadd.scan.msk.s32 $0xffff, v6;
	v6 =	vnsel vm10, $0x0, v47  }
0x636: {  	vm12 =	vlt.s32 v59, v62;
	(xrf0) =	vadd.scan.msk.s32 $0xffff, v6;
	v6 =	vnsel vm11, $0x0, v48  }
0x637: {  	vm13 =	vlt.s32 v59, v63;
	(xrf0) =	vadd.scan.msk.s32 $0xffff, v6;
	v6 =	vnsel vm12, $0x0, v49  }
0x638: {  	vm14 =	vlt.s32 v59, v19;
	(xrf0) =	vadd.scan.msk.s32 $0xffff, v6;
	v6 =	vnsel vm13, $0x0, v50  }
0x639: {  	vm15 =	vlt.s32 v59, v18;
	vm4 =	vlt.s32 v59, v17;
	(xrf0) =	vadd.scan.msk.s32 $0xffff, v6;
	v6 =	vnsel vm14, $0x0, v45  }
0x63a: {  	vm5 =	vlt.s32 v59, v16;
	v5 =	vadd.s32 v5, v7;
	v7, _, _ =	vpop (xrf0);
	(xrf0) =	vadd.scan.msk.s32 $0xffff, v6;
	v6 =	vnsel vm15, $0x0, v44  }
0x63b: {  	vm6 =	vlt.s32 v59, v15;
	(v2sf) =	vpush v7, $0xF;
	v7, _, _ =	vpop (xrf0);
	(xrf0) =	vadd.scan.msk.s32 $0xffff, v6;
	v6 =	vnsel vm4, $0x0, v43  }
0x63c: {  	vm7 =	vlt.s32 v59, v14;
	(v2sf) =	vpush v7, $0xF;
	v7, _, _ =	vpop (xrf0);
	(xrf0) =	vadd.scan.msk.s32 $0xffff, v6;
	v6 =	vnsel vm5, $0x0, v42  }
0x63d: {  	vm8 =	vlt.s32 v59, v13;
	(v2sf) =	vpush v7, $0xF;
	v7, _, _ =	vpop (xrf0);
	(xrf0) =	vadd.scan.msk.s32 $0xffff, v6;
	v6 =	vnsel vm6, $0x0, v40  }
0x63e: {  	[tilespmem:$0xA1C0] =	vst v5;
	(v2sf) =	vpush v7, $0xF;
	v7, _, _ =	vpop (xrf0);
	(xrf0) =	vadd.scan.msk.s32 $0xffff, v6;
	v6 =	vnsel vm7, $0x0, v39  }
0x63f: {  	vm9 =	vlt.s32 v59, v12;
	v18 =	vld [tilespmem:s16+$0x91D0];
	(v2sf) =	vpush v7, $0xF;
	v7, _, _ =	vpop (xrf0);
	(xrf0) =	vadd.scan.msk.s32 $0xffff, v6;
	v6 =	vnsel vm8, $0x0, v38  }
0x640: {  	vm10 =	vlt.s32 v59, v35;
	(v2sf) =	vpush v7, $0xF;
	v7, _, _ =	vpop (xrf0);
	(xrf0) =	vadd.scan.msk.s32 $0xffff, v6;
	v6 =	vnsel vm9, $0x0, v37  }
0x641: {  	vm11 =	vlt.s32 v59, v11;
	(v2sf) =	vpush v7, $0xF;
	v7, _, _ =	vpop (xrf0);
	(xrf0) =	vadd.scan.msk.s32 $0xffff, v6;
	v6 =	vnsel vm10, $0x0, v36  }
0x642: {  	v19, _, _ =	vpop (xrf0);
	(xrf0) =	vadd.scan.msk.s32 $0xffff, v6;
	v6 =	vnsel vm11, $0x0, v41  }
0x643: {  	(v2sf) =	vpush v7, $0xF  }
0x644: {  	v7 =	vadd.s32 v25, v18;
	(v2sf) =	vpush v19, $0xF;
	v35, _, _ =	vpop (xrf0);
	(xrf0) =	vadd.scan.msk.s32 $0xffff, v6  }
0x645: {  	[tilespmem:$0xA1D0] =	vst v7;
	(v2sf) =	vpush v35, $0xF;
	v6, _, _ =	vpop (xrf0);
	(xrf0) =	vadd.scan.msk.s32 $0xffff, v33  }
0x646: {  	v36 =	vld [tilespmem:s16+$0x91E0];
	(v2sf) =	vpush v6, $0xF;
	v6, _, _ =	vpop (xrf0);
	(xrf0) =	vadd.scan.msk.s32 $0xffff, v32  }
0x647: {  	(v2sf) =	vpush v6, $0xF;
	v6, _, _ =	vpop (xrf0);
	(xrf0) =	vadd.scan.msk.s32 $0xffff, v31  }
0x648: {  	(v2sf) =	vpush v6, $0xF;
	v6, _, _ =	vpop (xrf0);
	(xrf0) =	vadd.scan.msk.s32 $0xffff, v30  }
0x649: {  	(v2sf) =	vpush v6, $0xF;
	v6, _, _ =	vpop (xrf0);
	(xrf0) =	vadd.scan.msk.s32 $0xffff, v29  }
0x64a: {  	(v2sf) =	vpush v6, $0xF;
	v6, _, _ =	vpop (xrf0);
	(xrf0) =	vadd.scan.msk.s32 $0xffff, v28  }
0x64b: {  	s15 =	spop (v2sf);
	v8 =	vadd.s32 v21, v36;
	(v2sf) =	vpush v6, $0xF;
	v6, _, _ =	vpop (xrf0);
	(xrf0) =	vadd.scan.msk.s32 $0xffff, v27  }
0x64c: {  	[tilespmem:$0xA1E0] =	vst v8;
	s17 =	spop (v2sf);
	(v2sf) =	vpush v6, $0xF;
	v6, _, _ =	vpop (xrf0);
	(xrf0) =	vadd.scan.msk.s32 $0xffff, v26  }
0x64d: {  	v37 =	vld [tilespmem:s16+$0x91F0];
	s16 =	spop (v2sf);
	(v2sf) =	vpush v6, $0xF;
	v6, _, _ =	vpop (xrf0);
	(xrf0) =	vadd.scan.msk.s32 $0xffff, v56  }
0x64e: {  	s18 =	spop (v2sf);
	(v2sf) =	vpush v6, $0xF;
	v6, _, _ =	vpop (xrf0);
	(xrf0) =	vadd.scan.msk.s32 $0xffff, v58  }
0x64f: {  	s0 =	spop (v2sf);
	(v2sf) =	vpush v6, $0xF;
	v6, _, _ =	vpop (xrf0);
	(xrf0) =	vadd.scan.msk.s32 $0xffff, v60  }
0x650: {  	s1 =	spop (v2sf);
	(v2sf) =	vpush v6, $0xF;
	v6, _, _ =	vpop (xrf0);
	(xrf0) =	vadd.scan.msk.s32 $0xffff, v5  }
0x651: {  	s2 =	spop (v2sf);
	(v2sf) =	vpush v6, $0xF;
	v38, _, _ =	vpop (xrf0);
	(xrf0) =	vadd.scan.msk.s32 $0xffff, v7  }
0x652: {  	v6 =	vadd.s32 v20, v37;
	s3 =	spop (v2sf);
	(v2sf) =	vpush v38, $0xF;
	v39, _, _ =	vpop (xrf0);
	(xrf0) =	vadd.scan.msk.s32 $0xffff, v8  }
0x653: {  	s4 =	spop (v2sf);
	(v2sf) =	vpush v39, $0xF;
	v40, _, _ =	vpop (xrf0);
	(xrf0) =	vadd.scan.msk.s32 $0xffff, v6  }
0x654: {  	s5 =	spop (v2sf);
	v41, _, _ =	vpop (xrf0);
	(v2sf) =	vpush v40, $0xF  }
0x655: {  	v42, _, _ =	vpop (xrf0);
	s6 =	spop (v2sf);
	(v2sf) =	vpush v41, $0xF  }
0x656: {  	v43, _, _ =	vpop (xrf0);
	s7 =	spop (v2sf);
	(v2sf) =	vpush v42, $0xF  }
0x657: {  	v44, _, _ =	vpop (xrf0);
	s8 =	spop (v2sf);
	(v2sf) =	vpush v43, $0xF  }
0x658: {  	s10 =	spop (v2sf);
	(v2sf) =	vpush v44, $0xF;
	v45, _, _ =	vpop (xrf0)  }
0x659: {  	s11 =	spop (v2sf);
	(v2sf) =	vpush v45, $0xF;
	v46, _, _ =	vpop (xrf0)  }
0x65a: {  	s12 =	spop (v2sf);
	(v2sf) =	vpush v46, $0xF  }
0x65b: {  	s23 =	spop (v2sf)  }
0x65c: {  	s24 =	spop (v2sf)  }
0x65d: {  	s25 =	spop (v2sf)  }
0x65e: {  	s26 =	spop (v2sf)  }
0x65f: {  	s28 =	spop (v2sf)  }
0x660: {  	s29 =	spop (v2sf)  }
0x661: {  	s22 =	spop (v2sf)  }
0x662: {  	s21 =	spop (v2sf)  }
0x663: {  	s20 =	spop (v2sf)  }
0x664: {  	s19 =	spop (v2sf)  }
0x665: {  	s30 =	spop (v2sf)  }
0x666: {  	s31 =	spop (v2sf)  }
0x667: {  	s13 =	spop (v2sf)  }
0x668: {  	s14 =	spop (v2sf)  }
0x669: {  	s15 =	sadd.s32 s15, s17;
	s17 =	spop (v2sf)  }
0x66a: {  	s16 =	sadd.s32 s16, s15;
	s15 =	sadd.s32 s14, s17  }
0x66b: {  	s18 =	sadd.s32 s18, s16;
	s16 =	sadd.s32 s13, s15  }
0x66c: {  	s0 =	sadd.s32 s0, s18;
	s17 =	sadd.s32 s31, s16  }
0x66d: {  	s0 =	sadd.s32 s1, s0;
	s18 =	sadd.s32 s30, s17  }
0x66e: {  	s0 =	sadd.s32 s2, s0;
	s19 =	sadd.s32 s19, s18  }
0x66f: {  	v47 =	vperm.xlane v34, v4;
	s0 =	sadd.s32 s3, s0;
	s20 =	sadd.s32 s20, s19  }
0x670: {  	s0 =	sadd.s32 s4, s0;
	s21 =	sadd.s32 s21, s20  }
0x671: {  	s0 =	sadd.s32 s5, s0;
	(xrf0) =	vadd.scan.msk.s32 $0xffff, v47;
	s22 =	sadd.s32 s22, s21  }
0x672: {  	s0 =	sadd.s32 s6, s0;
	s31 =	sadd.s32 s29, s22  }
0x673: {  	s0 =	sadd.s32 s7, s0;
	s13 =	sadd.s32 s28, s31  }
0x674: {  	s0 =	sadd.s32 s8, s0;
	s14 =	sadd.s32 s26, s13  }
0x675: {  	s0 =	sadd.s32 s10, s0;
	s25 =	sadd.s32 s25, s14  }
0x676: {  	s0 =	sadd.s32 s11, s0;
	s26 =	sadd.s32 s24, s25  }
0x677: {  	v10, _, _ =	vpop (xrf0);
	s0 =	sadd.s32 s12, s0;
	s29 =	rddreg [dreg:$0xd];
	s28 =	sadd.s32 s23, s26  }
0x678: {  	s30 =	ssub.s32 s29, s0;
	v10 =	vadd.s32 s28, v10  }
0x679: {  	vm12 =	vge.s32 v10, s30  }
0x67a: {  	v48 =	vperm.xlane v33, v4;
	v10 =	vsel vm12, $0x1, v1  }
0x67b: {  	(xrf0) =	vadd.scan.msk.s32 $0xffff, v10  }
0x67c: {  	(xrf0) =	vadd.scan.msk.s32 $0xffff, v48;
	_ =	sdelay $0x4  }
0x67d: {  	v10, _, _ =	vpop (xrf0)  }
0x67e: {  	v11, _, _ =	vpop (xrf0)  }
0x67f: {  	v11 =	vadd.s32 s26, v11  }
0x680: {  	vm13 =	vge.s32 v11, s30  }
0x681: {  	v49 =	vperm.xlane v32, v4;
	v11 =	vsel vm13, $0x1, v1  }
0x682: {  	(xrf0) =	vadd.scan.msk.s32 $0xffff, v11  }
0x683: {  	(xrf0) =	vadd.scan.msk.s32 $0xffff, v49;
	_ =	sdelay $0x4  }
0x684: {  	v11, _, _ =	vpop (xrf0)  }
0x685: {  	v12, _, _ =	vpop (xrf0)  }
0x686: {  	v12 =	vadd.s32 s25, v12  }
0x687: {  	vm14 =	vge.s32 v12, s30  }
0x688: {  	v50 =	vperm.xlane v31, v4;
	v12 =	vsel vm14, $0x1, v1  }
0x689: {  	(xrf0) =	vadd.scan.msk.s32 $0xffff, v12  }
0x68a: {  	(xrf0) =	vadd.scan.msk.s32 $0xffff, v50;
	_ =	sdelay $0x4  }
0x68b: {  	v12, _, _ =	vpop (xrf0)  }
0x68c: {  	v13, _, _ =	vpop (xrf0)  }
0x68d: {  	v13 =	vadd.s32 s14, v13  }
0x68e: {  	vm15 =	vge.s32 v13, s30  }
0x68f: {  	v51 =	vperm.xlane v30, v4;
	v13 =	vsel vm15, $0x1, v1  }
0x690: {  	(xrf0) =	vadd.scan.msk.s32 $0xffff, v13  }
0x691: {  	(xrf0) =	vadd.scan.msk.s32 $0xffff, v51;
	_ =	sdelay $0x4  }
0x692: {  	v13, _, _ =	vpop (xrf0)  }
0x693: {  	v14, _, _ =	vpop (xrf0)  }
0x694: {  	v14 =	vadd.s32 s13, v14  }
0x695: {  	vm4 =	vge.s32 v14, s30  }
0x696: {  	v52 =	vperm.xlane v29, v4;
	v14 =	vsel vm4, $0x1, v1  }
0x697: {  	(xrf0) =	vadd.scan.msk.s32 $0xffff, v14  }
0x698: {  	(xrf0) =	vadd.scan.msk.s32 $0xffff, v52;
	_ =	sdelay $0x4  }
0x699: {  	v14, _, _ =	vpop (xrf0)  }
0x69a: {  	v15, _, _ =	vpop (xrf0)  }
0x69b: {  	v15 =	vadd.s32 s31, v15  }
0x69c: {  	vm5 =	vge.s32 v15, s30  }
0x69d: {  	v53 =	vperm.xlane v28, v4;
	v15 =	vsel vm5, $0x1, v1  }
0x69e: {  	(xrf0) =	vadd.scan.msk.s32 $0xffff, v15  }
0x69f: {  	(xrf0) =	vadd.scan.msk.s32 $0xffff, v53;
	_ =	sdelay $0x4  }
0x6a0: {  	v15, _, _ =	vpop (xrf0)  }
0x6a1: {  	v16, _, _ =	vpop (xrf0)  }
0x6a2: {  	v16 =	vadd.s32 s22, v16  }
0x6a3: {  	vm6 =	vge.s32 v16, s30  }
0x6a4: {  	v54 =	vperm.xlane v27, v4;
	v16 =	vsel vm6, $0x1, v1  }
0x6a5: {  	(xrf0) =	vadd.scan.msk.s32 $0xffff, v16  }
0x6a6: {  	(xrf0) =	vadd.scan.msk.s32 $0xffff, v54;
	_ =	sdelay $0x4  }
0x6a7: {  	v16, _, _ =	vpop (xrf0)  }
0x6a8: {  	v17, _, _ =	vpop (xrf0)  }
0x6a9: {  	v17 =	vadd.s32 s21, v17  }
0x6aa: {  	vm7 =	vge.s32 v17, s30  }
0x6ab: {  	v55 =	vperm.xlane v26, v4;
	v17 =	vsel vm7, $0x1, v1  }
0x6ac: {  	(xrf0) =	vadd.scan.msk.s32 $0xffff, v17  }
0x6ad: {  	(xrf0) =	vadd.scan.msk.s32 $0xffff, v55;
	_ =	sdelay $0x4  }
0x6ae: {  	v17, _, _ =	vpop (xrf0)  }
0x6af: {  	v18, _, _ =	vpop (xrf0)  }
0x6b0: {  	v18 =	vadd.s32 s20, v18  }
0x6b1: {  	vm8 =	vge.s32 v18, s30  }
0x6b2: {  	v56 =	vperm.xlane v56, v4;
	v18 =	vsel vm8, $0x1, v1  }
0x6b3: {  	(xrf0) =	vadd.scan.msk.s32 $0xffff, v18  }
0x6b4: {  	(xrf0) =	vadd.scan.msk.s32 $0xffff, v56;
	_ =	sdelay $0x4  }
0x6b5: {  	v18, _, _ =	vpop (xrf0)  }
0x6b6: {  	v19, _, _ =	vpop (xrf0)  }
0x6b7: {  	v19 =	vadd.s32 s19, v19  }
0x6b8: {  	vm9 =	vge.s32 v19, s30  }
0x6b9: {  	v57 =	vperm.xlane v58, v4;
	v19 =	vsel vm9, $0x1, v1  }
0x6ba: {  	(xrf0) =	vadd.scan.msk.s32 $0xffff, v19  }
0x6bb: {  	(xrf0) =	vadd.scan.msk.s32 $0xffff, v57;
	_ =	sdelay $0x4  }
0x6bc: {  	v19, _, _ =	vpop (xrf0)  }
0x6bd: {  	v20, _, _ =	vpop (xrf0)  }
0x6be: {  	v20 =	vadd.s32 s18, v20  }
0x6bf: {  	vm10 =	vge.s32 v20, s30  }
0x6c0: {  	v58 =	vperm.xlane v60, v4;
	v20 =	vsel vm10, $0x1, v1  }
0x6c1: {  	(xrf0) =	vadd.scan.msk.s32 $0xffff, v20  }
0x6c2: {  	(xrf0) =	vadd.scan.msk.s32 $0xffff, v58;
	_ =	sdelay $0x4  }
0x6c3: {  	v20, _, _ =	vpop (xrf0)  }
0x6c4: {  	v21, _, _ =	vpop (xrf0)  }
0x6c5: {  	v21 =	vadd.s32 s17, v21  }
0x6c6: {  	vm11 =	vge.s32 v21, s30  }
0x6c7: {  	v5 =	vperm.xlane v5, v4;
	v21 =	vsel vm11, $0x1, v1  }
0x6c8: {  	(xrf0) =	vadd.scan.msk.s32 $0xffff, v21  }
0x6c9: {  	(xrf0) =	vadd.scan.msk.s32 $0xffff, v5;
	_ =	sdelay $0x4  }
0x6ca: {  	v5, _, _ =	vpop (xrf0)  }
0x6cb: {  	v59, _, _ =	vpop (xrf0)  }
0x6cc: {  	v21 =	vadd.s32 s16, v59  }
0x6cd: {  	vm12 =	vge.s32 v21, s30  }
0x6ce: {  	v7 =	vperm.xlane v7, v4;
	v21 =	vsel vm12, $0x1, v1  }
0x6cf: {  	(xrf0) =	vadd.scan.msk.s32 $0xffff, v21  }
0x6d0: {  	(xrf0) =	vadd.scan.msk.s32 $0xffff, v7;
	_ =	sdelay $0x4  }
0x6d1: {  	v7, _, _ =	vpop (xrf0)  }
0x6d2: {  	v60, _, _ =	vpop (xrf0)  }
0x6d3: {  	v21 =	vadd.s32 s15, v60  }
0x6d4: {  	vm13 =	vge.s32 v21, s30  }
0x6d5: {  	v8 =	vperm.xlane v8, v4;
	v21 =	vsel vm13, $0x1, v1  }
0x6d6: {  	(xrf0) =	vadd.scan.msk.s32 $0xffff, v21  }
0x6d7: {  	(xrf0) =	vadd.scan.msk.s32 $0xffff, v8;
	_ =	sdelay $0x4  }
0x6d8: {  	v9 =	vbroadcast v46, $0xF;
	v61, _, _ =	vpop (xrf0)  }
0x6d9: {  	v62, _, _ =	vpop (xrf0)  }
0x6da: {  	(v2sf) =	vpush v10, $0xF;
	v9 =	vadd.s32 v9, v62  }
0x6db: {  	(v2sf) =	vpush v11, $0xF;
	vm14 =	vge.s32 v9, s30  }
0x6dc: {  	v63 =	vperm.xlane v6, v4;
	(v2sf) =	vpush v12, $0xF;
	v9 =	vsel vm14, $0x1, v1  }
0x6dd: {  	(v2sf) =	vpush v13, $0xF;
	(xrf0) =	vadd.scan.msk.s32 $0xffff, v9  }
0x6de: {  	(v2sf) =	vpush v14, $0xF;
	(xrf0) =	vadd.scan.msk.s32 $0xffff, v63  }
0x6df: {  	(v2sf) =	vpush v15, $0xF  }
0x6e0: {  	(v2sf) =	vpush v16, $0xF  }
0x6e1: {  	(v2sf) =	vpush v17, $0xF  }
0x6e2: {  	(v2sf) =	vpush v18, $0xF  }
0x6e3: {  	(v2sf) =	vpush v19, $0xF;
	v9, _, _ =	vpop (xrf0)  }
0x6e4: {  	v10, _, _ =	vpop (xrf0)  }
0x6e5: {  	(v2sf) =	vpush v20, $0xF;
	vm15 =	vge.s32 v10, s30  }
0x6e6: {  	v10 =	vsel vm15, $0x1, v1  }
0x6e7: {  	(v2sf) =	vpush v5, $0xF;
	(xrf0) =	vadd.scan.msk.s32 $0xffff, v10;
	_ =	sdelay $0x1  }
0x6e8: {  	s31 =	spop (v2sf);
	(v2sf) =	vpush v7, $0xF  }
0x6e9: {  	s11 =	spop (v2sf)  }
0x6ea: {  	s12 =	spop (v2sf);
	(v2sf) =	vpush v61, $0xF  }
0x6eb: {  	s13 =	spop (v2sf)  }
0x6ec: {  	s14 =	spop (v2sf);
	(v2sf) =	vpush v9, $0xF;
	v5, _, _ =	vpop (xrf0)  }
0x6ed: {  	s15 =	spop (v2sf);
	(v2sf) =	vpush v5, $0xF  }
0x6ee: {  	s16 =	spop (v2sf)  }
0x6ef: {  	s17 =	spop (v2sf)  }
0x6f0: {  	s18 =	spop (v2sf)  }
0x6f1: {  	s19 =	spop (v2sf);
	s7 =	sadd.s32 s17, s18  }
0x6f2: {  	s7 =	sadd.s32 s19, s7  }
0x6f3: {  	s20 =	spop (v2sf);
	s6 =	sadd.s32 s16, s7  }
0x6f4: {  	s6 =	sadd.s32 s20, s6  }
0x6f5: {  	s21 =	spop (v2sf);
	s5 =	sadd.s32 s15, s6  }
0x6f6: {  	s5 =	sadd.s32 s21, s5  }
0x6f7: {  	s4 =	sadd.s32 s14, s5;
	s22 =	spop (v2sf)  }
0x6f8: {  	s4 =	sadd.s32 s22, s4  }
0x6f9: {  	s3 =	sadd.s32 s13, s4;
	s23 =	spop (v2sf)  }
0x6fa: {  	s3 =	sadd.s32 s23, s3  }
0x6fb: {  	s2 =	sadd.s32 s12, s3;
	s24 =	spop (v2sf)  }
0x6fc: {  	s2 =	sadd.s32 s24, s2;
	s25 =	spop (v2sf)  }
0x6fd: {  	s2 =	sadd.s32 s25, s2  }
0x6fe: {  	s1 =	sadd.s32 s11, s2  }
0x6ff: {  	s26 =	rddreg [dreg:$0xc];
	s0 =	sadd.s32 s31, s1  }
0x700: {  	s1 =	sshll.u32 s26, $0x8;
	s0 =	sadd.s32 $0xFFFFFFFF, s0  }
0x701: {  	s0 =	sor.u32 s1, s0  }
0x702: {  	s0 =	sxor.u32 $0x80000000, s0  }
0x703: {  	[tilespmem:$0xA1F0] =	vst v6;
	s29 =	simm.s32 $0x9000;
	v5 =	vmov s0  }
0x704: {  	s28 =	rddreg [dreg:$0x6];
	s2 =	simm.s32 $0x0;
	s1 =	simm.s32 $0x1;
	[tilespmem:$0x9000] =	vst v5  }
0x705: {  	[hbm4b:s28+s2] =	stream.linear.scatter [tilespmem:s29], [sflag:$0x1], $0x10, $0x38;
	[tilespmem:$0xA300] =	vst v63  }
0x706: {  	_ =	swait.ge [sflag:s1], $0x10  }
0x707: {  	s30 =	rddreg [dreg:$0x8]  }
0x708: {  	s31 =	rddreg [dreg:$0x7];
	s3 =	sadd.s32 $0x1, s30  }
0x709: {  	p0 =	sne.s32 s3, s31  }
.Ltmp17:
0x70a: {  	_ = 	snop;
	(pc) =	sbr.rel @p0 .LBB2_1-.Ltmp17, $3  }
0x70b: {  	_ =	sdelay $0x1  }
0x70c: {  	[sflag:s1] =	ssyncset.done $0x0  }
0x70d: {  	[sflag:s1] =	ssyncadd.s32 $0xFFFFFFF0  }
0x70e: {  	_ =	sfence.sel $0x180000  }
0x70f: {  	[bflag:$0x0] =	sbarrier.arrive $0xFFFF  }
0x710: {  	_ =	strace $0x90000047  }
0x711: {  	s0 =	stileid.u32;
	[bflag:$0x2] =	sbarrier.arrive $0xFFFF  }
0x712: {  	p0 =	sne.s32 s0, $0x0;
	s0 =	rddreg [dreg:$0x3]  }
0x713: {  	s0 =	sadd.s32 @!p0 $0x100000, s0  }
0x714: {  	[sflag:s0] =	ssyncadd.tile.s32 @!p0 $0x1;
	_ =	shalt  }
.Lfunc_end2:
_tile_overlayer_lowered:
.L_overlay_start_2:
0x715: {  	(tag) =	ssettag $0x2  }
0x716: {  	s0 =	rddreg [dreg:$0x0];
	s2 =	stileid.u32  }
0x717: {  	s1 =	rddreg [dreg:$0x1];
	p0 =	sne.s32 s2, $0x0  }
0x718: {  	s3 =	rddreg [dreg:$0x2];
	[bflag:$0x3] =	sbarrier.arrive $0xFFFF;
	s2 =	simm.s32 @!p0 $0x1C01  }
0x719: {  	[timem:s3], [sflag:s2] =	dma.local @!p0 [hbm:s0], s1  }
0x71a: {  	s0 =	simm.s32 @!p0 $0x1  }
0x71b: {  	_ =	swait.ge @!p0 [sflag:s0], s1  }
0x71c: {  	s1 =	ssub.s32 @!p0 $0x0, s1;
	[sflag:s0] =	ssyncset.done @!p0 $0x0  }
0x71d: {  	[sflag:s0] =	ssyncadd.s32 @!p0 s1  }
0x71e: {  	[bflag:$0x3] =	sbarrier.arrive $0xFFFF  }
0x71f: {  	_ =	shalt  }

</sc_bundles>
